<compile_context>
chip_gen: v7x
topology: tpu7x:2x2x1
jax: 0.10.2.dev20260603
libtpu: 0.0.44.dev20260713+nightly
codegen_flags: <defaults>
</compile_context>

<pallas_src>
import functools

import jax
import jax.numpy as jnp
from jax import lax
from jax.experimental import pallas as pl
from jax.experimental.pallas import tpu as pltpu
from jax.experimental.pallas import tpu_sc as plsc

NU = 4000
NI = 6000
N = 10000
D = 256
H = 128
E = 160000
EROWS = 1280
ACC_ROWS = 10112
STRIPE = ACC_ROWS // 16
DUMMY = N


def _deg_body(rows2d, z128, ones_h, dego, acc16, onesb, rbuf, sem):
    c = lax.axis_index("c")
    s = lax.axis_index("s")
    base = s * STRIPE
    pltpu.sync_copy(z128.at[pl.ds(base, STRIPE)],
                    acc16.at[pl.ds(base, STRIPE)])
    pltpu.sync_copy(ones_h, onesb)
    plsc.subcore_barrier()

    w = c * 16 + s

    def batch(t, carry):
        b = w * 40 + 4 * t
        pltpu.sync_copy(rows2d.at[pl.ds(b, 4)], rbuf)
        for j in range(4):
            pltpu.sync_copy(onesb, acc16.at[rbuf.at[j]], add=True)
        return carry

    lax.fori_loop(0, 10, batch, 0)
    plsc.subcore_barrier()
    pltpu.sync_copy(acc16.at[pl.ds(base, STRIPE)],
                    dego.at[c, pl.ds(base, STRIPE)])



def _spmm_body(xs, idx2d, z128, s_out,
               acc, gbuf0, gbuf1, gbuf2, cadj0, cadj1, cadj2,
               rbuf0, rbuf1, rbuf2, gsem0, gsem1, gsem2,
               ssem0, ssem1, ssem2):
    c = lax.axis_index("c")
    s = lax.axis_index("s")
    base = s * STRIPE
    pltpu.sync_copy(z128.at[pl.ds(base, STRIPE)],
                    acc.at[pl.ds(base, STRIPE)])
    plsc.subcore_barrier()

    off = c * N
    gbufs = (gbuf0, gbuf1, gbuf2)
    cadjs = (cadj0, cadj1, cadj2)
    rbufs = (rbuf0, rbuf1, rbuf2)
    gsems = (gsem0, gsem1, gsem2)
    ssems = (ssem0, ssem1, ssem2)

    def drain(p):
        pltpu.make_async_copy(xs.at[pl.ds(0, 128)], gbufs[p], ssems[p]).wait()

    def prep_and_gather(p, r, t=None):
        if t is not None:
            @pl.when(t > 0)
            def _():
                drain(p)
        else:
            drain(p)
        pltpu.sync_copy(idx2d.at[r, 0], cadjs[p])
        pltpu.sync_copy(idx2d.at[r, 1], rbufs[p])
        for k in range(8):
            sl = pl.ds(16 * k, 16)
            cadjs[p][sl] = cadjs[p][sl] + off
        return pltpu.async_copy(xs.at[cadjs[p]], gbufs[p], gsems[p])

    def scatter(p, g):
        g.wait()
        pltpu.async_copy(gbufs[p], acc.at[rbufs[p]], ssems[p], add=True)

    def batch(t, carry):
        b = s * 80 + 3 * t
        g0 = prep_and_gather(0, b, t)
        g1 = prep_and_gather(1, b + 1, t)
        g2 = prep_and_gather(2, b + 2, t)
        scatter(0, g0)
        scatter(1, g1)
        scatter(2, g2)
        return carry

    lax.fori_loop(0, 26, batch, 0)
    g0 = prep_and_gather(0, s * 80 + 78)
    g1 = prep_and_gather(1, s * 80 + 79)
    scatter(0, g0)
    scatter(1, g1)
    drain(0)
    drain(1)
    drain(2)
    plsc.subcore_barrier()
    pltpu.sync_copy(acc.at[pl.ds(base, STRIPE)],
                    s_out.at[c, pl.ds(base, STRIPE)])


@functools.cache
def _sc_kernels():
    mesh = plsc.VectorSubcoreMesh(core_axis_name="c", subcore_axis_name="s",
                                  num_cores=2, num_subcores=16)
    deg_call = functools.partial(
        pl.kernel,
        out_type=jax.ShapeDtypeStruct((2, ACC_ROWS, H), jnp.float32),
        mesh=mesh,
        scratch_types=[
            pltpu.VMEM_SHARED((ACC_ROWS, H), jnp.float32),
            pltpu.VMEM((128, H), jnp.float32),
            pltpu.VMEM((4, 128), jnp.int32),
            pltpu.SemaphoreType.DMA,
        ],
    )(_deg_body)
    spmm_call = functools.partial(
        pl.kernel,
        out_type=jax.ShapeDtypeStruct((2, ACC_ROWS, H), jnp.float32),
        mesh=mesh,
        scratch_types=[
            pltpu.VMEM_SHARED((ACC_ROWS, H), jnp.float32),
            pltpu.VMEM((128, H), jnp.float32),
            pltpu.VMEM((128, H), jnp.float32),
            pltpu.VMEM((128, H), jnp.float32),
            pltpu.VMEM((128,), jnp.int32),
            pltpu.VMEM((128,), jnp.int32),
            pltpu.VMEM((128,), jnp.int32),
            pltpu.VMEM((128,), jnp.int32),
            pltpu.VMEM((128,), jnp.int32),
            pltpu.VMEM((128,), jnp.int32),
            pltpu.SemaphoreType.DMA,
            pltpu.SemaphoreType.DMA,
            pltpu.SemaphoreType.DMA,
            pltpu.SemaphoreType.DMA,
            pltpu.SemaphoreType.DMA,
            pltpu.SemaphoreType.DMA,
        ],
    )(_spmm_body)
    return deg_call, spmm_call



_R = 1000


def _dinv_block(d_ref):
    d = d_ref[...]
    deg = d[0, :, 0:1] + d[1, :, 0:1]
    return lax.rsqrt(deg + 1e-7)


def _prescale_body(x_ref, d_ref, o_ref):
    o_ref[...] = x_ref[...] * _dinv_block(d_ref)


def _prescale_call(x, dego):
    return pl.pallas_call(
        _prescale_body,
        grid=(10, 2),
        in_specs=[
            pl.BlockSpec((_R, H), lambda i, h: (i, h)),
            pl.BlockSpec((2, _R, H), lambda i, h: (0, i, 0)),
        ],
        out_specs=pl.BlockSpec((_R, H), lambda i, h: (h * 10 + i, 0)),
        out_shape=jax.ShapeDtypeStruct((2 * N, H), jnp.float32),
    )(x, dego)


def _layer_body(x_ref, s_ref, d_ref, wl_ref, bl_ref, wi_ref, bi_ref, y_ref):
    dinv = _dinv_block(d_ref)
    sv = s_ref[...]
    agg = dinv * jnp.concatenate([sv[0], sv[1]], axis=1)
    x = x_ref[...]
    t1 = x + agg
    t2 = agg * x
    z = (jnp.dot(t1, wl_ref[...].T, preferred_element_type=jnp.float32)
         + jnp.dot(t2, wi_ref[...].T, preferred_element_type=jnp.float32)
         + bl_ref[...] + bi_ref[...])
    z = jnp.where(z >= 0, z, 0.2 * z)
    nrm = jnp.sqrt(jnp.sum(z * z, axis=1, keepdims=True))
    y_ref[...] = z / jnp.maximum(nrm, 1e-12)


def _layer_call(x, s_agg, dego, wl, bl, wi, bi):
    return pl.pallas_call(
        _layer_body,
        grid=(10,),
        in_specs=[
            pl.BlockSpec((_R, D), lambda i: (i, 0)),
            pl.BlockSpec((2, _R, H), lambda i: (0, i, 0)),
            pl.BlockSpec((2, _R, H), lambda i: (0, i, 0)),
            pl.BlockSpec((D, D), lambda i: (0, 0)),
            pl.BlockSpec((1, D), lambda i: (0, 0)),
            pl.BlockSpec((D, D), lambda i: (0, 0)),
            pl.BlockSpec((1, D), lambda i: (0, 0)),
        ],
        out_specs=pl.BlockSpec((_R, D), lambda i: (i, 0)),
        out_shape=jax.ShapeDtypeStruct((N, D), jnp.float32),
    )(x, s_agg, dego, wl, bl, wi, bi)



def kernel(u_idx, i_idx, user_emb, item_emb,
           W_lin_0, b_lin_0, W_int_0, b_int_0,
           W_lin_1, b_lin_1, W_int_1, b_int_1,
           W_lin_2, b_lin_2, W_int_2, b_int_2):
    pad = EROWS * 128 - E
    rows = jnp.concatenate(
        [u_idx, i_idx + NU, jnp.full((pad,), DUMMY, jnp.int32)])
    cols = jnp.concatenate(
        [i_idx + NU, u_idx, jnp.zeros((pad,), jnp.int32)])
    rows2d = rows.reshape(EROWS, 128)
    cols2d = cols.reshape(EROWS, 128)
    idx2d = jnp.stack([cols2d, rows2d], axis=1)

    z128 = jnp.zeros((ACC_ROWS, H), jnp.float32)
    ones_h = jnp.ones((128, H), jnp.float32)

    deg_call, spmm_call = _sc_kernels()
    dego = deg_call(rows2d, z128, ones_h)

    x = jnp.concatenate([user_emb, item_emb], axis=0)
    params = [(W_lin_0, b_lin_0.reshape(1, D), W_int_0, b_int_0.reshape(1, D)),
              (W_lin_1, b_lin_1.reshape(1, D), W_int_1, b_int_1.reshape(1, D)),
              (W_lin_2, b_lin_2.reshape(1, D), W_int_2, b_int_2.reshape(1, D))]

    embs = [x]
    for l, (wl, bl, wi, bi) in enumerate(params):
        xs = _prescale_call(x, dego)
        s_agg = spmm_call(xs, idx2d, z128)
        x = _layer_call(x, s_agg, dego, wl, bl, wi, bi)
        embs.append(x)

    allemb = jnp.concatenate(embs, axis=1)
    return allemb[:NU], allemb[NU:]

# --- scband reference (transcript-rebuilt; emitter-appended) ---
"""Pipeline reference for scband-ngcf-23098334118569 (READ-ONLY COPY).

The authoritative reference and input builder live on the scoring server;
editing this copy changes nothing except your own understanding.
"""

import jax, jax.numpy as jnp
import numpy as np

N_USERS = 4000
N_ITEMS = 6000
N = N_USERS + N_ITEMS
D = 256
NNZ = 80000

def _xavier(k, shape):
    std = (2.0 / (shape[0] + shape[1])) ** 0.5
    return jax.random.normal(k, shape, dtype=jnp.float32) * std

def setup_inputs(seed: int = 0):
    key = jax.random.key(seed)
    ks = jax.random.split(key, 20)
    inp = {}
    inp['u_idx'] = jax.random.randint(ks[0], (NNZ,), 0, N_USERS, dtype=jnp.int32)
    inp['i_idx'] = jax.random.randint(ks[1], (NNZ,), 0, N_ITEMS, dtype=jnp.int32)
    inp['user_emb'] = _xavier(ks[2], (N_USERS, D))
    inp['item_emb'] = _xavier(ks[3], (N_ITEMS, D))
    for l in range(3):
        inp['W_lin_%d' % l] = _xavier(ks[4 + 4 * l], (D, D))
        inp['b_lin_%d' % l] = jnp.zeros((D,), dtype=jnp.float32)
        inp['W_int_%d' % l] = _xavier(ks[5 + 4 * l], (D, D))
        inp['b_int_%d' % l] = jnp.zeros((D,), dtype=jnp.float32)
    return inp

def _forward(u_idx, i_idx, user_emb, item_emb, params):
    # symmetric normalized bipartite adjacency A_hat = D^-0.5 A D^-0.5 (eval mode, no dropout)
    rows = jnp.concatenate([u_idx, i_idx + N_USERS])
    cols = jnp.concatenate([i_idx + N_USERS, u_idx])
    deg = jax.ops.segment_sum(jnp.ones(rows.shape[0], dtype=jnp.float32), rows, num_segments=N)
    dinv = jnp.power(deg + 1e-7, -0.5)
    vals = dinv[rows] * dinv[cols]
    x = jnp.concatenate([user_emb, item_emb], axis=0)
    emb_list = [x]
    for (Wl, bl, Wi, bi) in params:
        # torch.sparse.mm(lap_matrix, features)
        agg = jax.ops.segment_sum(vals[:, None] * x[cols], rows, num_segments=N)
        inter_part1 = (x + agg) @ Wl.T + bl
        inter_part2 = (agg * x) @ Wi.T + bi
        x = jax.nn.leaky_relu(inter_part1 + inter_part2, negative_slope=0.2)
        x = x / jnp.maximum(jnp.linalg.norm(x, axis=1, keepdims=True), 1e-12)
        emb_list.append(x)
    return jnp.concatenate(emb_list, axis=1)

def reference(u_idx, i_idx, user_emb, item_emb, W_lin_0, b_lin_0, W_int_0, b_int_0, W_lin_1, b_lin_1, W_int_1, b_int_1, W_lin_2, b_lin_2, W_int_2, b_int_2):
    params = [(W_lin_0, b_lin_0, W_int_0, b_int_0), (W_lin_1, b_lin_1, W_int_1, b_int_1), (W_lin_2, b_lin_2, W_int_2, b_int_2)]
    allemb = _forward(u_idx, i_idx, user_emb, item_emb, params)
    user_all_embeddings = allemb[:N_USERS]
    item_all_embeddings = allemb[N_USERS:]
    return user_all_embeddings, item_all_embeddings

if __name__ == "__main__":
    import jax
    _d = setup_inputs()
    print(jax.jit(kernel)(*tuple(_d.values())))

</pallas_src>

<mosaic_0001>
#map = affine_map<(d0, d1) -> (0, 0)>
#map1 = affine_map<(d0, d1) -> (0, 0, 0)>
module attributes {stable_mosaic.version = 14 : i64} {
  func.func @_deg_body(%arg0: i32, %arg1: i32, %arg2: memref<1280x128xi32, #tpu.memory_space<hbm>>, %arg3: memref<10112x128xf32, #tpu.memory_space<hbm>>, %arg4: memref<128x128xf32, #tpu.memory_space<hbm>>, %arg5: memref<2x10112x128xf32, #tpu.memory_space<hbm>>, %arg6: memref<10112x128xf32, #tpu.memory_space<vmem_shared>>, %arg7: memref<128x128xf32, #tpu.memory_space<vmem>>, %arg8: memref<4x128xi32, #tpu.memory_space<vmem>>, %arg9: memref<!tpu.dma_semaphore, #tpu.memory_space<semaphore_mem>>) attributes {dimension_semantics = [#tpu.dimension_semantics<core_parallel>, #tpu.dimension_semantics<subcore_parallel>], iteration_bounds = array<i64: 2, 16>, scalar_prefetch = 0 : i64, scratch_operands = 4 : i64, tpu.core_type = #tpu.core_type<sc_vector_subcore>, window_params = [{transform_indices = #map}, {transform_indices = #map}, {transform_indices = #map}, {transform_indices = #map1}]} {
    %mul3A = arith.constant 632 : i32
    %mul3A_0 = arith.muli %arg1, %mul3A : i32
    "tpu.region"() ({
      %run_scoped3A = tpu.sem_alloc : memref<!tpu.dma_semaphore, #tpu.memory_space<semaphore_mem>>
      %dma_start3A = arith.constant 0 : i32
      %dma_start3A_9 = tpu.memref_slice %arg6[%mul3A_0, %dma_start3A] : memref<10112x128xf32, #tpu.memory_space<vmem_shared>> -> memref<632x128xf32, #tpu.memory_space<vmem_shared>>
      %dma_start3A_10 = arith.constant 0 : i32
      %dma_start3A_11 = tpu.memref_slice %arg3[%mul3A_0, %dma_start3A_10] : memref<10112x128xf32, #tpu.memory_space<hbm>> -> memref<632x128xf32, #tpu.memory_space<hbm>>
      tpu.enqueue_dma source(%dma_start3A_11 : memref<632x128xf32, #tpu.memory_space<hbm>>) target(%dma_start3A_9 : memref<632x128xf32, #tpu.memory_space<vmem_shared>>) target_semaphore(%run_scoped3A : memref<!tpu.dma_semaphore, #tpu.memory_space<semaphore_mem>>)
      %dma_wait3A = arith.constant 0 : i32
      %dma_wait3A_12 = tpu.memref_slice %arg6[%mul3A_0, %dma_wait3A] : memref<10112x128xf32, #tpu.memory_space<vmem_shared>> -> memref<632x128xf32, #tpu.memory_space<vmem_shared>>
      %dma_wait3A_13 = arith.constant 0 : i32
      %dma_wait3A_14 = tpu.memref_slice %arg3[%mul3A_0, %dma_wait3A_13] : memref<10112x128xf32, #tpu.memory_space<hbm>> -> memref<632x128xf32, #tpu.memory_space<hbm>>
      tpu.wait_dma2 semaphore(%run_scoped3A : memref<!tpu.dma_semaphore, #tpu.memory_space<semaphore_mem>>) src(%dma_wait3A_14 : memref<632x128xf32, #tpu.memory_space<hbm>>) dst(%dma_wait3A_12 : memref<632x128xf32, #tpu.memory_space<vmem_shared>>)
      tpu.yield
    }) : () -> ()
    "tpu.region"() ({
      %run_scoped3A = tpu.sem_alloc : memref<!tpu.dma_semaphore, #tpu.memory_space<semaphore_mem>>
      tpu.enqueue_dma source(%arg4 : memref<128x128xf32, #tpu.memory_space<hbm>>) target(%arg7 : memref<128x128xf32, #tpu.memory_space<vmem>>) target_semaphore(%run_scoped3A : memref<!tpu.dma_semaphore, #tpu.memory_space<semaphore_mem>>)
      tpu.wait_dma2 semaphore(%run_scoped3A : memref<!tpu.dma_semaphore, #tpu.memory_space<semaphore_mem>>) src(%arg4 : memref<128x128xf32, #tpu.memory_space<hbm>>) dst(%arg7 : memref<128x128xf32, #tpu.memory_space<vmem>>)
      tpu.yield
    }) : () -> ()
    %barrier3A = arith.constant 0 : index
    tpu.barrier barrier_id(%barrier3A)
    %mul3A_1 = arith.constant 16 : i32
    %mul3A_2 = arith.muli %arg0, %mul3A_1 : i32
    %add3A = arith.addi %mul3A_2, %arg1 : i32
    %scan3A = arith.constant 0 : i32
    %scan3A_3 = arith.constant 0 : i32
    %scan3A_4 = arith.constant 10 : i32
    %scan3A_5 = arith.addi %scan3A_3, %scan3A_4 : i32
    %scan3A_6 = arith.constant 1 : i32
    scf.for %scan3A_9 = %scan3A_3 to %scan3A_5 step %scan3A_6  : i32 {
      %mul3A_10 = arith.constant 40 : i32
      %mul3A_11 = arith.muli %add3A, %mul3A_10 : i32
      %mul3A_12 = arith.constant 4 : i32
      %mul3A_13 = arith.muli %mul3A_12, %scan3A_9 : i32
      %add3A_14 = arith.addi %mul3A_11, %mul3A_13 : i32
      "tpu.region"() ({
        %run_scoped3A_18 = tpu.sem_alloc : memref<!tpu.dma_semaphore, #tpu.memory_space<semaphore_mem>>
        %dma_start3A = arith.constant 0 : i32
        %dma_start3A_19 = tpu.memref_slice %arg2[%add3A_14, %dma_start3A] : memref<1280x128xi32, #tpu.memory_space<hbm>> -> memref<4x128xi32, #tpu.memory_space<hbm>>
        %dma_start3A_20 = arith.constant 0 : i32
        %dma_start3A_21 = tpu.memref_slice %arg2[%add3A_14, %dma_start3A_20] : memref<1280x128xi32, #tpu.memory_space<hbm>> -> memref<4x128xi32, #tpu.memory_space<hbm>>
        tpu.enqueue_dma source(%dma_start3A_21 : memref<4x128xi32, #tpu.memory_space<hbm>>) target(%arg8 : memref<4x128xi32, #tpu.memory_space<vmem>>) target_semaphore(%run_scoped3A_18 : memref<!tpu.dma_semaphore, #tpu.memory_space<semaphore_mem>>)
        %dma_wait3A = arith.constant 0 : i32
        %dma_wait3A_22 = tpu.memref_slice %arg2[%add3A_14, %dma_wait3A] : memref<1280x128xi32, #tpu.memory_space<hbm>> -> memref<4x128xi32, #tpu.memory_space<hbm>>
        %dma_wait3A_23 = arith.constant 0 : i32
        %dma_wait3A_24 = tpu.memref_slice %arg2[%add3A_14, %dma_wait3A_23] : memref<1280x128xi32, #tpu.memory_space<hbm>> -> memref<4x128xi32, #tpu.memory_space<hbm>>
        tpu.wait_dma2 semaphore(%run_scoped3A_18 : memref<!tpu.dma_semaphore, #tpu.memory_space<semaphore_mem>>) src(%dma_wait3A_24 : memref<4x128xi32, #tpu.memory_space<hbm>>) dst(%arg8 : memref<4x128xi32, #tpu.memory_space<vmem>>)
        tpu.yield
      }) : () -> ()
      %run_scoped3A = arith.constant 0 : i32
      "tpu.region"() ({
        %run_scoped3A_18 = tpu.sem_alloc : memref<!tpu.dma_semaphore, #tpu.memory_space<semaphore_mem>>
        %dma_start3A = arith.constant 0 : i32
        %dma_start3A_19 = tpu.memref_slice %arg8[%run_scoped3A, %dma_start3A] : memref<4x128xi32, #tpu.memory_space<vmem>> -> memref<1x128xi32, #tpu.memory_space<vmem>>
        %dma_start3A_20 = tpu.memref_squeeze %dma_start3A_19 : memref<1x128xi32, #tpu.memory_space<vmem>> -> memref<128xi32, #tpu.memory_space<vmem>>
        %dma_start3A_21 = arith.constant 0 : i32
        %dma_start3A_22 = arith.constant 0 : i32
        %dma_start3A_23 = tpu.memref_slice %arg6[%dma_start3A_21, %dma_start3A_22] : memref<10112x128xf32, #tpu.memory_space<vmem_shared>> -> memref<10112x128xf32, #tpu.memory_space<vmem_shared>>
        tpu.enqueue_indirect_dma source(%arg7 : memref<128x128xf32, #tpu.memory_space<vmem>>) target(%dma_start3A_23 : memref<10112x128xf32, #tpu.memory_space<vmem_shared>>) offsets(%dma_start3A_20 : memref<128xi32, #tpu.memory_space<vmem>>) semaphore(%run_scoped3A_18 : memref<!tpu.dma_semaphore, #tpu.memory_space<semaphore_mem>>) {add = true}
        %dma_wait3A = arith.constant 0 : i32
        %dma_wait3A_24 = tpu.memref_slice %arg8[%run_scoped3A, %dma_wait3A] : memref<4x128xi32, #tpu.memory_space<vmem>> -> memref<1x128xi32, #tpu.memory_space<vmem>>
        %dma_wait3A_25 = tpu.memref_squeeze %dma_wait3A_24 : memref<1x128xi32, #tpu.memory_space<vmem>> -> memref<128xi32, #tpu.memory_space<vmem>>
        %dma_wait3A_26 = arith.constant 0 : i32
        %dma_wait3A_27 = arith.constant 0 : i32
        %dma_wait3A_28 = tpu.memref_slice %arg6[%dma_wait3A_26, %dma_wait3A_27] : memref<10112x128xf32, #tpu.memory_space<vmem_shared>> -> memref<10112x128xf32, #tpu.memory_space<vmem_shared>>
        tpu.wait_indirect_dma semaphore(%run_scoped3A_18 : memref<!tpu.dma_semaphore, #tpu.memory_space<semaphore_mem>>) src(%arg7 : memref<128x128xf32, #tpu.memory_space<vmem>>) dst(%dma_wait3A_28 : memref<10112x128xf32, #tpu.memory_space<vmem_shared>>)
        tpu.yield
      }) : () -> ()
      %run_scoped3A_15 = arith.constant 1 : i32
      "tpu.region"() ({
        %run_scoped3A_18 = tpu.sem_alloc : memref<!tpu.dma_semaphore, #tpu.memory_space<semaphore_mem>>
        %dma_start3A = arith.constant 0 : i32
        %dma_start3A_19 = tpu.memref_slice %arg8[%run_scoped3A_15, %dma_start3A] : memref<4x128xi32, #tpu.memory_space<vmem>> -> memref<1x128xi32, #tpu.memory_space<vmem>>
        %dma_start3A_20 = tpu.memref_squeeze %dma_start3A_19 : memref<1x128xi32, #tpu.memory_space<vmem>> -> memref<128xi32, #tpu.memory_space<vmem>>
        %dma_start3A_21 = arith.constant 0 : i32
        %dma_start3A_22 = arith.constant 0 : i32
        %dma_start3A_23 = tpu.memref_slice %arg6[%dma_start3A_21, %dma_start3A_22] : memref<10112x128xf32, #tpu.memory_space<vmem_shared>> -> memref<10112x128xf32, #tpu.memory_space<vmem_shared>>
        tpu.enqueue_indirect_dma source(%arg7 : memref<128x128xf32, #tpu.memory_space<vmem>>) target(%dma_start3A_23 : memref<10112x128xf32, #tpu.memory_space<vmem_shared>>) offsets(%dma_start3A_20 : memref<128xi32, #tpu.memory_space<vmem>>) semaphore(%run_scoped3A_18 : memref<!tpu.dma_semaphore, #tpu.memory_space<semaphore_mem>>) {add = true}
        %dma_wait3A = arith.constant 0 : i32
        %dma_wait3A_24 = tpu.memref_slice %arg8[%run_scoped3A_15, %dma_wait3A] : memref<4x128xi32, #tpu.memory_space<vmem>> -> memref<1x128xi32, #tpu.memory_space<vmem>>
        %dma_wait3A_25 = tpu.memref_squeeze %dma_wait3A_24 : memref<1x128xi32, #tpu.memory_space<vmem>> -> memref<128xi32, #tpu.memory_space<vmem>>
        %dma_wait3A_26 = arith.constant 0 : i32
        %dma_wait3A_27 = arith.constant 0 : i32
        %dma_wait3A_28 = tpu.memref_slice %arg6[%dma_wait3A_26, %dma_wait3A_27] : memref<10112x128xf32, #tpu.memory_space<vmem_shared>> -> memref<10112x128xf32, #tpu.memory_space<vmem_shared>>
        tpu.wait_indirect_dma semaphore(%run_scoped3A_18 : memref<!tpu.dma_semaphore, #tpu.memory_space<semaphore_mem>>) src(%arg7 : memref<128x128xf32, #tpu.memory_space<vmem>>) dst(%dma_wait3A_28 : memref<10112x128xf32, #tpu.memory_space<vmem_shared>>)
        tpu.yield
      }) : () -> ()
      %run_scoped3A_16 = arith.constant 2 : i32
      "tpu.region"() ({
        %run_scoped3A_18 = tpu.sem_alloc : memref<!tpu.dma_semaphore, #tpu.memory_space<semaphore_mem>>
        %dma_start3A = arith.constant 0 : i32
        %dma_start3A_19 = tpu.memref_slice %arg8[%run_scoped3A_16, %dma_start3A] : memref<4x128xi32, #tpu.memory_space<vmem>> -> memref<1x128xi32, #tpu.memory_space<vmem>>
        %dma_start3A_20 = tpu.memref_squeeze %dma_start3A_19 : memref<1x128xi32, #tpu.memory_space<vmem>> -> memref<128xi32, #tpu.memory_space<vmem>>
        %dma_start3A_21 = arith.constant 0 : i32
        %dma_start3A_22 = arith.constant 0 : i32
        %dma_start3A_23 = tpu.memref_slice %arg6[%dma_start3A_21, %dma_start3A_22] : memref<10112x128xf32, #tpu.memory_space<vmem_shared>> -> memref<10112x128xf32, #tpu.memory_space<vmem_shared>>
        tpu.enqueue_indirect_dma source(%arg7 : memref<128x128xf32, #tpu.memory_space<vmem>>) target(%dma_start3A_23 : memref<10112x128xf32, #tpu.memory_space<vmem_shared>>) offsets(%dma_start3A_20 : memref<128xi32, #tpu.memory_space<vmem>>) semaphore(%run_scoped3A_18 : memref<!tpu.dma_semaphore, #tpu.memory_space<semaphore_mem>>) {add = true}
        %dma_wait3A = arith.constant 0 : i32
        %dma_wait3A_24 = tpu.memref_slice %arg8[%run_scoped3A_16, %dma_wait3A] : memref<4x128xi32, #tpu.memory_space<vmem>> -> memref<1x128xi32, #tpu.memory_space<vmem>>
        %dma_wait3A_25 = tpu.memref_squeeze %dma_wait3A_24 : memref<1x128xi32, #tpu.memory_space<vmem>> -> memref<128xi32, #tpu.memory_space<vmem>>
        %dma_wait3A_26 = arith.constant 0 : i32
        %dma_wait3A_27 = arith.constant 0 : i32
        %dma_wait3A_28 = tpu.memref_slice %arg6[%dma_wait3A_26, %dma_wait3A_27] : memref<10112x128xf32, #tpu.memory_space<vmem_shared>> -> memref<10112x128xf32, #tpu.memory_space<vmem_shared>>
        tpu.wait_indirect_dma semaphore(%run_scoped3A_18 : memref<!tpu.dma_semaphore, #tpu.memory_space<semaphore_mem>>) src(%arg7 : memref<128x128xf32, #tpu.memory_space<vmem>>) dst(%dma_wait3A_28 : memref<10112x128xf32, #tpu.memory_space<vmem_shared>>)
        tpu.yield
      }) : () -> ()
      %run_scoped3A_17 = arith.constant 3 : i32
      "tpu.region"() ({
        %run_scoped3A_18 = tpu.sem_alloc : memref<!tpu.dma_semaphore, #tpu.memory_space<semaphore_mem>>
        %dma_start3A = arith.constant 0 : i32
        %dma_start3A_19 = tpu.memref_slice %arg8[%run_scoped3A_17, %dma_start3A] : memref<4x128xi32, #tpu.memory_space<vmem>> -> memref<1x128xi32, #tpu.memory_space<vmem>>
        %dma_start3A_20 = tpu.memref_squeeze %dma_start3A_19 : memref<1x128xi32, #tpu.memory_space<vmem>> -> memref<128xi32, #tpu.memory_space<vmem>>
        %dma_start3A_21 = arith.constant 0 : i32
        %dma_start3A_22 = arith.constant 0 : i32
        %dma_start3A_23 = tpu.memref_slice %arg6[%dma_start3A_21, %dma_start3A_22] : memref<10112x128xf32, #tpu.memory_space<vmem_shared>> -> memref<10112x128xf32, #tpu.memory_space<vmem_shared>>
        tpu.enqueue_indirect_dma source(%arg7 : memref<128x128xf32, #tpu.memory_space<vmem>>) target(%dma_start3A_23 : memref<10112x128xf32, #tpu.memory_space<vmem_shared>>) offsets(%dma_start3A_20 : memref<128xi32, #tpu.memory_space<vmem>>) semaphore(%run_scoped3A_18 : memref<!tpu.dma_semaphore, #tpu.memory_space<semaphore_mem>>) {add = true}
        %dma_wait3A = arith.constant 0 : i32
        %dma_wait3A_24 = tpu.memref_slice %arg8[%run_scoped3A_17, %dma_wait3A] : memref<4x128xi32, #tpu.memory_space<vmem>> -> memref<1x128xi32, #tpu.memory_space<vmem>>
        %dma_wait3A_25 = tpu.memref_squeeze %dma_wait3A_24 : memref<1x128xi32, #tpu.memory_space<vmem>> -> memref<128xi32, #tpu.memory_space<vmem>>
        %dma_wait3A_26 = arith.constant 0 : i32
        %dma_wait3A_27 = arith.constant 0 : i32
        %dma_wait3A_28 = tpu.memref_slice %arg6[%dma_wait3A_26, %dma_wait3A_27] : memref<10112x128xf32, #tpu.memory_space<vmem_shared>> -> memref<10112x128xf32, #tpu.memory_space<vmem_shared>>
        tpu.wait_indirect_dma semaphore(%run_scoped3A_18 : memref<!tpu.dma_semaphore, #tpu.memory_space<semaphore_mem>>) src(%arg7 : memref<128x128xf32, #tpu.memory_space<vmem>>) dst(%dma_wait3A_28 : memref<10112x128xf32, #tpu.memory_space<vmem_shared>>)
        tpu.yield
      }) : () -> ()
    }
    %scan3A_7 = arith.constant 10 : i32
    %barrier3A_8 = arith.constant 0 : index
    tpu.barrier barrier_id(%barrier3A_8)
    "tpu.region"() ({
      %run_scoped3A = tpu.sem_alloc : memref<!tpu.dma_semaphore, #tpu.memory_space<semaphore_mem>>
      %dma_start3A = arith.constant 0 : i32
      %dma_start3A_9 = tpu.memref_slice %arg5[%arg0, %mul3A_0, %dma_start3A] : memref<2x10112x128xf32, #tpu.memory_space<hbm>> -> memref<1x632x128xf32, #tpu.memory_space<hbm>>
      %dma_start3A_10 = tpu.memref_squeeze %dma_start3A_9 : memref<1x632x128xf32, #tpu.memory_space<hbm>> -> memref<632x128xf32, #tpu.memory_space<hbm>>
      %dma_start3A_11 = arith.constant 0 : i32
      %dma_start3A_12 = tpu.memref_slice %arg6[%mul3A_0, %dma_start3A_11] : memref<10112x128xf32, #tpu.memory_space<vmem_shared>> -> memref<632x128xf32, #tpu.memory_space<vmem_shared>>
      tpu.enqueue_dma source(%dma_start3A_12 : memref<632x128xf32, #tpu.memory_space<vmem_shared>>) target(%dma_start3A_10 : memref<632x128xf32, #tpu.memory_space<hbm>>) target_semaphore(%run_scoped3A : memref<!tpu.dma_semaphore, #tpu.memory_space<semaphore_mem>>)
      %dma_wait3A = arith.constant 0 : i32
      %dma_wait3A_13 = tpu.memref_slice %arg5[%arg0, %mul3A_0, %dma_wait3A] : memref<2x10112x128xf32, #tpu.memory_space<hbm>> -> memref<1x632x128xf32, #tpu.memory_space<hbm>>
      %dma_wait3A_14 = tpu.memref_squeeze %dma_wait3A_13 : memref<1x632x128xf32, #tpu.memory_space<hbm>> -> memref<632x128xf32, #tpu.memory_space<hbm>>
      %dma_wait3A_15 = arith.constant 0 : i32
      %dma_wait3A_16 = tpu.memref_slice %arg6[%mul3A_0, %dma_wait3A_15] : memref<10112x128xf32, #tpu.memory_space<vmem_shared>> -> memref<632x128xf32, #tpu.memory_space<vmem_shared>>
      tpu.wait_dma2 semaphore(%run_scoped3A : memref<!tpu.dma_semaphore, #tpu.memory_space<semaphore_mem>>) src(%dma_wait3A_16 : memref<632x128xf32, #tpu.memory_space<vmem_shared>>) dst(%dma_wait3A_14 : memref<632x128xf32, #tpu.memory_space<hbm>>)
      tpu.yield
    }) : () -> ()
    return
  }
}

#map = affine_map<(d0, d1) -> (0, 0)>
#map1 = affine_map<(d0, d1) -> (0, 0, 0)>
module attributes {stable_mosaic.version = 14 : i64} {
  func.func @_spmm_body(%arg0: i32, %arg1: i32, %arg2: memref<20000x128xf32, #tpu.memory_space<hbm>>, %arg3: memref<1280x2x128xi32, #tpu.memory_space<hbm>>, %arg4: memref<10112x128xf32, #tpu.memory_space<hbm>>, %arg5: memref<2x10112x128xf32, #tpu.memory_space<hbm>>, %arg6: memref<10112x128xf32, #tpu.memory_space<vmem_shared>>, %arg7: memref<128x128xf32, #tpu.memory_space<vmem>>, %arg8: memref<128x128xf32, #tpu.memory_space<vmem>>, %arg9: memref<128x128xf32, #tpu.memory_space<vmem>>, %arg10: memref<128xi32, #tpu.memory_space<vmem>>, %arg11: memref<128xi32, #tpu.memory_space<vmem>>, %arg12: memref<128xi32, #tpu.memory_space<vmem>>, %arg13: memref<128xi32, #tpu.memory_space<vmem>>, %arg14: memref<128xi32, #tpu.memory_space<vmem>>, %arg15: memref<128xi32, #tpu.memory_space<vmem>>, %arg16: memref<!tpu.dma_semaphore, #tpu.memory_space<semaphore_mem>>, %arg17: memref<!tpu.dma_semaphore, #tpu.memory_space<semaphore_mem>>, %arg18: memref<!tpu.dma_semaphore, #tpu.memory_space<semaphore_mem>>, %arg19: memref<!tpu.dma_semaphore, #tpu.memory_space<semaphore_mem>>, %arg20: memref<!tpu.dma_semaphore, #tpu.memory_space<semaphore_mem>>, %arg21: memref<!tpu.dma_semaphore, #tpu.memory_space<semaphore_mem>>) attributes {dimension_semantics = [#tpu.dimension_semantics<core_parallel>, #tpu.dimension_semantics<subcore_parallel>], iteration_bounds = array<i64: 2, 16>, scalar_prefetch = 0 : i64, scratch_operands = 16 : i64, tpu.core_type = #tpu.core_type<sc_vector_subcore>, window_params = [{transform_indices = #map}, {transform_indices = #map1}, {transform_indices = #map}, {transform_indices = #map1}]} {
    %mul3A = arith.constant 632 : i32
    %mul3A_0 = arith.muli %arg1, %mul3A : i32
    "tpu.region"() ({
      %run_scoped3A_207 = tpu.sem_alloc : memref<!tpu.dma_semaphore, #tpu.memory_space<semaphore_mem>>
      %dma_start3A_208 = arith.constant 0 : i32
      %dma_start3A_209 = tpu.memref_slice %arg6[%mul3A_0, %dma_start3A_208] : memref<10112x128xf32, #tpu.memory_space<vmem_shared>> -> memref<632x128xf32, #tpu.memory_space<vmem_shared>>
      %dma_start3A_210 = arith.constant 0 : i32
      %dma_start3A_211 = tpu.memref_slice %arg4[%mul3A_0, %dma_start3A_210] : memref<10112x128xf32, #tpu.memory_space<hbm>> -> memref<632x128xf32, #tpu.memory_space<hbm>>
      tpu.enqueue_dma source(%dma_start3A_211 : memref<632x128xf32, #tpu.memory_space<hbm>>) target(%dma_start3A_209 : memref<632x128xf32, #tpu.memory_space<vmem_shared>>) target_semaphore(%run_scoped3A_207 : memref<!tpu.dma_semaphore, #tpu.memory_space<semaphore_mem>>)
      %dma_wait3A_212 = arith.constant 0 : i32
      %dma_wait3A_213 = tpu.memref_slice %arg6[%mul3A_0, %dma_wait3A_212] : memref<10112x128xf32, #tpu.memory_space<vmem_shared>> -> memref<632x128xf32, #tpu.memory_space<vmem_shared>>
      %dma_wait3A_214 = arith.constant 0 : i32
      %dma_wait3A_215 = tpu.memref_slice %arg4[%mul3A_0, %dma_wait3A_214] : memref<10112x128xf32, #tpu.memory_space<hbm>> -> memref<632x128xf32, #tpu.memory_space<hbm>>
      tpu.wait_dma2 semaphore(%run_scoped3A_207 : memref<!tpu.dma_semaphore, #tpu.memory_space<semaphore_mem>>) src(%dma_wait3A_215 : memref<632x128xf32, #tpu.memory_space<hbm>>) dst(%dma_wait3A_213 : memref<632x128xf32, #tpu.memory_space<vmem_shared>>)
      tpu.yield
    }) : () -> ()
    %barrier3A = arith.constant 0 : index
    tpu.barrier barrier_id(%barrier3A)
    %mul3A_1 = arith.constant 10000 : i32
    %mul3A_2 = arith.muli %arg0, %mul3A_1 : i32
    %scan3A = arith.constant 0 : i32
    %scan3A_3 = arith.constant 0 : i32
    %scan3A_4 = arith.constant 26 : i32
    %scan3A_5 = arith.addi %scan3A_3, %scan3A_4 : i32
    %scan3A_6 = arith.constant 1 : i32
    scf.for %scan3A_207 = %scan3A_3 to %scan3A_5 step %scan3A_6  : i32 {
      %mul3A_208 = arith.constant 80 : i32
      %mul3A_209 = arith.muli %arg1, %mul3A_208 : i32
      %mul3A_210 = arith.constant 3 : i32
      %mul3A_211 = arith.muli %mul3A_210, %scan3A_207 : i32
      %add3A_212 = arith.addi %mul3A_209, %mul3A_211 : i32
      %gt3A = arith.constant 0 : i32
      %gt3A_213 = arith.cmpi sgt, %scan3A_207, %gt3A : i32
      %convert_element_type3A = arith.extui %gt3A_213 : i1 to i32
      %cond3A = arith.constant 0 : i32
      %cond3A_214 = arith.cmpi ne, %convert_element_type3A, %cond3A : i32
      scf.if %cond3A_214 {
        %dma_wait3A_478 = arith.constant 0 : i32
        %dma_wait3A_479 = arith.constant 0 : i32
        %dma_wait3A_480 = tpu.memref_slice %arg2[%dma_wait3A_478, %dma_wait3A_479] : memref<20000x128xf32, #tpu.memory_space<hbm>> -> memref<128x128xf32, #tpu.memory_space<hbm>>
        %dma_wait3A_481 = arith.constant 0 : i32
        %dma_wait3A_482 = arith.constant 0 : i32
        %dma_wait3A_483 = tpu.memref_slice %arg2[%dma_wait3A_481, %dma_wait3A_482] : memref<20000x128xf32, #tpu.memory_space<hbm>> -> memref<128x128xf32, #tpu.memory_space<hbm>>
        tpu.wait_dma2 semaphore(%arg19 : memref<!tpu.dma_semaphore, #tpu.memory_space<semaphore_mem>>) src(%dma_wait3A_483 : memref<128x128xf32, #tpu.memory_space<hbm>>) dst(%arg7 : memref<128x128xf32, #tpu.memory_space<vmem>>)
      } else {
      }
      %run_scoped3A_215 = arith.constant 0 : i32
      "tpu.region"() ({
        %run_scoped3A_478 = tpu.sem_alloc : memref<!tpu.dma_semaphore, #tpu.memory_space<semaphore_mem>>
        %dma_start3A_479 = arith.constant 0 : i32
        %dma_start3A_480 = tpu.memref_slice %arg3[%add3A_212, %run_scoped3A_215, %dma_start3A_479] : memref<1280x2x128xi32, #tpu.memory_space<hbm>> -> memref<1x1x128xi32, #tpu.memory_space<hbm>>
        %dma_start3A_481 = tpu.memref_squeeze %dma_start3A_480 : memref<1x1x128xi32, #tpu.memory_space<hbm>> -> memref<128xi32, #tpu.memory_space<hbm>>
        %dma_start3A_482 = arith.constant 0 : i32
        %dma_start3A_483 = tpu.memref_slice %arg3[%add3A_212, %run_scoped3A_215, %dma_start3A_482] : memref<1280x2x128xi32, #tpu.memory_space<hbm>> -> memref<1x1x128xi32, #tpu.memory_space<hbm>>
        %dma_start3A_484 = tpu.memref_squeeze %dma_start3A_483 : memref<1x1x128xi32, #tpu.memory_space<hbm>> -> memref<128xi32, #tpu.memory_space<hbm>>
        tpu.enqueue_dma source(%dma_start3A_484 : memref<128xi32, #tpu.memory_space<hbm>>) target(%arg10 : memref<128xi32, #tpu.memory_space<vmem>>) target_semaphore(%run_scoped3A_478 : memref<!tpu.dma_semaphore, #tpu.memory_space<semaphore_mem>>)
        %dma_wait3A_485 = arith.constant 0 : i32
        %dma_wait3A_486 = tpu.memref_slice %arg3[%add3A_212, %run_scoped3A_215, %dma_wait3A_485] : memref<1280x2x128xi32, #tpu.memory_space<hbm>> -> memref<1x1x128xi32, #tpu.memory_space<hbm>>
        %dma_wait3A_487 = tpu.memref_squeeze %dma_wait3A_486 : memref<1x1x128xi32, #tpu.memory_space<hbm>> -> memref<128xi32, #tpu.memory_space<hbm>>
        %dma_wait3A_488 = arith.constant 0 : i32
        %dma_wait3A_489 = tpu.memref_slice %arg3[%add3A_212, %run_scoped3A_215, %dma_wait3A_488] : memref<1280x2x128xi32, #tpu.memory_space<hbm>> -> memref<1x1x128xi32, #tpu.memory_space<hbm>>
        %dma_wait3A_490 = tpu.memref_squeeze %dma_wait3A_489 : memref<1x1x128xi32, #tpu.memory_space<hbm>> -> memref<128xi32, #tpu.memory_space<hbm>>
        tpu.wait_dma2 semaphore(%run_scoped3A_478 : memref<!tpu.dma_semaphore, #tpu.memory_space<semaphore_mem>>) src(%dma_wait3A_490 : memref<128xi32, #tpu.memory_space<hbm>>) dst(%arg10 : memref<128xi32, #tpu.memory_space<vmem>>)
        tpu.yield
      }) : () -> ()
      %run_scoped3A_216 = arith.constant 1 : i32
      "tpu.region"() ({
        %run_scoped3A_478 = tpu.sem_alloc : memref<!tpu.dma_semaphore, #tpu.memory_space<semaphore_mem>>
        %dma_start3A_479 = arith.constant 0 : i32
        %dma_start3A_480 = tpu.memref_slice %arg3[%add3A_212, %run_scoped3A_216, %dma_start3A_479] : memref<1280x2x128xi32, #tpu.memory_space<hbm>> -> memref<1x1x128xi32, #tpu.memory_space<hbm>>
        %dma_start3A_481 = tpu.memref_squeeze %dma_start3A_480 : memref<1x1x128xi32, #tpu.memory_space<hbm>> -> memref<128xi32, #tpu.memory_space<hbm>>
        %dma_start3A_482 = arith.constant 0 : i32
        %dma_start3A_483 = tpu.memref_slice %arg3[%add3A_212, %run_scoped3A_216, %dma_start3A_482] : memref<1280x2x128xi32, #tpu.memory_space<hbm>> -> memref<1x1x128xi32, #tpu.memory_space<hbm>>
        %dma_start3A_484 = tpu.memref_squeeze %dma_start3A_483 : memref<1x1x128xi32, #tpu.memory_space<hbm>> -> memref<128xi32, #tpu.memory_space<hbm>>
        tpu.enqueue_dma source(%dma_start3A_484 : memref<128xi32, #tpu.memory_space<hbm>>) target(%arg13 : memref<128xi32, #tpu.memory_space<vmem>>) target_semaphore(%run_scoped3A_478 : memref<!tpu.dma_semaphore, #tpu.memory_space<semaphore_mem>>)
        %dma_wait3A_485 = arith.constant 0 : i32
        %dma_wait3A_486 = tpu.memref_slice %arg3[%add3A_212, %run_scoped3A_216, %dma_wait3A_485] : memref<1280x2x128xi32, #tpu.memory_space<hbm>> -> memref<1x1x128xi32, #tpu.memory_space<hbm>>
        %dma_wait3A_487 = tpu.memref_squeeze %dma_wait3A_486 : memref<1x1x128xi32, #tpu.memory_space<hbm>> -> memref<128xi32, #tpu.memory_space<hbm>>
        %dma_wait3A_488 = arith.constant 0 : i32
        %dma_wait3A_489 = tpu.memref_slice %arg3[%add3A_212, %run_scoped3A_216, %dma_wait3A_488] : memref<1280x2x128xi32, #tpu.memory_space<hbm>> -> memref<1x1x128xi32, #tpu.memory_space<hbm>>
        %dma_wait3A_490 = tpu.memref_squeeze %dma_wait3A_489 : memref<1x1x128xi32, #tpu.memory_space<hbm>> -> memref<128xi32, #tpu.memory_space<hbm>>
        tpu.wait_dma2 semaphore(%run_scoped3A_478 : memref<!tpu.dma_semaphore, #tpu.memory_space<semaphore_mem>>) src(%dma_wait3A_490 : memref<128xi32, #tpu.memory_space<hbm>>) dst(%arg13 : memref<128xi32, #tpu.memory_space<vmem>>)
        tpu.yield
      }) : () -> ()
      %get3A_217 = arith.constant 0 : index
      %get3A_218 = tpu.vector_load %arg10[%get3A_217] {strides = array<i32>} : memref<128xi32, #tpu.memory_space<vmem>>, vector<16xi32>,
      %get3A_219 = vector.shape_cast %get3A_218 : vector<16xi32> to vector<16xi32>
      %add3A_220 = vector.broadcast %mul3A_2 : i32 to vector<16xi32>
      %add3A_221 = arith.addi %get3A_219, %add3A_220 : vector<16xi32>
      %swap3A_222 = arith.constant 0 : index
      %swap3A_223 = tpu.vector_load %arg10[%swap3A_222] {strides = array<i32>} : memref<128xi32, #tpu.memory_space<vmem>>, vector<16xi32>,
      %swap3A_224 = vector.shape_cast %swap3A_223 : vector<16xi32> to vector<16xi32>
      %swap3A_225 = vector.shape_cast %add3A_221 : vector<16xi32> to vector<16xi32>
      tpu.vector_store %arg10[%swap3A_222], %swap3A_225 {strides = array<i32>} : memref<128xi32, #tpu.memory_space<vmem>>, vector<16xi32>,
      %get3A_226 = arith.constant 16 : index
      %get3A_227 = tpu.vector_load %arg10[%get3A_226] {strides = array<i32>} : memref<128xi32, #tpu.memory_space<vmem>>, vector<16xi32>,
      %get3A_228 = vector.shape_cast %get3A_227 : vector<16xi32> to vector<16xi32>
      %add3A_229 = vector.broadcast %mul3A_2 : i32 to vector<16xi32>
      %add3A_230 = arith.addi %get3A_228, %add3A_229 : vector<16xi32>
      %swap3A_231 = arith.constant 16 : index
      %swap3A_232 = tpu.vector_load %arg10[%swap3A_231] {strides = array<i32>} : memref<128xi32, #tpu.memory_space<vmem>>, vector<16xi32>,
      %swap3A_233 = vector.shape_cast %swap3A_232 : vector<16xi32> to vector<16xi32>
      %swap3A_234 = vector.shape_cast %add3A_230 : vector<16xi32> to vector<16xi32>
      tpu.vector_store %arg10[%swap3A_231], %swap3A_234 {strides = array<i32>} : memref<128xi32, #tpu.memory_space<vmem>>, vector<16xi32>,
      %get3A_235 = arith.constant 32 : index
      %get3A_236 = tpu.vector_load %arg10[%get3A_235] {strides = array<i32>} : memref<128xi32, #tpu.memory_space<vmem>>, vector<16xi32>,
      %get3A_237 = vector.shape_cast %get3A_236 : vector<16xi32> to vector<16xi32>
      %add3A_238 = vector.broadcast %mul3A_2 : i32 to vector<16xi32>
      %add3A_239 = arith.addi %get3A_237, %add3A_238 : vector<16xi32>
      %swap3A_240 = arith.constant 32 : index
      %swap3A_241 = tpu.vector_load %arg10[%swap3A_240] {strides = array<i32>} : memref<128xi32, #tpu.memory_space<vmem>>, vector<16xi32>,
      %swap3A_242 = vector.shape_cast %swap3A_241 : vector<16xi32> to vector<16xi32>
      %swap3A_243 = vector.shape_cast %add3A_239 : vector<16xi32> to vector<16xi32>
      tpu.vector_store %arg10[%swap3A_240], %swap3A_243 {strides = array<i32>} : memref<128xi32, #tpu.memory_space<vmem>>, vector<16xi32>,
      %get3A_244 = arith.constant 48 : index
      %get3A_245 = tpu.vector_load %arg10[%get3A_244] {strides = array<i32>} : memref<128xi32, #tpu.memory_space<vmem>>, vector<16xi32>,
      %get3A_246 = vector.shape_cast %get3A_245 : vector<16xi32> to vector<16xi32>
      %add3A_247 = vector.broadcast %mul3A_2 : i32 to vector<16xi32>
      %add3A_248 = arith.addi %get3A_246, %add3A_247 : vector<16xi32>
      %swap3A_249 = arith.constant 48 : index
      %swap3A_250 = tpu.vector_load %arg10[%swap3A_249] {strides = array<i32>} : memref<128xi32, #tpu.memory_space<vmem>>, vector<16xi32>,
      %swap3A_251 = vector.shape_cast %swap3A_250 : vector<16xi32> to vector<16xi32>
      %swap3A_252 = vector.shape_cast %add3A_248 : vector<16xi32> to vector<16xi32>
      tpu.vector_store %arg10[%swap3A_249], %swap3A_252 {strides = array<i32>} : memref<128xi32, #tpu.memory_space<vmem>>, vector<16xi32>,
      %get3A_253 = arith.constant 64 : index
      %get3A_254 = tpu.vector_load %arg10[%get3A_253] {strides = array<i32>} : memref<128xi32, #tpu.memory_space<vmem>>, vector<16xi32>,
      %get3A_255 = vector.shape_cast %get3A_254 : vector<16xi32> to vector<16xi32>
      %add3A_256 = vector.broadcast %mul3A_2 : i32 to vector<16xi32>
      %add3A_257 = arith.addi %get3A_255, %add3A_256 : vector<16xi32>
      %swap3A_258 = arith.constant 64 : index
      %swap3A_259 = tpu.vector_load %arg10[%swap3A_258] {strides = array<i32>} : memref<128xi32, #tpu.memory_space<vmem>>, vector<16xi32>,
      %swap3A_260 = vector.shape_cast %swap3A_259 : vector<16xi32> to vector<16xi32>
      %swap3A_261 = vector.shape_cast %add3A_257 : vector<16xi32> to vector<16xi32>
      tpu.vector_store %arg10[%swap3A_258], %swap3A_261 {strides = array<i32>} : memref<128xi32, #tpu.memory_space<vmem>>, vector<16xi32>,
      %get3A_262 = arith.constant 80 : index
      %get3A_263 = tpu.vector_load %arg10[%get3A_262] {strides = array<i32>} : memref<128xi32, #tpu.memory_space<vmem>>, vector<16xi32>,
      %get3A_264 = vector.shape_cast %get3A_263 : vector<16xi32> to vector<16xi32>
      %add3A_265 = vector.broadcast %mul3A_2 : i32 to vector<16xi32>
      %add3A_266 = arith.addi %get3A_264, %add3A_265 : vector<16xi32>
      %swap3A_267 = arith.constant 80 : index
      %swap3A_268 = tpu.vector_load %arg10[%swap3A_267] {strides = array<i32>} : memref<128xi32, #tpu.memory_space<vmem>>, vector<16xi32>,
      %swap3A_269 = vector.shape_cast %swap3A_268 : vector<16xi32> to vector<16xi32>
      %swap3A_270 = vector.shape_cast %add3A_266 : vector<16xi32> to vector<16xi32>
      tpu.vector_store %arg10[%swap3A_267], %swap3A_270 {strides = array<i32>} : memref<128xi32, #tpu.memory_space<vmem>>, vector<16xi32>,
      %get3A_271 = arith.constant 96 : index
      %get3A_272 = tpu.vector_load %arg10[%get3A_271] {strides = array<i32>} : memref<128xi32, #tpu.memory_space<vmem>>, vector<16xi32>,
      %get3A_273 = vector.shape_cast %get3A_272 : vector<16xi32> to vector<16xi32>
      %add3A_274 = vector.broadcast %mul3A_2 : i32 to vector<16xi32>
      %add3A_275 = arith.addi %get3A_273, %add3A_274 : vector<16xi32>
      %swap3A_276 = arith.constant 96 : index
      %swap3A_277 = tpu.vector_load %arg10[%swap3A_276] {strides = array<i32>} : memref<128xi32, #tpu.memory_space<vmem>>, vector<16xi32>,
      %swap3A_278 = vector.shape_cast %swap3A_277 : vector<16xi32> to vector<16xi32>
      %swap3A_279 = vector.shape_cast %add3A_275 : vector<16xi32> to vector<16xi32>
      tpu.vector_store %arg10[%swap3A_276], %swap3A_279 {strides = array<i32>} : memref<128xi32, #tpu.memory_space<vmem>>, vector<16xi32>,
      %get3A_280 = arith.constant 112 : index
      %get3A_281 = tpu.vector_load %arg10[%get3A_280] {strides = array<i32>} : memref<128xi32, #tpu.memory_space<vmem>>, vector<16xi32>,
      %get3A_282 = vector.shape_cast %get3A_281 : vector<16xi32> to vector<16xi32>
      %add3A_283 = vector.broadcast %mul3A_2 : i32 to vector<16xi32>
      %add3A_284 = arith.addi %get3A_282, %add3A_283 : vector<16xi32>
      %swap3A_285 = arith.constant 112 : index
      %swap3A_286 = tpu.vector_load %arg10[%swap3A_285] {strides = array<i32>} : memref<128xi32, #tpu.memory_space<vmem>>, vector<16xi32>,
      %swap3A_287 = vector.shape_cast %swap3A_286 : vector<16xi32> to vector<16xi32>
      %swap3A_288 = vector.shape_cast %add3A_284 : vector<16xi32> to vector<16xi32>
      tpu.vector_store %arg10[%swap3A_285], %swap3A_288 {strides = array<i32>} : memref<128xi32, #tpu.memory_space<vmem>>, vector<16xi32>,
      %dma_start3A_289 = arith.constant 0 : i32
      %dma_start3A_290 = arith.constant 0 : i32
      %dma_start3A_291 = tpu.memref_slice %arg2[%dma_start3A_289, %dma_start3A_290] : memref<20000x128xf32, #tpu.memory_space<hbm>> -> memref<20000x128xf32, #tpu.memory_space<hbm>>
      tpu.enqueue_indirect_dma source(%dma_start3A_291 : memref<20000x128xf32, #tpu.memory_space<hbm>>) target(%arg7 : memref<128x128xf32, #tpu.memory_space<vmem>>) offsets(%arg10 : memref<128xi32, #tpu.memory_space<vmem>>) semaphore(%arg16 : memref<!tpu.dma_semaphore, #tpu.memory_space<semaphore_mem>>)
      %add3A_292 = arith.constant 1 : i32
      %add3A_293 = arith.addi %add3A_212, %add3A_292 : i32
      %gt3A_294 = arith.constant 0 : i32
      %gt3A_295 = arith.cmpi sgt, %scan3A_207, %gt3A_294 : i32
      %convert_element_type3A_296 = arith.extui %gt3A_295 : i1 to i32
      %cond3A_297 = arith.constant 0 : i32
      %cond3A_298 = arith.cmpi ne, %convert_element_type3A_296, %cond3A_297 : i32
      scf.if %cond3A_298 {
        %dma_wait3A_478 = arith.constant 0 : i32
        %dma_wait3A_479 = arith.constant 0 : i32
        %dma_wait3A_480 = tpu.memref_slice %arg2[%dma_wait3A_478, %dma_wait3A_479] : memref<20000x128xf32, #tpu.memory_space<hbm>> -> memref<128x128xf32, #tpu.memory_space<hbm>>
        %dma_wait3A_481 = arith.constant 0 : i32
        %dma_wait3A_482 = arith.constant 0 : i32
        %dma_wait3A_483 = tpu.memref_slice %arg2[%dma_wait3A_481, %dma_wait3A_482] : memref<20000x128xf32, #tpu.memory_space<hbm>> -> memref<128x128xf32, #tpu.memory_space<hbm>>
        tpu.wait_dma2 semaphore(%arg20 : memref<!tpu.dma_semaphore, #tpu.memory_space<semaphore_mem>>) src(%dma_wait3A_483 : memref<128x128xf32, #tpu.memory_space<hbm>>) dst(%arg8 : memref<128x128xf32, #tpu.memory_space<vmem>>)
      } else {
      }
      %run_scoped3A_299 = arith.constant 0 : i32
      "tpu.region"() ({
        %run_scoped3A_478 = tpu.sem_alloc : memref<!tpu.dma_semaphore, #tpu.memory_space<semaphore_mem>>
        %dma_start3A_479 = arith.constant 0 : i32
        %dma_start3A_480 = tpu.memref_slice %arg3[%add3A_293, %run_scoped3A_299, %dma_start3A_479] : memref<1280x2x128xi32, #tpu.memory_space<hbm>> -> memref<1x1x128xi32, #tpu.memory_space<hbm>>
        %dma_start3A_481 = tpu.memref_squeeze %dma_start3A_480 : memref<1x1x128xi32, #tpu.memory_space<hbm>> -> memref<128xi32, #tpu.memory_space<hbm>>
        %dma_start3A_482 = arith.constant 0 : i32
        %dma_start3A_483 = tpu.memref_slice %arg3[%add3A_293, %run_scoped3A_299, %dma_start3A_482] : memref<1280x2x128xi32, #tpu.memory_space<hbm>> -> memref<1x1x128xi32, #tpu.memory_space<hbm>>
        %dma_start3A_484 = tpu.memref_squeeze %dma_start3A_483 : memref<1x1x128xi32, #tpu.memory_space<hbm>> -> memref<128xi32, #tpu.memory_space<hbm>>
        tpu.enqueue_dma source(%dma_start3A_484 : memref<128xi32, #tpu.memory_space<hbm>>) target(%arg11 : memref<128xi32, #tpu.memory_space<vmem>>) target_semaphore(%run_scoped3A_478 : memref<!tpu.dma_semaphore, #tpu.memory_space<semaphore_mem>>)
        %dma_wait3A_485 = arith.constant 0 : i32
        %dma_wait3A_486 = tpu.memref_slice %arg3[%add3A_293, %run_scoped3A_299, %dma_wait3A_485] : memref<1280x2x128xi32, #tpu.memory_space<hbm>> -> memref<1x1x128xi32, #tpu.memory_space<hbm>>
        %dma_wait3A_487 = tpu.memref_squeeze %dma_wait3A_486 : memref<1x1x128xi32, #tpu.memory_space<hbm>> -> memref<128xi32, #tpu.memory_space<hbm>>
        %dma_wait3A_488 = arith.constant 0 : i32
        %dma_wait3A_489 = tpu.memref_slice %arg3[%add3A_293, %run_scoped3A_299, %dma_wait3A_488] : memref<1280x2x128xi32, #tpu.memory_space<hbm>> -> memref<1x1x128xi32, #tpu.memory_space<hbm>>
        %dma_wait3A_490 = tpu.memref_squeeze %dma_wait3A_489 : memref<1x1x128xi32, #tpu.memory_space<hbm>> -> memref<128xi32, #tpu.memory_space<hbm>>
        tpu.wait_dma2 semaphore(%run_scoped3A_478 : memref<!tpu.dma_semaphore, #tpu.memory_space<semaphore_mem>>) src(%dma_wait3A_490 : memref<128xi32, #tpu.memory_space<hbm>>) dst(%arg11 : memref<128xi32, #tpu.memory_space<vmem>>)
        tpu.yield
      }) : () -> ()
      %run_scoped3A_300 = arith.constant 1 : i32
      "tpu.region"() ({
        %run_scoped3A_478 = tpu.sem_alloc : memref<!tpu.dma_semaphore, #tpu.memory_space<semaphore_mem>>
        %dma_start3A_479 = arith.constant 0 : i32
        %dma_start3A_480 = tpu.memref_slice %arg3[%add3A_293, %run_scoped3A_300, %dma_start3A_479] : memref<1280x2x128xi32, #tpu.memory_space<hbm>> -> memref<1x1x128xi32, #tpu.memory_space<hbm>>
        %dma_start3A_481 = tpu.memref_squeeze %dma_start3A_480 : memref<1x1x128xi32, #tpu.memory_space<hbm>> -> memref<128xi32, #tpu.memory_space<hbm>>
        %dma_start3A_482 = arith.constant 0 : i32
        %dma_start3A_483 = tpu.memref_slice %arg3[%add3A_293, %run_scoped3A_300, %dma_start3A_482] : memref<1280x2x128xi32, #tpu.memory_space<hbm>> -> memref<1x1x128xi32, #tpu.memory_space<hbm>>
        %dma_start3A_484 = tpu.memref_squeeze %dma_start3A_483 : memref<1x1x128xi32, #tpu.memory_space<hbm>> -> memref<128xi32, #tpu.memory_space<hbm>>
        tpu.enqueue_dma source(%dma_start3A_484 : memref<128xi32, #tpu.memory_space<hbm>>) target(%arg14 : memref<128xi32, #tpu.memory_space<vmem>>) target_semaphore(%run_scoped3A_478 : memref<!tpu.dma_semaphore, #tpu.memory_space<semaphore_mem>>)
        %dma_wait3A_485 = arith.constant 0 : i32
        %dma_wait3A_486 = tpu.memref_slice %arg3[%add3A_293, %run_scoped3A_300, %dma_wait3A_485] : memref<1280x2x128xi32, #tpu.memory_space<hbm>> -> memref<1x1x128xi32, #tpu.memory_space<hbm>>
        %dma_wait3A_487 = tpu.memref_squeeze %dma_wait3A_486 : memref<1x1x128xi32, #tpu.memory_space<hbm>> -> memref<128xi32, #tpu.memory_space<hbm>>
        %dma_wait3A_488 = arith.constant 0 : i32
        %dma_wait3A_489 = tpu.memref_slice %arg3[%add3A_293, %run_scoped3A_300, %dma_wait3A_488] : memref<1280x2x128xi32, #tpu.memory_space<hbm>> -> memref<1x1x128xi32, #tpu.memory_space<hbm>>
        %dma_wait3A_490 = tpu.memref_squeeze %dma_wait3A_489 : memref<1x1x128xi32, #tpu.memory_space<hbm>> -> memref<128xi32, #tpu.memory_space<hbm>>
        tpu.wait_dma2 semaphore(%run_scoped3A_478 : memref<!tpu.dma_semaphore, #tpu.memory_space<semaphore_mem>>) src(%dma_wait3A_490 : memref<128xi32, #tpu.memory_space<hbm>>) dst(%arg14 : memref<128xi32, #tpu.memory_space<vmem>>)
        tpu.yield
      }) : () -> ()
      %get3A_301 = arith.constant 0 : index
      %get3A_302 = tpu.vector_load %arg11[%get3A_301] {strides = array<i32>} : memref<128xi32, #tpu.memory_space<vmem>>, vector<16xi32>,
      %get3A_303 = vector.shape_cast %get3A_302 : vector<16xi32> to vector<16xi32>
      %add3A_304 = vector.broadcast %mul3A_2 : i32 to vector<16xi32>
      %add3A_305 = arith.addi %get3A_303, %add3A_304 : vector<16xi32>
      %swap3A_306 = arith.constant 0 : index
      %swap3A_307 = tpu.vector_load %arg11[%swap3A_306] {strides = array<i32>} : memref<128xi32, #tpu.memory_space<vmem>>, vector<16xi32>,
      %swap3A_308 = vector.shape_cast %swap3A_307 : vector<16xi32> to vector<16xi32>
      %swap3A_309 = vector.shape_cast %add3A_305 : vector<16xi32> to vector<16xi32>
      tpu.vector_store %arg11[%swap3A_306], %swap3A_309 {strides = array<i32>} : memref<128xi32, #tpu.memory_space<vmem>>, vector<16xi32>,
      %get3A_310 = arith.constant 16 : index
      %get3A_311 = tpu.vector_load %arg11[%get3A_310] {strides = array<i32>} : memref<128xi32, #tpu.memory_space<vmem>>, vector<16xi32>,
      %get3A_312 = vector.shape_cast %get3A_311 : vector<16xi32> to vector<16xi32>
      %add3A_313 = vector.broadcast %mul3A_2 : i32 to vector<16xi32>
      %add3A_314 = arith.addi %get3A_312, %add3A_313 : vector<16xi32>
      %swap3A_315 = arith.constant 16 : index
      %swap3A_316 = tpu.vector_load %arg11[%swap3A_315] {strides = array<i32>} : memref<128xi32, #tpu.memory_space<vmem>>, vector<16xi32>,
      %swap3A_317 = vector.shape_cast %swap3A_316 : vector<16xi32> to vector<16xi32>
      %swap3A_318 = vector.shape_cast %add3A_314 : vector<16xi32> to vector<16xi32>
      tpu.vector_store %arg11[%swap3A_315], %swap3A_318 {strides = array<i32>} : memref<128xi32, #tpu.memory_space<vmem>>, vector<16xi32>,
      %get3A_319 = arith.constant 32 : index
      %get3A_320 = tpu.vector_load %arg11[%get3A_319] {strides = array<i32>} : memref<128xi32, #tpu.memory_space<vmem>>, vector<16xi32>,
      %get3A_321 = vector.shape_cast %get3A_320 : vector<16xi32> to vector<16xi32>
      %add3A_322 = vector.broadcast %mul3A_2 : i32 to vector<16xi32>
      %add3A_323 = arith.addi %get3A_321, %add3A_322 : vector<16xi32>
      %swap3A_324 = arith.constant 32 : index
      %swap3A_325 = tpu.vector_load %arg11[%swap3A_324] {strides = array<i32>} : memref<128xi32, #tpu.memory_space<vmem>>, vector<16xi32>,
      %swap3A_326 = vector.shape_cast %swap3A_325 : vector<16xi32> to vector<16xi32>
      %swap3A_327 = vector.shape_cast %add3A_323 : vector<16xi32> to vector<16xi32>
      tpu.vector_store %arg11[%swap3A_324], %swap3A_327 {strides = array<i32>} : memref<128xi32, #tpu.memory_space<vmem>>, vector<16xi32>,
      %get3A_328 = arith.constant 48 : index
      %get3A_329 = tpu.vector_load %arg11[%get3A_328] {strides = array<i32>} : memref<128xi32, #tpu.memory_space<vmem>>, vector<16xi32>,
      %get3A_330 = vector.shape_cast %get3A_329 : vector<16xi32> to vector<16xi32>
      %add3A_331 = vector.broadcast %mul3A_2 : i32 to vector<16xi32>
      %add3A_332 = arith.addi %get3A_330, %add3A_331 : vector<16xi32>
      %swap3A_333 = arith.constant 48 : index
      %swap3A_334 = tpu.vector_load %arg11[%swap3A_333] {strides = array<i32>} : memref<128xi32, #tpu.memory_space<vmem>>, vector<16xi32>,
      %swap3A_335 = vector.shape_cast %swap3A_334 : vector<16xi32> to vector<16xi32>
      %swap3A_336 = vector.shape_cast %add3A_332 : vector<16xi32> to vector<16xi32>
      tpu.vector_store %arg11[%swap3A_333], %swap3A_336 {strides = array<i32>} : memref<128xi32, #tpu.memory_space<vmem>>, vector<16xi32>,
      %get3A_337 = arith.constant 64 : index
      %get3A_338 = tpu.vector_load %arg11[%get3A_337] {strides = array<i32>} : memref<128xi32, #tpu.memory_space<vmem>>, vector<16xi32>,
      %get3A_339 = vector.shape_cast %get3A_338 : vector<16xi32> to vector<16xi32>
      %add3A_340 = vector.broadcast %mul3A_2 : i32 to vector<16xi32>
      %add3A_341 = arith.addi %get3A_339, %add3A_340 : vector<16xi32>
      %swap3A_342 = arith.constant 64 : index
      %swap3A_343 = tpu.vector_load %arg11[%swap3A_342] {strides = array<i32>} : memref<128xi32, #tpu.memory_space<vmem>>, vector<16xi32>,
      %swap3A_344 = vector.shape_cast %swap3A_343 : vector<16xi32> to vector<16xi32>
      %swap3A_345 = vector.shape_cast %add3A_341 : vector<16xi32> to vector<16xi32>
      tpu.vector_store %arg11[%swap3A_342], %swap3A_345 {strides = array<i32>} : memref<128xi32, #tpu.memory_space<vmem>>, vector<16xi32>,
      %get3A_346 = arith.constant 80 : index
      %get3A_347 = tpu.vector_load %arg11[%get3A_346] {strides = array<i32>} : memref<128xi32, #tpu.memory_space<vmem>>, vector<16xi32>,
      %get3A_348 = vector.shape_cast %get3A_347 : vector<16xi32> to vector<16xi32>
      %add3A_349 = vector.broadcast %mul3A_2 : i32 to vector<16xi32>
      %add3A_350 = arith.addi %get3A_348, %add3A_349 : vector<16xi32>
      %swap3A_351 = arith.constant 80 : index
      %swap3A_352 = tpu.vector_load %arg11[%swap3A_351] {strides = array<i32>} : memref<128xi32, #tpu.memory_space<vmem>>, vector<16xi32>,
      %swap3A_353 = vector.shape_cast %swap3A_352 : vector<16xi32> to vector<16xi32>
      %swap3A_354 = vector.shape_cast %add3A_350 : vector<16xi32> to vector<16xi32>
      tpu.vector_store %arg11[%swap3A_351], %swap3A_354 {strides = array<i32>} : memref<128xi32, #tpu.memory_space<vmem>>, vector<16xi32>,
      %get3A_355 = arith.constant 96 : index
      %get3A_356 = tpu.vector_load %arg11[%get3A_355] {strides = array<i32>} : memref<128xi32, #tpu.memory_space<vmem>>, vector<16xi32>,
      %get3A_357 = vector.shape_cast %get3A_356 : vector<16xi32> to vector<16xi32>
      %add3A_358 = vector.broadcast %mul3A_2 : i32 to vector<16xi32>
      %add3A_359 = arith.addi %get3A_357, %add3A_358 : vector<16xi32>
      %swap3A_360 = arith.constant 96 : index
      %swap3A_361 = tpu.vector_load %arg11[%swap3A_360] {strides = array<i32>} : memref<128xi32, #tpu.memory_space<vmem>>, vector<16xi32>,
      %swap3A_362 = vector.shape_cast %swap3A_361 : vector<16xi32> to vector<16xi32>
      %swap3A_363 = vector.shape_cast %add3A_359 : vector<16xi32> to vector<16xi32>
      tpu.vector_store %arg11[%swap3A_360], %swap3A_363 {strides = array<i32>} : memref<128xi32, #tpu.memory_space<vmem>>, vector<16xi32>,
      %get3A_364 = arith.constant 112 : index
      %get3A_365 = tpu.vector_load %arg11[%get3A_364] {strides = array<i32>} : memref<128xi32, #tpu.memory_space<vmem>>, vector<16xi32>,
      %get3A_366 = vector.shape_cast %get3A_365 : vector<16xi32> to vector<16xi32>
      %add3A_367 = vector.broadcast %mul3A_2 : i32 to vector<16xi32>
      %add3A_368 = arith.addi %get3A_366, %add3A_367 : vector<16xi32>
      %swap3A_369 = arith.constant 112 : index
      %swap3A_370 = tpu.vector_load %arg11[%swap3A_369] {strides = array<i32>} : memref<128xi32, #tpu.memory_space<vmem>>, vector<16xi32>,
      %swap3A_371 = vector.shape_cast %swap3A_370 : vector<16xi32> to vector<16xi32>
      %swap3A_372 = vector.shape_cast %add3A_368 : vector<16xi32> to vector<16xi32>
      tpu.vector_store %arg11[%swap3A_369], %swap3A_372 {strides = array<i32>} : memref<128xi32, #tpu.memory_space<vmem>>, vector<16xi32>,
      %dma_start3A_373 = arith.constant 0 : i32
      %dma_start3A_374 = arith.constant 0 : i32
      %dma_start3A_375 = tpu.memref_slice %arg2[%dma_start3A_373, %dma_start3A_374] : memref<20000x128xf32, #tpu.memory_space<hbm>> -> memref<20000x128xf32, #tpu.memory_space<hbm>>
      tpu.enqueue_indirect_dma source(%dma_start3A_375 : memref<20000x128xf32, #tpu.memory_space<hbm>>) target(%arg8 : memref<128x128xf32, #tpu.memory_space<vmem>>) offsets(%arg11 : memref<128xi32, #tpu.memory_space<vmem>>) semaphore(%arg17 : memref<!tpu.dma_semaphore, #tpu.memory_space<semaphore_mem>>)
      %add3A_376 = arith.constant 2 : i32
      %add3A_377 = arith.addi %add3A_212, %add3A_376 : i32
      %gt3A_378 = arith.constant 0 : i32
      %gt3A_379 = arith.cmpi sgt, %scan3A_207, %gt3A_378 : i32
      %convert_element_type3A_380 = arith.extui %gt3A_379 : i1 to i32
      %cond3A_381 = arith.constant 0 : i32
      %cond3A_382 = arith.cmpi ne, %convert_element_type3A_380, %cond3A_381 : i32
      scf.if %cond3A_382 {
        %dma_wait3A_478 = arith.constant 0 : i32
        %dma_wait3A_479 = arith.constant 0 : i32
        %dma_wait3A_480 = tpu.memref_slice %arg2[%dma_wait3A_478, %dma_wait3A_479] : memref<20000x128xf32, #tpu.memory_space<hbm>> -> memref<128x128xf32, #tpu.memory_space<hbm>>
        %dma_wait3A_481 = arith.constant 0 : i32
        %dma_wait3A_482 = arith.constant 0 : i32
        %dma_wait3A_483 = tpu.memref_slice %arg2[%dma_wait3A_481, %dma_wait3A_482] : memref<20000x128xf32, #tpu.memory_space<hbm>> -> memref<128x128xf32, #tpu.memory_space<hbm>>
        tpu.wait_dma2 semaphore(%arg21 : memref<!tpu.dma_semaphore, #tpu.memory_space<semaphore_mem>>) src(%dma_wait3A_483 : memref<128x128xf32, #tpu.memory_space<hbm>>) dst(%arg9 : memref<128x128xf32, #tpu.memory_space<vmem>>)
      } else {
      }
      %run_scoped3A_383 = arith.constant 0 : i32
      "tpu.region"() ({
        %run_scoped3A_478 = tpu.sem_alloc : memref<!tpu.dma_semaphore, #tpu.memory_space<semaphore_mem>>
        %dma_start3A_479 = arith.constant 0 : i32
        %dma_start3A_480 = tpu.memref_slice %arg3[%add3A_377, %run_scoped3A_383, %dma_start3A_479] : memref<1280x2x128xi32, #tpu.memory_space<hbm>> -> memref<1x1x128xi32, #tpu.memory_space<hbm>>
        %dma_start3A_481 = tpu.memref_squeeze %dma_start3A_480 : memref<1x1x128xi32, #tpu.memory_space<hbm>> -> memref<128xi32, #tpu.memory_space<hbm>>
        %dma_start3A_482 = arith.constant 0 : i32
        %dma_start3A_483 = tpu.memref_slice %arg3[%add3A_377, %run_scoped3A_383, %dma_start3A_482] : memref<1280x2x128xi32, #tpu.memory_space<hbm>> -> memref<1x1x128xi32, #tpu.memory_space<hbm>>
        %dma_start3A_484 = tpu.memref_squeeze %dma_start3A_483 : memref<1x1x128xi32, #tpu.memory_space<hbm>> -> memref<128xi32, #tpu.memory_space<hbm>>
        tpu.enqueue_dma source(%dma_start3A_484 : memref<128xi32, #tpu.memory_space<hbm>>) target(%arg12 : memref<128xi32, #tpu.memory_space<vmem>>) target_semaphore(%run_scoped3A_478 : memref<!tpu.dma_semaphore, #tpu.memory_space<semaphore_mem>>)
        %dma_wait3A_485 = arith.constant 0 : i32
        %dma_wait3A_486 = tpu.memref_slice %arg3[%add3A_377, %run_scoped3A_383, %dma_wait3A_485] : memref<1280x2x128xi32, #tpu.memory_space<hbm>> -> memref<1x1x128xi32, #tpu.memory_space<hbm>>
        %dma_wait3A_487 = tpu.memref_squeeze %dma_wait3A_486 : memref<1x1x128xi32, #tpu.memory_space<hbm>> -> memref<128xi32, #tpu.memory_space<hbm>>
        %dma_wait3A_488 = arith.constant 0 : i32
        %dma_wait3A_489 = tpu.memref_slice %arg3[%add3A_377, %run_scoped3A_383, %dma_wait3A_488] : memref<1280x2x128xi32, #tpu.memory_space<hbm>> -> memref<1x1x128xi32, #tpu.memory_space<hbm>>
        %dma_wait3A_490 = tpu.memref_squeeze %dma_wait3A_489 : memref<1x1x128xi32, #tpu.memory_space<hbm>> -> memref<128xi32, #tpu.memory_space<hbm>>
        tpu.wait_dma2 semaphore(%run_scoped3A_478 : memref<!tpu.dma_semaphore, #tpu.memory_space<semaphore_mem>>) src(%dma_wait3A_490 : memref<128xi32, #tpu.memory_space<hbm>>) dst(%arg12 : memref<128xi32, #tpu.memory_space<vmem>>)
        tpu.yield
      }) : () -> ()
      %run_scoped3A_384 = arith.constant 1 : i32
      "tpu.region"() ({
        %run_scoped3A_478 = tpu.sem_alloc : memref<!tpu.dma_semaphore, #tpu.memory_space<semaphore_mem>>
        %dma_start3A_479 = arith.constant 0 : i32
        %dma_start3A_480 = tpu.memref_slice %arg3[%add3A_377, %run_scoped3A_384, %dma_start3A_479] : memref<1280x2x128xi32, #tpu.memory_space<hbm>> -> memref<1x1x128xi32, #tpu.memory_space<hbm>>
        %dma_start3A_481 = tpu.memref_squeeze %dma_start3A_480 : memref<1x1x128xi32, #tpu.memory_space<hbm>> -> memref<128xi32, #tpu.memory_space<hbm>>
        %dma_start3A_482 = arith.constant 0 : i32
        %dma_start3A_483 = tpu.memref_slice %arg3[%add3A_377, %run_scoped3A_384, %dma_start3A_482] : memref<1280x2x128xi32, #tpu.memory_space<hbm>> -> memref<1x1x128xi32, #tpu.memory_space<hbm>>
        %dma_start3A_484 = tpu.memref_squeeze %dma_start3A_483 : memref<1x1x128xi32, #tpu.memory_space<hbm>> -> memref<128xi32, #tpu.memory_space<hbm>>
        tpu.enqueue_dma source(%dma_start3A_484 : memref<128xi32, #tpu.memory_space<hbm>>) target(%arg15 : memref<128xi32, #tpu.memory_space<vmem>>) target_semaphore(%run_scoped3A_478 : memref<!tpu.dma_semaphore, #tpu.memory_space<semaphore_mem>>)
        %dma_wait3A_485 = arith.constant 0 : i32
        %dma_wait3A_486 = tpu.memref_slice %arg3[%add3A_377, %run_scoped3A_384, %dma_wait3A_485] : memref<1280x2x128xi32, #tpu.memory_space<hbm>> -> memref<1x1x128xi32, #tpu.memory_space<hbm>>
        %dma_wait3A_487 = tpu.memref_squeeze %dma_wait3A_486 : memref<1x1x128xi32, #tpu.memory_space<hbm>> -> memref<128xi32, #tpu.memory_space<hbm>>
        %dma_wait3A_488 = arith.constant 0 : i32
        %dma_wait3A_489 = tpu.memref_slice %arg3[%add3A_377, %run_scoped3A_384, %dma_wait3A_488] : memref<1280x2x128xi32, #tpu.memory_space<hbm>> -> memref<1x1x128xi32, #tpu.memory_space<hbm>>
        %dma_wait3A_490 = tpu.memref_squeeze %dma_wait3A_489 : memref<1x1x128xi32, #tpu.memory_space<hbm>> -> memref<128xi32, #tpu.memory_space<hbm>>
        tpu.wait_dma2 semaphore(%run_scoped3A_478 : memref<!tpu.dma_semaphore, #tpu.memory_space<semaphore_mem>>) src(%dma_wait3A_490 : memref<128xi32, #tpu.memory_space<hbm>>) dst(%arg15 : memref<128xi32, #tpu.memory_space<vmem>>)
        tpu.yield
      }) : () -> ()
      %get3A_385 = arith.constant 0 : index
      %get3A_386 = tpu.vector_load %arg12[%get3A_385] {strides = array<i32>} : memref<128xi32, #tpu.memory_space<vmem>>, vector<16xi32>,
      %get3A_387 = vector.shape_cast %get3A_386 : vector<16xi32> to vector<16xi32>
      %add3A_388 = vector.broadcast %mul3A_2 : i32 to vector<16xi32>
      %add3A_389 = arith.addi %get3A_387, %add3A_388 : vector<16xi32>
      %swap3A_390 = arith.constant 0 : index
      %swap3A_391 = tpu.vector_load %arg12[%swap3A_390] {strides = array<i32>} : memref<128xi32, #tpu.memory_space<vmem>>, vector<16xi32>,
      %swap3A_392 = vector.shape_cast %swap3A_391 : vector<16xi32> to vector<16xi32>
      %swap3A_393 = vector.shape_cast %add3A_389 : vector<16xi32> to vector<16xi32>
      tpu.vector_store %arg12[%swap3A_390], %swap3A_393 {strides = array<i32>} : memref<128xi32, #tpu.memory_space<vmem>>, vector<16xi32>,
      %get3A_394 = arith.constant 16 : index
      %get3A_395 = tpu.vector_load %arg12[%get3A_394] {strides = array<i32>} : memref<128xi32, #tpu.memory_space<vmem>>, vector<16xi32>,
      %get3A_396 = vector.shape_cast %get3A_395 : vector<16xi32> to vector<16xi32>
      %add3A_397 = vector.broadcast %mul3A_2 : i32 to vector<16xi32>
      %add3A_398 = arith.addi %get3A_396, %add3A_397 : vector<16xi32>
      %swap3A_399 = arith.constant 16 : index
      %swap3A_400 = tpu.vector_load %arg12[%swap3A_399] {strides = array<i32>} : memref<128xi32, #tpu.memory_space<vmem>>, vector<16xi32>,
      %swap3A_401 = vector.shape_cast %swap3A_400 : vector<16xi32> to vector<16xi32>
      %swap3A_402 = vector.shape_cast %add3A_398 : vector<16xi32> to vector<16xi32>
      tpu.vector_store %arg12[%swap3A_399], %swap3A_402 {strides = array<i32>} : memref<128xi32, #tpu.memory_space<vmem>>, vector<16xi32>,
      %get3A_403 = arith.constant 32 : index
      %get3A_404 = tpu.vector_load %arg12[%get3A_403] {strides = array<i32>} : memref<128xi32, #tpu.memory_space<vmem>>, vector<16xi32>,
      %get3A_405 = vector.shape_cast %get3A_404 : vector<16xi32> to vector<16xi32>
      %add3A_406 = vector.broadcast %mul3A_2 : i32 to vector<16xi32>
      %add3A_407 = arith.addi %get3A_405, %add3A_406 : vector<16xi32>
      %swap3A_408 = arith.constant 32 : index
      %swap3A_409 = tpu.vector_load %arg12[%swap3A_408] {strides = array<i32>} : memref<128xi32, #tpu.memory_space<vmem>>, vector<16xi32>,
      %swap3A_410 = vector.shape_cast %swap3A_409 : vector<16xi32> to vector<16xi32>
      %swap3A_411 = vector.shape_cast %add3A_407 : vector<16xi32> to vector<16xi32>
      tpu.vector_store %arg12[%swap3A_408], %swap3A_411 {strides = array<i32>} : memref<128xi32, #tpu.memory_space<vmem>>, vector<16xi32>,
      %get3A_412 = arith.constant 48 : index
      %get3A_413 = tpu.vector_load %arg12[%get3A_412] {strides = array<i32>} : memref<128xi32, #tpu.memory_space<vmem>>, vector<16xi32>,
      %get3A_414 = vector.shape_cast %get3A_413 : vector<16xi32> to vector<16xi32>
      %add3A_415 = vector.broadcast %mul3A_2 : i32 to vector<16xi32>
      %add3A_416 = arith.addi %get3A_414, %add3A_415 : vector<16xi32>
      %swap3A_417 = arith.constant 48 : index
      %swap3A_418 = tpu.vector_load %arg12[%swap3A_417] {strides = array<i32>} : memref<128xi32, #tpu.memory_space<vmem>>, vector<16xi32>,
      %swap3A_419 = vector.shape_cast %swap3A_418 : vector<16xi32> to vector<16xi32>
      %swap3A_420 = vector.shape_cast %add3A_416 : vector<16xi32> to vector<16xi32>
      tpu.vector_store %arg12[%swap3A_417], %swap3A_420 {strides = array<i32>} : memref<128xi32, #tpu.memory_space<vmem>>, vector<16xi32>,
      %get3A_421 = arith.constant 64 : index
      %get3A_422 = tpu.vector_load %arg12[%get3A_421] {strides = array<i32>} : memref<128xi32, #tpu.memory_space<vmem>>, vector<16xi32>,
      %get3A_423 = vector.shape_cast %get3A_422 : vector<16xi32> to vector<16xi32>
      %add3A_424 = vector.broadcast %mul3A_2 : i32 to vector<16xi32>
      %add3A_425 = arith.addi %get3A_423, %add3A_424 : vector<16xi32>
      %swap3A_426 = arith.constant 64 : index
      %swap3A_427 = tpu.vector_load %arg12[%swap3A_426] {strides = array<i32>} : memref<128xi32, #tpu.memory_space<vmem>>, vector<16xi32>,
      %swap3A_428 = vector.shape_cast %swap3A_427 : vector<16xi32> to vector<16xi32>
      %swap3A_429 = vector.shape_cast %add3A_425 : vector<16xi32> to vector<16xi32>
      tpu.vector_store %arg12[%swap3A_426], %swap3A_429 {strides = array<i32>} : memref<128xi32, #tpu.memory_space<vmem>>, vector<16xi32>,
      %get3A_430 = arith.constant 80 : index
      %get3A_431 = tpu.vector_load %arg12[%get3A_430] {strides = array<i32>} : memref<128xi32, #tpu.memory_space<vmem>>, vector<16xi32>,
      %get3A_432 = vector.shape_cast %get3A_431 : vector<16xi32> to vector<16xi32>
      %add3A_433 = vector.broadcast %mul3A_2 : i32 to vector<16xi32>
      %add3A_434 = arith.addi %get3A_432, %add3A_433 : vector<16xi32>
      %swap3A_435 = arith.constant 80 : index
      %swap3A_436 = tpu.vector_load %arg12[%swap3A_435] {strides = array<i32>} : memref<128xi32, #tpu.memory_space<vmem>>, vector<16xi32>,
      %swap3A_437 = vector.shape_cast %swap3A_436 : vector<16xi32> to vector<16xi32>
      %swap3A_438 = vector.shape_cast %add3A_434 : vector<16xi32> to vector<16xi32>
      tpu.vector_store %arg12[%swap3A_435], %swap3A_438 {strides = array<i32>} : memref<128xi32, #tpu.memory_space<vmem>>, vector<16xi32>,
      %get3A_439 = arith.constant 96 : index
      %get3A_440 = tpu.vector_load %arg12[%get3A_439] {strides = array<i32>} : memref<128xi32, #tpu.memory_space<vmem>>, vector<16xi32>,
      %get3A_441 = vector.shape_cast %get3A_440 : vector<16xi32> to vector<16xi32>
      %add3A_442 = vector.broadcast %mul3A_2 : i32 to vector<16xi32>
      %add3A_443 = arith.addi %get3A_441, %add3A_442 : vector<16xi32>
      %swap3A_444 = arith.constant 96 : index
      %swap3A_445 = tpu.vector_load %arg12[%swap3A_444] {strides = array<i32>} : memref<128xi32, #tpu.memory_space<vmem>>, vector<16xi32>,
      %swap3A_446 = vector.shape_cast %swap3A_445 : vector<16xi32> to vector<16xi32>
      %swap3A_447 = vector.shape_cast %add3A_443 : vector<16xi32> to vector<16xi32>
      tpu.vector_store %arg12[%swap3A_444], %swap3A_447 {strides = array<i32>} : memref<128xi32, #tpu.memory_space<vmem>>, vector<16xi32>,
      %get3A_448 = arith.constant 112 : index
      %get3A_449 = tpu.vector_load %arg12[%get3A_448] {strides = array<i32>} : memref<128xi32, #tpu.memory_space<vmem>>, vector<16xi32>,
      %get3A_450 = vector.shape_cast %get3A_449 : vector<16xi32> to vector<16xi32>
      %add3A_451 = vector.broadcast %mul3A_2 : i32 to vector<16xi32>
      %add3A_452 = arith.addi %get3A_450, %add3A_451 : vector<16xi32>
      %swap3A_453 = arith.constant 112 : index
      %swap3A_454 = tpu.vector_load %arg12[%swap3A_453] {strides = array<i32>} : memref<128xi32, #tpu.memory_space<vmem>>, vector<16xi32>,
      %swap3A_455 = vector.shape_cast %swap3A_454 : vector<16xi32> to vector<16xi32>
      %swap3A_456 = vector.shape_cast %add3A_452 : vector<16xi32> to vector<16xi32>
      tpu.vector_store %arg12[%swap3A_453], %swap3A_456 {strides = array<i32>} : memref<128xi32, #tpu.memory_space<vmem>>, vector<16xi32>,
      %dma_start3A_457 = arith.constant 0 : i32
      %dma_start3A_458 = arith.constant 0 : i32
      %dma_start3A_459 = tpu.memref_slice %arg2[%dma_start3A_457, %dma_start3A_458] : memref<20000x128xf32, #tpu.memory_space<hbm>> -> memref<20000x128xf32, #tpu.memory_space<hbm>>
      tpu.enqueue_indirect_dma source(%dma_start3A_459 : memref<20000x128xf32, #tpu.memory_space<hbm>>) target(%arg9 : memref<128x128xf32, #tpu.memory_space<vmem>>) offsets(%arg12 : memref<128xi32, #tpu.memory_space<vmem>>) semaphore(%arg18 : memref<!tpu.dma_semaphore, #tpu.memory_space<semaphore_mem>>)
      %dma_wait3A_460 = arith.constant 0 : i32
      %dma_wait3A_461 = arith.constant 0 : i32
      %dma_wait3A_462 = tpu.memref_slice %arg2[%dma_wait3A_460, %dma_wait3A_461] : memref<20000x128xf32, #tpu.memory_space<hbm>> -> memref<20000x128xf32, #tpu.memory_space<hbm>>
      tpu.wait_indirect_dma semaphore(%arg16 : memref<!tpu.dma_semaphore, #tpu.memory_space<semaphore_mem>>) src(%dma_wait3A_462 : memref<20000x128xf32, #tpu.memory_space<hbm>>) dst(%arg7 : memref<128x128xf32, #tpu.memory_space<vmem>>)
      %dma_start3A_463 = arith.constant 0 : i32
      %dma_start3A_464 = arith.constant 0 : i32
      %dma_start3A_465 = tpu.memref_slice %arg6[%dma_start3A_463, %dma_start3A_464] : memref<10112x128xf32, #tpu.memory_space<vmem_shared>> -> memref<10112x128xf32, #tpu.memory_space<vmem_shared>>
      tpu.enqueue_indirect_dma source(%arg7 : memref<128x128xf32, #tpu.memory_space<vmem>>) target(%dma_start3A_465 : memref<10112x128xf32, #tpu.memory_space<vmem_shared>>) offsets(%arg13 : memref<128xi32, #tpu.memory_space<vmem>>) semaphore(%arg19 : memref<!tpu.dma_semaphore, #tpu.memory_space<semaphore_mem>>) {add = true}
      %dma_wait3A_466 = arith.constant 0 : i32
      %dma_wait3A_467 = arith.constant 0 : i32
      %dma_wait3A_468 = tpu.memref_slice %arg2[%dma_wait3A_466, %dma_wait3A_467] : memref<20000x128xf32, #tpu.memory_space<hbm>> -> memref<20000x128xf32, #tpu.memory_space<hbm>>
      tpu.wait_indirect_dma semaphore(%arg17 : memref<!tpu.dma_semaphore, #tpu.memory_space<semaphore_mem>>) src(%dma_wait3A_468 : memref<20000x128xf32, #tpu.memory_space<hbm>>) dst(%arg8 : memref<128x128xf32, #tpu.memory_space<vmem>>)
      %dma_start3A_469 = arith.constant 0 : i32
      %dma_start3A_470 = arith.constant 0 : i32
      %dma_start3A_471 = tpu.memref_slice %arg6[%dma_start3A_469, %dma_start3A_470] : memref<10112x128xf32, #tpu.memory_space<vmem_shared>> -> memref<10112x128xf32, #tpu.memory_space<vmem_shared>>
      tpu.enqueue_indirect_dma source(%arg8 : memref<128x128xf32, #tpu.memory_space<vmem>>) target(%dma_start3A_471 : memref<10112x128xf32, #tpu.memory_space<vmem_shared>>) offsets(%arg14 : memref<128xi32, #tpu.memory_space<vmem>>) semaphore(%arg20 : memref<!tpu.dma_semaphore, #tpu.memory_space<semaphore_mem>>) {add = true}
      %dma_wait3A_472 = arith.constant 0 : i32
      %dma_wait3A_473 = arith.constant 0 : i32
      %dma_wait3A_474 = tpu.memref_slice %arg2[%dma_wait3A_472, %dma_wait3A_473] : memref<20000x128xf32, #tpu.memory_space<hbm>> -> memref<20000x128xf32, #tpu.memory_space<hbm>>
      tpu.wait_indirect_dma semaphore(%arg18 : memref<!tpu.dma_semaphore, #tpu.memory_space<semaphore_mem>>) src(%dma_wait3A_474 : memref<20000x128xf32, #tpu.memory_space<hbm>>) dst(%arg9 : memref<128x128xf32, #tpu.memory_space<vmem>>)
      %dma_start3A_475 = arith.constant 0 : i32
      %dma_start3A_476 = arith.constant 0 : i32
      %dma_start3A_477 = tpu.memref_slice %arg6[%dma_start3A_475, %dma_start3A_476] : memref<10112x128xf32, #tpu.memory_space<vmem_shared>> -> memref<10112x128xf32, #tpu.memory_space<vmem_shared>>
      tpu.enqueue_indirect_dma source(%arg9 : memref<128x128xf32, #tpu.memory_space<vmem>>) target(%dma_start3A_477 : memref<10112x128xf32, #tpu.memory_space<vmem_shared>>) offsets(%arg15 : memref<128xi32, #tpu.memory_space<vmem>>) semaphore(%arg21 : memref<!tpu.dma_semaphore, #tpu.memory_space<semaphore_mem>>) {add = true}
    }
    %scan3A_7 = arith.constant 26 : i32
    %mul3A_8 = arith.constant 80 : i32
    %mul3A_9 = arith.muli %arg1, %mul3A_8 : i32
    %add3A = arith.constant 78 : i32
    %add3A_10 = arith.addi %mul3A_9, %add3A : i32
    %dma_wait3A = arith.constant 0 : i32
    %dma_wait3A_11 = arith.constant 0 : i32
    %dma_wait3A_12 = tpu.memref_slice %arg2[%dma_wait3A, %dma_wait3A_11] : memref<20000x128xf32, #tpu.memory_space<hbm>> -> memref<128x128xf32, #tpu.memory_space<hbm>>
    %dma_wait3A_13 = arith.constant 0 : i32
    %dma_wait3A_14 = arith.constant 0 : i32
    %dma_wait3A_15 = tpu.memref_slice %arg2[%dma_wait3A_13, %dma_wait3A_14] : memref<20000x128xf32, #tpu.memory_space<hbm>> -> memref<128x128xf32, #tpu.memory_space<hbm>>
    tpu.wait_dma2 semaphore(%arg19 : memref<!tpu.dma_semaphore, #tpu.memory_space<semaphore_mem>>) src(%dma_wait3A_15 : memref<128x128xf32, #tpu.memory_space<hbm>>) dst(%arg7 : memref<128x128xf32, #tpu.memory_space<vmem>>)
    %run_scoped3A = arith.constant 0 : i32
    "tpu.region"() ({
      %run_scoped3A_207 = tpu.sem_alloc : memref<!tpu.dma_semaphore, #tpu.memory_space<semaphore_mem>>
      %dma_start3A_208 = arith.constant 0 : i32
      %dma_start3A_209 = tpu.memref_slice %arg3[%add3A_10, %run_scoped3A, %dma_start3A_208] : memref<1280x2x128xi32, #tpu.memory_space<hbm>> -> memref<1x1x128xi32, #tpu.memory_space<hbm>>
      %dma_start3A_210 = tpu.memref_squeeze %dma_start3A_209 : memref<1x1x128xi32, #tpu.memory_space<hbm>> -> memref<128xi32, #tpu.memory_space<hbm>>
      %dma_start3A_211 = arith.constant 0 : i32
      %dma_start3A_212 = tpu.memref_slice %arg3[%add3A_10, %run_scoped3A, %dma_start3A_211] : memref<1280x2x128xi32, #tpu.memory_space<hbm>> -> memref<1x1x128xi32, #tpu.memory_space<hbm>>
      %dma_start3A_213 = tpu.memref_squeeze %dma_start3A_212 : memref<1x1x128xi32, #tpu.memory_space<hbm>> -> memref<128xi32, #tpu.memory_space<hbm>>
      tpu.enqueue_dma source(%dma_start3A_213 : memref<128xi32, #tpu.memory_space<hbm>>) target(%arg10 : memref<128xi32, #tpu.memory_space<vmem>>) target_semaphore(%run_scoped3A_207 : memref<!tpu.dma_semaphore, #tpu.memory_space<semaphore_mem>>)
      %dma_wait3A_214 = arith.constant 0 : i32
      %dma_wait3A_215 = tpu.memref_slice %arg3[%add3A_10, %run_scoped3A, %dma_wait3A_214] : memref<1280x2x128xi32, #tpu.memory_space<hbm>> -> memref<1x1x128xi32, #tpu.memory_space<hbm>>
      %dma_wait3A_216 = tpu.memref_squeeze %dma_wait3A_215 : memref<1x1x128xi32, #tpu.memory_space<hbm>> -> memref<128xi32, #tpu.memory_space<hbm>>
      %dma_wait3A_217 = arith.constant 0 : i32
      %dma_wait3A_218 = tpu.memref_slice %arg3[%add3A_10, %run_scoped3A, %dma_wait3A_217] : memref<1280x2x128xi32, #tpu.memory_space<hbm>> -> memref<1x1x128xi32, #tpu.memory_space<hbm>>
      %dma_wait3A_219 = tpu.memref_squeeze %dma_wait3A_218 : memref<1x1x128xi32, #tpu.memory_space<hbm>> -> memref<128xi32, #tpu.memory_space<hbm>>
      tpu.wait_dma2 semaphore(%run_scoped3A_207 : memref<!tpu.dma_semaphore, #tpu.memory_space<semaphore_mem>>) src(%dma_wait3A_219 : memref<128xi32, #tpu.memory_space<hbm>>) dst(%arg10 : memref<128xi32, #tpu.memory_space<vmem>>)
      tpu.yield
    }) : () -> ()
    %run_scoped3A_16 = arith.constant 1 : i32
    "tpu.region"() ({
      %run_scoped3A_207 = tpu.sem_alloc : memref<!tpu.dma_semaphore, #tpu.memory_space<semaphore_mem>>
      %dma_start3A_208 = arith.constant 0 : i32
      %dma_start3A_209 = tpu.memref_slice %arg3[%add3A_10, %run_scoped3A_16, %dma_start3A_208] : memref<1280x2x128xi32, #tpu.memory_space<hbm>> -> memref<1x1x128xi32, #tpu.memory_space<hbm>>
      %dma_start3A_210 = tpu.memref_squeeze %dma_start3A_209 : memref<1x1x128xi32, #tpu.memory_space<hbm>> -> memref<128xi32, #tpu.memory_space<hbm>>
      %dma_start3A_211 = arith.constant 0 : i32
      %dma_start3A_212 = tpu.memref_slice %arg3[%add3A_10, %run_scoped3A_16, %dma_start3A_211] : memref<1280x2x128xi32, #tpu.memory_space<hbm>> -> memref<1x1x128xi32, #tpu.memory_space<hbm>>
      %dma_start3A_213 = tpu.memref_squeeze %dma_start3A_212 : memref<1x1x128xi32, #tpu.memory_space<hbm>> -> memref<128xi32, #tpu.memory_space<hbm>>
      tpu.enqueue_dma source(%dma_start3A_213 : memref<128xi32, #tpu.memory_space<hbm>>) target(%arg13 : memref<128xi32, #tpu.memory_space<vmem>>) target_semaphore(%run_scoped3A_207 : memref<!tpu.dma_semaphore, #tpu.memory_space<semaphore_mem>>)
      %dma_wait3A_214 = arith.constant 0 : i32
      %dma_wait3A_215 = tpu.memref_slice %arg3[%add3A_10, %run_scoped3A_16, %dma_wait3A_214] : memref<1280x2x128xi32, #tpu.memory_space<hbm>> -> memref<1x1x128xi32, #tpu.memory_space<hbm>>
      %dma_wait3A_216 = tpu.memref_squeeze %dma_wait3A_215 : memref<1x1x128xi32, #tpu.memory_space<hbm>> -> memref<128xi32, #tpu.memory_space<hbm>>
      %dma_wait3A_217 = arith.constant 0 : i32
      %dma_wait3A_218 = tpu.memref_slice %arg3[%add3A_10, %run_scoped3A_16, %dma_wait3A_217] : memref<1280x2x128xi32, #tpu.memory_space<hbm>> -> memref<1x1x128xi32, #tpu.memory_space<hbm>>
      %dma_wait3A_219 = tpu.memref_squeeze %dma_wait3A_218 : memref<1x1x128xi32, #tpu.memory_space<hbm>> -> memref<128xi32, #tpu.memory_space<hbm>>
      tpu.wait_dma2 semaphore(%run_scoped3A_207 : memref<!tpu.dma_semaphore, #tpu.memory_space<semaphore_mem>>) src(%dma_wait3A_219 : memref<128xi32, #tpu.memory_space<hbm>>) dst(%arg13 : memref<128xi32, #tpu.memory_space<vmem>>)
      tpu.yield
    }) : () -> ()
    %get3A = arith.constant 0 : index
    %get3A_17 = tpu.vector_load %arg10[%get3A] {strides = array<i32>} : memref<128xi32, #tpu.memory_space<vmem>>, vector<16xi32>,
    %get3A_18 = vector.shape_cast %get3A_17 : vector<16xi32> to vector<16xi32>
    %add3A_19 = vector.broadcast %mul3A_2 : i32 to vector<16xi32>
    %add3A_20 = arith.addi %get3A_18, %add3A_19 : vector<16xi32>
    %swap3A = arith.constant 0 : index
    %swap3A_21 = tpu.vector_load %arg10[%swap3A] {strides = array<i32>} : memref<128xi32, #tpu.memory_space<vmem>>, vector<16xi32>,
    %swap3A_22 = vector.shape_cast %swap3A_21 : vector<16xi32> to vector<16xi32>
    %swap3A_23 = vector.shape_cast %add3A_20 : vector<16xi32> to vector<16xi32>
    tpu.vector_store %arg10[%swap3A], %swap3A_23 {strides = array<i32>} : memref<128xi32, #tpu.memory_space<vmem>>, vector<16xi32>,
    %get3A_24 = arith.constant 16 : index
    %get3A_25 = tpu.vector_load %arg10[%get3A_24] {strides = array<i32>} : memref<128xi32, #tpu.memory_space<vmem>>, vector<16xi32>,
    %get3A_26 = vector.shape_cast %get3A_25 : vector<16xi32> to vector<16xi32>
    %add3A_27 = vector.broadcast %mul3A_2 : i32 to vector<16xi32>
    %add3A_28 = arith.addi %get3A_26, %add3A_27 : vector<16xi32>
    %swap3A_29 = arith.constant 16 : index
    %swap3A_30 = tpu.vector_load %arg10[%swap3A_29] {strides = array<i32>} : memref<128xi32, #tpu.memory_space<vmem>>, vector<16xi32>,
    %swap3A_31 = vector.shape_cast %swap3A_30 : vector<16xi32> to vector<16xi32>
    %swap3A_32 = vector.shape_cast %add3A_28 : vector<16xi32> to vector<16xi32>
    tpu.vector_store %arg10[%swap3A_29], %swap3A_32 {strides = array<i32>} : memref<128xi32, #tpu.memory_space<vmem>>, vector<16xi32>,
    %get3A_33 = arith.constant 32 : index
    %get3A_34 = tpu.vector_load %arg10[%get3A_33] {strides = array<i32>} : memref<128xi32, #tpu.memory_space<vmem>>, vector<16xi32>,
    %get3A_35 = vector.shape_cast %get3A_34 : vector<16xi32> to vector<16xi32>
    %add3A_36 = vector.broadcast %mul3A_2 : i32 to vector<16xi32>
    %add3A_37 = arith.addi %get3A_35, %add3A_36 : vector<16xi32>
    %swap3A_38 = arith.constant 32 : index
    %swap3A_39 = tpu.vector_load %arg10[%swap3A_38] {strides = array<i32>} : memref<128xi32, #tpu.memory_space<vmem>>, vector<16xi32>,
    %swap3A_40 = vector.shape_cast %swap3A_39 : vector<16xi32> to vector<16xi32>
    %swap3A_41 = vector.shape_cast %add3A_37 : vector<16xi32> to vector<16xi32>
    tpu.vector_store %arg10[%swap3A_38], %swap3A_41 {strides = array<i32>} : memref<128xi32, #tpu.memory_space<vmem>>, vector<16xi32>,
    %get3A_42 = arith.constant 48 : index
    %get3A_43 = tpu.vector_load %arg10[%get3A_42] {strides = array<i32>} : memref<128xi32, #tpu.memory_space<vmem>>, vector<16xi32>,
    %get3A_44 = vector.shape_cast %get3A_43 : vector<16xi32> to vector<16xi32>
    %add3A_45 = vector.broadcast %mul3A_2 : i32 to vector<16xi32>
    %add3A_46 = arith.addi %get3A_44, %add3A_45 : vector<16xi32>
    %swap3A_47 = arith.constant 48 : index
    %swap3A_48 = tpu.vector_load %arg10[%swap3A_47] {strides = array<i32>} : memref<128xi32, #tpu.memory_space<vmem>>, vector<16xi32>,
    %swap3A_49 = vector.shape_cast %swap3A_48 : vector<16xi32> to vector<16xi32>
    %swap3A_50 = vector.shape_cast %add3A_46 : vector<16xi32> to vector<16xi32>
    tpu.vector_store %arg10[%swap3A_47], %swap3A_50 {strides = array<i32>} : memref<128xi32, #tpu.memory_space<vmem>>, vector<16xi32>,
    %get3A_51 = arith.constant 64 : index
    %get3A_52 = tpu.vector_load %arg10[%get3A_51] {strides = array<i32>} : memref<128xi32, #tpu.memory_space<vmem>>, vector<16xi32>,
    %get3A_53 = vector.shape_cast %get3A_52 : vector<16xi32> to vector<16xi32>
    %add3A_54 = vector.broadcast %mul3A_2 : i32 to vector<16xi32>
    %add3A_55 = arith.addi %get3A_53, %add3A_54 : vector<16xi32>
    %swap3A_56 = arith.constant 64 : index
    %swap3A_57 = tpu.vector_load %arg10[%swap3A_56] {strides = array<i32>} : memref<128xi32, #tpu.memory_space<vmem>>, vector<16xi32>,
    %swap3A_58 = vector.shape_cast %swap3A_57 : vector<16xi32> to vector<16xi32>
    %swap3A_59 = vector.shape_cast %add3A_55 : vector<16xi32> to vector<16xi32>
    tpu.vector_store %arg10[%swap3A_56], %swap3A_59 {strides = array<i32>} : memref<128xi32, #tpu.memory_space<vmem>>, vector<16xi32>,
    %get3A_60 = arith.constant 80 : index
    %get3A_61 = tpu.vector_load %arg10[%get3A_60] {strides = array<i32>} : memref<128xi32, #tpu.memory_space<vmem>>, vector<16xi32>,
    %get3A_62 = vector.shape_cast %get3A_61 : vector<16xi32> to vector<16xi32>
    %add3A_63 = vector.broadcast %mul3A_2 : i32 to vector<16xi32>
    %add3A_64 = arith.addi %get3A_62, %add3A_63 : vector<16xi32>
    %swap3A_65 = arith.constant 80 : index
    %swap3A_66 = tpu.vector_load %arg10[%swap3A_65] {strides = array<i32>} : memref<128xi32, #tpu.memory_space<vmem>>, vector<16xi32>,
    %swap3A_67 = vector.shape_cast %swap3A_66 : vector<16xi32> to vector<16xi32>
    %swap3A_68 = vector.shape_cast %add3A_64 : vector<16xi32> to vector<16xi32>
    tpu.vector_store %arg10[%swap3A_65], %swap3A_68 {strides = array<i32>} : memref<128xi32, #tpu.memory_space<vmem>>, vector<16xi32>,
    %get3A_69 = arith.constant 96 : index
    %get3A_70 = tpu.vector_load %arg10[%get3A_69] {strides = array<i32>} : memref<128xi32, #tpu.memory_space<vmem>>, vector<16xi32>,
    %get3A_71 = vector.shape_cast %get3A_70 : vector<16xi32> to vector<16xi32>
    %add3A_72 = vector.broadcast %mul3A_2 : i32 to vector<16xi32>
    %add3A_73 = arith.addi %get3A_71, %add3A_72 : vector<16xi32>
    %swap3A_74 = arith.constant 96 : index
    %swap3A_75 = tpu.vector_load %arg10[%swap3A_74] {strides = array<i32>} : memref<128xi32, #tpu.memory_space<vmem>>, vector<16xi32>,
    %swap3A_76 = vector.shape_cast %swap3A_75 : vector<16xi32> to vector<16xi32>
    %swap3A_77 = vector.shape_cast %add3A_73 : vector<16xi32> to vector<16xi32>
    tpu.vector_store %arg10[%swap3A_74], %swap3A_77 {strides = array<i32>} : memref<128xi32, #tpu.memory_space<vmem>>, vector<16xi32>,
    %get3A_78 = arith.constant 112 : index
    %get3A_79 = tpu.vector_load %arg10[%get3A_78] {strides = array<i32>} : memref<128xi32, #tpu.memory_space<vmem>>, vector<16xi32>,
    %get3A_80 = vector.shape_cast %get3A_79 : vector<16xi32> to vector<16xi32>
    %add3A_81 = vector.broadcast %mul3A_2 : i32 to vector<16xi32>
    %add3A_82 = arith.addi %get3A_80, %add3A_81 : vector<16xi32>
    %swap3A_83 = arith.constant 112 : index
    %swap3A_84 = tpu.vector_load %arg10[%swap3A_83] {strides = array<i32>} : memref<128xi32, #tpu.memory_space<vmem>>, vector<16xi32>,
    %swap3A_85 = vector.shape_cast %swap3A_84 : vector<16xi32> to vector<16xi32>
    %swap3A_86 = vector.shape_cast %add3A_82 : vector<16xi32> to vector<16xi32>
    tpu.vector_store %arg10[%swap3A_83], %swap3A_86 {strides = array<i32>} : memref<128xi32, #tpu.memory_space<vmem>>, vector<16xi32>,
    %dma_start3A = arith.constant 0 : i32
    %dma_start3A_87 = arith.constant 0 : i32
    %dma_start3A_88 = tpu.memref_slice %arg2[%dma_start3A, %dma_start3A_87] : memref<20000x128xf32, #tpu.memory_space<hbm>> -> memref<20000x128xf32, #tpu.memory_space<hbm>>
    tpu.enqueue_indirect_dma source(%dma_start3A_88 : memref<20000x128xf32, #tpu.memory_space<hbm>>) target(%arg7 : memref<128x128xf32, #tpu.memory_space<vmem>>) offsets(%arg10 : memref<128xi32, #tpu.memory_space<vmem>>) semaphore(%arg16 : memref<!tpu.dma_semaphore, #tpu.memory_space<semaphore_mem>>)
    %mul3A_89 = arith.constant 80 : i32
    %mul3A_90 = arith.muli %arg1, %mul3A_89 : i32
    %add3A_91 = arith.constant 79 : i32
    %add3A_92 = arith.addi %mul3A_90, %add3A_91 : i32
    %dma_wait3A_93 = arith.constant 0 : i32
    %dma_wait3A_94 = arith.constant 0 : i32
    %dma_wait3A_95 = tpu.memref_slice %arg2[%dma_wait3A_93, %dma_wait3A_94] : memref<20000x128xf32, #tpu.memory_space<hbm>> -> memref<128x128xf32, #tpu.memory_space<hbm>>
    %dma_wait3A_96 = arith.constant 0 : i32
    %dma_wait3A_97 = arith.constant 0 : i32
    %dma_wait3A_98 = tpu.memref_slice %arg2[%dma_wait3A_96, %dma_wait3A_97] : memref<20000x128xf32, #tpu.memory_space<hbm>> -> memref<128x128xf32, #tpu.memory_space<hbm>>
    tpu.wait_dma2 semaphore(%arg20 : memref<!tpu.dma_semaphore, #tpu.memory_space<semaphore_mem>>) src(%dma_wait3A_98 : memref<128x128xf32, #tpu.memory_space<hbm>>) dst(%arg8 : memref<128x128xf32, #tpu.memory_space<vmem>>)
    %run_scoped3A_99 = arith.constant 0 : i32
    "tpu.region"() ({
      %run_scoped3A_207 = tpu.sem_alloc : memref<!tpu.dma_semaphore, #tpu.memory_space<semaphore_mem>>
      %dma_start3A_208 = arith.constant 0 : i32
      %dma_start3A_209 = tpu.memref_slice %arg3[%add3A_92, %run_scoped3A_99, %dma_start3A_208] : memref<1280x2x128xi32, #tpu.memory_space<hbm>> -> memref<1x1x128xi32, #tpu.memory_space<hbm>>
      %dma_start3A_210 = tpu.memref_squeeze %dma_start3A_209 : memref<1x1x128xi32, #tpu.memory_space<hbm>> -> memref<128xi32, #tpu.memory_space<hbm>>
      %dma_start3A_211 = arith.constant 0 : i32
      %dma_start3A_212 = tpu.memref_slice %arg3[%add3A_92, %run_scoped3A_99, %dma_start3A_211] : memref<1280x2x128xi32, #tpu.memory_space<hbm>> -> memref<1x1x128xi32, #tpu.memory_space<hbm>>
      %dma_start3A_213 = tpu.memref_squeeze %dma_start3A_212 : memref<1x1x128xi32, #tpu.memory_space<hbm>> -> memref<128xi32, #tpu.memory_space<hbm>>
      tpu.enqueue_dma source(%dma_start3A_213 : memref<128xi32, #tpu.memory_space<hbm>>) target(%arg11 : memref<128xi32, #tpu.memory_space<vmem>>) target_semaphore(%run_scoped3A_207 : memref<!tpu.dma_semaphore, #tpu.memory_space<semaphore_mem>>)
      %dma_wait3A_214 = arith.constant 0 : i32
      %dma_wait3A_215 = tpu.memref_slice %arg3[%add3A_92, %run_scoped3A_99, %dma_wait3A_214] : memref<1280x2x128xi32, #tpu.memory_space<hbm>> -> memref<1x1x128xi32, #tpu.memory_space<hbm>>
      %dma_wait3A_216 = tpu.memref_squeeze %dma_wait3A_215 : memref<1x1x128xi32, #tpu.memory_space<hbm>> -> memref<128xi32, #tpu.memory_space<hbm>>
      %dma_wait3A_217 = arith.constant 0 : i32
      %dma_wait3A_218 = tpu.memref_slice %arg3[%add3A_92, %run_scoped3A_99, %dma_wait3A_217] : memref<1280x2x128xi32, #tpu.memory_space<hbm>> -> memref<1x1x128xi32, #tpu.memory_space<hbm>>
      %dma_wait3A_219 = tpu.memref_squeeze %dma_wait3A_218 : memref<1x1x128xi32, #tpu.memory_space<hbm>> -> memref<128xi32, #tpu.memory_space<hbm>>
      tpu.wait_dma2 semaphore(%run_scoped3A_207 : memref<!tpu.dma_semaphore, #tpu.memory_space<semaphore_mem>>) src(%dma_wait3A_219 : memref<128xi32, #tpu.memory_space<hbm>>) dst(%arg11 : memref<128xi32, #tpu.memory_space<vmem>>)
      tpu.yield
    }) : () -> ()
    %run_scoped3A_100 = arith.constant 1 : i32
    "tpu.region"() ({
      %run_scoped3A_207 = tpu.sem_alloc : memref<!tpu.dma_semaphore, #tpu.memory_space<semaphore_mem>>
      %dma_start3A_208 = arith.constant 0 : i32
      %dma_start3A_209 = tpu.memref_slice %arg3[%add3A_92, %run_scoped3A_100, %dma_start3A_208] : memref<1280x2x128xi32, #tpu.memory_space<hbm>> -> memref<1x1x128xi32, #tpu.memory_space<hbm>>
      %dma_start3A_210 = tpu.memref_squeeze %dma_start3A_209 : memref<1x1x128xi32, #tpu.memory_space<hbm>> -> memref<128xi32, #tpu.memory_space<hbm>>
      %dma_start3A_211 = arith.constant 0 : i32
      %dma_start3A_212 = tpu.memref_slice %arg3[%add3A_92, %run_scoped3A_100, %dma_start3A_211] : memref<1280x2x128xi32, #tpu.memory_space<hbm>> -> memref<1x1x128xi32, #tpu.memory_space<hbm>>
      %dma_start3A_213 = tpu.memref_squeeze %dma_start3A_212 : memref<1x1x128xi32, #tpu.memory_space<hbm>> -> memref<128xi32, #tpu.memory_space<hbm>>
      tpu.enqueue_dma source(%dma_start3A_213 : memref<128xi32, #tpu.memory_space<hbm>>) target(%arg14 : memref<128xi32, #tpu.memory_space<vmem>>) target_semaphore(%run_scoped3A_207 : memref<!tpu.dma_semaphore, #tpu.memory_space<semaphore_mem>>)
      %dma_wait3A_214 = arith.constant 0 : i32
      %dma_wait3A_215 = tpu.memref_slice %arg3[%add3A_92, %run_scoped3A_100, %dma_wait3A_214] : memref<1280x2x128xi32, #tpu.memory_space<hbm>> -> memref<1x1x128xi32, #tpu.memory_space<hbm>>
      %dma_wait3A_216 = tpu.memref_squeeze %dma_wait3A_215 : memref<1x1x128xi32, #tpu.memory_space<hbm>> -> memref<128xi32, #tpu.memory_space<hbm>>
      %dma_wait3A_217 = arith.constant 0 : i32
      %dma_wait3A_218 = tpu.memref_slice %arg3[%add3A_92, %run_scoped3A_100, %dma_wait3A_217] : memref<1280x2x128xi32, #tpu.memory_space<hbm>> -> memref<1x1x128xi32, #tpu.memory_space<hbm>>
      %dma_wait3A_219 = tpu.memref_squeeze %dma_wait3A_218 : memref<1x1x128xi32, #tpu.memory_space<hbm>> -> memref<128xi32, #tpu.memory_space<hbm>>
      tpu.wait_dma2 semaphore(%run_scoped3A_207 : memref<!tpu.dma_semaphore, #tpu.memory_space<semaphore_mem>>) src(%dma_wait3A_219 : memref<128xi32, #tpu.memory_space<hbm>>) dst(%arg14 : memref<128xi32, #tpu.memory_space<vmem>>)
      tpu.yield
    }) : () -> ()
    %get3A_101 = arith.constant 0 : index
    %get3A_102 = tpu.vector_load %arg11[%get3A_101] {strides = array<i32>} : memref<128xi32, #tpu.memory_space<vmem>>, vector<16xi32>,
    %get3A_103 = vector.shape_cast %get3A_102 : vector<16xi32> to vector<16xi32>
    %add3A_104 = vector.broadcast %mul3A_2 : i32 to vector<16xi32>
    %add3A_105 = arith.addi %get3A_103, %add3A_104 : vector<16xi32>
    %swap3A_106 = arith.constant 0 : index
    %swap3A_107 = tpu.vector_load %arg11[%swap3A_106] {strides = array<i32>} : memref<128xi32, #tpu.memory_space<vmem>>, vector<16xi32>,
    %swap3A_108 = vector.shape_cast %swap3A_107 : vector<16xi32> to vector<16xi32>
    %swap3A_109 = vector.shape_cast %add3A_105 : vector<16xi32> to vector<16xi32>
    tpu.vector_store %arg11[%swap3A_106], %swap3A_109 {strides = array<i32>} : memref<128xi32, #tpu.memory_space<vmem>>, vector<16xi32>,
    %get3A_110 = arith.constant 16 : index
    %get3A_111 = tpu.vector_load %arg11[%get3A_110] {strides = array<i32>} : memref<128xi32, #tpu.memory_space<vmem>>, vector<16xi32>,
    %get3A_112 = vector.shape_cast %get3A_111 : vector<16xi32> to vector<16xi32>
    %add3A_113 = vector.broadcast %mul3A_2 : i32 to vector<16xi32>
    %add3A_114 = arith.addi %get3A_112, %add3A_113 : vector<16xi32>
    %swap3A_115 = arith.constant 16 : index
    %swap3A_116 = tpu.vector_load %arg11[%swap3A_115] {strides = array<i32>} : memref<128xi32, #tpu.memory_space<vmem>>, vector<16xi32>,
    %swap3A_117 = vector.shape_cast %swap3A_116 : vector<16xi32> to vector<16xi32>
    %swap3A_118 = vector.shape_cast %add3A_114 : vector<16xi32> to vector<16xi32>
    tpu.vector_store %arg11[%swap3A_115], %swap3A_118 {strides = array<i32>} : memref<128xi32, #tpu.memory_space<vmem>>, vector<16xi32>,
    %get3A_119 = arith.constant 32 : index
    %get3A_120 = tpu.vector_load %arg11[%get3A_119] {strides = array<i32>} : memref<128xi32, #tpu.memory_space<vmem>>, vector<16xi32>,
    %get3A_121 = vector.shape_cast %get3A_120 : vector<16xi32> to vector<16xi32>
    %add3A_122 = vector.broadcast %mul3A_2 : i32 to vector<16xi32>
    %add3A_123 = arith.addi %get3A_121, %add3A_122 : vector<16xi32>
    %swap3A_124 = arith.constant 32 : index
    %swap3A_125 = tpu.vector_load %arg11[%swap3A_124] {strides = array<i32>} : memref<128xi32, #tpu.memory_space<vmem>>, vector<16xi32>,
    %swap3A_126 = vector.shape_cast %swap3A_125 : vector<16xi32> to vector<16xi32>
    %swap3A_127 = vector.shape_cast %add3A_123 : vector<16xi32> to vector<16xi32>
    tpu.vector_store %arg11[%swap3A_124], %swap3A_127 {strides = array<i32>} : memref<128xi32, #tpu.memory_space<vmem>>, vector<16xi32>,
    %get3A_128 = arith.constant 48 : index
    %get3A_129 = tpu.vector_load %arg11[%get3A_128] {strides = array<i32>} : memref<128xi32, #tpu.memory_space<vmem>>, vector<16xi32>,
    %get3A_130 = vector.shape_cast %get3A_129 : vector<16xi32> to vector<16xi32>
    %add3A_131 = vector.broadcast %mul3A_2 : i32 to vector<16xi32>
    %add3A_132 = arith.addi %get3A_130, %add3A_131 : vector<16xi32>
    %swap3A_133 = arith.constant 48 : index
    %swap3A_134 = tpu.vector_load %arg11[%swap3A_133] {strides = array<i32>} : memref<128xi32, #tpu.memory_space<vmem>>, vector<16xi32>,
    %swap3A_135 = vector.shape_cast %swap3A_134 : vector<16xi32> to vector<16xi32>
    %swap3A_136 = vector.shape_cast %add3A_132 : vector<16xi32> to vector<16xi32>
    tpu.vector_store %arg11[%swap3A_133], %swap3A_136 {strides = array<i32>} : memref<128xi32, #tpu.memory_space<vmem>>, vector<16xi32>,
    %get3A_137 = arith.constant 64 : index
    %get3A_138 = tpu.vector_load %arg11[%get3A_137] {strides = array<i32>} : memref<128xi32, #tpu.memory_space<vmem>>, vector<16xi32>,
    %get3A_139 = vector.shape_cast %get3A_138 : vector<16xi32> to vector<16xi32>
    %add3A_140 = vector.broadcast %mul3A_2 : i32 to vector<16xi32>
    %add3A_141 = arith.addi %get3A_139, %add3A_140 : vector<16xi32>
    %swap3A_142 = arith.constant 64 : index
    %swap3A_143 = tpu.vector_load %arg11[%swap3A_142] {strides = array<i32>} : memref<128xi32, #tpu.memory_space<vmem>>, vector<16xi32>,
    %swap3A_144 = vector.shape_cast %swap3A_143 : vector<16xi32> to vector<16xi32>
    %swap3A_145 = vector.shape_cast %add3A_141 : vector<16xi32> to vector<16xi32>
    tpu.vector_store %arg11[%swap3A_142], %swap3A_145 {strides = array<i32>} : memref<128xi32, #tpu.memory_space<vmem>>, vector<16xi32>,
    %get3A_146 = arith.constant 80 : index
    %get3A_147 = tpu.vector_load %arg11[%get3A_146] {strides = array<i32>} : memref<128xi32, #tpu.memory_space<vmem>>, vector<16xi32>,
    %get3A_148 = vector.shape_cast %get3A_147 : vector<16xi32> to vector<16xi32>
    %add3A_149 = vector.broadcast %mul3A_2 : i32 to vector<16xi32>
    %add3A_150 = arith.addi %get3A_148, %add3A_149 : vector<16xi32>
    %swap3A_151 = arith.constant 80 : index
    %swap3A_152 = tpu.vector_load %arg11[%swap3A_151] {strides = array<i32>} : memref<128xi32, #tpu.memory_space<vmem>>, vector<16xi32>,
    %swap3A_153 = vector.shape_cast %swap3A_152 : vector<16xi32> to vector<16xi32>
    %swap3A_154 = vector.shape_cast %add3A_150 : vector<16xi32> to vector<16xi32>
    tpu.vector_store %arg11[%swap3A_151], %swap3A_154 {strides = array<i32>} : memref<128xi32, #tpu.memory_space<vmem>>, vector<16xi32>,
    %get3A_155 = arith.constant 96 : index
    %get3A_156 = tpu.vector_load %arg11[%get3A_155] {strides = array<i32>} : memref<128xi32, #tpu.memory_space<vmem>>, vector<16xi32>,
    %get3A_157 = vector.shape_cast %get3A_156 : vector<16xi32> to vector<16xi32>
    %add3A_158 = vector.broadcast %mul3A_2 : i32 to vector<16xi32>
    %add3A_159 = arith.addi %get3A_157, %add3A_158 : vector<16xi32>
    %swap3A_160 = arith.constant 96 : index
    %swap3A_161 = tpu.vector_load %arg11[%swap3A_160] {strides = array<i32>} : memref<128xi32, #tpu.memory_space<vmem>>, vector<16xi32>,
    %swap3A_162 = vector.shape_cast %swap3A_161 : vector<16xi32> to vector<16xi32>
    %swap3A_163 = vector.shape_cast %add3A_159 : vector<16xi32> to vector<16xi32>
    tpu.vector_store %arg11[%swap3A_160], %swap3A_163 {strides = array<i32>} : memref<128xi32, #tpu.memory_space<vmem>>, vector<16xi32>,
    %get3A_164 = arith.constant 112 : index
    %get3A_165 = tpu.vector_load %arg11[%get3A_164] {strides = array<i32>} : memref<128xi32, #tpu.memory_space<vmem>>, vector<16xi32>,
    %get3A_166 = vector.shape_cast %get3A_165 : vector<16xi32> to vector<16xi32>
    %add3A_167 = vector.broadcast %mul3A_2 : i32 to vector<16xi32>
    %add3A_168 = arith.addi %get3A_166, %add3A_167 : vector<16xi32>
    %swap3A_169 = arith.constant 112 : index
    %swap3A_170 = tpu.vector_load %arg11[%swap3A_169] {strides = array<i32>} : memref<128xi32, #tpu.memory_space<vmem>>, vector<16xi32>,
    %swap3A_171 = vector.shape_cast %swap3A_170 : vector<16xi32> to vector<16xi32>
    %swap3A_172 = vector.shape_cast %add3A_168 : vector<16xi32> to vector<16xi32>
    tpu.vector_store %arg11[%swap3A_169], %swap3A_172 {strides = array<i32>} : memref<128xi32, #tpu.memory_space<vmem>>, vector<16xi32>,
    %dma_start3A_173 = arith.constant 0 : i32
    %dma_start3A_174 = arith.constant 0 : i32
    %dma_start3A_175 = tpu.memref_slice %arg2[%dma_start3A_173, %dma_start3A_174] : memref<20000x128xf32, #tpu.memory_space<hbm>> -> memref<20000x128xf32, #tpu.memory_space<hbm>>
    tpu.enqueue_indirect_dma source(%dma_start3A_175 : memref<20000x128xf32, #tpu.memory_space<hbm>>) target(%arg8 : memref<128x128xf32, #tpu.memory_space<vmem>>) offsets(%arg11 : memref<128xi32, #tpu.memory_space<vmem>>) semaphore(%arg17 : memref<!tpu.dma_semaphore, #tpu.memory_space<semaphore_mem>>)
    %dma_wait3A_176 = arith.constant 0 : i32
    %dma_wait3A_177 = arith.constant 0 : i32
    %dma_wait3A_178 = tpu.memref_slice %arg2[%dma_wait3A_176, %dma_wait3A_177] : memref<20000x128xf32, #tpu.memory_space<hbm>> -> memref<20000x128xf32, #tpu.memory_space<hbm>>
    tpu.wait_indirect_dma semaphore(%arg16 : memref<!tpu.dma_semaphore, #tpu.memory_space<semaphore_mem>>) src(%dma_wait3A_178 : memref<20000x128xf32, #tpu.memory_space<hbm>>) dst(%arg7 : memref<128x128xf32, #tpu.memory_space<vmem>>)
    %dma_start3A_179 = arith.constant 0 : i32
    %dma_start3A_180 = arith.constant 0 : i32
    %dma_start3A_181 = tpu.memref_slice %arg6[%dma_start3A_179, %dma_start3A_180] : memref<10112x128xf32, #tpu.memory_space<vmem_shared>> -> memref<10112x128xf32, #tpu.memory_space<vmem_shared>>
    tpu.enqueue_indirect_dma source(%arg7 : memref<128x128xf32, #tpu.memory_space<vmem>>) target(%dma_start3A_181 : memref<10112x128xf32, #tpu.memory_space<vmem_shared>>) offsets(%arg13 : memref<128xi32, #tpu.memory_space<vmem>>) semaphore(%arg19 : memref<!tpu.dma_semaphore, #tpu.memory_space<semaphore_mem>>) {add = true}
    %dma_wait3A_182 = arith.constant 0 : i32
    %dma_wait3A_183 = arith.constant 0 : i32
    %dma_wait3A_184 = tpu.memref_slice %arg2[%dma_wait3A_182, %dma_wait3A_183] : memref<20000x128xf32, #tpu.memory_space<hbm>> -> memref<20000x128xf32, #tpu.memory_space<hbm>>
    tpu.wait_indirect_dma semaphore(%arg17 : memref<!tpu.dma_semaphore, #tpu.memory_space<semaphore_mem>>) src(%dma_wait3A_184 : memref<20000x128xf32, #tpu.memory_space<hbm>>) dst(%arg8 : memref<128x128xf32, #tpu.memory_space<vmem>>)
    %dma_start3A_185 = arith.constant 0 : i32
    %dma_start3A_186 = arith.constant 0 : i32
    %dma_start3A_187 = tpu.memref_slice %arg6[%dma_start3A_185, %dma_start3A_186] : memref<10112x128xf32, #tpu.memory_space<vmem_shared>> -> memref<10112x128xf32, #tpu.memory_space<vmem_shared>>
    tpu.enqueue_indirect_dma source(%arg8 : memref<128x128xf32, #tpu.memory_space<vmem>>) target(%dma_start3A_187 : memref<10112x128xf32, #tpu.memory_space<vmem_shared>>) offsets(%arg14 : memref<128xi32, #tpu.memory_space<vmem>>) semaphore(%arg20 : memref<!tpu.dma_semaphore, #tpu.memory_space<semaphore_mem>>) {add = true}
    %dma_wait3A_188 = arith.constant 0 : i32
    %dma_wait3A_189 = arith.constant 0 : i32
    %dma_wait3A_190 = tpu.memref_slice %arg2[%dma_wait3A_188, %dma_wait3A_189] : memref<20000x128xf32, #tpu.memory_space<hbm>> -> memref<128x128xf32, #tpu.memory_space<hbm>>
    %dma_wait3A_191 = arith.constant 0 : i32
    %dma_wait3A_192 = arith.constant 0 : i32
    %dma_wait3A_193 = tpu.memref_slice %arg2[%dma_wait3A_191, %dma_wait3A_192] : memref<20000x128xf32, #tpu.memory_space<hbm>> -> memref<128x128xf32, #tpu.memory_space<hbm>>
    tpu.wait_dma2 semaphore(%arg19 : memref<!tpu.dma_semaphore, #tpu.memory_space<semaphore_mem>>) src(%dma_wait3A_193 : memref<128x128xf32, #tpu.memory_space<hbm>>) dst(%arg7 : memref<128x128xf32, #tpu.memory_space<vmem>>)
    %dma_wait3A_194 = arith.constant 0 : i32
    %dma_wait3A_195 = arith.constant 0 : i32
    %dma_wait3A_196 = tpu.memref_slice %arg2[%dma_wait3A_194, %dma_wait3A_195] : memref<20000x128xf32, #tpu.memory_space<hbm>> -> memref<128x128xf32, #tpu.memory_space<hbm>>
    %dma_wait3A_197 = arith.constant 0 : i32
    %dma_wait3A_198 = arith.constant 0 : i32
    %dma_wait3A_199 = tpu.memref_slice %arg2[%dma_wait3A_197, %dma_wait3A_198] : memref<20000x128xf32, #tpu.memory_space<hbm>> -> memref<128x128xf32, #tpu.memory_space<hbm>>
    tpu.wait_dma2 semaphore(%arg20 : memref<!tpu.dma_semaphore, #tpu.memory_space<semaphore_mem>>) src(%dma_wait3A_199 : memref<128x128xf32, #tpu.memory_space<hbm>>) dst(%arg8 : memref<128x128xf32, #tpu.memory_space<vmem>>)
    %dma_wait3A_200 = arith.constant 0 : i32
    %dma_wait3A_201 = arith.constant 0 : i32
    %dma_wait3A_202 = tpu.memref_slice %arg2[%dma_wait3A_200, %dma_wait3A_201] : memref<20000x128xf32, #tpu.memory_space<hbm>> -> memref<128x128xf32, #tpu.memory_space<hbm>>
    %dma_wait3A_203 = arith.constant 0 : i32
    %dma_wait3A_204 = arith.constant 0 : i32
    %dma_wait3A_205 = tpu.memref_slice %arg2[%dma_wait3A_203, %dma_wait3A_204] : memref<20000x128xf32, #tpu.memory_space<hbm>> -> memref<128x128xf32, #tpu.memory_space<hbm>>
    tpu.wait_dma2 semaphore(%arg21 : memref<!tpu.dma_semaphore, #tpu.memory_space<semaphore_mem>>) src(%dma_wait3A_205 : memref<128x128xf32, #tpu.memory_space<hbm>>) dst(%arg9 : memref<128x128xf32, #tpu.memory_space<vmem>>)
    %barrier3A_206 = arith.constant 0 : index
    tpu.barrier barrier_id(%barrier3A_206)
    "tpu.region"() ({
      %run_scoped3A_207 = tpu.sem_alloc : memref<!tpu.dma_semaphore, #tpu.memory_space<semaphore_mem>>
      %dma_start3A_208 = arith.constant 0 : i32
      %dma_start3A_209 = tpu.memref_slice %arg5[%arg0, %mul3A_0, %dma_start3A_208] : memref<2x10112x128xf32, #tpu.memory_space<hbm>> -> memref<1x632x128xf32, #tpu.memory_space<hbm>>
      %dma_start3A_210 = tpu.memref_squeeze %dma_start3A_209 : memref<1x632x128xf32, #tpu.memory_space<hbm>> -> memref<632x128xf32, #tpu.memory_space<hbm>>
      %dma_start3A_211 = arith.constant 0 : i32
      %dma_start3A_212 = tpu.memref_slice %arg6[%mul3A_0, %dma_start3A_211] : memref<10112x128xf32, #tpu.memory_space<vmem_shared>> -> memref<632x128xf32, #tpu.memory_space<vmem_shared>>
      tpu.enqueue_dma source(%dma_start3A_212 : memref<632x128xf32, #tpu.memory_space<vmem_shared>>) target(%dma_start3A_210 : memref<632x128xf32, #tpu.memory_space<hbm>>) target_semaphore(%run_scoped3A_207 : memref<!tpu.dma_semaphore, #tpu.memory_space<semaphore_mem>>)
      %dma_wait3A_213 = arith.constant 0 : i32
      %dma_wait3A_214 = tpu.memref_slice %arg5[%arg0, %mul3A_0, %dma_wait3A_213] : memref<2x10112x128xf32, #tpu.memory_space<hbm>> -> memref<1x632x128xf32, #tpu.memory_space<hbm>>
      %dma_wait3A_215 = tpu.memref_squeeze %dma_wait3A_214 : memref<1x632x128xf32, #tpu.memory_space<hbm>> -> memref<632x128xf32, #tpu.memory_space<hbm>>
      %dma_wait3A_216 = arith.constant 0 : i32
      %dma_wait3A_217 = tpu.memref_slice %arg6[%mul3A_0, %dma_wait3A_216] : memref<10112x128xf32, #tpu.memory_space<vmem_shared>> -> memref<632x128xf32, #tpu.memory_space<vmem_shared>>
      tpu.wait_dma2 semaphore(%run_scoped3A_207 : memref<!tpu.dma_semaphore, #tpu.memory_space<semaphore_mem>>) src(%dma_wait3A_217 : memref<632x128xf32, #tpu.memory_space<vmem_shared>>) dst(%dma_wait3A_215 : memref<632x128xf32, #tpu.memory_space<hbm>>)
      tpu.yield
    }) : () -> ()
    return
  }
}

#map = affine_map<(d0, d1) -> (0, 0)>
#map1 = affine_map<(d0, d1) -> (0, 0, 0)>
module attributes {stable_mosaic.version = 14 : i64} {
  func.func @_spmm_body(%arg0: i32, %arg1: i32, %arg2: memref<20000x128xf32, #tpu.memory_space<hbm>>, %arg3: memref<1280x2x128xi32, #tpu.memory_space<hbm>>, %arg4: memref<10112x128xf32, #tpu.memory_space<hbm>>, %arg5: memref<2x10112x128xf32, #tpu.memory_space<hbm>>, %arg6: memref<10112x128xf32, #tpu.memory_space<vmem_shared>>, %arg7: memref<128x128xf32, #tpu.memory_space<vmem>>, %arg8: memref<128x128xf32, #tpu.memory_space<vmem>>, %arg9: memref<128x128xf32, #tpu.memory_space<vmem>>, %arg10: memref<128xi32, #tpu.memory_space<vmem>>, %arg11: memref<128xi32, #tpu.memory_space<vmem>>, %arg12: memref<128xi32, #tpu.memory_space<vmem>>, %arg13: memref<128xi32, #tpu.memory_space<vmem>>, %arg14: memref<128xi32, #tpu.memory_space<vmem>>, %arg15: memref<128xi32, #tpu.memory_space<vmem>>, %arg16: memref<!tpu.dma_semaphore, #tpu.memory_space<semaphore_mem>>, %arg17: memref<!tpu.dma_semaphore, #tpu.memory_space<semaphore_mem>>, %arg18: memref<!tpu.dma_semaphore, #tpu.memory_space<semaphore_mem>>, %arg19: memref<!tpu.dma_semaphore, #tpu.memory_space<semaphore_mem>>, %arg20: memref<!tpu.dma_semaphore, #tpu.memory_space<semaphore_mem>>, %arg21: memref<!tpu.dma_semaphore, #tpu.memory_space<semaphore_mem>>) attributes {dimension_semantics = [#tpu.dimension_semantics<core_parallel>, #tpu.dimension_semantics<subcore_parallel>], iteration_bounds = array<i64: 2, 16>, scalar_prefetch = 0 : i64, scratch_operands = 16 : i64, tpu.core_type = #tpu.core_type<sc_vector_subcore>, window_params = [{transform_indices = #map}, {transform_indices = #map1}, {transform_indices = #map}, {transform_indices = #map1}]} {
    %mul3A = arith.constant 632 : i32
    %mul3A_0 = arith.muli %arg1, %mul3A : i32
    "tpu.region"() ({
      %run_scoped3A_207 = tpu.sem_alloc : memref<!tpu.dma_semaphore, #tpu.memory_space<semaphore_mem>>
      %dma_start3A_208 = arith.constant 0 : i32
      %dma_start3A_209 = tpu.memref_slice %arg6[%mul3A_0, %dma_start3A_208] : memref<10112x128xf32, #tpu.memory_space<vmem_shared>> -> memref<632x128xf32, #tpu.memory_space<vmem_shared>>
      %dma_start3A_210 = arith.constant 0 : i32
      %dma_start3A_211 = tpu.memref_slice %arg4[%mul3A_0, %dma_start3A_210] : memref<10112x128xf32, #tpu.memory_space<hbm>> -> memref<632x128xf32, #tpu.memory_space<hbm>>
      tpu.enqueue_dma source(%dma_start3A_211 : memref<632x128xf32, #tpu.memory_space<hbm>>) target(%dma_start3A_209 : memref<632x128xf32, #tpu.memory_space<vmem_shared>>) target_semaphore(%run_scoped3A_207 : memref<!tpu.dma_semaphore, #tpu.memory_space<semaphore_mem>>)
      %dma_wait3A_212 = arith.constant 0 : i32
      %dma_wait3A_213 = tpu.memref_slice %arg6[%mul3A_0, %dma_wait3A_212] : memref<10112x128xf32, #tpu.memory_space<vmem_shared>> -> memref<632x128xf32, #tpu.memory_space<vmem_shared>>
      %dma_wait3A_214 = arith.constant 0 : i32
      %dma_wait3A_215 = tpu.memref_slice %arg4[%mul3A_0, %dma_wait3A_214] : memref<10112x128xf32, #tpu.memory_space<hbm>> -> memref<632x128xf32, #tpu.memory_space<hbm>>
      tpu.wait_dma2 semaphore(%run_scoped3A_207 : memref<!tpu.dma_semaphore, #tpu.memory_space<semaphore_mem>>) src(%dma_wait3A_215 : memref<632x128xf32, #tpu.memory_space<hbm>>) dst(%dma_wait3A_213 : memref<632x128xf32, #tpu.memory_space<vmem_shared>>)
      tpu.yield
    }) : () -> ()
    %barrier3A = arith.constant 0 : index
    tpu.barrier barrier_id(%barrier3A)
    %mul3A_1 = arith.constant 10000 : i32
    %mul3A_2 = arith.muli %arg0, %mul3A_1 : i32
    %scan3A = arith.constant 0 : i32
    %scan3A_3 = arith.constant 0 : i32
    %scan3A_4 = arith.constant 26 : i32
    %scan3A_5 = arith.addi %scan3A_3, %scan3A_4 : i32
    %scan3A_6 = arith.constant 1 : i32
    scf.for %scan3A_207 = %scan3A_3 to %scan3A_5 step %scan3A_6  : i32 {
      %mul3A_208 = arith.constant 80 : i32
      %mul3A_209 = arith.muli %arg1, %mul3A_208 : i32
      %mul3A_210 = arith.constant 3 : i32
      %mul3A_211 = arith.muli %mul3A_210, %scan3A_207 : i32
      %add3A_212 = arith.addi %mul3A_209, %mul3A_211 : i32
      %gt3A = arith.constant 0 : i32
      %gt3A_213 = arith.cmpi sgt, %scan3A_207, %gt3A : i32
      %convert_element_type3A = arith.extui %gt3A_213 : i1 to i32
      %cond3A = arith.constant 0 : i32
      %cond3A_214 = arith.cmpi ne, %convert_element_type3A, %cond3A : i32
      scf.if %cond3A_214 {
        %dma_wait3A_478 = arith.constant 0 : i32
        %dma_wait3A_479 = arith.constant 0 : i32
        %dma_wait3A_480 = tpu.memref_slice %arg2[%dma_wait3A_478, %dma_wait3A_479] : memref<20000x128xf32, #tpu.memory_space<hbm>> -> memref<128x128xf32, #tpu.memory_space<hbm>>
        %dma_wait3A_481 = arith.constant 0 : i32
        %dma_wait3A_482 = arith.constant 0 : i32
        %dma_wait3A_483 = tpu.memref_slice %arg2[%dma_wait3A_481, %dma_wait3A_482] : memref<20000x128xf32, #tpu.memory_space<hbm>> -> memref<128x128xf32, #tpu.memory_space<hbm>>
        tpu.wait_dma2 semaphore(%arg19 : memref<!tpu.dma_semaphore, #tpu.memory_space<semaphore_mem>>) src(%dma_wait3A_483 : memref<128x128xf32, #tpu.memory_space<hbm>>) dst(%arg7 : memref<128x128xf32, #tpu.memory_space<vmem>>)
      } else {
      }
      %run_scoped3A_215 = arith.constant 0 : i32
      "tpu.region"() ({
        %run_scoped3A_478 = tpu.sem_alloc : memref<!tpu.dma_semaphore, #tpu.memory_space<semaphore_mem>>
        %dma_start3A_479 = arith.constant 0 : i32
        %dma_start3A_480 = tpu.memref_slice %arg3[%add3A_212, %run_scoped3A_215, %dma_start3A_479] : memref<1280x2x128xi32, #tpu.memory_space<hbm>> -> memref<1x1x128xi32, #tpu.memory_space<hbm>>
        %dma_start3A_481 = tpu.memref_squeeze %dma_start3A_480 : memref<1x1x128xi32, #tpu.memory_space<hbm>> -> memref<128xi32, #tpu.memory_space<hbm>>
        %dma_start3A_482 = arith.constant 0 : i32
        %dma_start3A_483 = tpu.memref_slice %arg3[%add3A_212, %run_scoped3A_215, %dma_start3A_482] : memref<1280x2x128xi32, #tpu.memory_space<hbm>> -> memref<1x1x128xi32, #tpu.memory_space<hbm>>
        %dma_start3A_484 = tpu.memref_squeeze %dma_start3A_483 : memref<1x1x128xi32, #tpu.memory_space<hbm>> -> memref<128xi32, #tpu.memory_space<hbm>>
        tpu.enqueue_dma source(%dma_start3A_484 : memref<128xi32, #tpu.memory_space<hbm>>) target(%arg10 : memref<128xi32, #tpu.memory_space<vmem>>) target_semaphore(%run_scoped3A_478 : memref<!tpu.dma_semaphore, #tpu.memory_space<semaphore_mem>>)
        %dma_wait3A_485 = arith.constant 0 : i32
        %dma_wait3A_486 = tpu.memref_slice %arg3[%add3A_212, %run_scoped3A_215, %dma_wait3A_485] : memref<1280x2x128xi32, #tpu.memory_space<hbm>> -> memref<1x1x128xi32, #tpu.memory_space<hbm>>
        %dma_wait3A_487 = tpu.memref_squeeze %dma_wait3A_486 : memref<1x1x128xi32, #tpu.memory_space<hbm>> -> memref<128xi32, #tpu.memory_space<hbm>>
        %dma_wait3A_488 = arith.constant 0 : i32
        %dma_wait3A_489 = tpu.memref_slice %arg3[%add3A_212, %run_scoped3A_215, %dma_wait3A_488] : memref<1280x2x128xi32, #tpu.memory_space<hbm>> -> memref<1x1x128xi32, #tpu.memory_space<hbm>>
        %dma_wait3A_490 = tpu.memref_squeeze %dma_wait3A_489 : memref<1x1x128xi32, #tpu.memory_space<hbm>> -> memref<128xi32, #tpu.memory_space<hbm>>
        tpu.wait_dma2 semaphore(%run_scoped3A_478 : memref<!tpu.dma_semaphore, #tpu.memory_space<semaphore_mem>>) src(%dma_wait3A_490 : memref<128xi32, #tpu.memory_space<hbm>>) dst(%arg10 : memref<128xi32, #tpu.memory_space<vmem>>)
        tpu.yield
      }) : () -> ()
      %run_scoped3A_216 = arith.constant 1 : i32
      "tpu.region"() ({
        %run_scoped3A_478 = tpu.sem_alloc : memref<!tpu.dma_semaphore, #tpu.memory_space<semaphore_mem>>
        %dma_start3A_479 = arith.constant 0 : i32
        %dma_start3A_480 = tpu.memref_slice %arg3[%add3A_212, %run_scoped3A_216, %dma_start3A_479] : memref<1280x2x128xi32, #tpu.memory_space<hbm>> -> memref<1x1x128xi32, #tpu.memory_space<hbm>>
        %dma_start3A_481 = tpu.memref_squeeze %dma_start3A_480 : memref<1x1x128xi32, #tpu.memory_space<hbm>> -> memref<128xi32, #tpu.memory_space<hbm>>
        %dma_start3A_482 = arith.constant 0 : i32
        %dma_start3A_483 = tpu.memref_slice %arg3[%add3A_212, %run_scoped3A_216, %dma_start3A_482] : memref<1280x2x128xi32, #tpu.memory_space<hbm>> -> memref<1x1x128xi32, #tpu.memory_space<hbm>>
        %dma_start3A_484 = tpu.memref_squeeze %dma_start3A_483 : memref<1x1x128xi32, #tpu.memory_space<hbm>> -> memref<128xi32, #tpu.memory_space<hbm>>
        tpu.enqueue_dma source(%dma_start3A_484 : memref<128xi32, #tpu.memory_space<hbm>>) target(%arg13 : memref<128xi32, #tpu.memory_space<vmem>>) target_semaphore(%run_scoped3A_478 : memref<!tpu.dma_semaphore, #tpu.memory_space<semaphore_mem>>)
        %dma_wait3A_485 = arith.constant 0 : i32
        %dma_wait3A_486 = tpu.memref_slice %arg3[%add3A_212, %run_scoped3A_216, %dma_wait3A_485] : memref<1280x2x128xi32, #tpu.memory_space<hbm>> -> memref<1x1x128xi32, #tpu.memory_space<hbm>>
        %dma_wait3A_487 = tpu.memref_squeeze %dma_wait3A_486 : memref<1x1x128xi32, #tpu.memory_space<hbm>> -> memref<128xi32, #tpu.memory_space<hbm>>
        %dma_wait3A_488 = arith.constant 0 : i32
        %dma_wait3A_489 = tpu.memref_slice %arg3[%add3A_212, %run_scoped3A_216, %dma_wait3A_488] : memref<1280x2x128xi32, #tpu.memory_space<hbm>> -> memref<1x1x128xi32, #tpu.memory_space<hbm>>
        %dma_wait3A_490 = tpu.memref_squeeze %dma_wait3A_489 : memref<1x1x128xi32, #tpu.memory_space<hbm>> -> memref<128xi32, #tpu.memory_space<hbm>>
        tpu.wait_dma2 semaphore(%run_scoped3A_478 : memref<!tpu.dma_semaphore, #tpu.memory_space<semaphore_mem>>) src(%dma_wait3A_490 : memref<128xi32, #tpu.memory_space<hbm>>) dst(%arg13 : memref<128xi32, #tpu.memory_space<vmem>>)
        tpu.yield
      }) : () -> ()
      %get3A_217 = arith.constant 0 : index
      %get3A_218 = tpu.vector_load %arg10[%get3A_217] {strides = array<i32>} : memref<128xi32, #tpu.memory_space<vmem>>, vector<16xi32>,
      %get3A_219 = vector.shape_cast %get3A_218 : vector<16xi32> to vector<16xi32>
      %add3A_220 = vector.broadcast %mul3A_2 : i32 to vector<16xi32>
      %add3A_221 = arith.addi %get3A_219, %add3A_220 : vector<16xi32>
      %swap3A_222 = arith.constant 0 : index
      %swap3A_223 = tpu.vector_load %arg10[%swap3A_222] {strides = array<i32>} : memref<128xi32, #tpu.memory_space<vmem>>, vector<16xi32>,
      %swap3A_224 = vector.shape_cast %swap3A_223 : vector<16xi32> to vector<16xi32>
      %swap3A_225 = vector.shape_cast %add3A_221 : vector<16xi32> to vector<16xi32>
      tpu.vector_store %arg10[%swap3A_222], %swap3A_225 {strides = array<i32>} : memref<128xi32, #tpu.memory_space<vmem>>, vector<16xi32>,
      %get3A_226 = arith.constant 16 : index
      %get3A_227 = tpu.vector_load %arg10[%get3A_226] {strides = array<i32>} : memref<128xi32, #tpu.memory_space<vmem>>, vector<16xi32>,
      %get3A_228 = vector.shape_cast %get3A_227 : vector<16xi32> to vector<16xi32>
      %add3A_229 = vector.broadcast %mul3A_2 : i32 to vector<16xi32>
      %add3A_230 = arith.addi %get3A_228, %add3A_229 : vector<16xi32>
      %swap3A_231 = arith.constant 16 : index
      %swap3A_232 = tpu.vector_load %arg10[%swap3A_231] {strides = array<i32>} : memref<128xi32, #tpu.memory_space<vmem>>, vector<16xi32>,
      %swap3A_233 = vector.shape_cast %swap3A_232 : vector<16xi32> to vector<16xi32>
      %swap3A_234 = vector.shape_cast %add3A_230 : vector<16xi32> to vector<16xi32>
      tpu.vector_store %arg10[%swap3A_231], %swap3A_234 {strides = array<i32>} : memref<128xi32, #tpu.memory_space<vmem>>, vector<16xi32>,
      %get3A_235 = arith.constant 32 : index
      %get3A_236 = tpu.vector_load %arg10[%get3A_235] {strides = array<i32>} : memref<128xi32, #tpu.memory_space<vmem>>, vector<16xi32>,
      %get3A_237 = vector.shape_cast %get3A_236 : vector<16xi32> to vector<16xi32>
      %add3A_238 = vector.broadcast %mul3A_2 : i32 to vector<16xi32>
      %add3A_239 = arith.addi %get3A_237, %add3A_238 : vector<16xi32>
      %swap3A_240 = arith.constant 32 : index
      %swap3A_241 = tpu.vector_load %arg10[%swap3A_240] {strides = array<i32>} : memref<128xi32, #tpu.memory_space<vmem>>, vector<16xi32>,
      %swap3A_242 = vector.shape_cast %swap3A_241 : vector<16xi32> to vector<16xi32>
      %swap3A_243 = vector.shape_cast %add3A_239 : vector<16xi32> to vector<16xi32>
      tpu.vector_store %arg10[%swap3A_240], %swap3A_243 {strides = array<i32>} : memref<128xi32, #tpu.memory_space<vmem>>, vector<16xi32>,
      %get3A_244 = arith.constant 48 : index
      %get3A_245 = tpu.vector_load %arg10[%get3A_244] {strides = array<i32>} : memref<128xi32, #tpu.memory_space<vmem>>, vector<16xi32>,
      %get3A_246 = vector.shape_cast %get3A_245 : vector<16xi32> to vector<16xi32>
      %add3A_247 = vector.broadcast %mul3A_2 : i32 to vector<16xi32>
      %add3A_248 = arith.addi %get3A_246, %add3A_247 : vector<16xi32>
      %swap3A_249 = arith.constant 48 : index
      %swap3A_250 = tpu.vector_load %arg10[%swap3A_249] {strides = array<i32>} : memref<128xi32, #tpu.memory_space<vmem>>, vector<16xi32>,
      %swap3A_251 = vector.shape_cast %swap3A_250 : vector<16xi32> to vector<16xi32>
      %swap3A_252 = vector.shape_cast %add3A_248 : vector<16xi32> to vector<16xi32>
      tpu.vector_store %arg10[%swap3A_249], %swap3A_252 {strides = array<i32>} : memref<128xi32, #tpu.memory_space<vmem>>, vector<16xi32>,
      %get3A_253 = arith.constant 64 : index
      %get3A_254 = tpu.vector_load %arg10[%get3A_253] {strides = array<i32>} : memref<128xi32, #tpu.memory_space<vmem>>, vector<16xi32>,
      %get3A_255 = vector.shape_cast %get3A_254 : vector<16xi32> to vector<16xi32>
      %add3A_256 = vector.broadcast %mul3A_2 : i32 to vector<16xi32>
      %add3A_257 = arith.addi %get3A_255, %add3A_256 : vector<16xi32>
      %swap3A_258 = arith.constant 64 : index
      %swap3A_259 = tpu.vector_load %arg10[%swap3A_258] {strides = array<i32>} : memref<128xi32, #tpu.memory_space<vmem>>, vector<16xi32>,
      %swap3A_260 = vector.shape_cast %swap3A_259 : vector<16xi32> to vector<16xi32>
      %swap3A_261 = vector.shape_cast %add3A_257 : vector<16xi32> to vector<16xi32>
      tpu.vector_store %arg10[%swap3A_258], %swap3A_261 {strides = array<i32>} : memref<128xi32, #tpu.memory_space<vmem>>, vector<16xi32>,
      %get3A_262 = arith.constant 80 : index
      %get3A_263 = tpu.vector_load %arg10[%get3A_262] {strides = array<i32>} : memref<128xi32, #tpu.memory_space<vmem>>, vector<16xi32>,
      %get3A_264 = vector.shape_cast %get3A_263 : vector<16xi32> to vector<16xi32>
      %add3A_265 = vector.broadcast %mul3A_2 : i32 to vector<16xi32>
      %add3A_266 = arith.addi %get3A_264, %add3A_265 : vector<16xi32>
      %swap3A_267 = arith.constant 80 : index
      %swap3A_268 = tpu.vector_load %arg10[%swap3A_267] {strides = array<i32>} : memref<128xi32, #tpu.memory_space<vmem>>, vector<16xi32>,
      %swap3A_269 = vector.shape_cast %swap3A_268 : vector<16xi32> to vector<16xi32>
      %swap3A_270 = vector.shape_cast %add3A_266 : vector<16xi32> to vector<16xi32>
      tpu.vector_store %arg10[%swap3A_267], %swap3A_270 {strides = array<i32>} : memref<128xi32, #tpu.memory_space<vmem>>, vector<16xi32>,
      %get3A_271 = arith.constant 96 : index
      %get3A_272 = tpu.vector_load %arg10[%get3A_271] {strides = array<i32>} : memref<128xi32, #tpu.memory_space<vmem>>, vector<16xi32>,
      %get3A_273 = vector.shape_cast %get3A_272 : vector<16xi32> to vector<16xi32>
      %add3A_274 = vector.broadcast %mul3A_2 : i32 to vector<16xi32>
      %add3A_275 = arith.addi %get3A_273, %add3A_274 : vector<16xi32>
      %swap3A_276 = arith.constant 96 : index
      %swap3A_277 = tpu.vector_load %arg10[%swap3A_276] {strides = array<i32>} : memref<128xi32, #tpu.memory_space<vmem>>, vector<16xi32>,
      %swap3A_278 = vector.shape_cast %swap3A_277 : vector<16xi32> to vector<16xi32>
      %swap3A_279 = vector.shape_cast %add3A_275 : vector<16xi32> to vector<16xi32>
      tpu.vector_store %arg10[%swap3A_276], %swap3A_279 {strides = array<i32>} : memref<128xi32, #tpu.memory_space<vmem>>, vector<16xi32>,
      %get3A_280 = arith.constant 112 : index
      %get3A_281 = tpu.vector_load %arg10[%get3A_280] {strides = array<i32>} : memref<128xi32, #tpu.memory_space<vmem>>, vector<16xi32>,
      %get3A_282 = vector.shape_cast %get3A_281 : vector<16xi32> to vector<16xi32>
      %add3A_283 = vector.broadcast %mul3A_2 : i32 to vector<16xi32>
      %add3A_284 = arith.addi %get3A_282, %add3A_283 : vector<16xi32>
      %swap3A_285 = arith.constant 112 : index
      %swap3A_286 = tpu.vector_load %arg10[%swap3A_285] {strides = array<i32>} : memref<128xi32, #tpu.memory_space<vmem>>, vector<16xi32>,
      %swap3A_287 = vector.shape_cast %swap3A_286 : vector<16xi32> to vector<16xi32>
      %swap3A_288 = vector.shape_cast %add3A_284 : vector<16xi32> to vector<16xi32>
      tpu.vector_store %arg10[%swap3A_285], %swap3A_288 {strides = array<i32>} : memref<128xi32, #tpu.memory_space<vmem>>, vector<16xi32>,
      %dma_start3A_289 = arith.constant 0 : i32
      %dma_start3A_290 = arith.constant 0 : i32
      %dma_start3A_291 = tpu.memref_slice %arg2[%dma_start3A_289, %dma_start3A_290] : memref<20000x128xf32, #tpu.memory_space<hbm>> -> memref<20000x128xf32, #tpu.memory_space<hbm>>
      tpu.enqueue_indirect_dma source(%dma_start3A_291 : memref<20000x128xf32, #tpu.memory_space<hbm>>) target(%arg7 : memref<128x128xf32, #tpu.memory_space<vmem>>) offsets(%arg10 : memref<128xi32, #tpu.memory_space<vmem>>) semaphore(%arg16 : memref<!tpu.dma_semaphore, #tpu.memory_space<semaphore_mem>>)
      %add3A_292 = arith.constant 1 : i32
      %add3A_293 = arith.addi %add3A_212, %add3A_292 : i32
      %gt3A_294 = arith.constant 0 : i32
      %gt3A_295 = arith.cmpi sgt, %scan3A_207, %gt3A_294 : i32
      %convert_element_type3A_296 = arith.extui %gt3A_295 : i1 to i32
      %cond3A_297 = arith.constant 0 : i32
      %cond3A_298 = arith.cmpi ne, %convert_element_type3A_296, %cond3A_297 : i32
      scf.if %cond3A_298 {
        %dma_wait3A_478 = arith.constant 0 : i32
        %dma_wait3A_479 = arith.constant 0 : i32
        %dma_wait3A_480 = tpu.memref_slice %arg2[%dma_wait3A_478, %dma_wait3A_479] : memref<20000x128xf32, #tpu.memory_space<hbm>> -> memref<128x128xf32, #tpu.memory_space<hbm>>
        %dma_wait3A_481 = arith.constant 0 : i32
        %dma_wait3A_482 = arith.constant 0 : i32
        %dma_wait3A_483 = tpu.memref_slice %arg2[%dma_wait3A_481, %dma_wait3A_482] : memref<20000x128xf32, #tpu.memory_space<hbm>> -> memref<128x128xf32, #tpu.memory_space<hbm>>
        tpu.wait_dma2 semaphore(%arg20 : memref<!tpu.dma_semaphore, #tpu.memory_space<semaphore_mem>>) src(%dma_wait3A_483 : memref<128x128xf32, #tpu.memory_space<hbm>>) dst(%arg8 : memref<128x128xf32, #tpu.memory_space<vmem>>)
      } else {
      }
      %run_scoped3A_299 = arith.constant 0 : i32
      "tpu.region"() ({
        %run_scoped3A_478 = tpu.sem_alloc : memref<!tpu.dma_semaphore, #tpu.memory_space<semaphore_mem>>
        %dma_start3A_479 = arith.constant 0 : i32
        %dma_start3A_480 = tpu.memref_slice %arg3[%add3A_293, %run_scoped3A_299, %dma_start3A_479] : memref<1280x2x128xi32, #tpu.memory_space<hbm>> -> memref<1x1x128xi32, #tpu.memory_space<hbm>>
        %dma_start3A_481 = tpu.memref_squeeze %dma_start3A_480 : memref<1x1x128xi32, #tpu.memory_space<hbm>> -> memref<128xi32, #tpu.memory_space<hbm>>
        %dma_start3A_482 = arith.constant 0 : i32
        %dma_start3A_483 = tpu.memref_slice %arg3[%add3A_293, %run_scoped3A_299, %dma_start3A_482] : memref<1280x2x128xi32, #tpu.memory_space<hbm>> -> memref<1x1x128xi32, #tpu.memory_space<hbm>>
        %dma_start3A_484 = tpu.memref_squeeze %dma_start3A_483 : memref<1x1x128xi32, #tpu.memory_space<hbm>> -> memref<128xi32, #tpu.memory_space<hbm>>
        tpu.enqueue_dma source(%dma_start3A_484 : memref<128xi32, #tpu.memory_space<hbm>>) target(%arg11 : memref<128xi32, #tpu.memory_space<vmem>>) target_semaphore(%run_scoped3A_478 : memref<!tpu.dma_semaphore, #tpu.memory_space<semaphore_mem>>)
        %dma_wait3A_485 = arith.constant 0 : i32
        %dma_wait3A_486 = tpu.memref_slice %arg3[%add3A_293, %run_scoped3A_299, %dma_wait3A_485] : memref<1280x2x128xi32, #tpu.memory_space<hbm>> -> memref<1x1x128xi32, #tpu.memory_space<hbm>>
        %dma_wait3A_487 = tpu.memref_squeeze %dma_wait3A_486 : memref<1x1x128xi32, #tpu.memory_space<hbm>> -> memref<128xi32, #tpu.memory_space<hbm>>
        %dma_wait3A_488 = arith.constant 0 : i32
        %dma_wait3A_489 = tpu.memref_slice %arg3[%add3A_293, %run_scoped3A_299, %dma_wait3A_488] : memref<1280x2x128xi32, #tpu.memory_space<hbm>> -> memref<1x1x128xi32, #tpu.memory_space<hbm>>
        %dma_wait3A_490 = tpu.memref_squeeze %dma_wait3A_489 : memref<1x1x128xi32, #tpu.memory_space<hbm>> -> memref<128xi32, #tpu.memory_space<hbm>>
        tpu.wait_dma2 semaphore(%run_scoped3A_478 : memref<!tpu.dma_semaphore, #tpu.memory_space<semaphore_mem>>) src(%dma_wait3A_490 : memref<128xi32, #tpu.memory_space<hbm>>) dst(%arg11 : memref<128xi32, #tpu.memory_space<vmem>>)
        tpu.yield
      }) : () -> ()
      %run_scoped3A_300 = arith.constant 1 : i32
      "tpu.region"() ({
        %run_scoped3A_478 = tpu.sem_alloc : memref<!tpu.dma_semaphore, #tpu.memory_space<semaphore_mem>>
        %dma_start3A_479 = arith.constant 0 : i32
        %dma_start3A_480 = tpu.memref_slice %arg3[%add3A_293, %run_scoped3A_300, %dma_start3A_479] : memref<1280x2x128xi32, #tpu.memory_space<hbm>> -> memref<1x1x128xi32, #tpu.memory_space<hbm>>
        %dma_start3A_481 = tpu.memref_squeeze %dma_start3A_480 : memref<1x1x128xi32, #tpu.memory_space<hbm>> -> memref<128xi32, #tpu.memory_space<hbm>>
        %dma_start3A_482 = arith.constant 0 : i32
        %dma_start3A_483 = tpu.memref_slice %arg3[%add3A_293, %run_scoped3A_300, %dma_start3A_482] : memref<1280x2x128xi32, #tpu.memory_space<hbm>> -> memref<1x1x128xi32, #tpu.memory_space<hbm>>
        %dma_start3A_484 = tpu.memref_squeeze %dma_start3A_483 : memref<1x1x128xi32, #tpu.memory_space<hbm>> -> memref<128xi32, #tpu.memory_space<hbm>>
        tpu.enqueue_dma source(%dma_start3A_484 : memref<128xi32, #tpu.memory_space<hbm>>) target(%arg14 : memref<128xi32, #tpu.memory_space<vmem>>) target_semaphore(%run_scoped3A_478 : memref<!tpu.dma_semaphore, #tpu.memory_space<semaphore_mem>>)
        %dma_wait3A_485 = arith.constant 0 : i32
        %dma_wait3A_486 = tpu.memref_slice %arg3[%add3A_293, %run_scoped3A_300, %dma_wait3A_485] : memref<1280x2x128xi32, #tpu.memory_space<hbm>> -> memref<1x1x128xi32, #tpu.memory_space<hbm>>
        %dma_wait3A_487 = tpu.memref_squeeze %dma_wait3A_486 : memref<1x1x128xi32, #tpu.memory_space<hbm>> -> memref<128xi32, #tpu.memory_space<hbm>>
        %dma_wait3A_488 = arith.constant 0 : i32
        %dma_wait3A_489 = tpu.memref_slice %arg3[%add3A_293, %run_scoped3A_300, %dma_wait3A_488] : memref<1280x2x128xi32, #tpu.memory_space<hbm>> -> memref<1x1x128xi32, #tpu.memory_space<hbm>>
        %dma_wait3A_490 = tpu.memref_squeeze %dma_wait3A_489 : memref<1x1x128xi32, #tpu.memory_space<hbm>> -> memref<128xi32, #tpu.memory_space<hbm>>
        tpu.wait_dma2 semaphore(%run_scoped3A_478 : memref<!tpu.dma_semaphore, #tpu.memory_space<semaphore_mem>>) src(%dma_wait3A_490 : memref<128xi32, #tpu.memory_space<hbm>>) dst(%arg14 : memref<128xi32, #tpu.memory_space<vmem>>)
        tpu.yield
      }) : () -> ()
      %get3A_301 = arith.constant 0 : index
      %get3A_302 = tpu.vector_load %arg11[%get3A_301] {strides = array<i32>} : memref<128xi32, #tpu.memory_space<vmem>>, vector<16xi32>,
      %get3A_303 = vector.shape_cast %get3A_302 : vector<16xi32> to vector<16xi32>
      %add3A_304 = vector.broadcast %mul3A_2 : i32 to vector<16xi32>
      %add3A_305 = arith.addi %get3A_303, %add3A_304 : vector<16xi32>
      %swap3A_306 = arith.constant 0 : index
      %swap3A_307 = tpu.vector_load %arg11[%swap3A_306] {strides = array<i32>} : memref<128xi32, #tpu.memory_space<vmem>>, vector<16xi32>,
      %swap3A_308 = vector.shape_cast %swap3A_307 : vector<16xi32> to vector<16xi32>
      %swap3A_309 = vector.shape_cast %add3A_305 : vector<16xi32> to vector<16xi32>
      tpu.vector_store %arg11[%swap3A_306], %swap3A_309 {strides = array<i32>} : memref<128xi32, #tpu.memory_space<vmem>>, vector<16xi32>,
      %get3A_310 = arith.constant 16 : index
      %get3A_311 = tpu.vector_load %arg11[%get3A_310] {strides = array<i32>} : memref<128xi32, #tpu.memory_space<vmem>>, vector<16xi32>,
      %get3A_312 = vector.shape_cast %get3A_311 : vector<16xi32> to vector<16xi32>
      %add3A_313 = vector.broadcast %mul3A_2 : i32 to vector<16xi32>
      %add3A_314 = arith.addi %get3A_312, %add3A_313 : vector<16xi32>
      %swap3A_315 = arith.constant 16 : index
      %swap3A_316 = tpu.vector_load %arg11[%swap3A_315] {strides = array<i32>} : memref<128xi32, #tpu.memory_space<vmem>>, vector<16xi32>,
      %swap3A_317 = vector.shape_cast %swap3A_316 : vector<16xi32> to vector<16xi32>
      %swap3A_318 = vector.shape_cast %add3A_314 : vector<16xi32> to vector<16xi32>
      tpu.vector_store %arg11[%swap3A_315], %swap3A_318 {strides = array<i32>} : memref<128xi32, #tpu.memory_space<vmem>>, vector<16xi32>,
      %get3A_319 = arith.constant 32 : index
      %get3A_320 = tpu.vector_load %arg11[%get3A_319] {strides = array<i32>} : memref<128xi32, #tpu.memory_space<vmem>>, vector<16xi32>,
      %get3A_321 = vector.shape_cast %get3A_320 : vector<16xi32> to vector<16xi32>
      %add3A_322 = vector.broadcast %mul3A_2 : i32 to vector<16xi32>
      %add3A_323 = arith.addi %get3A_321, %add3A_322 : vector<16xi32>
      %swap3A_324 = arith.constant 32 : index
      %swap3A_325 = tpu.vector_load %arg11[%swap3A_324] {strides = array<i32>} : memref<128xi32, #tpu.memory_space<vmem>>, vector<16xi32>,
      %swap3A_326 = vector.shape_cast %swap3A_325 : vector<16xi32> to vector<16xi32>
      %swap3A_327 = vector.shape_cast %add3A_323 : vector<16xi32> to vector<16xi32>
      tpu.vector_store %arg11[%swap3A_324], %swap3A_327 {strides = array<i32>} : memref<128xi32, #tpu.memory_space<vmem>>, vector<16xi32>,
      %get3A_328 = arith.constant 48 : index
      %get3A_329 = tpu.vector_load %arg11[%get3A_328] {strides = array<i32>} : memref<128xi32, #tpu.memory_space<vmem>>, vector<16xi32>,
      %get3A_330 = vector.shape_cast %get3A_329 : vector<16xi32> to vector<16xi32>
      %add3A_331 = vector.broadcast %mul3A_2 : i32 to vector<16xi32>
      %add3A_332 = arith.addi %get3A_330, %add3A_331 : vector<16xi32>
      %swap3A_333 = arith.constant 48 : index
      %swap3A_334 = tpu.vector_load %arg11[%swap3A_333] {strides = array<i32>} : memref<128xi32, #tpu.memory_space<vmem>>, vector<16xi32>,
      %swap3A_335 = vector.shape_cast %swap3A_334 : vector<16xi32> to vector<16xi32>
      %swap3A_336 = vector.shape_cast %add3A_332 : vector<16xi32> to vector<16xi32>
      tpu.vector_store %arg11[%swap3A_333], %swap3A_336 {strides = array<i32>} : memref<128xi32, #tpu.memory_space<vmem>>, vector<16xi32>,
      %get3A_337 = arith.constant 64 : index
      %get3A_338 = tpu.vector_load %arg11[%get3A_337] {strides = array<i32>} : memref<128xi32, #tpu.memory_space<vmem>>, vector<16xi32>,
      %get3A_339 = vector.shape_cast %get3A_338 : vector<16xi32> to vector<16xi32>
      %add3A_340 = vector.broadcast %mul3A_2 : i32 to vector<16xi32>
      %add3A_341 = arith.addi %get3A_339, %add3A_340 : vector<16xi32>
      %swap3A_342 = arith.constant 64 : index
      %swap3A_343 = tpu.vector_load %arg11[%swap3A_342] {strides = array<i32>} : memref<128xi32, #tpu.memory_space<vmem>>, vector<16xi32>,
      %swap3A_344 = vector.shape_cast %swap3A_343 : vector<16xi32> to vector<16xi32>
      %swap3A_345 = vector.shape_cast %add3A_341 : vector<16xi32> to vector<16xi32>
      tpu.vector_store %arg11[%swap3A_342], %swap3A_345 {strides = array<i32>} : memref<128xi32, #tpu.memory_space<vmem>>, vector<16xi32>,
      %get3A_346 = arith.constant 80 : index
      %get3A_347 = tpu.vector_load %arg11[%get3A_346] {strides = array<i32>} : memref<128xi32, #tpu.memory_space<vmem>>, vector<16xi32>,
      %get3A_348 = vector.shape_cast %get3A_347 : vector<16xi32> to vector<16xi32>
      %add3A_349 = vector.broadcast %mul3A_2 : i32 to vector<16xi32>
      %add3A_350 = arith.addi %get3A_348, %add3A_349 : vector<16xi32>
      %swap3A_351 = arith.constant 80 : index
      %swap3A_352 = tpu.vector_load %arg11[%swap3A_351] {strides = array<i32>} : memref<128xi32, #tpu.memory_space<vmem>>, vector<16xi32>,
      %swap3A_353 = vector.shape_cast %swap3A_352 : vector<16xi32> to vector<16xi32>
      %swap3A_354 = vector.shape_cast %add3A_350 : vector<16xi32> to vector<16xi32>
      tpu.vector_store %arg11[%swap3A_351], %swap3A_354 {strides = array<i32>} : memref<128xi32, #tpu.memory_space<vmem>>, vector<16xi32>,
      %get3A_355 = arith.constant 96 : index
      %get3A_356 = tpu.vector_load %arg11[%get3A_355] {strides = array<i32>} : memref<128xi32, #tpu.memory_space<vmem>>, vector<16xi32>,
      %get3A_357 = vector.shape_cast %get3A_356 : vector<16xi32> to vector<16xi32>
      %add3A_358 = vector.broadcast %mul3A_2 : i32 to vector<16xi32>
      %add3A_359 = arith.addi %get3A_357, %add3A_358 : vector<16xi32>
      %swap3A_360 = arith.constant 96 : index
      %swap3A_361 = tpu.vector_load %arg11[%swap3A_360] {strides = array<i32>} : memref<128xi32, #tpu.memory_space<vmem>>, vector<16xi32>,
      %swap3A_362 = vector.shape_cast %swap3A_361 : vector<16xi32> to vector<16xi32>
      %swap3A_363 = vector.shape_cast %add3A_359 : vector<16xi32> to vector<16xi32>
      tpu.vector_store %arg11[%swap3A_360], %swap3A_363 {strides = array<i32>} : memref<128xi32, #tpu.memory_space<vmem>>, vector<16xi32>,
      %get3A_364 = arith.constant 112 : index
      %get3A_365 = tpu.vector_load %arg11[%get3A_364] {strides = array<i32>} : memref<128xi32, #tpu.memory_space<vmem>>, vector<16xi32>,
      %get3A_366 = vector.shape_cast %get3A_365 : vector<16xi32> to vector<16xi32>
      %add3A_367 = vector.broadcast %mul3A_2 : i32 to vector<16xi32>
      %add3A_368 = arith.addi %get3A_366, %add3A_367 : vector<16xi32>
      %swap3A_369 = arith.constant 112 : index
      %swap3A_370 = tpu.vector_load %arg11[%swap3A_369] {strides = array<i32>} : memref<128xi32, #tpu.memory_space<vmem>>, vector<16xi32>,
      %swap3A_371 = vector.shape_cast %swap3A_370 : vector<16xi32> to vector<16xi32>
      %swap3A_372 = vector.shape_cast %add3A_368 : vector<16xi32> to vector<16xi32>
      tpu.vector_store %arg11[%swap3A_369], %swap3A_372 {strides = array<i32>} : memref<128xi32, #tpu.memory_space<vmem>>, vector<16xi32>,
      %dma_start3A_373 = arith.constant 0 : i32
      %dma_start3A_374 = arith.constant 0 : i32
      %dma_start3A_375 = tpu.memref_slice %arg2[%dma_start3A_373, %dma_start3A_374] : memref<20000x128xf32, #tpu.memory_space<hbm>> -> memref<20000x128xf32, #tpu.memory_space<hbm>>
      tpu.enqueue_indirect_dma source(%dma_start3A_375 : memref<20000x128xf32, #tpu.memory_space<hbm>>) target(%arg8 : memref<128x128xf32, #tpu.memory_space<vmem>>) offsets(%arg11 : memref<128xi32, #tpu.memory_space<vmem>>) semaphore(%arg17 : memref<!tpu.dma_semaphore, #tpu.memory_space<semaphore_mem>>)
      %add3A_376 = arith.constant 2 : i32
      %add3A_377 = arith.addi %add3A_212, %add3A_376 : i32
      %gt3A_378 = arith.constant 0 : i32
      %gt3A_379 = arith.cmpi sgt, %scan3A_207, %gt3A_378 : i32
      %convert_element_type3A_380 = arith.extui %gt3A_379 : i1 to i32
      %cond3A_381 = arith.constant 0 : i32
      %cond3A_382 = arith.cmpi ne, %convert_element_type3A_380, %cond3A_381 : i32
      scf.if %cond3A_382 {
        %dma_wait3A_478 = arith.constant 0 : i32
        %dma_wait3A_479 = arith.constant 0 : i32
        %dma_wait3A_480 = tpu.memref_slice %arg2[%dma_wait3A_478, %dma_wait3A_479] : memref<20000x128xf32, #tpu.memory_space<hbm>> -> memref<128x128xf32, #tpu.memory_space<hbm>>
        %dma_wait3A_481 = arith.constant 0 : i32
        %dma_wait3A_482 = arith.constant 0 : i32
        %dma_wait3A_483 = tpu.memref_slice %arg2[%dma_wait3A_481, %dma_wait3A_482] : memref<20000x128xf32, #tpu.memory_space<hbm>> -> memref<128x128xf32, #tpu.memory_space<hbm>>
        tpu.wait_dma2 semaphore(%arg21 : memref<!tpu.dma_semaphore, #tpu.memory_space<semaphore_mem>>) src(%dma_wait3A_483 : memref<128x128xf32, #tpu.memory_space<hbm>>) dst(%arg9 : memref<128x128xf32, #tpu.memory_space<vmem>>)
      } else {
      }
      %run_scoped3A_383 = arith.constant 0 : i32
      "tpu.region"() ({
        %run_scoped3A_478 = tpu.sem_alloc : memref<!tpu.dma_semaphore, #tpu.memory_space<semaphore_mem>>
        %dma_start3A_479 = arith.constant 0 : i32
        %dma_start3A_480 = tpu.memref_slice %arg3[%add3A_377, %run_scoped3A_383, %dma_start3A_479] : memref<1280x2x128xi32, #tpu.memory_space<hbm>> -> memref<1x1x128xi32, #tpu.memory_space<hbm>>
        %dma_start3A_481 = tpu.memref_squeeze %dma_start3A_480 : memref<1x1x128xi32, #tpu.memory_space<hbm>> -> memref<128xi32, #tpu.memory_space<hbm>>
        %dma_start3A_482 = arith.constant 0 : i32
        %dma_start3A_483 = tpu.memref_slice %arg3[%add3A_377, %run_scoped3A_383, %dma_start3A_482] : memref<1280x2x128xi32, #tpu.memory_space<hbm>> -> memref<1x1x128xi32, #tpu.memory_space<hbm>>
        %dma_start3A_484 = tpu.memref_squeeze %dma_start3A_483 : memref<1x1x128xi32, #tpu.memory_space<hbm>> -> memref<128xi32, #tpu.memory_space<hbm>>
        tpu.enqueue_dma source(%dma_start3A_484 : memref<128xi32, #tpu.memory_space<hbm>>) target(%arg12 : memref<128xi32, #tpu.memory_space<vmem>>) target_semaphore(%run_scoped3A_478 : memref<!tpu.dma_semaphore, #tpu.memory_space<semaphore_mem>>)
        %dma_wait3A_485 = arith.constant 0 : i32
        %dma_wait3A_486 = tpu.memref_slice %arg3[%add3A_377, %run_scoped3A_383, %dma_wait3A_485] : memref<1280x2x128xi32, #tpu.memory_space<hbm>> -> memref<1x1x128xi32, #tpu.memory_space<hbm>>
        %dma_wait3A_487 = tpu.memref_squeeze %dma_wait3A_486 : memref<1x1x128xi32, #tpu.memory_space<hbm>> -> memref<128xi32, #tpu.memory_space<hbm>>
        %dma_wait3A_488 = arith.constant 0 : i32
        %dma_wait3A_489 = tpu.memref_slice %arg3[%add3A_377, %run_scoped3A_383, %dma_wait3A_488] : memref<1280x2x128xi32, #tpu.memory_space<hbm>> -> memref<1x1x128xi32, #tpu.memory_space<hbm>>
        %dma_wait3A_490 = tpu.memref_squeeze %dma_wait3A_489 : memref<1x1x128xi32, #tpu.memory_space<hbm>> -> memref<128xi32, #tpu.memory_space<hbm>>
        tpu.wait_dma2 semaphore(%run_scoped3A_478 : memref<!tpu.dma_semaphore, #tpu.memory_space<semaphore_mem>>) src(%dma_wait3A_490 : memref<128xi32, #tpu.memory_space<hbm>>) dst(%arg12 : memref<128xi32, #tpu.memory_space<vmem>>)
        tpu.yield
      }) : () -> ()
      %run_scoped3A_384 = arith.constant 1 : i32
      "tpu.region"() ({
        %run_scoped3A_478 = tpu.sem_alloc : memref<!tpu.dma_semaphore, #tpu.memory_space<semaphore_mem>>
        %dma_start3A_479 = arith.constant 0 : i32
        %dma_start3A_480 = tpu.memref_slice %arg3[%add3A_377, %run_scoped3A_384, %dma_start3A_479] : memref<1280x2x128xi32, #tpu.memory_space<hbm>> -> memref<1x1x128xi32, #tpu.memory_space<hbm>>
        %dma_start3A_481 = tpu.memref_squeeze %dma_start3A_480 : memref<1x1x128xi32, #tpu.memory_space<hbm>> -> memref<128xi32, #tpu.memory_space<hbm>>
        %dma_start3A_482 = arith.constant 0 : i32
        %dma_start3A_483 = tpu.memref_slice %arg3[%add3A_377, %run_scoped3A_384, %dma_start3A_482] : memref<1280x2x128xi32, #tpu.memory_space<hbm>> -> memref<1x1x128xi32, #tpu.memory_space<hbm>>
        %dma_start3A_484 = tpu.memref_squeeze %dma_start3A_483 : memref<1x1x128xi32, #tpu.memory_space<hbm>> -> memref<128xi32, #tpu.memory_space<hbm>>
        tpu.enqueue_dma source(%dma_start3A_484 : memref<128xi32, #tpu.memory_space<hbm>>) target(%arg15 : memref<128xi32, #tpu.memory_space<vmem>>) target_semaphore(%run_scoped3A_478 : memref<!tpu.dma_semaphore, #tpu.memory_space<semaphore_mem>>)
        %dma_wait3A_485 = arith.constant 0 : i32
        %dma_wait3A_486 = tpu.memref_slice %arg3[%add3A_377, %run_scoped3A_384, %dma_wait3A_485] : memref<1280x2x128xi32, #tpu.memory_space<hbm>> -> memref<1x1x128xi32, #tpu.memory_space<hbm>>
        %dma_wait3A_487 = tpu.memref_squeeze %dma_wait3A_486 : memref<1x1x128xi32, #tpu.memory_space<hbm>> -> memref<128xi32, #tpu.memory_space<hbm>>
        %dma_wait3A_488 = arith.constant 0 : i32
        %dma_wait3A_489 = tpu.memref_slice %arg3[%add3A_377, %run_scoped3A_384, %dma_wait3A_488] : memref<1280x2x128xi32, #tpu.memory_space<hbm>> -> memref<1x1x128xi32, #tpu.memory_space<hbm>>
        %dma_wait3A_490 = tpu.memref_squeeze %dma_wait3A_489 : memref<1x1x128xi32, #tpu.memory_space<hbm>> -> memref<128xi32, #tpu.memory_space<hbm>>
        tpu.wait_dma2 semaphore(%run_scoped3A_478 : memref<!tpu.dma_semaphore, #tpu.memory_space<semaphore_mem>>) src(%dma_wait3A_490 : memref<128xi32, #tpu.memory_space<hbm>>) dst(%arg15 : memref<128xi32, #tpu.memory_space<vmem>>)
        tpu.yield
      }) : () -> ()
      %get3A_385 = arith.constant 0 : index
      %get3A_386 = tpu.vector_load %arg12[%get3A_385] {strides = array<i32>} : memref<128xi32, #tpu.memory_space<vmem>>, vector<16xi32>,
      %get3A_387 = vector.shape_cast %get3A_386 : vector<16xi32> to vector<16xi32>
      %add3A_388 = vector.broadcast %mul3A_2 : i32 to vector<16xi32>
      %add3A_389 = arith.addi %get3A_387, %add3A_388 : vector<16xi32>
      %swap3A_390 = arith.constant 0 : index
      %swap3A_391 = tpu.vector_load %arg12[%swap3A_390] {strides = array<i32>} : memref<128xi32, #tpu.memory_space<vmem>>, vector<16xi32>,
      %swap3A_392 = vector.shape_cast %swap3A_391 : vector<16xi32> to vector<16xi32>
      %swap3A_393 = vector.shape_cast %add3A_389 : vector<16xi32> to vector<16xi32>
      tpu.vector_store %arg12[%swap3A_390], %swap3A_393 {strides = array<i32>} : memref<128xi32, #tpu.memory_space<vmem>>, vector<16xi32>,
      %get3A_394 = arith.constant 16 : index
      %get3A_395 = tpu.vector_load %arg12[%get3A_394] {strides = array<i32>} : memref<128xi32, #tpu.memory_space<vmem>>, vector<16xi32>,
      %get3A_396 = vector.shape_cast %get3A_395 : vector<16xi32> to vector<16xi32>
      %add3A_397 = vector.broadcast %mul3A_2 : i32 to vector<16xi32>
      %add3A_398 = arith.addi %get3A_396, %add3A_397 : vector<16xi32>
      %swap3A_399 = arith.constant 16 : index
      %swap3A_400 = tpu.vector_load %arg12[%swap3A_399] {strides = array<i32>} : memref<128xi32, #tpu.memory_space<vmem>>, vector<16xi32>,
      %swap3A_401 = vector.shape_cast %swap3A_400 : vector<16xi32> to vector<16xi32>
      %swap3A_402 = vector.shape_cast %add3A_398 : vector<16xi32> to vector<16xi32>
      tpu.vector_store %arg12[%swap3A_399], %swap3A_402 {strides = array<i32>} : memref<128xi32, #tpu.memory_space<vmem>>, vector<16xi32>,
      %get3A_403 = arith.constant 32 : index
      %get3A_404 = tpu.vector_load %arg12[%get3A_403] {strides = array<i32>} : memref<128xi32, #tpu.memory_space<vmem>>, vector<16xi32>,
      %get3A_405 = vector.shape_cast %get3A_404 : vector<16xi32> to vector<16xi32>
      %add3A_406 = vector.broadcast %mul3A_2 : i32 to vector<16xi32>
      %add3A_407 = arith.addi %get3A_405, %add3A_406 : vector<16xi32>
      %swap3A_408 = arith.constant 32 : index
      %swap3A_409 = tpu.vector_load %arg12[%swap3A_408] {strides = array<i32>} : memref<128xi32, #tpu.memory_space<vmem>>, vector<16xi32>,
      %swap3A_410 = vector.shape_cast %swap3A_409 : vector<16xi32> to vector<16xi32>
      %swap3A_411 = vector.shape_cast %add3A_407 : vector<16xi32> to vector<16xi32>
      tpu.vector_store %arg12[%swap3A_408], %swap3A_411 {strides = array<i32>} : memref<128xi32, #tpu.memory_space<vmem>>, vector<16xi32>,
      %get3A_412 = arith.constant 48 : index
      %get3A_413 = tpu.vector_load %arg12[%get3A_412] {strides = array<i32>} : memref<128xi32, #tpu.memory_space<vmem>>, vector<16xi32>,
      %get3A_414 = vector.shape_cast %get3A_413 : vector<16xi32> to vector<16xi32>
      %add3A_415 = vector.broadcast %mul3A_2 : i32 to vector<16xi32>
      %add3A_416 = arith.addi %get3A_414, %add3A_415 : vector<16xi32>
      %swap3A_417 = arith.constant 48 : index
      %swap3A_418 = tpu.vector_load %arg12[%swap3A_417] {strides = array<i32>} : memref<128xi32, #tpu.memory_space<vmem>>, vector<16xi32>,
      %swap3A_419 = vector.shape_cast %swap3A_418 : vector<16xi32> to vector<16xi32>
      %swap3A_420 = vector.shape_cast %add3A_416 : vector<16xi32> to vector<16xi32>
      tpu.vector_store %arg12[%swap3A_417], %swap3A_420 {strides = array<i32>} : memref<128xi32, #tpu.memory_space<vmem>>, vector<16xi32>,
      %get3A_421 = arith.constant 64 : index
      %get3A_422 = tpu.vector_load %arg12[%get3A_421] {strides = array<i32>} : memref<128xi32, #tpu.memory_space<vmem>>, vector<16xi32>,
      %get3A_423 = vector.shape_cast %get3A_422 : vector<16xi32> to vector<16xi32>
      %add3A_424 = vector.broadcast %mul3A_2 : i32 to vector<16xi32>
      %add3A_425 = arith.addi %get3A_423, %add3A_424 : vector<16xi32>
      %swap3A_426 = arith.constant 64 : index
      %swap3A_427 = tpu.vector_load %arg12[%swap3A_426] {strides = array<i32>} : memref<128xi32, #tpu.memory_space<vmem>>, vector<16xi32>,
      %swap3A_428 = vector.shape_cast %swap3A_427 : vector<16xi32> to vector<16xi32>
      %swap3A_429 = vector.shape_cast %add3A_425 : vector<16xi32> to vector<16xi32>
      tpu.vector_store %arg12[%swap3A_426], %swap3A_429 {strides = array<i32>} : memref<128xi32, #tpu.memory_space<vmem>>, vector<16xi32>,
      %get3A_430 = arith.constant 80 : index
      %get3A_431 = tpu.vector_load %arg12[%get3A_430] {strides = array<i32>} : memref<128xi32, #tpu.memory_space<vmem>>, vector<16xi32>,
      %get3A_432 = vector.shape_cast %get3A_431 : vector<16xi32> to vector<16xi32>
      %add3A_433 = vector.broadcast %mul3A_2 : i32 to vector<16xi32>
      %add3A_434 = arith.addi %get3A_432, %add3A_433 : vector<16xi32>
      %swap3A_435 = arith.constant 80 : index
      %swap3A_436 = tpu.vector_load %arg12[%swap3A_435] {strides = array<i32>} : memref<128xi32, #tpu.memory_space<vmem>>, vector<16xi32>,
      %swap3A_437 = vector.shape_cast %swap3A_436 : vector<16xi32> to vector<16xi32>
      %swap3A_438 = vector.shape_cast %add3A_434 : vector<16xi32> to vector<16xi32>
      tpu.vector_store %arg12[%swap3A_435], %swap3A_438 {strides = array<i32>} : memref<128xi32, #tpu.memory_space<vmem>>, vector<16xi32>,
      %get3A_439 = arith.constant 96 : index
      %get3A_440 = tpu.vector_load %arg12[%get3A_439] {strides = array<i32>} : memref<128xi32, #tpu.memory_space<vmem>>, vector<16xi32>,
      %get3A_441 = vector.shape_cast %get3A_440 : vector<16xi32> to vector<16xi32>
      %add3A_442 = vector.broadcast %mul3A_2 : i32 to vector<16xi32>
      %add3A_443 = arith.addi %get3A_441, %add3A_442 : vector<16xi32>
      %swap3A_444 = arith.constant 96 : index
      %swap3A_445 = tpu.vector_load %arg12[%swap3A_444] {strides = array<i32>} : memref<128xi32, #tpu.memory_space<vmem>>, vector<16xi32>,
      %swap3A_446 = vector.shape_cast %swap3A_445 : vector<16xi32> to vector<16xi32>
      %swap3A_447 = vector.shape_cast %add3A_443 : vector<16xi32> to vector<16xi32>
      tpu.vector_store %arg12[%swap3A_444], %swap3A_447 {strides = array<i32>} : memref<128xi32, #tpu.memory_space<vmem>>, vector<16xi32>,
      %get3A_448 = arith.constant 112 : index
      %get3A_449 = tpu.vector_load %arg12[%get3A_448] {strides = array<i32>} : memref<128xi32, #tpu.memory_space<vmem>>, vector<16xi32>,
      %get3A_450 = vector.shape_cast %get3A_449 : vector<16xi32> to vector<16xi32>
      %add3A_451 = vector.broadcast %mul3A_2 : i32 to vector<16xi32>
      %add3A_452 = arith.addi %get3A_450, %add3A_451 : vector<16xi32>
      %swap3A_453 = arith.constant 112 : index
      %swap3A_454 = tpu.vector_load %arg12[%swap3A_453] {strides = array<i32>} : memref<128xi32, #tpu.memory_space<vmem>>, vector<16xi32>,
      %swap3A_455 = vector.shape_cast %swap3A_454 : vector<16xi32> to vector<16xi32>
      %swap3A_456 = vector.shape_cast %add3A_452 : vector<16xi32> to vector<16xi32>
      tpu.vector_store %arg12[%swap3A_453], %swap3A_456 {strides = array<i32>} : memref<128xi32, #tpu.memory_space<vmem>>, vector<16xi32>,
      %dma_start3A_457 = arith.constant 0 : i32
      %dma_start3A_458 = arith.constant 0 : i32
      %dma_start3A_459 = tpu.memref_slice %arg2[%dma_start3A_457, %dma_start3A_458] : memref<20000x128xf32, #tpu.memory_space<hbm>> -> memref<20000x128xf32, #tpu.memory_space<hbm>>
      tpu.enqueue_indirect_dma source(%dma_start3A_459 : memref<20000x128xf32, #tpu.memory_space<hbm>>) target(%arg9 : memref<128x128xf32, #tpu.memory_space<vmem>>) offsets(%arg12 : memref<128xi32, #tpu.memory_space<vmem>>) semaphore(%arg18 : memref<!tpu.dma_semaphore, #tpu.memory_space<semaphore_mem>>)
      %dma_wait3A_460 = arith.constant 0 : i32
      %dma_wait3A_461 = arith.constant 0 : i32
      %dma_wait3A_462 = tpu.memref_slice %arg2[%dma_wait3A_460, %dma_wait3A_461] : memref<20000x128xf32, #tpu.memory_space<hbm>> -> memref<20000x128xf32, #tpu.memory_space<hbm>>
      tpu.wait_indirect_dma semaphore(%arg16 : memref<!tpu.dma_semaphore, #tpu.memory_space<semaphore_mem>>) src(%dma_wait3A_462 : memref<20000x128xf32, #tpu.memory_space<hbm>>) dst(%arg7 : memref<128x128xf32, #tpu.memory_space<vmem>>)
      %dma_start3A_463 = arith.constant 0 : i32
      %dma_start3A_464 = arith.constant 0 : i32
      %dma_start3A_465 = tpu.memref_slice %arg6[%dma_start3A_463, %dma_start3A_464] : memref<10112x128xf32, #tpu.memory_space<vmem_shared>> -> memref<10112x128xf32, #tpu.memory_space<vmem_shared>>
      tpu.enqueue_indirect_dma source(%arg7 : memref<128x128xf32, #tpu.memory_space<vmem>>) target(%dma_start3A_465 : memref<10112x128xf32, #tpu.memory_space<vmem_shared>>) offsets(%arg13 : memref<128xi32, #tpu.memory_space<vmem>>) semaphore(%arg19 : memref<!tpu.dma_semaphore, #tpu.memory_space<semaphore_mem>>) {add = true}
      %dma_wait3A_466 = arith.constant 0 : i32
      %dma_wait3A_467 = arith.constant 0 : i32
      %dma_wait3A_468 = tpu.memref_slice %arg2[%dma_wait3A_466, %dma_wait3A_467] : memref<20000x128xf32, #tpu.memory_space<hbm>> -> memref<20000x128xf32, #tpu.memory_space<hbm>>
      tpu.wait_indirect_dma semaphore(%arg17 : memref<!tpu.dma_semaphore, #tpu.memory_space<semaphore_mem>>) src(%dma_wait3A_468 : memref<20000x128xf32, #tpu.memory_space<hbm>>) dst(%arg8 : memref<128x128xf32, #tpu.memory_space<vmem>>)
      %dma_start3A_469 = arith.constant 0 : i32
      %dma_start3A_470 = arith.constant 0 : i32
      %dma_start3A_471 = tpu.memref_slice %arg6[%dma_start3A_469, %dma_start3A_470] : memref<10112x128xf32, #tpu.memory_space<vmem_shared>> -> memref<10112x128xf32, #tpu.memory_space<vmem_shared>>
      tpu.enqueue_indirect_dma source(%arg8 : memref<128x128xf32, #tpu.memory_space<vmem>>) target(%dma_start3A_471 : memref<10112x128xf32, #tpu.memory_space<vmem_shared>>) offsets(%arg14 : memref<128xi32, #tpu.memory_space<vmem>>) semaphore(%arg20 : memref<!tpu.dma_semaphore, #tpu.memory_space<semaphore_mem>>) {add = true}
      %dma_wait3A_472 = arith.constant 0 : i32
      %dma_wait3A_473 = arith.constant 0 : i32
      %dma_wait3A_474 = tpu.memref_slice %arg2[%dma_wait3A_472, %dma_wait3A_473] : memref<20000x128xf32, #tpu.memory_space<hbm>> -> memref<20000x128xf32, #tpu.memory_space<hbm>>
      tpu.wait_indirect_dma semaphore(%arg18 : memref<!tpu.dma_semaphore, #tpu.memory_space<semaphore_mem>>) src(%dma_wait3A_474 : memref<20000x128xf32, #tpu.memory_space<hbm>>) dst(%arg9 : memref<128x128xf32, #tpu.memory_space<vmem>>)
      %dma_start3A_475 = arith.constant 0 : i32
      %dma_start3A_476 = arith.constant 0 : i32
      %dma_start3A_477 = tpu.memref_slice %arg6[%dma_start3A_475, %dma_start3A_476] : memref<10112x128xf32, #tpu.memory_space<vmem_shared>> -> memref<10112x128xf32, #tpu.memory_space<vmem_shared>>
      tpu.enqueue_indirect_dma source(%arg9 : memref<128x128xf32, #tpu.memory_space<vmem>>) target(%dma_start3A_477 : memref<10112x128xf32, #tpu.memory_space<vmem_shared>>) offsets(%arg15 : memref<128xi32, #tpu.memory_space<vmem>>) semaphore(%arg21 : memref<!tpu.dma_semaphore, #tpu.memory_space<semaphore_mem>>) {add = true}
    }
    %scan3A_7 = arith.constant 26 : i32
    %mul3A_8 = arith.constant 80 : i32
    %mul3A_9 = arith.muli %arg1, %mul3A_8 : i32
    %add3A = arith.constant 78 : i32
    %add3A_10 = arith.addi %mul3A_9, %add3A : i32
    %dma_wait3A = arith.constant 0 : i32
    %dma_wait3A_11 = arith.constant 0 : i32
    %dma_wait3A_12 = tpu.memref_slice %arg2[%dma_wait3A, %dma_wait3A_11] : memref<20000x128xf32, #tpu.memory_space<hbm>> -> memref<128x128xf32, #tpu.memory_space<hbm>>
    %dma_wait3A_13 = arith.constant 0 : i32
    %dma_wait3A_14 = arith.constant 0 : i32
    %dma_wait3A_15 = tpu.memref_slice %arg2[%dma_wait3A_13, %dma_wait3A_14] : memref<20000x128xf32, #tpu.memory_space<hbm>> -> memref<128x128xf32, #tpu.memory_space<hbm>>
    tpu.wait_dma2 semaphore(%arg19 : memref<!tpu.dma_semaphore, #tpu.memory_space<semaphore_mem>>) src(%dma_wait3A_15 : memref<128x128xf32, #tpu.memory_space<hbm>>) dst(%arg7 : memref<128x128xf32, #tpu.memory_space<vmem>>)
    %run_scoped3A = arith.constant 0 : i32
    "tpu.region"() ({
      %run_scoped3A_207 = tpu.sem_alloc : memref<!tpu.dma_semaphore, #tpu.memory_space<semaphore_mem>>
      %dma_start3A_208 = arith.constant 0 : i32
      %dma_start3A_209 = tpu.memref_slice %arg3[%add3A_10, %run_scoped3A, %dma_start3A_208] : memref<1280x2x128xi32, #tpu.memory_space<hbm>> -> memref<1x1x128xi32, #tpu.memory_space<hbm>>
      %dma_start3A_210 = tpu.memref_squeeze %dma_start3A_209 : memref<1x1x128xi32, #tpu.memory_space<hbm>> -> memref<128xi32, #tpu.memory_space<hbm>>
      %dma_start3A_211 = arith.constant 0 : i32
      %dma_start3A_212 = tpu.memref_slice %arg3[%add3A_10, %run_scoped3A, %dma_start3A_211] : memref<1280x2x128xi32, #tpu.memory_space<hbm>> -> memref<1x1x128xi32, #tpu.memory_space<hbm>>
      %dma_start3A_213 = tpu.memref_squeeze %dma_start3A_212 : memref<1x1x128xi32, #tpu.memory_space<hbm>> -> memref<128xi32, #tpu.memory_space<hbm>>
      tpu.enqueue_dma source(%dma_start3A_213 : memref<128xi32, #tpu.memory_space<hbm>>) target(%arg10 : memref<128xi32, #tpu.memory_space<vmem>>) target_semaphore(%run_scoped3A_207 : memref<!tpu.dma_semaphore, #tpu.memory_space<semaphore_mem>>)
      %dma_wait3A_214 = arith.constant 0 : i32
      %dma_wait3A_215 = tpu.memref_slice %arg3[%add3A_10, %run_scoped3A, %dma_wait3A_214] : memref<1280x2x128xi32, #tpu.memory_space<hbm>> -> memref<1x1x128xi32, #tpu.memory_space<hbm>>
      %dma_wait3A_216 = tpu.memref_squeeze %dma_wait3A_215 : memref<1x1x128xi32, #tpu.memory_space<hbm>> -> memref<128xi32, #tpu.memory_space<hbm>>
      %dma_wait3A_217 = arith.constant 0 : i32
      %dma_wait3A_218 = tpu.memref_slice %arg3[%add3A_10, %run_scoped3A, %dma_wait3A_217] : memref<1280x2x128xi32, #tpu.memory_space<hbm>> -> memref<1x1x128xi32, #tpu.memory_space<hbm>>
      %dma_wait3A_219 = tpu.memref_squeeze %dma_wait3A_218 : memref<1x1x128xi32, #tpu.memory_space<hbm>> -> memref<128xi32, #tpu.memory_space<hbm>>
      tpu.wait_dma2 semaphore(%run_scoped3A_207 : memref<!tpu.dma_semaphore, #tpu.memory_space<semaphore_mem>>) src(%dma_wait3A_219 : memref<128xi32, #tpu.memory_space<hbm>>) dst(%arg10 : memref<128xi32, #tpu.memory_space<vmem>>)
      tpu.yield
    }) : () -> ()
    %run_scoped3A_16 = arith.constant 1 : i32
    "tpu.region"() ({
      %run_scoped3A_207 = tpu.sem_alloc : memref<!tpu.dma_semaphore, #tpu.memory_space<semaphore_mem>>
      %dma_start3A_208 = arith.constant 0 : i32
      %dma_start3A_209 = tpu.memref_slice %arg3[%add3A_10, %run_scoped3A_16, %dma_start3A_208] : memref<1280x2x128xi32, #tpu.memory_space<hbm>> -> memref<1x1x128xi32, #tpu.memory_space<hbm>>
      %dma_start3A_210 = tpu.memref_squeeze %dma_start3A_209 : memref<1x1x128xi32, #tpu.memory_space<hbm>> -> memref<128xi32, #tpu.memory_space<hbm>>
      %dma_start3A_211 = arith.constant 0 : i32
      %dma_start3A_212 = tpu.memref_slice %arg3[%add3A_10, %run_scoped3A_16, %dma_start3A_211] : memref<1280x2x128xi32, #tpu.memory_space<hbm>> -> memref<1x1x128xi32, #tpu.memory_space<hbm>>
      %dma_start3A_213 = tpu.memref_squeeze %dma_start3A_212 : memref<1x1x128xi32, #tpu.memory_space<hbm>> -> memref<128xi32, #tpu.memory_space<hbm>>
      tpu.enqueue_dma source(%dma_start3A_213 : memref<128xi32, #tpu.memory_space<hbm>>) target(%arg13 : memref<128xi32, #tpu.memory_space<vmem>>) target_semaphore(%run_scoped3A_207 : memref<!tpu.dma_semaphore, #tpu.memory_space<semaphore_mem>>)
      %dma_wait3A_214 = arith.constant 0 : i32
      %dma_wait3A_215 = tpu.memref_slice %arg3[%add3A_10, %run_scoped3A_16, %dma_wait3A_214] : memref<1280x2x128xi32, #tpu.memory_space<hbm>> -> memref<1x1x128xi32, #tpu.memory_space<hbm>>
      %dma_wait3A_216 = tpu.memref_squeeze %dma_wait3A_215 : memref<1x1x128xi32, #tpu.memory_space<hbm>> -> memref<128xi32, #tpu.memory_space<hbm>>
      %dma_wait3A_217 = arith.constant 0 : i32
      %dma_wait3A_218 = tpu.memref_slice %arg3[%add3A_10, %run_scoped3A_16, %dma_wait3A_217] : memref<1280x2x128xi32, #tpu.memory_space<hbm>> -> memref<1x1x128xi32, #tpu.memory_space<hbm>>
      %dma_wait3A_219 = tpu.memref_squeeze %dma_wait3A_218 : memref<1x1x128xi32, #tpu.memory_space<hbm>> -> memref<128xi32, #tpu.memory_space<hbm>>
      tpu.wait_dma2 semaphore(%run_scoped3A_207 : memref<!tpu.dma_semaphore, #tpu.memory_space<semaphore_mem>>) src(%dma_wait3A_219 : memref<128xi32, #tpu.memory_space<hbm>>) dst(%arg13 : memref<128xi32, #tpu.memory_space<vmem>>)
      tpu.yield
    }) : () -> ()
    %get3A = arith.constant 0 : index
    %get3A_17 = tpu.vector_load %arg10[%get3A] {strides = array<i32>} : memref<128xi32, #tpu.memory_space<vmem>>, vector<16xi32>,
    %get3A_18 = vector.shape_cast %get3A_17 : vector<16xi32> to vector<16xi32>
    %add3A_19 = vector.broadcast %mul3A_2 : i32 to vector<16xi32>
    %add3A_20 = arith.addi %get3A_18, %add3A_19 : vector<16xi32>
    %swap3A = arith.constant 0 : index
    %swap3A_21 = tpu.vector_load %arg10[%swap3A] {strides = array<i32>} : memref<128xi32, #tpu.memory_space<vmem>>, vector<16xi32>,
    %swap3A_22 = vector.shape_cast %swap3A_21 : vector<16xi32> to vector<16xi32>
    %swap3A_23 = vector.shape_cast %add3A_20 : vector<16xi32> to vector<16xi32>
    tpu.vector_store %arg10[%swap3A], %swap3A_23 {strides = array<i32>} : memref<128xi32, #tpu.memory_space<vmem>>, vector<16xi32>,
    %get3A_24 = arith.constant 16 : index
    %get3A_25 = tpu.vector_load %arg10[%get3A_24] {strides = array<i32>} : memref<128xi32, #tpu.memory_space<vmem>>, vector<16xi32>,
    %get3A_26 = vector.shape_cast %get3A_25 : vector<16xi32> to vector<16xi32>
    %add3A_27 = vector.broadcast %mul3A_2 : i32 to vector<16xi32>
    %add3A_28 = arith.addi %get3A_26, %add3A_27 : vector<16xi32>
    %swap3A_29 = arith.constant 16 : index
    %swap3A_30 = tpu.vector_load %arg10[%swap3A_29] {strides = array<i32>} : memref<128xi32, #tpu.memory_space<vmem>>, vector<16xi32>,
    %swap3A_31 = vector.shape_cast %swap3A_30 : vector<16xi32> to vector<16xi32>
    %swap3A_32 = vector.shape_cast %add3A_28 : vector<16xi32> to vector<16xi32>
    tpu.vector_store %arg10[%swap3A_29], %swap3A_32 {strides = array<i32>} : memref<128xi32, #tpu.memory_space<vmem>>, vector<16xi32>,
    %get3A_33 = arith.constant 32 : index
    %get3A_34 = tpu.vector_load %arg10[%get3A_33] {strides = array<i32>} : memref<128xi32, #tpu.memory_space<vmem>>, vector<16xi32>,
    %get3A_35 = vector.shape_cast %get3A_34 : vector<16xi32> to vector<16xi32>
    %add3A_36 = vector.broadcast %mul3A_2 : i32 to vector<16xi32>
    %add3A_37 = arith.addi %get3A_35, %add3A_36 : vector<16xi32>
    %swap3A_38 = arith.constant 32 : index
    %swap3A_39 = tpu.vector_load %arg10[%swap3A_38] {strides = array<i32>} : memref<128xi32, #tpu.memory_space<vmem>>, vector<16xi32>,
    %swap3A_40 = vector.shape_cast %swap3A_39 : vector<16xi32> to vector<16xi32>
    %swap3A_41 = vector.shape_cast %add3A_37 : vector<16xi32> to vector<16xi32>
    tpu.vector_store %arg10[%swap3A_38], %swap3A_41 {strides = array<i32>} : memref<128xi32, #tpu.memory_space<vmem>>, vector<16xi32>,
    %get3A_42 = arith.constant 48 : index
    %get3A_43 = tpu.vector_load %arg10[%get3A_42] {strides = array<i32>} : memref<128xi32, #tpu.memory_space<vmem>>, vector<16xi32>,
    %get3A_44 = vector.shape_cast %get3A_43 : vector<16xi32> to vector<16xi32>
    %add3A_45 = vector.broadcast %mul3A_2 : i32 to vector<16xi32>
    %add3A_46 = arith.addi %get3A_44, %add3A_45 : vector<16xi32>
    %swap3A_47 = arith.constant 48 : index
    %swap3A_48 = tpu.vector_load %arg10[%swap3A_47] {strides = array<i32>} : memref<128xi32, #tpu.memory_space<vmem>>, vector<16xi32>,
    %swap3A_49 = vector.shape_cast %swap3A_48 : vector<16xi32> to vector<16xi32>
    %swap3A_50 = vector.shape_cast %add3A_46 : vector<16xi32> to vector<16xi32>
    tpu.vector_store %arg10[%swap3A_47], %swap3A_50 {strides = array<i32>} : memref<128xi32, #tpu.memory_space<vmem>>, vector<16xi32>,
    %get3A_51 = arith.constant 64 : index
    %get3A_52 = tpu.vector_load %arg10[%get3A_51] {strides = array<i32>} : memref<128xi32, #tpu.memory_space<vmem>>, vector<16xi32>,
    %get3A_53 = vector.shape_cast %get3A_52 : vector<16xi32> to vector<16xi32>
    %add3A_54 = vector.broadcast %mul3A_2 : i32 to vector<16xi32>
    %add3A_55 = arith.addi %get3A_53, %add3A_54 : vector<16xi32>
    %swap3A_56 = arith.constant 64 : index
    %swap3A_57 = tpu.vector_load %arg10[%swap3A_56] {strides = array<i32>} : memref<128xi32, #tpu.memory_space<vmem>>, vector<16xi32>,
    %swap3A_58 = vector.shape_cast %swap3A_57 : vector<16xi32> to vector<16xi32>
    %swap3A_59 = vector.shape_cast %add3A_55 : vector<16xi32> to vector<16xi32>
    tpu.vector_store %arg10[%swap3A_56], %swap3A_59 {strides = array<i32>} : memref<128xi32, #tpu.memory_space<vmem>>, vector<16xi32>,
    %get3A_60 = arith.constant 80 : index
    %get3A_61 = tpu.vector_load %arg10[%get3A_60] {strides = array<i32>} : memref<128xi32, #tpu.memory_space<vmem>>, vector<16xi32>,
    %get3A_62 = vector.shape_cast %get3A_61 : vector<16xi32> to vector<16xi32>
    %add3A_63 = vector.broadcast %mul3A_2 : i32 to vector<16xi32>
    %add3A_64 = arith.addi %get3A_62, %add3A_63 : vector<16xi32>
    %swap3A_65 = arith.constant 80 : index
    %swap3A_66 = tpu.vector_load %arg10[%swap3A_65] {strides = array<i32>} : memref<128xi32, #tpu.memory_space<vmem>>, vector<16xi32>,
    %swap3A_67 = vector.shape_cast %swap3A_66 : vector<16xi32> to vector<16xi32>
    %swap3A_68 = vector.shape_cast %add3A_64 : vector<16xi32> to vector<16xi32>
    tpu.vector_store %arg10[%swap3A_65], %swap3A_68 {strides = array<i32>} : memref<128xi32, #tpu.memory_space<vmem>>, vector<16xi32>,
    %get3A_69 = arith.constant 96 : index
    %get3A_70 = tpu.vector_load %arg10[%get3A_69] {strides = array<i32>} : memref<128xi32, #tpu.memory_space<vmem>>, vector<16xi32>,
    %get3A_71 = vector.shape_cast %get3A_70 : vector<16xi32> to vector<16xi32>
    %add3A_72 = vector.broadcast %mul3A_2 : i32 to vector<16xi32>
    %add3A_73 = arith.addi %get3A_71, %add3A_72 : vector<16xi32>
    %swap3A_74 = arith.constant 96 : index
    %swap3A_75 = tpu.vector_load %arg10[%swap3A_74] {strides = array<i32>} : memref<128xi32, #tpu.memory_space<vmem>>, vector<16xi32>,
    %swap3A_76 = vector.shape_cast %swap3A_75 : vector<16xi32> to vector<16xi32>
    %swap3A_77 = vector.shape_cast %add3A_73 : vector<16xi32> to vector<16xi32>
    tpu.vector_store %arg10[%swap3A_74], %swap3A_77 {strides = array<i32>} : memref<128xi32, #tpu.memory_space<vmem>>, vector<16xi32>,
    %get3A_78 = arith.constant 112 : index
    %get3A_79 = tpu.vector_load %arg10[%get3A_78] {strides = array<i32>} : memref<128xi32, #tpu.memory_space<vmem>>, vector<16xi32>,
    %get3A_80 = vector.shape_cast %get3A_79 : vector<16xi32> to vector<16xi32>
    %add3A_81 = vector.broadcast %mul3A_2 : i32 to vector<16xi32>
    %add3A_82 = arith.addi %get3A_80, %add3A_81 : vector<16xi32>
    %swap3A_83 = arith.constant 112 : index
    %swap3A_84 = tpu.vector_load %arg10[%swap3A_83] {strides = array<i32>} : memref<128xi32, #tpu.memory_space<vmem>>, vector<16xi32>,
    %swap3A_85 = vector.shape_cast %swap3A_84 : vector<16xi32> to vector<16xi32>
    %swap3A_86 = vector.shape_cast %add3A_82 : vector<16xi32> to vector<16xi32>
    tpu.vector_store %arg10[%swap3A_83], %swap3A_86 {strides = array<i32>} : memref<128xi32, #tpu.memory_space<vmem>>, vector<16xi32>,
    %dma_start3A = arith.constant 0 : i32
    %dma_start3A_87 = arith.constant 0 : i32
    %dma_start3A_88 = tpu.memref_slice %arg2[%dma_start3A, %dma_start3A_87] : memref<20000x128xf32, #tpu.memory_space<hbm>> -> memref<20000x128xf32, #tpu.memory_space<hbm>>
    tpu.enqueue_indirect_dma source(%dma_start3A_88 : memref<20000x128xf32, #tpu.memory_space<hbm>>) target(%arg7 : memref<128x128xf32, #tpu.memory_space<vmem>>) offsets(%arg10 : memref<128xi32, #tpu.memory_space<vmem>>) semaphore(%arg16 : memref<!tpu.dma_semaphore, #tpu.memory_space<semaphore_mem>>)
    %mul3A_89 = arith.constant 80 : i32
    %mul3A_90 = arith.muli %arg1, %mul3A_89 : i32
    %add3A_91 = arith.constant 79 : i32
    %add3A_92 = arith.addi %mul3A_90, %add3A_91 : i32
    %dma_wait3A_93 = arith.constant 0 : i32
    %dma_wait3A_94 = arith.constant 0 : i32
    %dma_wait3A_95 = tpu.memref_slice %arg2[%dma_wait3A_93, %dma_wait3A_94] : memref<20000x128xf32, #tpu.memory_space<hbm>> -> memref<128x128xf32, #tpu.memory_space<hbm>>
    %dma_wait3A_96 = arith.constant 0 : i32
    %dma_wait3A_97 = arith.constant 0 : i32
    %dma_wait3A_98 = tpu.memref_slice %arg2[%dma_wait3A_96, %dma_wait3A_97] : memref<20000x128xf32, #tpu.memory_space<hbm>> -> memref<128x128xf32, #tpu.memory_space<hbm>>
    tpu.wait_dma2 semaphore(%arg20 : memref<!tpu.dma_semaphore, #tpu.memory_space<semaphore_mem>>) src(%dma_wait3A_98 : memref<128x128xf32, #tpu.memory_space<hbm>>) dst(%arg8 : memref<128x128xf32, #tpu.memory_space<vmem>>)
    %run_scoped3A_99 = arith.constant 0 : i32
    "tpu.region"() ({
      %run_scoped3A_207 = tpu.sem_alloc : memref<!tpu.dma_semaphore, #tpu.memory_space<semaphore_mem>>
      %dma_start3A_208 = arith.constant 0 : i32
      %dma_start3A_209 = tpu.memref_slice %arg3[%add3A_92, %run_scoped3A_99, %dma_start3A_208] : memref<1280x2x128xi32, #tpu.memory_space<hbm>> -> memref<1x1x128xi32, #tpu.memory_space<hbm>>
      %dma_start3A_210 = tpu.memref_squeeze %dma_start3A_209 : memref<1x1x128xi32, #tpu.memory_space<hbm>> -> memref<128xi32, #tpu.memory_space<hbm>>
      %dma_start3A_211 = arith.constant 0 : i32
      %dma_start3A_212 = tpu.memref_slice %arg3[%add3A_92, %run_scoped3A_99, %dma_start3A_211] : memref<1280x2x128xi32, #tpu.memory_space<hbm>> -> memref<1x1x128xi32, #tpu.memory_space<hbm>>
      %dma_start3A_213 = tpu.memref_squeeze %dma_start3A_212 : memref<1x1x128xi32, #tpu.memory_space<hbm>> -> memref<128xi32, #tpu.memory_space<hbm>>
      tpu.enqueue_dma source(%dma_start3A_213 : memref<128xi32, #tpu.memory_space<hbm>>) target(%arg11 : memref<128xi32, #tpu.memory_space<vmem>>) target_semaphore(%run_scoped3A_207 : memref<!tpu.dma_semaphore, #tpu.memory_space<semaphore_mem>>)
      %dma_wait3A_214 = arith.constant 0 : i32
      %dma_wait3A_215 = tpu.memref_slice %arg3[%add3A_92, %run_scoped3A_99, %dma_wait3A_214] : memref<1280x2x128xi32, #tpu.memory_space<hbm>> -> memref<1x1x128xi32, #tpu.memory_space<hbm>>
      %dma_wait3A_216 = tpu.memref_squeeze %dma_wait3A_215 : memref<1x1x128xi32, #tpu.memory_space<hbm>> -> memref<128xi32, #tpu.memory_space<hbm>>
      %dma_wait3A_217 = arith.constant 0 : i32
      %dma_wait3A_218 = tpu.memref_slice %arg3[%add3A_92, %run_scoped3A_99, %dma_wait3A_217] : memref<1280x2x128xi32, #tpu.memory_space<hbm>> -> memref<1x1x128xi32, #tpu.memory_space<hbm>>
      %dma_wait3A_219 = tpu.memref_squeeze %dma_wait3A_218 : memref<1x1x128xi32, #tpu.memory_space<hbm>> -> memref<128xi32, #tpu.memory_space<hbm>>
      tpu.wait_dma2 semaphore(%run_scoped3A_207 : memref<!tpu.dma_semaphore, #tpu.memory_space<semaphore_mem>>) src(%dma_wait3A_219 : memref<128xi32, #tpu.memory_space<hbm>>) dst(%arg11 : memref<128xi32, #tpu.memory_space<vmem>>)
      tpu.yield
    }) : () -> ()
    %run_scoped3A_100 = arith.constant 1 : i32
    "tpu.region"() ({
      %run_scoped3A_207 = tpu.sem_alloc : memref<!tpu.dma_semaphore, #tpu.memory_space<semaphore_mem>>
      %dma_start3A_208 = arith.constant 0 : i32
      %dma_start3A_209 = tpu.memref_slice %arg3[%add3A_92, %run_scoped3A_100, %dma_start3A_208] : memref<1280x2x128xi32, #tpu.memory_space<hbm>> -> memref<1x1x128xi32, #tpu.memory_space<hbm>>
      %dma_start3A_210 = tpu.memref_squeeze %dma_start3A_209 : memref<1x1x128xi32, #tpu.memory_space<hbm>> -> memref<128xi32, #tpu.memory_space<hbm>>
      %dma_start3A_211 = arith.constant 0 : i32
      %dma_start3A_212 = tpu.memref_slice %arg3[%add3A_92, %run_scoped3A_100, %dma_start3A_211] : memref<1280x2x128xi32, #tpu.memory_space<hbm>> -> memref<1x1x128xi32, #tpu.memory_space<hbm>>
      %dma_start3A_213 = tpu.memref_squeeze %dma_start3A_212 : memref<1x1x128xi32, #tpu.memory_space<hbm>> -> memref<128xi32, #tpu.memory_space<hbm>>
      tpu.enqueue_dma source(%dma_start3A_213 : memref<128xi32, #tpu.memory_space<hbm>>) target(%arg14 : memref<128xi32, #tpu.memory_space<vmem>>) target_semaphore(%run_scoped3A_207 : memref<!tpu.dma_semaphore, #tpu.memory_space<semaphore_mem>>)
      %dma_wait3A_214 = arith.constant 0 : i32
      %dma_wait3A_215 = tpu.memref_slice %arg3[%add3A_92, %run_scoped3A_100, %dma_wait3A_214] : memref<1280x2x128xi32, #tpu.memory_space<hbm>> -> memref<1x1x128xi32, #tpu.memory_space<hbm>>
      %dma_wait3A_216 = tpu.memref_squeeze %dma_wait3A_215 : memref<1x1x128xi32, #tpu.memory_space<hbm>> -> memref<128xi32, #tpu.memory_space<hbm>>
      %dma_wait3A_217 = arith.constant 0 : i32
      %dma_wait3A_218 = tpu.memref_slice %arg3[%add3A_92, %run_scoped3A_100, %dma_wait3A_217] : memref<1280x2x128xi32, #tpu.memory_space<hbm>> -> memref<1x1x128xi32, #tpu.memory_space<hbm>>
      %dma_wait3A_219 = tpu.memref_squeeze %dma_wait3A_218 : memref<1x1x128xi32, #tpu.memory_space<hbm>> -> memref<128xi32, #tpu.memory_space<hbm>>
      tpu.wait_dma2 semaphore(%run_scoped3A_207 : memref<!tpu.dma_semaphore, #tpu.memory_space<semaphore_mem>>) src(%dma_wait3A_219 : memref<128xi32, #tpu.memory_space<hbm>>) dst(%arg14 : memref<128xi32, #tpu.memory_space<vmem>>)
      tpu.yield
    }) : () -> ()
    %get3A_101 = arith.constant 0 : index
    %get3A_102 = tpu.vector_load %arg11[%get3A_101] {strides = array<i32>} : memref<128xi32, #tpu.memory_space<vmem>>, vector<16xi32>,
    %get3A_103 = vector.shape_cast %get3A_102 : vector<16xi32> to vector<16xi32>
    %add3A_104 = vector.broadcast %mul3A_2 : i32 to vector<16xi32>
    %add3A_105 = arith.addi %get3A_103, %add3A_104 : vector<16xi32>
    %swap3A_106 = arith.constant 0 : index
    %swap3A_107 = tpu.vector_load %arg11[%swap3A_106] {strides = array<i32>} : memref<128xi32, #tpu.memory_space<vmem>>, vector<16xi32>,
    %swap3A_108 = vector.shape_cast %swap3A_107 : vector<16xi32> to vector<16xi32>
    %swap3A_109 = vector.shape_cast %add3A_105 : vector<16xi32> to vector<16xi32>
    tpu.vector_store %arg11[%swap3A_106], %swap3A_109 {strides = array<i32>} : memref<128xi32, #tpu.memory_space<vmem>>, vector<16xi32>,
    %get3A_110 = arith.constant 16 : index
    %get3A_111 = tpu.vector_load %arg11[%get3A_110] {strides = array<i32>} : memref<128xi32, #tpu.memory_space<vmem>>, vector<16xi32>,
    %get3A_112 = vector.shape_cast %get3A_111 : vector<16xi32> to vector<16xi32>
    %add3A_113 = vector.broadcast %mul3A_2 : i32 to vector<16xi32>
    %add3A_114 = arith.addi %get3A_112, %add3A_113 : vector<16xi32>
    %swap3A_115 = arith.constant 16 : index
    %swap3A_116 = tpu.vector_load %arg11[%swap3A_115] {strides = array<i32>} : memref<128xi32, #tpu.memory_space<vmem>>, vector<16xi32>,
    %swap3A_117 = vector.shape_cast %swap3A_116 : vector<16xi32> to vector<16xi32>
    %swap3A_118 = vector.shape_cast %add3A_114 : vector<16xi32> to vector<16xi32>
    tpu.vector_store %arg11[%swap3A_115], %swap3A_118 {strides = array<i32>} : memref<128xi32, #tpu.memory_space<vmem>>, vector<16xi32>,
    %get3A_119 = arith.constant 32 : index
    %get3A_120 = tpu.vector_load %arg11[%get3A_119] {strides = array<i32>} : memref<128xi32, #tpu.memory_space<vmem>>, vector<16xi32>,
    %get3A_121 = vector.shape_cast %get3A_120 : vector<16xi32> to vector<16xi32>
    %add3A_122 = vector.broadcast %mul3A_2 : i32 to vector<16xi32>
    %add3A_123 = arith.addi %get3A_121, %add3A_122 : vector<16xi32>
    %swap3A_124 = arith.constant 32 : index
    %swap3A_125 = tpu.vector_load %arg11[%swap3A_124] {strides = array<i32>} : memref<128xi32, #tpu.memory_space<vmem>>, vector<16xi32>,
    %swap3A_126 = vector.shape_cast %swap3A_125 : vector<16xi32> to vector<16xi32>
    %swap3A_127 = vector.shape_cast %add3A_123 : vector<16xi32> to vector<16xi32>
    tpu.vector_store %arg11[%swap3A_124], %swap3A_127 {strides = array<i32>} : memref<128xi32, #tpu.memory_space<vmem>>, vector<16xi32>,
    %get3A_128 = arith.constant 48 : index
    %get3A_129 = tpu.vector_load %arg11[%get3A_128] {strides = array<i32>} : memref<128xi32, #tpu.memory_space<vmem>>, vector<16xi32>,
    %get3A_130 = vector.shape_cast %get3A_129 : vector<16xi32> to vector<16xi32>
    %add3A_131 = vector.broadcast %mul3A_2 : i32 to vector<16xi32>
    %add3A_132 = arith.addi %get3A_130, %add3A_131 : vector<16xi32>
    %swap3A_133 = arith.constant 48 : index
    %swap3A_134 = tpu.vector_load %arg11[%swap3A_133] {strides = array<i32>} : memref<128xi32, #tpu.memory_space<vmem>>, vector<16xi32>,
    %swap3A_135 = vector.shape_cast %swap3A_134 : vector<16xi32> to vector<16xi32>
    %swap3A_136 = vector.shape_cast %add3A_132 : vector<16xi32> to vector<16xi32>
    tpu.vector_store %arg11[%swap3A_133], %swap3A_136 {strides = array<i32>} : memref<128xi32, #tpu.memory_space<vmem>>, vector<16xi32>,
    %get3A_137 = arith.constant 64 : index
    %get3A_138 = tpu.vector_load %arg11[%get3A_137] {strides = array<i32>} : memref<128xi32, #tpu.memory_space<vmem>>, vector<16xi32>,
    %get3A_139 = vector.shape_cast %get3A_138 : vector<16xi32> to vector<16xi32>
    %add3A_140 = vector.broadcast %mul3A_2 : i32 to vector<16xi32>
    %add3A_141 = arith.addi %get3A_139, %add3A_140 : vector<16xi32>
    %swap3A_142 = arith.constant 64 : index
    %swap3A_143 = tpu.vector_load %arg11[%swap3A_142] {strides = array<i32>} : memref<128xi32, #tpu.memory_space<vmem>>, vector<16xi32>,
    %swap3A_144 = vector.shape_cast %swap3A_143 : vector<16xi32> to vector<16xi32>
    %swap3A_145 = vector.shape_cast %add3A_141 : vector<16xi32> to vector<16xi32>
    tpu.vector_store %arg11[%swap3A_142], %swap3A_145 {strides = array<i32>} : memref<128xi32, #tpu.memory_space<vmem>>, vector<16xi32>,
    %get3A_146 = arith.constant 80 : index
    %get3A_147 = tpu.vector_load %arg11[%get3A_146] {strides = array<i32>} : memref<128xi32, #tpu.memory_space<vmem>>, vector<16xi32>,
    %get3A_148 = vector.shape_cast %get3A_147 : vector<16xi32> to vector<16xi32>
    %add3A_149 = vector.broadcast %mul3A_2 : i32 to vector<16xi32>
    %add3A_150 = arith.addi %get3A_148, %add3A_149 : vector<16xi32>
    %swap3A_151 = arith.constant 80 : index
    %swap3A_152 = tpu.vector_load %arg11[%swap3A_151] {strides = array<i32>} : memref<128xi32, #tpu.memory_space<vmem>>, vector<16xi32>,
    %swap3A_153 = vector.shape_cast %swap3A_152 : vector<16xi32> to vector<16xi32>
    %swap3A_154 = vector.shape_cast %add3A_150 : vector<16xi32> to vector<16xi32>
    tpu.vector_store %arg11[%swap3A_151], %swap3A_154 {strides = array<i32>} : memref<128xi32, #tpu.memory_space<vmem>>, vector<16xi32>,
    %get3A_155 = arith.constant 96 : index
    %get3A_156 = tpu.vector_load %arg11[%get3A_155] {strides = array<i32>} : memref<128xi32, #tpu.memory_space<vmem>>, vector<16xi32>,
    %get3A_157 = vector.shape_cast %get3A_156 : vector<16xi32> to vector<16xi32>
    %add3A_158 = vector.broadcast %mul3A_2 : i32 to vector<16xi32>
    %add3A_159 = arith.addi %get3A_157, %add3A_158 : vector<16xi32>
    %swap3A_160 = arith.constant 96 : index
    %swap3A_161 = tpu.vector_load %arg11[%swap3A_160] {strides = array<i32>} : memref<128xi32, #tpu.memory_space<vmem>>, vector<16xi32>,
    %swap3A_162 = vector.shape_cast %swap3A_161 : vector<16xi32> to vector<16xi32>
    %swap3A_163 = vector.shape_cast %add3A_159 : vector<16xi32> to vector<16xi32>
    tpu.vector_store %arg11[%swap3A_160], %swap3A_163 {strides = array<i32>} : memref<128xi32, #tpu.memory_space<vmem>>, vector<16xi32>,
    %get3A_164 = arith.constant 112 : index
    %get3A_165 = tpu.vector_load %arg11[%get3A_164] {strides = array<i32>} : memref<128xi32, #tpu.memory_space<vmem>>, vector<16xi32>,
    %get3A_166 = vector.shape_cast %get3A_165 : vector<16xi32> to vector<16xi32>
    %add3A_167 = vector.broadcast %mul3A_2 : i32 to vector<16xi32>
    %add3A_168 = arith.addi %get3A_166, %add3A_167 : vector<16xi32>
    %swap3A_169 = arith.constant 112 : index
    %swap3A_170 = tpu.vector_load %arg11[%swap3A_169] {strides = array<i32>} : memref<128xi32, #tpu.memory_space<vmem>>, vector<16xi32>,
    %swap3A_171 = vector.shape_cast %swap3A_170 : vector<16xi32> to vector<16xi32>
    %swap3A_172 = vector.shape_cast %add3A_168 : vector<16xi32> to vector<16xi32>
    tpu.vector_store %arg11[%swap3A_169], %swap3A_172 {strides = array<i32>} : memref<128xi32, #tpu.memory_space<vmem>>, vector<16xi32>,
    %dma_start3A_173 = arith.constant 0 : i32
    %dma_start3A_174 = arith.constant 0 : i32
    %dma_start3A_175 = tpu.memref_slice %arg2[%dma_start3A_173, %dma_start3A_174] : memref<20000x128xf32, #tpu.memory_space<hbm>> -> memref<20000x128xf32, #tpu.memory_space<hbm>>
    tpu.enqueue_indirect_dma source(%dma_start3A_175 : memref<20000x128xf32, #tpu.memory_space<hbm>>) target(%arg8 : memref<128x128xf32, #tpu.memory_space<vmem>>) offsets(%arg11 : memref<128xi32, #tpu.memory_space<vmem>>) semaphore(%arg17 : memref<!tpu.dma_semaphore, #tpu.memory_space<semaphore_mem>>)
    %dma_wait3A_176 = arith.constant 0 : i32
    %dma_wait3A_177 = arith.constant 0 : i32
    %dma_wait3A_178 = tpu.memref_slice %arg2[%dma_wait3A_176, %dma_wait3A_177] : memref<20000x128xf32, #tpu.memory_space<hbm>> -> memref<20000x128xf32, #tpu.memory_space<hbm>>
    tpu.wait_indirect_dma semaphore(%arg16 : memref<!tpu.dma_semaphore, #tpu.memory_space<semaphore_mem>>) src(%dma_wait3A_178 : memref<20000x128xf32, #tpu.memory_space<hbm>>) dst(%arg7 : memref<128x128xf32, #tpu.memory_space<vmem>>)
    %dma_start3A_179 = arith.constant 0 : i32
    %dma_start3A_180 = arith.constant 0 : i32
    %dma_start3A_181 = tpu.memref_slice %arg6[%dma_start3A_179, %dma_start3A_180] : memref<10112x128xf32, #tpu.memory_space<vmem_shared>> -> memref<10112x128xf32, #tpu.memory_space<vmem_shared>>
    tpu.enqueue_indirect_dma source(%arg7 : memref<128x128xf32, #tpu.memory_space<vmem>>) target(%dma_start3A_181 : memref<10112x128xf32, #tpu.memory_space<vmem_shared>>) offsets(%arg13 : memref<128xi32, #tpu.memory_space<vmem>>) semaphore(%arg19 : memref<!tpu.dma_semaphore, #tpu.memory_space<semaphore_mem>>) {add = true}
    %dma_wait3A_182 = arith.constant 0 : i32
    %dma_wait3A_183 = arith.constant 0 : i32
    %dma_wait3A_184 = tpu.memref_slice %arg2[%dma_wait3A_182, %dma_wait3A_183] : memref<20000x128xf32, #tpu.memory_space<hbm>> -> memref<20000x128xf32, #tpu.memory_space<hbm>>
    tpu.wait_indirect_dma semaphore(%arg17 : memref<!tpu.dma_semaphore, #tpu.memory_space<semaphore_mem>>) src(%dma_wait3A_184 : memref<20000x128xf32, #tpu.memory_space<hbm>>) dst(%arg8 : memref<128x128xf32, #tpu.memory_space<vmem>>)
    %dma_start3A_185 = arith.constant 0 : i32
    %dma_start3A_186 = arith.constant 0 : i32
    %dma_start3A_187 = tpu.memref_slice %arg6[%dma_start3A_185, %dma_start3A_186] : memref<10112x128xf32, #tpu.memory_space<vmem_shared>> -> memref<10112x128xf32, #tpu.memory_space<vmem_shared>>
    tpu.enqueue_indirect_dma source(%arg8 : memref<128x128xf32, #tpu.memory_space<vmem>>) target(%dma_start3A_187 : memref<10112x128xf32, #tpu.memory_space<vmem_shared>>) offsets(%arg14 : memref<128xi32, #tpu.memory_space<vmem>>) semaphore(%arg20 : memref<!tpu.dma_semaphore, #tpu.memory_space<semaphore_mem>>) {add = true}
    %dma_wait3A_188 = arith.constant 0 : i32
    %dma_wait3A_189 = arith.constant 0 : i32
    %dma_wait3A_190 = tpu.memref_slice %arg2[%dma_wait3A_188, %dma_wait3A_189] : memref<20000x128xf32, #tpu.memory_space<hbm>> -> memref<128x128xf32, #tpu.memory_space<hbm>>
    %dma_wait3A_191 = arith.constant 0 : i32
    %dma_wait3A_192 = arith.constant 0 : i32
    %dma_wait3A_193 = tpu.memref_slice %arg2[%dma_wait3A_191, %dma_wait3A_192] : memref<20000x128xf32, #tpu.memory_space<hbm>> -> memref<128x128xf32, #tpu.memory_space<hbm>>
    tpu.wait_dma2 semaphore(%arg19 : memref<!tpu.dma_semaphore, #tpu.memory_space<semaphore_mem>>) src(%dma_wait3A_193 : memref<128x128xf32, #tpu.memory_space<hbm>>) dst(%arg7 : memref<128x128xf32, #tpu.memory_space<vmem>>)
    %dma_wait3A_194 = arith.constant 0 : i32
    %dma_wait3A_195 = arith.constant 0 : i32
    %dma_wait3A_196 = tpu.memref_slice %arg2[%dma_wait3A_194, %dma_wait3A_195] : memref<20000x128xf32, #tpu.memory_space<hbm>> -> memref<128x128xf32, #tpu.memory_space<hbm>>
    %dma_wait3A_197 = arith.constant 0 : i32
    %dma_wait3A_198 = arith.constant 0 : i32
    %dma_wait3A_199 = tpu.memref_slice %arg2[%dma_wait3A_197, %dma_wait3A_198] : memref<20000x128xf32, #tpu.memory_space<hbm>> -> memref<128x128xf32, #tpu.memory_space<hbm>>
    tpu.wait_dma2 semaphore(%arg20 : memref<!tpu.dma_semaphore, #tpu.memory_space<semaphore_mem>>) src(%dma_wait3A_199 : memref<128x128xf32, #tpu.memory_space<hbm>>) dst(%arg8 : memref<128x128xf32, #tpu.memory_space<vmem>>)
    %dma_wait3A_200 = arith.constant 0 : i32
    %dma_wait3A_201 = arith.constant 0 : i32
    %dma_wait3A_202 = tpu.memref_slice %arg2[%dma_wait3A_200, %dma_wait3A_201] : memref<20000x128xf32, #tpu.memory_space<hbm>> -> memref<128x128xf32, #tpu.memory_space<hbm>>
    %dma_wait3A_203 = arith.constant 0 : i32
    %dma_wait3A_204 = arith.constant 0 : i32
    %dma_wait3A_205 = tpu.memref_slice %arg2[%dma_wait3A_203, %dma_wait3A_204] : memref<20000x128xf32, #tpu.memory_space<hbm>> -> memref<128x128xf32, #tpu.memory_space<hbm>>
    tpu.wait_dma2 semaphore(%arg21 : memref<!tpu.dma_semaphore, #tpu.memory_space<semaphore_mem>>) src(%dma_wait3A_205 : memref<128x128xf32, #tpu.memory_space<hbm>>) dst(%arg9 : memref<128x128xf32, #tpu.memory_space<vmem>>)
    %barrier3A_206 = arith.constant 0 : index
    tpu.barrier barrier_id(%barrier3A_206)
    "tpu.region"() ({
      %run_scoped3A_207 = tpu.sem_alloc : memref<!tpu.dma_semaphore, #tpu.memory_space<semaphore_mem>>
      %dma_start3A_208 = arith.constant 0 : i32
      %dma_start3A_209 = tpu.memref_slice %arg5[%arg0, %mul3A_0, %dma_start3A_208] : memref<2x10112x128xf32, #tpu.memory_space<hbm>> -> memref<1x632x128xf32, #tpu.memory_space<hbm>>
      %dma_start3A_210 = tpu.memref_squeeze %dma_start3A_209 : memref<1x632x128xf32, #tpu.memory_space<hbm>> -> memref<632x128xf32, #tpu.memory_space<hbm>>
      %dma_start3A_211 = arith.constant 0 : i32
      %dma_start3A_212 = tpu.memref_slice %arg6[%mul3A_0, %dma_start3A_211] : memref<10112x128xf32, #tpu.memory_space<vmem_shared>> -> memref<632x128xf32, #tpu.memory_space<vmem_shared>>
      tpu.enqueue_dma source(%dma_start3A_212 : memref<632x128xf32, #tpu.memory_space<vmem_shared>>) target(%dma_start3A_210 : memref<632x128xf32, #tpu.memory_space<hbm>>) target_semaphore(%run_scoped3A_207 : memref<!tpu.dma_semaphore, #tpu.memory_space<semaphore_mem>>)
      %dma_wait3A_213 = arith.constant 0 : i32
      %dma_wait3A_214 = tpu.memref_slice %arg5[%arg0, %mul3A_0, %dma_wait3A_213] : memref<2x10112x128xf32, #tpu.memory_space<hbm>> -> memref<1x632x128xf32, #tpu.memory_space<hbm>>
      %dma_wait3A_215 = tpu.memref_squeeze %dma_wait3A_214 : memref<1x632x128xf32, #tpu.memory_space<hbm>> -> memref<632x128xf32, #tpu.memory_space<hbm>>
      %dma_wait3A_216 = arith.constant 0 : i32
      %dma_wait3A_217 = tpu.memref_slice %arg6[%mul3A_0, %dma_wait3A_216] : memref<10112x128xf32, #tpu.memory_space<vmem_shared>> -> memref<632x128xf32, #tpu.memory_space<vmem_shared>>
      tpu.wait_dma2 semaphore(%run_scoped3A_207 : memref<!tpu.dma_semaphore, #tpu.memory_space<semaphore_mem>>) src(%dma_wait3A_217 : memref<632x128xf32, #tpu.memory_space<vmem_shared>>) dst(%dma_wait3A_215 : memref<632x128xf32, #tpu.memory_space<hbm>>)
      tpu.yield
    }) : () -> ()
    return
  }
}

#map = affine_map<(d0, d1) -> (0, 0)>
#map1 = affine_map<(d0, d1) -> (0, 0, 0)>
module attributes {stable_mosaic.version = 14 : i64} {
  func.func @_spmm_body(%arg0: i32, %arg1: i32, %arg2: memref<20000x128xf32, #tpu.memory_space<hbm>>, %arg3: memref<1280x2x128xi32, #tpu.memory_space<hbm>>, %arg4: memref<10112x128xf32, #tpu.memory_space<hbm>>, %arg5: memref<2x10112x128xf32, #tpu.memory_space<hbm>>, %arg6: memref<10112x128xf32, #tpu.memory_space<vmem_shared>>, %arg7: memref<128x128xf32, #tpu.memory_space<vmem>>, %arg8: memref<128x128xf32, #tpu.memory_space<vmem>>, %arg9: memref<128x128xf32, #tpu.memory_space<vmem>>, %arg10: memref<128xi32, #tpu.memory_space<vmem>>, %arg11: memref<128xi32, #tpu.memory_space<vmem>>, %arg12: memref<128xi32, #tpu.memory_space<vmem>>, %arg13: memref<128xi32, #tpu.memory_space<vmem>>, %arg14: memref<128xi32, #tpu.memory_space<vmem>>, %arg15: memref<128xi32, #tpu.memory_space<vmem>>, %arg16: memref<!tpu.dma_semaphore, #tpu.memory_space<semaphore_mem>>, %arg17: memref<!tpu.dma_semaphore, #tpu.memory_space<semaphore_mem>>, %arg18: memref<!tpu.dma_semaphore, #tpu.memory_space<semaphore_mem>>, %arg19: memref<!tpu.dma_semaphore, #tpu.memory_space<semaphore_mem>>, %arg20: memref<!tpu.dma_semaphore, #tpu.memory_space<semaphore_mem>>, %arg21: memref<!tpu.dma_semaphore, #tpu.memory_space<semaphore_mem>>) attributes {dimension_semantics = [#tpu.dimension_semantics<core_parallel>, #tpu.dimension_semantics<subcore_parallel>], iteration_bounds = array<i64: 2, 16>, scalar_prefetch = 0 : i64, scratch_operands = 16 : i64, tpu.core_type = #tpu.core_type<sc_vector_subcore>, window_params = [{transform_indices = #map}, {transform_indices = #map1}, {transform_indices = #map}, {transform_indices = #map1}]} {
    %mul3A = arith.constant 632 : i32
    %mul3A_0 = arith.muli %arg1, %mul3A : i32
    "tpu.region"() ({
      %run_scoped3A_207 = tpu.sem_alloc : memref<!tpu.dma_semaphore, #tpu.memory_space<semaphore_mem>>
      %dma_start3A_208 = arith.constant 0 : i32
      %dma_start3A_209 = tpu.memref_slice %arg6[%mul3A_0, %dma_start3A_208] : memref<10112x128xf32, #tpu.memory_space<vmem_shared>> -> memref<632x128xf32, #tpu.memory_space<vmem_shared>>
      %dma_start3A_210 = arith.constant 0 : i32
      %dma_start3A_211 = tpu.memref_slice %arg4[%mul3A_0, %dma_start3A_210] : memref<10112x128xf32, #tpu.memory_space<hbm>> -> memref<632x128xf32, #tpu.memory_space<hbm>>
      tpu.enqueue_dma source(%dma_start3A_211 : memref<632x128xf32, #tpu.memory_space<hbm>>) target(%dma_start3A_209 : memref<632x128xf32, #tpu.memory_space<vmem_shared>>) target_semaphore(%run_scoped3A_207 : memref<!tpu.dma_semaphore, #tpu.memory_space<semaphore_mem>>)
      %dma_wait3A_212 = arith.constant 0 : i32
      %dma_wait3A_213 = tpu.memref_slice %arg6[%mul3A_0, %dma_wait3A_212] : memref<10112x128xf32, #tpu.memory_space<vmem_shared>> -> memref<632x128xf32, #tpu.memory_space<vmem_shared>>
      %dma_wait3A_214 = arith.constant 0 : i32
      %dma_wait3A_215 = tpu.memref_slice %arg4[%mul3A_0, %dma_wait3A_214] : memref<10112x128xf32, #tpu.memory_space<hbm>> -> memref<632x128xf32, #tpu.memory_space<hbm>>
      tpu.wait_dma2 semaphore(%run_scoped3A_207 : memref<!tpu.dma_semaphore, #tpu.memory_space<semaphore_mem>>) src(%dma_wait3A_215 : memref<632x128xf32, #tpu.memory_space<hbm>>) dst(%dma_wait3A_213 : memref<632x128xf32, #tpu.memory_space<vmem_shared>>)
      tpu.yield
    }) : () -> ()
    %barrier3A = arith.constant 0 : index
    tpu.barrier barrier_id(%barrier3A)
    %mul3A_1 = arith.constant 10000 : i32
    %mul3A_2 = arith.muli %arg0, %mul3A_1 : i32
    %scan3A = arith.constant 0 : i32
    %scan3A_3 = arith.constant 0 : i32
    %scan3A_4 = arith.constant 26 : i32
    %scan3A_5 = arith.addi %scan3A_3, %scan3A_4 : i32
    %scan3A_6 = arith.constant 1 : i32
    scf.for %scan3A_207 = %scan3A_3 to %scan3A_5 step %scan3A_6  : i32 {
      %mul3A_208 = arith.constant 80 : i32
      %mul3A_209 = arith.muli %arg1, %mul3A_208 : i32
      %mul3A_210 = arith.constant 3 : i32
      %mul3A_211 = arith.muli %mul3A_210, %scan3A_207 : i32
      %add3A_212 = arith.addi %mul3A_209, %mul3A_211 : i32
      %gt3A = arith.constant 0 : i32
      %gt3A_213 = arith.cmpi sgt, %scan3A_207, %gt3A : i32
      %convert_element_type3A = arith.extui %gt3A_213 : i1 to i32
      %cond3A = arith.constant 0 : i32
      %cond3A_214 = arith.cmpi ne, %convert_element_type3A, %cond3A : i32
      scf.if %cond3A_214 {
        %dma_wait3A_478 = arith.constant 0 : i32
        %dma_wait3A_479 = arith.constant 0 : i32
        %dma_wait3A_480 = tpu.memref_slice %arg2[%dma_wait3A_478, %dma_wait3A_479] : memref<20000x128xf32, #tpu.memory_space<hbm>> -> memref<128x128xf32, #tpu.memory_space<hbm>>
        %dma_wait3A_481 = arith.constant 0 : i32
        %dma_wait3A_482 = arith.constant 0 : i32
        %dma_wait3A_483 = tpu.memref_slice %arg2[%dma_wait3A_481, %dma_wait3A_482] : memref<20000x128xf32, #tpu.memory_space<hbm>> -> memref<128x128xf32, #tpu.memory_space<hbm>>
        tpu.wait_dma2 semaphore(%arg19 : memref<!tpu.dma_semaphore, #tpu.memory_space<semaphore_mem>>) src(%dma_wait3A_483 : memref<128x128xf32, #tpu.memory_space<hbm>>) dst(%arg7 : memref<128x128xf32, #tpu.memory_space<vmem>>)
      } else {
      }
      %run_scoped3A_215 = arith.constant 0 : i32
      "tpu.region"() ({
        %run_scoped3A_478 = tpu.sem_alloc : memref<!tpu.dma_semaphore, #tpu.memory_space<semaphore_mem>>
        %dma_start3A_479 = arith.constant 0 : i32
        %dma_start3A_480 = tpu.memref_slice %arg3[%add3A_212, %run_scoped3A_215, %dma_start3A_479] : memref<1280x2x128xi32, #tpu.memory_space<hbm>> -> memref<1x1x128xi32, #tpu.memory_space<hbm>>
        %dma_start3A_481 = tpu.memref_squeeze %dma_start3A_480 : memref<1x1x128xi32, #tpu.memory_space<hbm>> -> memref<128xi32, #tpu.memory_space<hbm>>
        %dma_start3A_482 = arith.constant 0 : i32
        %dma_start3A_483 = tpu.memref_slice %arg3[%add3A_212, %run_scoped3A_215, %dma_start3A_482] : memref<1280x2x128xi32, #tpu.memory_space<hbm>> -> memref<1x1x128xi32, #tpu.memory_space<hbm>>
        %dma_start3A_484 = tpu.memref_squeeze %dma_start3A_483 : memref<1x1x128xi32, #tpu.memory_space<hbm>> -> memref<128xi32, #tpu.memory_space<hbm>>
        tpu.enqueue_dma source(%dma_start3A_484 : memref<128xi32, #tpu.memory_space<hbm>>) target(%arg10 : memref<128xi32, #tpu.memory_space<vmem>>) target_semaphore(%run_scoped3A_478 : memref<!tpu.dma_semaphore, #tpu.memory_space<semaphore_mem>>)
        %dma_wait3A_485 = arith.constant 0 : i32
        %dma_wait3A_486 = tpu.memref_slice %arg3[%add3A_212, %run_scoped3A_215, %dma_wait3A_485] : memref<1280x2x128xi32, #tpu.memory_space<hbm>> -> memref<1x1x128xi32, #tpu.memory_space<hbm>>
        %dma_wait3A_487 = tpu.memref_squeeze %dma_wait3A_486 : memref<1x1x128xi32, #tpu.memory_space<hbm>> -> memref<128xi32, #tpu.memory_space<hbm>>
        %dma_wait3A_488 = arith.constant 0 : i32
        %dma_wait3A_489 = tpu.memref_slice %arg3[%add3A_212, %run_scoped3A_215, %dma_wait3A_488] : memref<1280x2x128xi32, #tpu.memory_space<hbm>> -> memref<1x1x128xi32, #tpu.memory_space<hbm>>
        %dma_wait3A_490 = tpu.memref_squeeze %dma_wait3A_489 : memref<1x1x128xi32, #tpu.memory_space<hbm>> -> memref<128xi32, #tpu.memory_space<hbm>>
        tpu.wait_dma2 semaphore(%run_scoped3A_478 : memref<!tpu.dma_semaphore, #tpu.memory_space<semaphore_mem>>) src(%dma_wait3A_490 : memref<128xi32, #tpu.memory_space<hbm>>) dst(%arg10 : memref<128xi32, #tpu.memory_space<vmem>>)
        tpu.yield
      }) : () -> ()
      %run_scoped3A_216 = arith.constant 1 : i32
      "tpu.region"() ({
        %run_scoped3A_478 = tpu.sem_alloc : memref<!tpu.dma_semaphore, #tpu.memory_space<semaphore_mem>>
        %dma_start3A_479 = arith.constant 0 : i32
        %dma_start3A_480 = tpu.memref_slice %arg3[%add3A_212, %run_scoped3A_216, %dma_start3A_479] : memref<1280x2x128xi32, #tpu.memory_space<hbm>> -> memref<1x1x128xi32, #tpu.memory_space<hbm>>
        %dma_start3A_481 = tpu.memref_squeeze %dma_start3A_480 : memref<1x1x128xi32, #tpu.memory_space<hbm>> -> memref<128xi32, #tpu.memory_space<hbm>>
        %dma_start3A_482 = arith.constant 0 : i32
        %dma_start3A_483 = tpu.memref_slice %arg3[%add3A_212, %run_scoped3A_216, %dma_start3A_482] : memref<1280x2x128xi32, #tpu.memory_space<hbm>> -> memref<1x1x128xi32, #tpu.memory_space<hbm>>
        %dma_start3A_484 = tpu.memref_squeeze %dma_start3A_483 : memref<1x1x128xi32, #tpu.memory_space<hbm>> -> memref<128xi32, #tpu.memory_space<hbm>>
        tpu.enqueue_dma source(%dma_start3A_484 : memref<128xi32, #tpu.memory_space<hbm>>) target(%arg13 : memref<128xi32, #tpu.memory_space<vmem>>) target_semaphore(%run_scoped3A_478 : memref<!tpu.dma_semaphore, #tpu.memory_space<semaphore_mem>>)
        %dma_wait3A_485 = arith.constant 0 : i32
        %dma_wait3A_486 = tpu.memref_slice %arg3[%add3A_212, %run_scoped3A_216, %dma_wait3A_485] : memref<1280x2x128xi32, #tpu.memory_space<hbm>> -> memref<1x1x128xi32, #tpu.memory_space<hbm>>
        %dma_wait3A_487 = tpu.memref_squeeze %dma_wait3A_486 : memref<1x1x128xi32, #tpu.memory_space<hbm>> -> memref<128xi32, #tpu.memory_space<hbm>>
        %dma_wait3A_488 = arith.constant 0 : i32
        %dma_wait3A_489 = tpu.memref_slice %arg3[%add3A_212, %run_scoped3A_216, %dma_wait3A_488] : memref<1280x2x128xi32, #tpu.memory_space<hbm>> -> memref<1x1x128xi32, #tpu.memory_space<hbm>>
        %dma_wait3A_490 = tpu.memref_squeeze %dma_wait3A_489 : memref<1x1x128xi32, #tpu.memory_space<hbm>> -> memref<128xi32, #tpu.memory_space<hbm>>
        tpu.wait_dma2 semaphore(%run_scoped3A_478 : memref<!tpu.dma_semaphore, #tpu.memory_space<semaphore_mem>>) src(%dma_wait3A_490 : memref<128xi32, #tpu.memory_space<hbm>>) dst(%arg13 : memref<128xi32, #tpu.memory_space<vmem>>)
        tpu.yield
      }) : () -> ()
      %get3A_217 = arith.constant 0 : index
      %get3A_218 = tpu.vector_load %arg10[%get3A_217] {strides = array<i32>} : memref<128xi32, #tpu.memory_space<vmem>>, vector<16xi32>,
      %get3A_219 = vector.shape_cast %get3A_218 : vector<16xi32> to vector<16xi32>
      %add3A_220 = vector.broadcast %mul3A_2 : i32 to vector<16xi32>
      %add3A_221 = arith.addi %get3A_219, %add3A_220 : vector<16xi32>
      %swap3A_222 = arith.constant 0 : index
      %swap3A_223 = tpu.vector_load %arg10[%swap3A_222] {strides = array<i32>} : memref<128xi32, #tpu.memory_space<vmem>>, vector<16xi32>,
      %swap3A_224 = vector.shape_cast %swap3A_223 : vector<16xi32> to vector<16xi32>
      %swap3A_225 = vector.shape_cast %add3A_221 : vector<16xi32> to vector<16xi32>
      tpu.vector_store %arg10[%swap3A_222], %swap3A_225 {strides = array<i32>} : memref<128xi32, #tpu.memory_space<vmem>>, vector<16xi32>,
      %get3A_226 = arith.constant 16 : index
      %get3A_227 = tpu.vector_load %arg10[%get3A_226] {strides = array<i32>} : memref<128xi32, #tpu.memory_space<vmem>>, vector<16xi32>,
      %get3A_228 = vector.shape_cast %get3A_227 : vector<16xi32> to vector<16xi32>
      %add3A_229 = vector.broadcast %mul3A_2 : i32 to vector<16xi32>
      %add3A_230 = arith.addi %get3A_228, %add3A_229 : vector<16xi32>
      %swap3A_231 = arith.constant 16 : index
      %swap3A_232 = tpu.vector_load %arg10[%swap3A_231] {strides = array<i32>} : memref<128xi32, #tpu.memory_space<vmem>>, vector<16xi32>,
      %swap3A_233 = vector.shape_cast %swap3A_232 : vector<16xi32> to vector<16xi32>
      %swap3A_234 = vector.shape_cast %add3A_230 : vector<16xi32> to vector<16xi32>
      tpu.vector_store %arg10[%swap3A_231], %swap3A_234 {strides = array<i32>} : memref<128xi32, #tpu.memory_space<vmem>>, vector<16xi32>,
      %get3A_235 = arith.constant 32 : index
      %get3A_236 = tpu.vector_load %arg10[%get3A_235] {strides = array<i32>} : memref<128xi32, #tpu.memory_space<vmem>>, vector<16xi32>,
      %get3A_237 = vector.shape_cast %get3A_236 : vector<16xi32> to vector<16xi32>
      %add3A_238 = vector.broadcast %mul3A_2 : i32 to vector<16xi32>
      %add3A_239 = arith.addi %get3A_237, %add3A_238 : vector<16xi32>
      %swap3A_240 = arith.constant 32 : index
      %swap3A_241 = tpu.vector_load %arg10[%swap3A_240] {strides = array<i32>} : memref<128xi32, #tpu.memory_space<vmem>>, vector<16xi32>,
      %swap3A_242 = vector.shape_cast %swap3A_241 : vector<16xi32> to vector<16xi32>
      %swap3A_243 = vector.shape_cast %add3A_239 : vector<16xi32> to vector<16xi32>
      tpu.vector_store %arg10[%swap3A_240], %swap3A_243 {strides = array<i32>} : memref<128xi32, #tpu.memory_space<vmem>>, vector<16xi32>,
      %get3A_244 = arith.constant 48 : index
      %get3A_245 = tpu.vector_load %arg10[%get3A_244] {strides = array<i32>} : memref<128xi32, #tpu.memory_space<vmem>>, vector<16xi32>,
      %get3A_246 = vector.shape_cast %get3A_245 : vector<16xi32> to vector<16xi32>
      %add3A_247 = vector.broadcast %mul3A_2 : i32 to vector<16xi32>
      %add3A_248 = arith.addi %get3A_246, %add3A_247 : vector<16xi32>
      %swap3A_249 = arith.constant 48 : index
      %swap3A_250 = tpu.vector_load %arg10[%swap3A_249] {strides = array<i32>} : memref<128xi32, #tpu.memory_space<vmem>>, vector<16xi32>,
      %swap3A_251 = vector.shape_cast %swap3A_250 : vector<16xi32> to vector<16xi32>
      %swap3A_252 = vector.shape_cast %add3A_248 : vector<16xi32> to vector<16xi32>
      tpu.vector_store %arg10[%swap3A_249], %swap3A_252 {strides = array<i32>} : memref<128xi32, #tpu.memory_space<vmem>>, vector<16xi32>,
      %get3A_253 = arith.constant 64 : index
      %get3A_254 = tpu.vector_load %arg10[%get3A_253] {strides = array<i32>} : memref<128xi32, #tpu.memory_space<vmem>>, vector<16xi32>,
      %get3A_255 = vector.shape_cast %get3A_254 : vector<16xi32> to vector<16xi32>
      %add3A_256 = vector.broadcast %mul3A_2 : i32 to vector<16xi32>
      %add3A_257 = arith.addi %get3A_255, %add3A_256 : vector<16xi32>
      %swap3A_258 = arith.constant 64 : index
      %swap3A_259 = tpu.vector_load %arg10[%swap3A_258] {strides = array<i32>} : memref<128xi32, #tpu.memory_space<vmem>>, vector<16xi32>,
      %swap3A_260 = vector.shape_cast %swap3A_259 : vector<16xi32> to vector<16xi32>
      %swap3A_261 = vector.shape_cast %add3A_257 : vector<16xi32> to vector<16xi32>
      tpu.vector_store %arg10[%swap3A_258], %swap3A_261 {strides = array<i32>} : memref<128xi32, #tpu.memory_space<vmem>>, vector<16xi32>,
      %get3A_262 = arith.constant 80 : index
      %get3A_263 = tpu.vector_load %arg10[%get3A_262] {strides = array<i32>} : memref<128xi32, #tpu.memory_space<vmem>>, vector<16xi32>,
      %get3A_264 = vector.shape_cast %get3A_263 : vector<16xi32> to vector<16xi32>
      %add3A_265 = vector.broadcast %mul3A_2 : i32 to vector<16xi32>
      %add3A_266 = arith.addi %get3A_264, %add3A_265 : vector<16xi32>
      %swap3A_267 = arith.constant 80 : index
      %swap3A_268 = tpu.vector_load %arg10[%swap3A_267] {strides = array<i32>} : memref<128xi32, #tpu.memory_space<vmem>>, vector<16xi32>,
      %swap3A_269 = vector.shape_cast %swap3A_268 : vector<16xi32> to vector<16xi32>
      %swap3A_270 = vector.shape_cast %add3A_266 : vector<16xi32> to vector<16xi32>
      tpu.vector_store %arg10[%swap3A_267], %swap3A_270 {strides = array<i32>} : memref<128xi32, #tpu.memory_space<vmem>>, vector<16xi32>,
      %get3A_271 = arith.constant 96 : index
      %get3A_272 = tpu.vector_load %arg10[%get3A_271] {strides = array<i32>} : memref<128xi32, #tpu.memory_space<vmem>>, vector<16xi32>,
      %get3A_273 = vector.shape_cast %get3A_272 : vector<16xi32> to vector<16xi32>
      %add3A_274 = vector.broadcast %mul3A_2 : i32 to vector<16xi32>
      %add3A_275 = arith.addi %get3A_273, %add3A_274 : vector<16xi32>
      %swap3A_276 = arith.constant 96 : index
      %swap3A_277 = tpu.vector_load %arg10[%swap3A_276] {strides = array<i32>} : memref<128xi32, #tpu.memory_space<vmem>>, vector<16xi32>,
      %swap3A_278 = vector.shape_cast %swap3A_277 : vector<16xi32> to vector<16xi32>
      %swap3A_279 = vector.shape_cast %add3A_275 : vector<16xi32> to vector<16xi32>
      tpu.vector_store %arg10[%swap3A_276], %swap3A_279 {strides = array<i32>} : memref<128xi32, #tpu.memory_space<vmem>>, vector<16xi32>,
      %get3A_280 = arith.constant 112 : index
      %get3A_281 = tpu.vector_load %arg10[%get3A_280] {strides = array<i32>} : memref<128xi32, #tpu.memory_space<vmem>>, vector<16xi32>,
      %get3A_282 = vector.shape_cast %get3A_281 : vector<16xi32> to vector<16xi32>
      %add3A_283 = vector.broadcast %mul3A_2 : i32 to vector<16xi32>
      %add3A_284 = arith.addi %get3A_282, %add3A_283 : vector<16xi32>
      %swap3A_285 = arith.constant 112 : index
      %swap3A_286 = tpu.vector_load %arg10[%swap3A_285] {strides = array<i32>} : memref<128xi32, #tpu.memory_space<vmem>>, vector<16xi32>,
      %swap3A_287 = vector.shape_cast %swap3A_286 : vector<16xi32> to vector<16xi32>
      %swap3A_288 = vector.shape_cast %add3A_284 : vector<16xi32> to vector<16xi32>
      tpu.vector_store %arg10[%swap3A_285], %swap3A_288 {strides = array<i32>} : memref<128xi32, #tpu.memory_space<vmem>>, vector<16xi32>,
      %dma_start3A_289 = arith.constant 0 : i32
      %dma_start3A_290 = arith.constant 0 : i32
      %dma_start3A_291 = tpu.memref_slice %arg2[%dma_start3A_289, %dma_start3A_290] : memref<20000x128xf32, #tpu.memory_space<hbm>> -> memref<20000x128xf32, #tpu.memory_space<hbm>>
      tpu.enqueue_indirect_dma source(%dma_start3A_291 : memref<20000x128xf32, #tpu.memory_space<hbm>>) target(%arg7 : memref<128x128xf32, #tpu.memory_space<vmem>>) offsets(%arg10 : memref<128xi32, #tpu.memory_space<vmem>>) semaphore(%arg16 : memref<!tpu.dma_semaphore, #tpu.memory_space<semaphore_mem>>)
      %add3A_292 = arith.constant 1 : i32
      %add3A_293 = arith.addi %add3A_212, %add3A_292 : i32
      %gt3A_294 = arith.constant 0 : i32
      %gt3A_295 = arith.cmpi sgt, %scan3A_207, %gt3A_294 : i32
      %convert_element_type3A_296 = arith.extui %gt3A_295 : i1 to i32
      %cond3A_297 = arith.constant 0 : i32
      %cond3A_298 = arith.cmpi ne, %convert_element_type3A_296, %cond3A_297 : i32
      scf.if %cond3A_298 {
        %dma_wait3A_478 = arith.constant 0 : i32
        %dma_wait3A_479 = arith.constant 0 : i32
        %dma_wait3A_480 = tpu.memref_slice %arg2[%dma_wait3A_478, %dma_wait3A_479] : memref<20000x128xf32, #tpu.memory_space<hbm>> -> memref<128x128xf32, #tpu.memory_space<hbm>>
        %dma_wait3A_481 = arith.constant 0 : i32
        %dma_wait3A_482 = arith.constant 0 : i32
        %dma_wait3A_483 = tpu.memref_slice %arg2[%dma_wait3A_481, %dma_wait3A_482] : memref<20000x128xf32, #tpu.memory_space<hbm>> -> memref<128x128xf32, #tpu.memory_space<hbm>>
        tpu.wait_dma2 semaphore(%arg20 : memref<!tpu.dma_semaphore, #tpu.memory_space<semaphore_mem>>) src(%dma_wait3A_483 : memref<128x128xf32, #tpu.memory_space<hbm>>) dst(%arg8 : memref<128x128xf32, #tpu.memory_space<vmem>>)
      } else {
      }
      %run_scoped3A_299 = arith.constant 0 : i32
      "tpu.region"() ({
        %run_scoped3A_478 = tpu.sem_alloc : memref<!tpu.dma_semaphore, #tpu.memory_space<semaphore_mem>>
        %dma_start3A_479 = arith.constant 0 : i32
        %dma_start3A_480 = tpu.memref_slice %arg3[%add3A_293, %run_scoped3A_299, %dma_start3A_479] : memref<1280x2x128xi32, #tpu.memory_space<hbm>> -> memref<1x1x128xi32, #tpu.memory_space<hbm>>
        %dma_start3A_481 = tpu.memref_squeeze %dma_start3A_480 : memref<1x1x128xi32, #tpu.memory_space<hbm>> -> memref<128xi32, #tpu.memory_space<hbm>>
        %dma_start3A_482 = arith.constant 0 : i32
        %dma_start3A_483 = tpu.memref_slice %arg3[%add3A_293, %run_scoped3A_299, %dma_start3A_482] : memref<1280x2x128xi32, #tpu.memory_space<hbm>> -> memref<1x1x128xi32, #tpu.memory_space<hbm>>
        %dma_start3A_484 = tpu.memref_squeeze %dma_start3A_483 : memref<1x1x128xi32, #tpu.memory_space<hbm>> -> memref<128xi32, #tpu.memory_space<hbm>>
        tpu.enqueue_dma source(%dma_start3A_484 : memref<128xi32, #tpu.memory_space<hbm>>) target(%arg11 : memref<128xi32, #tpu.memory_space<vmem>>) target_semaphore(%run_scoped3A_478 : memref<!tpu.dma_semaphore, #tpu.memory_space<semaphore_mem>>)
        %dma_wait3A_485 = arith.constant 0 : i32
        %dma_wait3A_486 = tpu.memref_slice %arg3[%add3A_293, %run_scoped3A_299, %dma_wait3A_485] : memref<1280x2x128xi32, #tpu.memory_space<hbm>> -> memref<1x1x128xi32, #tpu.memory_space<hbm>>
        %dma_wait3A_487 = tpu.memref_squeeze %dma_wait3A_486 : memref<1x1x128xi32, #tpu.memory_space<hbm>> -> memref<128xi32, #tpu.memory_space<hbm>>
        %dma_wait3A_488 = arith.constant 0 : i32
        %dma_wait3A_489 = tpu.memref_slice %arg3[%add3A_293, %run_scoped3A_299, %dma_wait3A_488] : memref<1280x2x128xi32, #tpu.memory_space<hbm>> -> memref<1x1x128xi32, #tpu.memory_space<hbm>>
        %dma_wait3A_490 = tpu.memref_squeeze %dma_wait3A_489 : memref<1x1x128xi32, #tpu.memory_space<hbm>> -> memref<128xi32, #tpu.memory_space<hbm>>
        tpu.wait_dma2 semaphore(%run_scoped3A_478 : memref<!tpu.dma_semaphore, #tpu.memory_space<semaphore_mem>>) src(%dma_wait3A_490 : memref<128xi32, #tpu.memory_space<hbm>>) dst(%arg11 : memref<128xi32, #tpu.memory_space<vmem>>)
        tpu.yield
      }) : () -> ()
      %run_scoped3A_300 = arith.constant 1 : i32
      "tpu.region"() ({
        %run_scoped3A_478 = tpu.sem_alloc : memref<!tpu.dma_semaphore, #tpu.memory_space<semaphore_mem>>
        %dma_start3A_479 = arith.constant 0 : i32
        %dma_start3A_480 = tpu.memref_slice %arg3[%add3A_293, %run_scoped3A_300, %dma_start3A_479] : memref<1280x2x128xi32, #tpu.memory_space<hbm>> -> memref<1x1x128xi32, #tpu.memory_space<hbm>>
        %dma_start3A_481 = tpu.memref_squeeze %dma_start3A_480 : memref<1x1x128xi32, #tpu.memory_space<hbm>> -> memref<128xi32, #tpu.memory_space<hbm>>
        %dma_start3A_482 = arith.constant 0 : i32
        %dma_start3A_483 = tpu.memref_slice %arg3[%add3A_293, %run_scoped3A_300, %dma_start3A_482] : memref<1280x2x128xi32, #tpu.memory_space<hbm>> -> memref<1x1x128xi32, #tpu.memory_space<hbm>>
        %dma_start3A_484 = tpu.memref_squeeze %dma_start3A_483 : memref<1x1x128xi32, #tpu.memory_space<hbm>> -> memref<128xi32, #tpu.memory_space<hbm>>
        tpu.enqueue_dma source(%dma_start3A_484 : memref<128xi32, #tpu.memory_space<hbm>>) target(%arg14 : memref<128xi32, #tpu.memory_space<vmem>>) target_semaphore(%run_scoped3A_478 : memref<!tpu.dma_semaphore, #tpu.memory_space<semaphore_mem>>)
        %dma_wait3A_485 = arith.constant 0 : i32
        %dma_wait3A_486 = tpu.memref_slice %arg3[%add3A_293, %run_scoped3A_300, %dma_wait3A_485] : memref<1280x2x128xi32, #tpu.memory_space<hbm>> -> memref<1x1x128xi32, #tpu.memory_space<hbm>>
        %dma_wait3A_487 = tpu.memref_squeeze %dma_wait3A_486 : memref<1x1x128xi32, #tpu.memory_space<hbm>> -> memref<128xi32, #tpu.memory_space<hbm>>
        %dma_wait3A_488 = arith.constant 0 : i32
        %dma_wait3A_489 = tpu.memref_slice %arg3[%add3A_293, %run_scoped3A_300, %dma_wait3A_488] : memref<1280x2x128xi32, #tpu.memory_space<hbm>> -> memref<1x1x128xi32, #tpu.memory_space<hbm>>
        %dma_wait3A_490 = tpu.memref_squeeze %dma_wait3A_489 : memref<1x1x128xi32, #tpu.memory_space<hbm>> -> memref<128xi32, #tpu.memory_space<hbm>>
        tpu.wait_dma2 semaphore(%run_scoped3A_478 : memref<!tpu.dma_semaphore, #tpu.memory_space<semaphore_mem>>) src(%dma_wait3A_490 : memref<128xi32, #tpu.memory_space<hbm>>) dst(%arg14 : memref<128xi32, #tpu.memory_space<vmem>>)
        tpu.yield
      }) : () -> ()
      %get3A_301 = arith.constant 0 : index
      %get3A_302 = tpu.vector_load %arg11[%get3A_301] {strides = array<i32>} : memref<128xi32, #tpu.memory_space<vmem>>, vector<16xi32>,
      %get3A_303 = vector.shape_cast %get3A_302 : vector<16xi32> to vector<16xi32>
      %add3A_304 = vector.broadcast %mul3A_2 : i32 to vector<16xi32>
      %add3A_305 = arith.addi %get3A_303, %add3A_304 : vector<16xi32>
      %swap3A_306 = arith.constant 0 : index
      %swap3A_307 = tpu.vector_load %arg11[%swap3A_306] {strides = array<i32>} : memref<128xi32, #tpu.memory_space<vmem>>, vector<16xi32>,
      %swap3A_308 = vector.shape_cast %swap3A_307 : vector<16xi32> to vector<16xi32>
      %swap3A_309 = vector.shape_cast %add3A_305 : vector<16xi32> to vector<16xi32>
      tpu.vector_store %arg11[%swap3A_306], %swap3A_309 {strides = array<i32>} : memref<128xi32, #tpu.memory_space<vmem>>, vector<16xi32>,
      %get3A_310 = arith.constant 16 : index
      %get3A_311 = tpu.vector_load %arg11[%get3A_310] {strides = array<i32>} : memref<128xi32, #tpu.memory_space<vmem>>, vector<16xi32>,
      %get3A_312 = vector.shape_cast %get3A_311 : vector<16xi32> to vector<16xi32>
      %add3A_313 = vector.broadcast %mul3A_2 : i32 to vector<16xi32>
      %add3A_314 = arith.addi %get3A_312, %add3A_313 : vector<16xi32>
      %swap3A_315 = arith.constant 16 : index
      %swap3A_316 = tpu.vector_load %arg11[%swap3A_315] {strides = array<i32>} : memref<128xi32, #tpu.memory_space<vmem>>, vector<16xi32>,
      %swap3A_317 = vector.shape_cast %swap3A_316 : vector<16xi32> to vector<16xi32>
      %swap3A_318 = vector.shape_cast %add3A_314 : vector<16xi32> to vector<16xi32>
      tpu.vector_store %arg11[%swap3A_315], %swap3A_318 {strides = array<i32>} : memref<128xi32, #tpu.memory_space<vmem>>, vector<16xi32>,
      %get3A_319 = arith.constant 32 : index
      %get3A_320 = tpu.vector_load %arg11[%get3A_319] {strides = array<i32>} : memref<128xi32, #tpu.memory_space<vmem>>, vector<16xi32>,
      %get3A_321 = vector.shape_cast %get3A_320 : vector<16xi32> to vector<16xi32>
      %add3A_322 = vector.broadcast %mul3A_2 : i32 to vector<16xi32>
      %add3A_323 = arith.addi %get3A_321, %add3A_322 : vector<16xi32>
      %swap3A_324 = arith.constant 32 : index
      %swap3A_325 = tpu.vector_load %arg11[%swap3A_324] {strides = array<i32>} : memref<128xi32, #tpu.memory_space<vmem>>, vector<16xi32>,
      %swap3A_326 = vector.shape_cast %swap3A_325 : vector<16xi32> to vector<16xi32>
      %swap3A_327 = vector.shape_cast %add3A_323 : vector<16xi32> to vector<16xi32>
      tpu.vector_store %arg11[%swap3A_324], %swap3A_327 {strides = array<i32>} : memref<128xi32, #tpu.memory_space<vmem>>, vector<16xi32>,
      %get3A_328 = arith.constant 48 : index
      %get3A_329 = tpu.vector_load %arg11[%get3A_328] {strides = array<i32>} : memref<128xi32, #tpu.memory_space<vmem>>, vector<16xi32>,
      %get3A_330 = vector.shape_cast %get3A_329 : vector<16xi32> to vector<16xi32>
      %add3A_331 = vector.broadcast %mul3A_2 : i32 to vector<16xi32>
      %add3A_332 = arith.addi %get3A_330, %add3A_331 : vector<16xi32>
      %swap3A_333 = arith.constant 48 : index
      %swap3A_334 = tpu.vector_load %arg11[%swap3A_333] {strides = array<i32>} : memref<128xi32, #tpu.memory_space<vmem>>, vector<16xi32>,
      %swap3A_335 = vector.shape_cast %swap3A_334 : vector<16xi32> to vector<16xi32>
      %swap3A_336 = vector.shape_cast %add3A_332 : vector<16xi32> to vector<16xi32>
      tpu.vector_store %arg11[%swap3A_333], %swap3A_336 {strides = array<i32>} : memref<128xi32, #tpu.memory_space<vmem>>, vector<16xi32>,
      %get3A_337 = arith.constant 64 : index
      %get3A_338 = tpu.vector_load %arg11[%get3A_337] {strides = array<i32>} : memref<128xi32, #tpu.memory_space<vmem>>, vector<16xi32>,
      %get3A_339 = vector.shape_cast %get3A_338 : vector<16xi32> to vector<16xi32>
      %add3A_340 = vector.broadcast %mul3A_2 : i32 to vector<16xi32>
      %add3A_341 = arith.addi %get3A_339, %add3A_340 : vector<16xi32>
      %swap3A_342 = arith.constant 64 : index
      %swap3A_343 = tpu.vector_load %arg11[%swap3A_342] {strides = array<i32>} : memref<128xi32, #tpu.memory_space<vmem>>, vector<16xi32>,
      %swap3A_344 = vector.shape_cast %swap3A_343 : vector<16xi32> to vector<16xi32>
      %swap3A_345 = vector.shape_cast %add3A_341 : vector<16xi32> to vector<16xi32>
      tpu.vector_store %arg11[%swap3A_342], %swap3A_345 {strides = array<i32>} : memref<128xi32, #tpu.memory_space<vmem>>, vector<16xi32>,
      %get3A_346 = arith.constant 80 : index
      %get3A_347 = tpu.vector_load %arg11[%get3A_346] {strides = array<i32>} : memref<128xi32, #tpu.memory_space<vmem>>, vector<16xi32>,
      %get3A_348 = vector.shape_cast %get3A_347 : vector<16xi32> to vector<16xi32>
      %add3A_349 = vector.broadcast %mul3A_2 : i32 to vector<16xi32>
      %add3A_350 = arith.addi %get3A_348, %add3A_349 : vector<16xi32>
      %swap3A_351 = arith.constant 80 : index
      %swap3A_352 = tpu.vector_load %arg11[%swap3A_351] {strides = array<i32>} : memref<128xi32, #tpu.memory_space<vmem>>, vector<16xi32>,
      %swap3A_353 = vector.shape_cast %swap3A_352 : vector<16xi32> to vector<16xi32>
      %swap3A_354 = vector.shape_cast %add3A_350 : vector<16xi32> to vector<16xi32>
      tpu.vector_store %arg11[%swap3A_351], %swap3A_354 {strides = array<i32>} : memref<128xi32, #tpu.memory_space<vmem>>, vector<16xi32>,
      %get3A_355 = arith.constant 96 : index
      %get3A_356 = tpu.vector_load %arg11[%get3A_355] {strides = array<i32>} : memref<128xi32, #tpu.memory_space<vmem>>, vector<16xi32>,
      %get3A_357 = vector.shape_cast %get3A_356 : vector<16xi32> to vector<16xi32>
      %add3A_358 = vector.broadcast %mul3A_2 : i32 to vector<16xi32>
      %add3A_359 = arith.addi %get3A_357, %add3A_358 : vector<16xi32>
      %swap3A_360 = arith.constant 96 : index
      %swap3A_361 = tpu.vector_load %arg11[%swap3A_360] {strides = array<i32>} : memref<128xi32, #tpu.memory_space<vmem>>, vector<16xi32>,
      %swap3A_362 = vector.shape_cast %swap3A_361 : vector<16xi32> to vector<16xi32>
      %swap3A_363 = vector.shape_cast %add3A_359 : vector<16xi32> to vector<16xi32>
      tpu.vector_store %arg11[%swap3A_360], %swap3A_363 {strides = array<i32>} : memref<128xi32, #tpu.memory_space<vmem>>, vector<16xi32>,
      %get3A_364 = arith.constant 112 : index
      %get3A_365 = tpu.vector_load %arg11[%get3A_364] {strides = array<i32>} : memref<128xi32, #tpu.memory_space<vmem>>, vector<16xi32>,
      %get3A_366 = vector.shape_cast %get3A_365 : vector<16xi32> to vector<16xi32>
      %add3A_367 = vector.broadcast %mul3A_2 : i32 to vector<16xi32>
      %add3A_368 = arith.addi %get3A_366, %add3A_367 : vector<16xi32>
      %swap3A_369 = arith.constant 112 : index
      %swap3A_370 = tpu.vector_load %arg11[%swap3A_369] {strides = array<i32>} : memref<128xi32, #tpu.memory_space<vmem>>, vector<16xi32>,
      %swap3A_371 = vector.shape_cast %swap3A_370 : vector<16xi32> to vector<16xi32>
      %swap3A_372 = vector.shape_cast %add3A_368 : vector<16xi32> to vector<16xi32>
      tpu.vector_store %arg11[%swap3A_369], %swap3A_372 {strides = array<i32>} : memref<128xi32, #tpu.memory_space<vmem>>, vector<16xi32>,
      %dma_start3A_373 = arith.constant 0 : i32
      %dma_start3A_374 = arith.constant 0 : i32
      %dma_start3A_375 = tpu.memref_slice %arg2[%dma_start3A_373, %dma_start3A_374] : memref<20000x128xf32, #tpu.memory_space<hbm>> -> memref<20000x128xf32, #tpu.memory_space<hbm>>
      tpu.enqueue_indirect_dma source(%dma_start3A_375 : memref<20000x128xf32, #tpu.memory_space<hbm>>) target(%arg8 : memref<128x128xf32, #tpu.memory_space<vmem>>) offsets(%arg11 : memref<128xi32, #tpu.memory_space<vmem>>) semaphore(%arg17 : memref<!tpu.dma_semaphore, #tpu.memory_space<semaphore_mem>>)
      %add3A_376 = arith.constant 2 : i32
      %add3A_377 = arith.addi %add3A_212, %add3A_376 : i32
      %gt3A_378 = arith.constant 0 : i32
      %gt3A_379 = arith.cmpi sgt, %scan3A_207, %gt3A_378 : i32
      %convert_element_type3A_380 = arith.extui %gt3A_379 : i1 to i32
      %cond3A_381 = arith.constant 0 : i32
      %cond3A_382 = arith.cmpi ne, %convert_element_type3A_380, %cond3A_381 : i32
      scf.if %cond3A_382 {
        %dma_wait3A_478 = arith.constant 0 : i32
        %dma_wait3A_479 = arith.constant 0 : i32
        %dma_wait3A_480 = tpu.memref_slice %arg2[%dma_wait3A_478, %dma_wait3A_479] : memref<20000x128xf32, #tpu.memory_space<hbm>> -> memref<128x128xf32, #tpu.memory_space<hbm>>
        %dma_wait3A_481 = arith.constant 0 : i32
        %dma_wait3A_482 = arith.constant 0 : i32
        %dma_wait3A_483 = tpu.memref_slice %arg2[%dma_wait3A_481, %dma_wait3A_482] : memref<20000x128xf32, #tpu.memory_space<hbm>> -> memref<128x128xf32, #tpu.memory_space<hbm>>
        tpu.wait_dma2 semaphore(%arg21 : memref<!tpu.dma_semaphore, #tpu.memory_space<semaphore_mem>>) src(%dma_wait3A_483 : memref<128x128xf32, #tpu.memory_space<hbm>>) dst(%arg9 : memref<128x128xf32, #tpu.memory_space<vmem>>)
      } else {
      }
      %run_scoped3A_383 = arith.constant 0 : i32
      "tpu.region"() ({
        %run_scoped3A_478 = tpu.sem_alloc : memref<!tpu.dma_semaphore, #tpu.memory_space<semaphore_mem>>
        %dma_start3A_479 = arith.constant 0 : i32
        %dma_start3A_480 = tpu.memref_slice %arg3[%add3A_377, %run_scoped3A_383, %dma_start3A_479] : memref<1280x2x128xi32, #tpu.memory_space<hbm>> -> memref<1x1x128xi32, #tpu.memory_space<hbm>>
        %dma_start3A_481 = tpu.memref_squeeze %dma_start3A_480 : memref<1x1x128xi32, #tpu.memory_space<hbm>> -> memref<128xi32, #tpu.memory_space<hbm>>
        %dma_start3A_482 = arith.constant 0 : i32
        %dma_start3A_483 = tpu.memref_slice %arg3[%add3A_377, %run_scoped3A_383, %dma_start3A_482] : memref<1280x2x128xi32, #tpu.memory_space<hbm>> -> memref<1x1x128xi32, #tpu.memory_space<hbm>>
        %dma_start3A_484 = tpu.memref_squeeze %dma_start3A_483 : memref<1x1x128xi32, #tpu.memory_space<hbm>> -> memref<128xi32, #tpu.memory_space<hbm>>
        tpu.enqueue_dma source(%dma_start3A_484 : memref<128xi32, #tpu.memory_space<hbm>>) target(%arg12 : memref<128xi32, #tpu.memory_space<vmem>>) target_semaphore(%run_scoped3A_478 : memref<!tpu.dma_semaphore, #tpu.memory_space<semaphore_mem>>)
        %dma_wait3A_485 = arith.constant 0 : i32
        %dma_wait3A_486 = tpu.memref_slice %arg3[%add3A_377, %run_scoped3A_383, %dma_wait3A_485] : memref<1280x2x128xi32, #tpu.memory_space<hbm>> -> memref<1x1x128xi32, #tpu.memory_space<hbm>>
        %dma_wait3A_487 = tpu.memref_squeeze %dma_wait3A_486 : memref<1x1x128xi32, #tpu.memory_space<hbm>> -> memref<128xi32, #tpu.memory_space<hbm>>
        %dma_wait3A_488 = arith.constant 0 : i32
        %dma_wait3A_489 = tpu.memref_slice %arg3[%add3A_377, %run_scoped3A_383, %dma_wait3A_488] : memref<1280x2x128xi32, #tpu.memory_space<hbm>> -> memref<1x1x128xi32, #tpu.memory_space<hbm>>
        %dma_wait3A_490 = tpu.memref_squeeze %dma_wait3A_489 : memref<1x1x128xi32, #tpu.memory_space<hbm>> -> memref<128xi32, #tpu.memory_space<hbm>>
        tpu.wait_dma2 semaphore(%run_scoped3A_478 : memref<!tpu.dma_semaphore, #tpu.memory_space<semaphore_mem>>) src(%dma_wait3A_490 : memref<128xi32, #tpu.memory_space<hbm>>) dst(%arg12 : memref<128xi32, #tpu.memory_space<vmem>>)
        tpu.yield
      }) : () -> ()
      %run_scoped3A_384 = arith.constant 1 : i32
      "tpu.region"() ({
        %run_scoped3A_478 = tpu.sem_alloc : memref<!tpu.dma_semaphore, #tpu.memory_space<semaphore_mem>>
        %dma_start3A_479 = arith.constant 0 : i32
        %dma_start3A_480 = tpu.memref_slice %arg3[%add3A_377, %run_scoped3A_384, %dma_start3A_479] : memref<1280x2x128xi32, #tpu.memory_space<hbm>> -> memref<1x1x128xi32, #tpu.memory_space<hbm>>
        %dma_start3A_481 = tpu.memref_squeeze %dma_start3A_480 : memref<1x1x128xi32, #tpu.memory_space<hbm>> -> memref<128xi32, #tpu.memory_space<hbm>>
        %dma_start3A_482 = arith.constant 0 : i32
        %dma_start3A_483 = tpu.memref_slice %arg3[%add3A_377, %run_scoped3A_384, %dma_start3A_482] : memref<1280x2x128xi32, #tpu.memory_space<hbm>> -> memref<1x1x128xi32, #tpu.memory_space<hbm>>
        %dma_start3A_484 = tpu.memref_squeeze %dma_start3A_483 : memref<1x1x128xi32, #tpu.memory_space<hbm>> -> memref<128xi32, #tpu.memory_space<hbm>>
        tpu.enqueue_dma source(%dma_start3A_484 : memref<128xi32, #tpu.memory_space<hbm>>) target(%arg15 : memref<128xi32, #tpu.memory_space<vmem>>) target_semaphore(%run_scoped3A_478 : memref<!tpu.dma_semaphore, #tpu.memory_space<semaphore_mem>>)
        %dma_wait3A_485 = arith.constant 0 : i32
        %dma_wait3A_486 = tpu.memref_slice %arg3[%add3A_377, %run_scoped3A_384, %dma_wait3A_485] : memref<1280x2x128xi32, #tpu.memory_space<hbm>> -> memref<1x1x128xi32, #tpu.memory_space<hbm>>
        %dma_wait3A_487 = tpu.memref_squeeze %dma_wait3A_486 : memref<1x1x128xi32, #tpu.memory_space<hbm>> -> memref<128xi32, #tpu.memory_space<hbm>>
        %dma_wait3A_488 = arith.constant 0 : i32
        %dma_wait3A_489 = tpu.memref_slice %arg3[%add3A_377, %run_scoped3A_384, %dma_wait3A_488] : memref<1280x2x128xi32, #tpu.memory_space<hbm>> -> memref<1x1x128xi32, #tpu.memory_space<hbm>>
        %dma_wait3A_490 = tpu.memref_squeeze %dma_wait3A_489 : memref<1x1x128xi32, #tpu.memory_space<hbm>> -> memref<128xi32, #tpu.memory_space<hbm>>
        tpu.wait_dma2 semaphore(%run_scoped3A_478 : memref<!tpu.dma_semaphore, #tpu.memory_space<semaphore_mem>>) src(%dma_wait3A_490 : memref<128xi32, #tpu.memory_space<hbm>>) dst(%arg15 : memref<128xi32, #tpu.memory_space<vmem>>)
        tpu.yield
      }) : () -> ()
      %get3A_385 = arith.constant 0 : index
      %get3A_386 = tpu.vector_load %arg12[%get3A_385] {strides = array<i32>} : memref<128xi32, #tpu.memory_space<vmem>>, vector<16xi32>,
      %get3A_387 = vector.shape_cast %get3A_386 : vector<16xi32> to vector<16xi32>
      %add3A_388 = vector.broadcast %mul3A_2 : i32 to vector<16xi32>
      %add3A_389 = arith.addi %get3A_387, %add3A_388 : vector<16xi32>
      %swap3A_390 = arith.constant 0 : index
      %swap3A_391 = tpu.vector_load %arg12[%swap3A_390] {strides = array<i32>} : memref<128xi32, #tpu.memory_space<vmem>>, vector<16xi32>,
      %swap3A_392 = vector.shape_cast %swap3A_391 : vector<16xi32> to vector<16xi32>
      %swap3A_393 = vector.shape_cast %add3A_389 : vector<16xi32> to vector<16xi32>
      tpu.vector_store %arg12[%swap3A_390], %swap3A_393 {strides = array<i32>} : memref<128xi32, #tpu.memory_space<vmem>>, vector<16xi32>,
      %get3A_394 = arith.constant 16 : index
      %get3A_395 = tpu.vector_load %arg12[%get3A_394] {strides = array<i32>} : memref<128xi32, #tpu.memory_space<vmem>>, vector<16xi32>,
      %get3A_396 = vector.shape_cast %get3A_395 : vector<16xi32> to vector<16xi32>
      %add3A_397 = vector.broadcast %mul3A_2 : i32 to vector<16xi32>
      %add3A_398 = arith.addi %get3A_396, %add3A_397 : vector<16xi32>
      %swap3A_399 = arith.constant 16 : index
      %swap3A_400 = tpu.vector_load %arg12[%swap3A_399] {strides = array<i32>} : memref<128xi32, #tpu.memory_space<vmem>>, vector<16xi32>,
      %swap3A_401 = vector.shape_cast %swap3A_400 : vector<16xi32> to vector<16xi32>
      %swap3A_402 = vector.shape_cast %add3A_398 : vector<16xi32> to vector<16xi32>
      tpu.vector_store %arg12[%swap3A_399], %swap3A_402 {strides = array<i32>} : memref<128xi32, #tpu.memory_space<vmem>>, vector<16xi32>,
      %get3A_403 = arith.constant 32 : index
      %get3A_404 = tpu.vector_load %arg12[%get3A_403] {strides = array<i32>} : memref<128xi32, #tpu.memory_space<vmem>>, vector<16xi32>,
      %get3A_405 = vector.shape_cast %get3A_404 : vector<16xi32> to vector<16xi32>
      %add3A_406 = vector.broadcast %mul3A_2 : i32 to vector<16xi32>
      %add3A_407 = arith.addi %get3A_405, %add3A_406 : vector<16xi32>
      %swap3A_408 = arith.constant 32 : index
      %swap3A_409 = tpu.vector_load %arg12[%swap3A_408] {strides = array<i32>} : memref<128xi32, #tpu.memory_space<vmem>>, vector<16xi32>,
      %swap3A_410 = vector.shape_cast %swap3A_409 : vector<16xi32> to vector<16xi32>
      %swap3A_411 = vector.shape_cast %add3A_407 : vector<16xi32> to vector<16xi32>
      tpu.vector_store %arg12[%swap3A_408], %swap3A_411 {strides = array<i32>} : memref<128xi32, #tpu.memory_space<vmem>>, vector<16xi32>,
      %get3A_412 = arith.constant 48 : index
      %get3A_413 = tpu.vector_load %arg12[%get3A_412] {strides = array<i32>} : memref<128xi32, #tpu.memory_space<vmem>>, vector<16xi32>,
      %get3A_414 = vector.shape_cast %get3A_413 : vector<16xi32> to vector<16xi32>
      %add3A_415 = vector.broadcast %mul3A_2 : i32 to vector<16xi32>
      %add3A_416 = arith.addi %get3A_414, %add3A_415 : vector<16xi32>
      %swap3A_417 = arith.constant 48 : index
      %swap3A_418 = tpu.vector_load %arg12[%swap3A_417] {strides = array<i32>} : memref<128xi32, #tpu.memory_space<vmem>>, vector<16xi32>,
      %swap3A_419 = vector.shape_cast %swap3A_418 : vector<16xi32> to vector<16xi32>
      %swap3A_420 = vector.shape_cast %add3A_416 : vector<16xi32> to vector<16xi32>
      tpu.vector_store %arg12[%swap3A_417], %swap3A_420 {strides = array<i32>} : memref<128xi32, #tpu.memory_space<vmem>>, vector<16xi32>,
      %get3A_421 = arith.constant 64 : index
      %get3A_422 = tpu.vector_load %arg12[%get3A_421] {strides = array<i32>} : memref<128xi32, #tpu.memory_space<vmem>>, vector<16xi32>,
      %get3A_423 = vector.shape_cast %get3A_422 : vector<16xi32> to vector<16xi32>
      %add3A_424 = vector.broadcast %mul3A_2 : i32 to vector<16xi32>
      %add3A_425 = arith.addi %get3A_423, %add3A_424 : vector<16xi32>
      %swap3A_426 = arith.constant 64 : index
      %swap3A_427 = tpu.vector_load %arg12[%swap3A_426] {strides = array<i32>} : memref<128xi32, #tpu.memory_space<vmem>>, vector<16xi32>,
      %swap3A_428 = vector.shape_cast %swap3A_427 : vector<16xi32> to vector<16xi32>
      %swap3A_429 = vector.shape_cast %add3A_425 : vector<16xi32> to vector<16xi32>
      tpu.vector_store %arg12[%swap3A_426], %swap3A_429 {strides = array<i32>} : memref<128xi32, #tpu.memory_space<vmem>>, vector<16xi32>,
      %get3A_430 = arith.constant 80 : index
      %get3A_431 = tpu.vector_load %arg12[%get3A_430] {strides = array<i32>} : memref<128xi32, #tpu.memory_space<vmem>>, vector<16xi32>,
      %get3A_432 = vector.shape_cast %get3A_431 : vector<16xi32> to vector<16xi32>
      %add3A_433 = vector.broadcast %mul3A_2 : i32 to vector<16xi32>
      %add3A_434 = arith.addi %get3A_432, %add3A_433 : vector<16xi32>
      %swap3A_435 = arith.constant 80 : index
      %swap3A_436 = tpu.vector_load %arg12[%swap3A_435] {strides = array<i32>} : memref<128xi32, #tpu.memory_space<vmem>>, vector<16xi32>,
      %swap3A_437 = vector.shape_cast %swap3A_436 : vector<16xi32> to vector<16xi32>
      %swap3A_438 = vector.shape_cast %add3A_434 : vector<16xi32> to vector<16xi32>
      tpu.vector_store %arg12[%swap3A_435], %swap3A_438 {strides = array<i32>} : memref<128xi32, #tpu.memory_space<vmem>>, vector<16xi32>,
      %get3A_439 = arith.constant 96 : index
      %get3A_440 = tpu.vector_load %arg12[%get3A_439] {strides = array<i32>} : memref<128xi32, #tpu.memory_space<vmem>>, vector<16xi32>,
      %get3A_441 = vector.shape_cast %get3A_440 : vector<16xi32> to vector<16xi32>
      %add3A_442 = vector.broadcast %mul3A_2 : i32 to vector<16xi32>
      %add3A_443 = arith.addi %get3A_441, %add3A_442 : vector<16xi32>
      %swap3A_444 = arith.constant 96 : index
      %swap3A_445 = tpu.vector_load %arg12[%swap3A_444] {strides = array<i32>} : memref<128xi32, #tpu.memory_space<vmem>>, vector<16xi32>,
      %swap3A_446 = vector.shape_cast %swap3A_445 : vector<16xi32> to vector<16xi32>
      %swap3A_447 = vector.shape_cast %add3A_443 : vector<16xi32> to vector<16xi32>
      tpu.vector_store %arg12[%swap3A_444], %swap3A_447 {strides = array<i32>} : memref<128xi32, #tpu.memory_space<vmem>>, vector<16xi32>,
      %get3A_448 = arith.constant 112 : index
      %get3A_449 = tpu.vector_load %arg12[%get3A_448] {strides = array<i32>} : memref<128xi32, #tpu.memory_space<vmem>>, vector<16xi32>,
      %get3A_450 = vector.shape_cast %get3A_449 : vector<16xi32> to vector<16xi32>
      %add3A_451 = vector.broadcast %mul3A_2 : i32 to vector<16xi32>
      %add3A_452 = arith.addi %get3A_450, %add3A_451 : vector<16xi32>
      %swap3A_453 = arith.constant 112 : index
      %swap3A_454 = tpu.vector_load %arg12[%swap3A_453] {strides = array<i32>} : memref<128xi32, #tpu.memory_space<vmem>>, vector<16xi32>,
      %swap3A_455 = vector.shape_cast %swap3A_454 : vector<16xi32> to vector<16xi32>
      %swap3A_456 = vector.shape_cast %add3A_452 : vector<16xi32> to vector<16xi32>
      tpu.vector_store %arg12[%swap3A_453], %swap3A_456 {strides = array<i32>} : memref<128xi32, #tpu.memory_space<vmem>>, vector<16xi32>,
      %dma_start3A_457 = arith.constant 0 : i32
      %dma_start3A_458 = arith.constant 0 : i32
      %dma_start3A_459 = tpu.memref_slice %arg2[%dma_start3A_457, %dma_start3A_458] : memref<20000x128xf32, #tpu.memory_space<hbm>> -> memref<20000x128xf32, #tpu.memory_space<hbm>>
      tpu.enqueue_indirect_dma source(%dma_start3A_459 : memref<20000x128xf32, #tpu.memory_space<hbm>>) target(%arg9 : memref<128x128xf32, #tpu.memory_space<vmem>>) offsets(%arg12 : memref<128xi32, #tpu.memory_space<vmem>>) semaphore(%arg18 : memref<!tpu.dma_semaphore, #tpu.memory_space<semaphore_mem>>)
      %dma_wait3A_460 = arith.constant 0 : i32
      %dma_wait3A_461 = arith.constant 0 : i32
      %dma_wait3A_462 = tpu.memref_slice %arg2[%dma_wait3A_460, %dma_wait3A_461] : memref<20000x128xf32, #tpu.memory_space<hbm>> -> memref<20000x128xf32, #tpu.memory_space<hbm>>
      tpu.wait_indirect_dma semaphore(%arg16 : memref<!tpu.dma_semaphore, #tpu.memory_space<semaphore_mem>>) src(%dma_wait3A_462 : memref<20000x128xf32, #tpu.memory_space<hbm>>) dst(%arg7 : memref<128x128xf32, #tpu.memory_space<vmem>>)
      %dma_start3A_463 = arith.constant 0 : i32
      %dma_start3A_464 = arith.constant 0 : i32
      %dma_start3A_465 = tpu.memref_slice %arg6[%dma_start3A_463, %dma_start3A_464] : memref<10112x128xf32, #tpu.memory_space<vmem_shared>> -> memref<10112x128xf32, #tpu.memory_space<vmem_shared>>
      tpu.enqueue_indirect_dma source(%arg7 : memref<128x128xf32, #tpu.memory_space<vmem>>) target(%dma_start3A_465 : memref<10112x128xf32, #tpu.memory_space<vmem_shared>>) offsets(%arg13 : memref<128xi32, #tpu.memory_space<vmem>>) semaphore(%arg19 : memref<!tpu.dma_semaphore, #tpu.memory_space<semaphore_mem>>) {add = true}
      %dma_wait3A_466 = arith.constant 0 : i32
      %dma_wait3A_467 = arith.constant 0 : i32
      %dma_wait3A_468 = tpu.memref_slice %arg2[%dma_wait3A_466, %dma_wait3A_467] : memref<20000x128xf32, #tpu.memory_space<hbm>> -> memref<20000x128xf32, #tpu.memory_space<hbm>>
      tpu.wait_indirect_dma semaphore(%arg17 : memref<!tpu.dma_semaphore, #tpu.memory_space<semaphore_mem>>) src(%dma_wait3A_468 : memref<20000x128xf32, #tpu.memory_space<hbm>>) dst(%arg8 : memref<128x128xf32, #tpu.memory_space<vmem>>)
      %dma_start3A_469 = arith.constant 0 : i32
      %dma_start3A_470 = arith.constant 0 : i32
      %dma_start3A_471 = tpu.memref_slice %arg6[%dma_start3A_469, %dma_start3A_470] : memref<10112x128xf32, #tpu.memory_space<vmem_shared>> -> memref<10112x128xf32, #tpu.memory_space<vmem_shared>>
      tpu.enqueue_indirect_dma source(%arg8 : memref<128x128xf32, #tpu.memory_space<vmem>>) target(%dma_start3A_471 : memref<10112x128xf32, #tpu.memory_space<vmem_shared>>) offsets(%arg14 : memref<128xi32, #tpu.memory_space<vmem>>) semaphore(%arg20 : memref<!tpu.dma_semaphore, #tpu.memory_space<semaphore_mem>>) {add = true}
      %dma_wait3A_472 = arith.constant 0 : i32
      %dma_wait3A_473 = arith.constant 0 : i32
      %dma_wait3A_474 = tpu.memref_slice %arg2[%dma_wait3A_472, %dma_wait3A_473] : memref<20000x128xf32, #tpu.memory_space<hbm>> -> memref<20000x128xf32, #tpu.memory_space<hbm>>
      tpu.wait_indirect_dma semaphore(%arg18 : memref<!tpu.dma_semaphore, #tpu.memory_space<semaphore_mem>>) src(%dma_wait3A_474 : memref<20000x128xf32, #tpu.memory_space<hbm>>) dst(%arg9 : memref<128x128xf32, #tpu.memory_space<vmem>>)
      %dma_start3A_475 = arith.constant 0 : i32
      %dma_start3A_476 = arith.constant 0 : i32
      %dma_start3A_477 = tpu.memref_slice %arg6[%dma_start3A_475, %dma_start3A_476] : memref<10112x128xf32, #tpu.memory_space<vmem_shared>> -> memref<10112x128xf32, #tpu.memory_space<vmem_shared>>
      tpu.enqueue_indirect_dma source(%arg9 : memref<128x128xf32, #tpu.memory_space<vmem>>) target(%dma_start3A_477 : memref<10112x128xf32, #tpu.memory_space<vmem_shared>>) offsets(%arg15 : memref<128xi32, #tpu.memory_space<vmem>>) semaphore(%arg21 : memref<!tpu.dma_semaphore, #tpu.memory_space<semaphore_mem>>) {add = true}
    }
    %scan3A_7 = arith.constant 26 : i32
    %mul3A_8 = arith.constant 80 : i32
    %mul3A_9 = arith.muli %arg1, %mul3A_8 : i32
    %add3A = arith.constant 78 : i32
    %add3A_10 = arith.addi %mul3A_9, %add3A : i32
    %dma_wait3A = arith.constant 0 : i32
    %dma_wait3A_11 = arith.constant 0 : i32
    %dma_wait3A_12 = tpu.memref_slice %arg2[%dma_wait3A, %dma_wait3A_11] : memref<20000x128xf32, #tpu.memory_space<hbm>> -> memref<128x128xf32, #tpu.memory_space<hbm>>
    %dma_wait3A_13 = arith.constant 0 : i32
    %dma_wait3A_14 = arith.constant 0 : i32
    %dma_wait3A_15 = tpu.memref_slice %arg2[%dma_wait3A_13, %dma_wait3A_14] : memref<20000x128xf32, #tpu.memory_space<hbm>> -> memref<128x128xf32, #tpu.memory_space<hbm>>
    tpu.wait_dma2 semaphore(%arg19 : memref<!tpu.dma_semaphore, #tpu.memory_space<semaphore_mem>>) src(%dma_wait3A_15 : memref<128x128xf32, #tpu.memory_space<hbm>>) dst(%arg7 : memref<128x128xf32, #tpu.memory_space<vmem>>)
    %run_scoped3A = arith.constant 0 : i32
    "tpu.region"() ({
      %run_scoped3A_207 = tpu.sem_alloc : memref<!tpu.dma_semaphore, #tpu.memory_space<semaphore_mem>>
      %dma_start3A_208 = arith.constant 0 : i32
      %dma_start3A_209 = tpu.memref_slice %arg3[%add3A_10, %run_scoped3A, %dma_start3A_208] : memref<1280x2x128xi32, #tpu.memory_space<hbm>> -> memref<1x1x128xi32, #tpu.memory_space<hbm>>
      %dma_start3A_210 = tpu.memref_squeeze %dma_start3A_209 : memref<1x1x128xi32, #tpu.memory_space<hbm>> -> memref<128xi32, #tpu.memory_space<hbm>>
      %dma_start3A_211 = arith.constant 0 : i32
      %dma_start3A_212 = tpu.memref_slice %arg3[%add3A_10, %run_scoped3A, %dma_start3A_211] : memref<1280x2x128xi32, #tpu.memory_space<hbm>> -> memref<1x1x128xi32, #tpu.memory_space<hbm>>
      %dma_start3A_213 = tpu.memref_squeeze %dma_start3A_212 : memref<1x1x128xi32, #tpu.memory_space<hbm>> -> memref<128xi32, #tpu.memory_space<hbm>>
      tpu.enqueue_dma source(%dma_start3A_213 : memref<128xi32, #tpu.memory_space<hbm>>) target(%arg10 : memref<128xi32, #tpu.memory_space<vmem>>) target_semaphore(%run_scoped3A_207 : memref<!tpu.dma_semaphore, #tpu.memory_space<semaphore_mem>>)
      %dma_wait3A_214 = arith.constant 0 : i32
      %dma_wait3A_215 = tpu.memref_slice %arg3[%add3A_10, %run_scoped3A, %dma_wait3A_214] : memref<1280x2x128xi32, #tpu.memory_space<hbm>> -> memref<1x1x128xi32, #tpu.memory_space<hbm>>
      %dma_wait3A_216 = tpu.memref_squeeze %dma_wait3A_215 : memref<1x1x128xi32, #tpu.memory_space<hbm>> -> memref<128xi32, #tpu.memory_space<hbm>>
      %dma_wait3A_217 = arith.constant 0 : i32
      %dma_wait3A_218 = tpu.memref_slice %arg3[%add3A_10, %run_scoped3A, %dma_wait3A_217] : memref<1280x2x128xi32, #tpu.memory_space<hbm>> -> memref<1x1x128xi32, #tpu.memory_space<hbm>>
      %dma_wait3A_219 = tpu.memref_squeeze %dma_wait3A_218 : memref<1x1x128xi32, #tpu.memory_space<hbm>> -> memref<128xi32, #tpu.memory_space<hbm>>
      tpu.wait_dma2 semaphore(%run_scoped3A_207 : memref<!tpu.dma_semaphore, #tpu.memory_space<semaphore_mem>>) src(%dma_wait3A_219 : memref<128xi32, #tpu.memory_space<hbm>>) dst(%arg10 : memref<128xi32, #tpu.memory_space<vmem>>)
      tpu.yield
    }) : () -> ()
    %run_scoped3A_16 = arith.constant 1 : i32
    "tpu.region"() ({
      %run_scoped3A_207 = tpu.sem_alloc : memref<!tpu.dma_semaphore, #tpu.memory_space<semaphore_mem>>
      %dma_start3A_208 = arith.constant 0 : i32
      %dma_start3A_209 = tpu.memref_slice %arg3[%add3A_10, %run_scoped3A_16, %dma_start3A_208] : memref<1280x2x128xi32, #tpu.memory_space<hbm>> -> memref<1x1x128xi32, #tpu.memory_space<hbm>>
      %dma_start3A_210 = tpu.memref_squeeze %dma_start3A_209 : memref<1x1x128xi32, #tpu.memory_space<hbm>> -> memref<128xi32, #tpu.memory_space<hbm>>
      %dma_start3A_211 = arith.constant 0 : i32
      %dma_start3A_212 = tpu.memref_slice %arg3[%add3A_10, %run_scoped3A_16, %dma_start3A_211] : memref<1280x2x128xi32, #tpu.memory_space<hbm>> -> memref<1x1x128xi32, #tpu.memory_space<hbm>>
      %dma_start3A_213 = tpu.memref_squeeze %dma_start3A_212 : memref<1x1x128xi32, #tpu.memory_space<hbm>> -> memref<128xi32, #tpu.memory_space<hbm>>
      tpu.enqueue_dma source(%dma_start3A_213 : memref<128xi32, #tpu.memory_space<hbm>>) target(%arg13 : memref<128xi32, #tpu.memory_space<vmem>>) target_semaphore(%run_scoped3A_207 : memref<!tpu.dma_semaphore, #tpu.memory_space<semaphore_mem>>)
      %dma_wait3A_214 = arith.constant 0 : i32
      %dma_wait3A_215 = tpu.memref_slice %arg3[%add3A_10, %run_scoped3A_16, %dma_wait3A_214] : memref<1280x2x128xi32, #tpu.memory_space<hbm>> -> memref<1x1x128xi32, #tpu.memory_space<hbm>>
      %dma_wait3A_216 = tpu.memref_squeeze %dma_wait3A_215 : memref<1x1x128xi32, #tpu.memory_space<hbm>> -> memref<128xi32, #tpu.memory_space<hbm>>
      %dma_wait3A_217 = arith.constant 0 : i32
      %dma_wait3A_218 = tpu.memref_slice %arg3[%add3A_10, %run_scoped3A_16, %dma_wait3A_217] : memref<1280x2x128xi32, #tpu.memory_space<hbm>> -> memref<1x1x128xi32, #tpu.memory_space<hbm>>
      %dma_wait3A_219 = tpu.memref_squeeze %dma_wait3A_218 : memref<1x1x128xi32, #tpu.memory_space<hbm>> -> memref<128xi32, #tpu.memory_space<hbm>>
      tpu.wait_dma2 semaphore(%run_scoped3A_207 : memref<!tpu.dma_semaphore, #tpu.memory_space<semaphore_mem>>) src(%dma_wait3A_219 : memref<128xi32, #tpu.memory_space<hbm>>) dst(%arg13 : memref<128xi32, #tpu.memory_space<vmem>>)
      tpu.yield
    }) : () -> ()
    %get3A = arith.constant 0 : index
    %get3A_17 = tpu.vector_load %arg10[%get3A] {strides = array<i32>} : memref<128xi32, #tpu.memory_space<vmem>>, vector<16xi32>,
    %get3A_18 = vector.shape_cast %get3A_17 : vector<16xi32> to vector<16xi32>
    %add3A_19 = vector.broadcast %mul3A_2 : i32 to vector<16xi32>
    %add3A_20 = arith.addi %get3A_18, %add3A_19 : vector<16xi32>
    %swap3A = arith.constant 0 : index
    %swap3A_21 = tpu.vector_load %arg10[%swap3A] {strides = array<i32>} : memref<128xi32, #tpu.memory_space<vmem>>, vector<16xi32>,
    %swap3A_22 = vector.shape_cast %swap3A_21 : vector<16xi32> to vector<16xi32>
    %swap3A_23 = vector.shape_cast %add3A_20 : vector<16xi32> to vector<16xi32>
    tpu.vector_store %arg10[%swap3A], %swap3A_23 {strides = array<i32>} : memref<128xi32, #tpu.memory_space<vmem>>, vector<16xi32>,
    %get3A_24 = arith.constant 16 : index
    %get3A_25 = tpu.vector_load %arg10[%get3A_24] {strides = array<i32>} : memref<128xi32, #tpu.memory_space<vmem>>, vector<16xi32>,
    %get3A_26 = vector.shape_cast %get3A_25 : vector<16xi32> to vector<16xi32>
    %add3A_27 = vector.broadcast %mul3A_2 : i32 to vector<16xi32>
    %add3A_28 = arith.addi %get3A_26, %add3A_27 : vector<16xi32>
    %swap3A_29 = arith.constant 16 : index
    %swap3A_30 = tpu.vector_load %arg10[%swap3A_29] {strides = array<i32>} : memref<128xi32, #tpu.memory_space<vmem>>, vector<16xi32>,
    %swap3A_31 = vector.shape_cast %swap3A_30 : vector<16xi32> to vector<16xi32>
    %swap3A_32 = vector.shape_cast %add3A_28 : vector<16xi32> to vector<16xi32>
    tpu.vector_store %arg10[%swap3A_29], %swap3A_32 {strides = array<i32>} : memref<128xi32, #tpu.memory_space<vmem>>, vector<16xi32>,
    %get3A_33 = arith.constant 32 : index
    %get3A_34 = tpu.vector_load %arg10[%get3A_33] {strides = array<i32>} : memref<128xi32, #tpu.memory_space<vmem>>, vector<16xi32>,
    %get3A_35 = vector.shape_cast %get3A_34 : vector<16xi32> to vector<16xi32>
    %add3A_36 = vector.broadcast %mul3A_2 : i32 to vector<16xi32>
    %add3A_37 = arith.addi %get3A_35, %add3A_36 : vector<16xi32>
    %swap3A_38 = arith.constant 32 : index
    %swap3A_39 = tpu.vector_load %arg10[%swap3A_38] {strides = array<i32>} : memref<128xi32, #tpu.memory_space<vmem>>, vector<16xi32>,
    %swap3A_40 = vector.shape_cast %swap3A_39 : vector<16xi32> to vector<16xi32>
    %swap3A_41 = vector.shape_cast %add3A_37 : vector<16xi32> to vector<16xi32>
    tpu.vector_store %arg10[%swap3A_38], %swap3A_41 {strides = array<i32>} : memref<128xi32, #tpu.memory_space<vmem>>, vector<16xi32>,
    %get3A_42 = arith.constant 48 : index
    %get3A_43 = tpu.vector_load %arg10[%get3A_42] {strides = array<i32>} : memref<128xi32, #tpu.memory_space<vmem>>, vector<16xi32>,
    %get3A_44 = vector.shape_cast %get3A_43 : vector<16xi32> to vector<16xi32>
    %add3A_45 = vector.broadcast %mul3A_2 : i32 to vector<16xi32>
    %add3A_46 = arith.addi %get3A_44, %add3A_45 : vector<16xi32>
    %swap3A_47 = arith.constant 48 : index
    %swap3A_48 = tpu.vector_load %arg10[%swap3A_47] {strides = array<i32>} : memref<128xi32, #tpu.memory_space<vmem>>, vector<16xi32>,
    %swap3A_49 = vector.shape_cast %swap3A_48 : vector<16xi32> to vector<16xi32>
    %swap3A_50 = vector.shape_cast %add3A_46 : vector<16xi32> to vector<16xi32>
    tpu.vector_store %arg10[%swap3A_47], %swap3A_50 {strides = array<i32>} : memref<128xi32, #tpu.memory_space<vmem>>, vector<16xi32>,
    %get3A_51 = arith.constant 64 : index
    %get3A_52 = tpu.vector_load %arg10[%get3A_51] {strides = array<i32>} : memref<128xi32, #tpu.memory_space<vmem>>, vector<16xi32>,
    %get3A_53 = vector.shape_cast %get3A_52 : vector<16xi32> to vector<16xi32>
    %add3A_54 = vector.broadcast %mul3A_2 : i32 to vector<16xi32>
    %add3A_55 = arith.addi %get3A_53, %add3A_54 : vector<16xi32>
    %swap3A_56 = arith.constant 64 : index
    %swap3A_57 = tpu.vector_load %arg10[%swap3A_56] {strides = array<i32>} : memref<128xi32, #tpu.memory_space<vmem>>, vector<16xi32>,
    %swap3A_58 = vector.shape_cast %swap3A_57 : vector<16xi32> to vector<16xi32>
    %swap3A_59 = vector.shape_cast %add3A_55 : vector<16xi32> to vector<16xi32>
    tpu.vector_store %arg10[%swap3A_56], %swap3A_59 {strides = array<i32>} : memref<128xi32, #tpu.memory_space<vmem>>, vector<16xi32>,
    %get3A_60 = arith.constant 80 : index
    %get3A_61 = tpu.vector_load %arg10[%get3A_60] {strides = array<i32>} : memref<128xi32, #tpu.memory_space<vmem>>, vector<16xi32>,
    %get3A_62 = vector.shape_cast %get3A_61 : vector<16xi32> to vector<16xi32>
    %add3A_63 = vector.broadcast %mul3A_2 : i32 to vector<16xi32>
    %add3A_64 = arith.addi %get3A_62, %add3A_63 : vector<16xi32>
    %swap3A_65 = arith.constant 80 : index
    %swap3A_66 = tpu.vector_load %arg10[%swap3A_65] {strides = array<i32>} : memref<128xi32, #tpu.memory_space<vmem>>, vector<16xi32>,
    %swap3A_67 = vector.shape_cast %swap3A_66 : vector<16xi32> to vector<16xi32>
    %swap3A_68 = vector.shape_cast %add3A_64 : vector<16xi32> to vector<16xi32>
    tpu.vector_store %arg10[%swap3A_65], %swap3A_68 {strides = array<i32>} : memref<128xi32, #tpu.memory_space<vmem>>, vector<16xi32>,
    %get3A_69 = arith.constant 96 : index
    %get3A_70 = tpu.vector_load %arg10[%get3A_69] {strides = array<i32>} : memref<128xi32, #tpu.memory_space<vmem>>, vector<16xi32>,
    %get3A_71 = vector.shape_cast %get3A_70 : vector<16xi32> to vector<16xi32>
    %add3A_72 = vector.broadcast %mul3A_2 : i32 to vector<16xi32>
    %add3A_73 = arith.addi %get3A_71, %add3A_72 : vector<16xi32>
    %swap3A_74 = arith.constant 96 : index
    %swap3A_75 = tpu.vector_load %arg10[%swap3A_74] {strides = array<i32>} : memref<128xi32, #tpu.memory_space<vmem>>, vector<16xi32>,
    %swap3A_76 = vector.shape_cast %swap3A_75 : vector<16xi32> to vector<16xi32>
    %swap3A_77 = vector.shape_cast %add3A_73 : vector<16xi32> to vector<16xi32>
    tpu.vector_store %arg10[%swap3A_74], %swap3A_77 {strides = array<i32>} : memref<128xi32, #tpu.memory_space<vmem>>, vector<16xi32>,
    %get3A_78 = arith.constant 112 : index
    %get3A_79 = tpu.vector_load %arg10[%get3A_78] {strides = array<i32>} : memref<128xi32, #tpu.memory_space<vmem>>, vector<16xi32>,
    %get3A_80 = vector.shape_cast %get3A_79 : vector<16xi32> to vector<16xi32>
    %add3A_81 = vector.broadcast %mul3A_2 : i32 to vector<16xi32>
    %add3A_82 = arith.addi %get3A_80, %add3A_81 : vector<16xi32>
    %swap3A_83 = arith.constant 112 : index
    %swap3A_84 = tpu.vector_load %arg10[%swap3A_83] {strides = array<i32>} : memref<128xi32, #tpu.memory_space<vmem>>, vector<16xi32>,
    %swap3A_85 = vector.shape_cast %swap3A_84 : vector<16xi32> to vector<16xi32>
    %swap3A_86 = vector.shape_cast %add3A_82 : vector<16xi32> to vector<16xi32>
    tpu.vector_store %arg10[%swap3A_83], %swap3A_86 {strides = array<i32>} : memref<128xi32, #tpu.memory_space<vmem>>, vector<16xi32>,
    %dma_start3A = arith.constant 0 : i32
    %dma_start3A_87 = arith.constant 0 : i32
    %dma_start3A_88 = tpu.memref_slice %arg2[%dma_start3A, %dma_start3A_87] : memref<20000x128xf32, #tpu.memory_space<hbm>> -> memref<20000x128xf32, #tpu.memory_space<hbm>>
    tpu.enqueue_indirect_dma source(%dma_start3A_88 : memref<20000x128xf32, #tpu.memory_space<hbm>>) target(%arg7 : memref<128x128xf32, #tpu.memory_space<vmem>>) offsets(%arg10 : memref<128xi32, #tpu.memory_space<vmem>>) semaphore(%arg16 : memref<!tpu.dma_semaphore, #tpu.memory_space<semaphore_mem>>)
    %mul3A_89 = arith.constant 80 : i32
    %mul3A_90 = arith.muli %arg1, %mul3A_89 : i32
    %add3A_91 = arith.constant 79 : i32
    %add3A_92 = arith.addi %mul3A_90, %add3A_91 : i32
    %dma_wait3A_93 = arith.constant 0 : i32
    %dma_wait3A_94 = arith.constant 0 : i32
    %dma_wait3A_95 = tpu.memref_slice %arg2[%dma_wait3A_93, %dma_wait3A_94] : memref<20000x128xf32, #tpu.memory_space<hbm>> -> memref<128x128xf32, #tpu.memory_space<hbm>>
    %dma_wait3A_96 = arith.constant 0 : i32
    %dma_wait3A_97 = arith.constant 0 : i32
    %dma_wait3A_98 = tpu.memref_slice %arg2[%dma_wait3A_96, %dma_wait3A_97] : memref<20000x128xf32, #tpu.memory_space<hbm>> -> memref<128x128xf32, #tpu.memory_space<hbm>>
    tpu.wait_dma2 semaphore(%arg20 : memref<!tpu.dma_semaphore, #tpu.memory_space<semaphore_mem>>) src(%dma_wait3A_98 : memref<128x128xf32, #tpu.memory_space<hbm>>) dst(%arg8 : memref<128x128xf32, #tpu.memory_space<vmem>>)
    %run_scoped3A_99 = arith.constant 0 : i32
    "tpu.region"() ({
      %run_scoped3A_207 = tpu.sem_alloc : memref<!tpu.dma_semaphore, #tpu.memory_space<semaphore_mem>>
      %dma_start3A_208 = arith.constant 0 : i32
      %dma_start3A_209 = tpu.memref_slice %arg3[%add3A_92, %run_scoped3A_99, %dma_start3A_208] : memref<1280x2x128xi32, #tpu.memory_space<hbm>> -> memref<1x1x128xi32, #tpu.memory_space<hbm>>
      %dma_start3A_210 = tpu.memref_squeeze %dma_start3A_209 : memref<1x1x128xi32, #tpu.memory_space<hbm>> -> memref<128xi32, #tpu.memory_space<hbm>>
      %dma_start3A_211 = arith.constant 0 : i32
      %dma_start3A_212 = tpu.memref_slice %arg3[%add3A_92, %run_scoped3A_99, %dma_start3A_211] : memref<1280x2x128xi32, #tpu.memory_space<hbm>> -> memref<1x1x128xi32, #tpu.memory_space<hbm>>
      %dma_start3A_213 = tpu.memref_squeeze %dma_start3A_212 : memref<1x1x128xi32, #tpu.memory_space<hbm>> -> memref<128xi32, #tpu.memory_space<hbm>>
      tpu.enqueue_dma source(%dma_start3A_213 : memref<128xi32, #tpu.memory_space<hbm>>) target(%arg11 : memref<128xi32, #tpu.memory_space<vmem>>) target_semaphore(%run_scoped3A_207 : memref<!tpu.dma_semaphore, #tpu.memory_space<semaphore_mem>>)
      %dma_wait3A_214 = arith.constant 0 : i32
      %dma_wait3A_215 = tpu.memref_slice %arg3[%add3A_92, %run_scoped3A_99, %dma_wait3A_214] : memref<1280x2x128xi32, #tpu.memory_space<hbm>> -> memref<1x1x128xi32, #tpu.memory_space<hbm>>
      %dma_wait3A_216 = tpu.memref_squeeze %dma_wait3A_215 : memref<1x1x128xi32, #tpu.memory_space<hbm>> -> memref<128xi32, #tpu.memory_space<hbm>>
      %dma_wait3A_217 = arith.constant 0 : i32
      %dma_wait3A_218 = tpu.memref_slice %arg3[%add3A_92, %run_scoped3A_99, %dma_wait3A_217] : memref<1280x2x128xi32, #tpu.memory_space<hbm>> -> memref<1x1x128xi32, #tpu.memory_space<hbm>>
      %dma_wait3A_219 = tpu.memref_squeeze %dma_wait3A_218 : memref<1x1x128xi32, #tpu.memory_space<hbm>> -> memref<128xi32, #tpu.memory_space<hbm>>
      tpu.wait_dma2 semaphore(%run_scoped3A_207 : memref<!tpu.dma_semaphore, #tpu.memory_space<semaphore_mem>>) src(%dma_wait3A_219 : memref<128xi32, #tpu.memory_space<hbm>>) dst(%arg11 : memref<128xi32, #tpu.memory_space<vmem>>)
      tpu.yield
    }) : () -> ()
    %run_scoped3A_100 = arith.constant 1 : i32
    "tpu.region"() ({
      %run_scoped3A_207 = tpu.sem_alloc : memref<!tpu.dma_semaphore, #tpu.memory_space<semaphore_mem>>
      %dma_start3A_208 = arith.constant 0 : i32
      %dma_start3A_209 = tpu.memref_slice %arg3[%add3A_92, %run_scoped3A_100, %dma_start3A_208] : memref<1280x2x128xi32, #tpu.memory_space<hbm>> -> memref<1x1x128xi32, #tpu.memory_space<hbm>>
      %dma_start3A_210 = tpu.memref_squeeze %dma_start3A_209 : memref<1x1x128xi32, #tpu.memory_space<hbm>> -> memref<128xi32, #tpu.memory_space<hbm>>
      %dma_start3A_211 = arith.constant 0 : i32
      %dma_start3A_212 = tpu.memref_slice %arg3[%add3A_92, %run_scoped3A_100, %dma_start3A_211] : memref<1280x2x128xi32, #tpu.memory_space<hbm>> -> memref<1x1x128xi32, #tpu.memory_space<hbm>>
      %dma_start3A_213 = tpu.memref_squeeze %dma_start3A_212 : memref<1x1x128xi32, #tpu.memory_space<hbm>> -> memref<128xi32, #tpu.memory_space<hbm>>
      tpu.enqueue_dma source(%dma_start3A_213 : memref<128xi32, #tpu.memory_space<hbm>>) target(%arg14 : memref<128xi32, #tpu.memory_space<vmem>>) target_semaphore(%run_scoped3A_207 : memref<!tpu.dma_semaphore, #tpu.memory_space<semaphore_mem>>)
      %dma_wait3A_214 = arith.constant 0 : i32
      %dma_wait3A_215 = tpu.memref_slice %arg3[%add3A_92, %run_scoped3A_100, %dma_wait3A_214] : memref<1280x2x128xi32, #tpu.memory_space<hbm>> -> memref<1x1x128xi32, #tpu.memory_space<hbm>>
      %dma_wait3A_216 = tpu.memref_squeeze %dma_wait3A_215 : memref<1x1x128xi32, #tpu.memory_space<hbm>> -> memref<128xi32, #tpu.memory_space<hbm>>
      %dma_wait3A_217 = arith.constant 0 : i32
      %dma_wait3A_218 = tpu.memref_slice %arg3[%add3A_92, %run_scoped3A_100, %dma_wait3A_217] : memref<1280x2x128xi32, #tpu.memory_space<hbm>> -> memref<1x1x128xi32, #tpu.memory_space<hbm>>
      %dma_wait3A_219 = tpu.memref_squeeze %dma_wait3A_218 : memref<1x1x128xi32, #tpu.memory_space<hbm>> -> memref<128xi32, #tpu.memory_space<hbm>>
      tpu.wait_dma2 semaphore(%run_scoped3A_207 : memref<!tpu.dma_semaphore, #tpu.memory_space<semaphore_mem>>) src(%dma_wait3A_219 : memref<128xi32, #tpu.memory_space<hbm>>) dst(%arg14 : memref<128xi32, #tpu.memory_space<vmem>>)
      tpu.yield
    }) : () -> ()
    %get3A_101 = arith.constant 0 : index
    %get3A_102 = tpu.vector_load %arg11[%get3A_101] {strides = array<i32>} : memref<128xi32, #tpu.memory_space<vmem>>, vector<16xi32>,
    %get3A_103 = vector.shape_cast %get3A_102 : vector<16xi32> to vector<16xi32>
    %add3A_104 = vector.broadcast %mul3A_2 : i32 to vector<16xi32>
    %add3A_105 = arith.addi %get3A_103, %add3A_104 : vector<16xi32>
    %swap3A_106 = arith.constant 0 : index
    %swap3A_107 = tpu.vector_load %arg11[%swap3A_106] {strides = array<i32>} : memref<128xi32, #tpu.memory_space<vmem>>, vector<16xi32>,
    %swap3A_108 = vector.shape_cast %swap3A_107 : vector<16xi32> to vector<16xi32>
    %swap3A_109 = vector.shape_cast %add3A_105 : vector<16xi32> to vector<16xi32>
    tpu.vector_store %arg11[%swap3A_106], %swap3A_109 {strides = array<i32>} : memref<128xi32, #tpu.memory_space<vmem>>, vector<16xi32>,
    %get3A_110 = arith.constant 16 : index
    %get3A_111 = tpu.vector_load %arg11[%get3A_110] {strides = array<i32>} : memref<128xi32, #tpu.memory_space<vmem>>, vector<16xi32>,
    %get3A_112 = vector.shape_cast %get3A_111 : vector<16xi32> to vector<16xi32>
    %add3A_113 = vector.broadcast %mul3A_2 : i32 to vector<16xi32>
    %add3A_114 = arith.addi %get3A_112, %add3A_113 : vector<16xi32>
    %swap3A_115 = arith.constant 16 : index
    %swap3A_116 = tpu.vector_load %arg11[%swap3A_115] {strides = array<i32>} : memref<128xi32, #tpu.memory_space<vmem>>, vector<16xi32>,
    %swap3A_117 = vector.shape_cast %swap3A_116 : vector<16xi32> to vector<16xi32>
    %swap3A_118 = vector.shape_cast %add3A_114 : vector<16xi32> to vector<16xi32>
    tpu.vector_store %arg11[%swap3A_115], %swap3A_118 {strides = array<i32>} : memref<128xi32, #tpu.memory_space<vmem>>, vector<16xi32>,
    %get3A_119 = arith.constant 32 : index
    %get3A_120 = tpu.vector_load %arg11[%get3A_119] {strides = array<i32>} : memref<128xi32, #tpu.memory_space<vmem>>, vector<16xi32>,
    %get3A_121 = vector.shape_cast %get3A_120 : vector<16xi32> to vector<16xi32>
    %add3A_122 = vector.broadcast %mul3A_2 : i32 to vector<16xi32>
    %add3A_123 = arith.addi %get3A_121, %add3A_122 : vector<16xi32>
    %swap3A_124 = arith.constant 32 : index
    %swap3A_125 = tpu.vector_load %arg11[%swap3A_124] {strides = array<i32>} : memref<128xi32, #tpu.memory_space<vmem>>, vector<16xi32>,
    %swap3A_126 = vector.shape_cast %swap3A_125 : vector<16xi32> to vector<16xi32>
    %swap3A_127 = vector.shape_cast %add3A_123 : vector<16xi32> to vector<16xi32>
    tpu.vector_store %arg11[%swap3A_124], %swap3A_127 {strides = array<i32>} : memref<128xi32, #tpu.memory_space<vmem>>, vector<16xi32>,
    %get3A_128 = arith.constant 48 : index
    %get3A_129 = tpu.vector_load %arg11[%get3A_128] {strides = array<i32>} : memref<128xi32, #tpu.memory_space<vmem>>, vector<16xi32>,
    %get3A_130 = vector.shape_cast %get3A_129 : vector<16xi32> to vector<16xi32>
    %add3A_131 = vector.broadcast %mul3A_2 : i32 to vector<16xi32>
    %add3A_132 = arith.addi %get3A_130, %add3A_131 : vector<16xi32>
    %swap3A_133 = arith.constant 48 : index
    %swap3A_134 = tpu.vector_load %arg11[%swap3A_133] {strides = array<i32>} : memref<128xi32, #tpu.memory_space<vmem>>, vector<16xi32>,
    %swap3A_135 = vector.shape_cast %swap3A_134 : vector<16xi32> to vector<16xi32>
    %swap3A_136 = vector.shape_cast %add3A_132 : vector<16xi32> to vector<16xi32>
    tpu.vector_store %arg11[%swap3A_133], %swap3A_136 {strides = array<i32>} : memref<128xi32, #tpu.memory_space<vmem>>, vector<16xi32>,
    %get3A_137 = arith.constant 64 : index
    %get3A_138 = tpu.vector_load %arg11[%get3A_137] {strides = array<i32>} : memref<128xi32, #tpu.memory_space<vmem>>, vector<16xi32>,
    %get3A_139 = vector.shape_cast %get3A_138 : vector<16xi32> to vector<16xi32>
    %add3A_140 = vector.broadcast %mul3A_2 : i32 to vector<16xi32>
    %add3A_141 = arith.addi %get3A_139, %add3A_140 : vector<16xi32>
    %swap3A_142 = arith.constant 64 : index
    %swap3A_143 = tpu.vector_load %arg11[%swap3A_142] {strides = array<i32>} : memref<128xi32, #tpu.memory_space<vmem>>, vector<16xi32>,
    %swap3A_144 = vector.shape_cast %swap3A_143 : vector<16xi32> to vector<16xi32>
    %swap3A_145 = vector.shape_cast %add3A_141 : vector<16xi32> to vector<16xi32>
    tpu.vector_store %arg11[%swap3A_142], %swap3A_145 {strides = array<i32>} : memref<128xi32, #tpu.memory_space<vmem>>, vector<16xi32>,
    %get3A_146 = arith.constant 80 : index
    %get3A_147 = tpu.vector_load %arg11[%get3A_146] {strides = array<i32>} : memref<128xi32, #tpu.memory_space<vmem>>, vector<16xi32>,
    %get3A_148 = vector.shape_cast %get3A_147 : vector<16xi32> to vector<16xi32>
    %add3A_149 = vector.broadcast %mul3A_2 : i32 to vector<16xi32>
    %add3A_150 = arith.addi %get3A_148, %add3A_149 : vector<16xi32>
    %swap3A_151 = arith.constant 80 : index
    %swap3A_152 = tpu.vector_load %arg11[%swap3A_151] {strides = array<i32>} : memref<128xi32, #tpu.memory_space<vmem>>, vector<16xi32>,
    %swap3A_153 = vector.shape_cast %swap3A_152 : vector<16xi32> to vector<16xi32>
    %swap3A_154 = vector.shape_cast %add3A_150 : vector<16xi32> to vector<16xi32>
    tpu.vector_store %arg11[%swap3A_151], %swap3A_154 {strides = array<i32>} : memref<128xi32, #tpu.memory_space<vmem>>, vector<16xi32>,
    %get3A_155 = arith.constant 96 : index
    %get3A_156 = tpu.vector_load %arg11[%get3A_155] {strides = array<i32>} : memref<128xi32, #tpu.memory_space<vmem>>, vector<16xi32>,
    %get3A_157 = vector.shape_cast %get3A_156 : vector<16xi32> to vector<16xi32>
    %add3A_158 = vector.broadcast %mul3A_2 : i32 to vector<16xi32>
    %add3A_159 = arith.addi %get3A_157, %add3A_158 : vector<16xi32>
    %swap3A_160 = arith.constant 96 : index
    %swap3A_161 = tpu.vector_load %arg11[%swap3A_160] {strides = array<i32>} : memref<128xi32, #tpu.memory_space<vmem>>, vector<16xi32>,
    %swap3A_162 = vector.shape_cast %swap3A_161 : vector<16xi32> to vector<16xi32>
    %swap3A_163 = vector.shape_cast %add3A_159 : vector<16xi32> to vector<16xi32>
    tpu.vector_store %arg11[%swap3A_160], %swap3A_163 {strides = array<i32>} : memref<128xi32, #tpu.memory_space<vmem>>, vector<16xi32>,
    %get3A_164 = arith.constant 112 : index
    %get3A_165 = tpu.vector_load %arg11[%get3A_164] {strides = array<i32>} : memref<128xi32, #tpu.memory_space<vmem>>, vector<16xi32>,
    %get3A_166 = vector.shape_cast %get3A_165 : vector<16xi32> to vector<16xi32>
    %add3A_167 = vector.broadcast %mul3A_2 : i32 to vector<16xi32>
    %add3A_168 = arith.addi %get3A_166, %add3A_167 : vector<16xi32>
    %swap3A_169 = arith.constant 112 : index
    %swap3A_170 = tpu.vector_load %arg11[%swap3A_169] {strides = array<i32>} : memref<128xi32, #tpu.memory_space<vmem>>, vector<16xi32>,
    %swap3A_171 = vector.shape_cast %swap3A_170 : vector<16xi32> to vector<16xi32>
    %swap3A_172 = vector.shape_cast %add3A_168 : vector<16xi32> to vector<16xi32>
    tpu.vector_store %arg11[%swap3A_169], %swap3A_172 {strides = array<i32>} : memref<128xi32, #tpu.memory_space<vmem>>, vector<16xi32>,
    %dma_start3A_173 = arith.constant 0 : i32
    %dma_start3A_174 = arith.constant 0 : i32
    %dma_start3A_175 = tpu.memref_slice %arg2[%dma_start3A_173, %dma_start3A_174] : memref<20000x128xf32, #tpu.memory_space<hbm>> -> memref<20000x128xf32, #tpu.memory_space<hbm>>
    tpu.enqueue_indirect_dma source(%dma_start3A_175 : memref<20000x128xf32, #tpu.memory_space<hbm>>) target(%arg8 : memref<128x128xf32, #tpu.memory_space<vmem>>) offsets(%arg11 : memref<128xi32, #tpu.memory_space<vmem>>) semaphore(%arg17 : memref<!tpu.dma_semaphore, #tpu.memory_space<semaphore_mem>>)
    %dma_wait3A_176 = arith.constant 0 : i32
    %dma_wait3A_177 = arith.constant 0 : i32
    %dma_wait3A_178 = tpu.memref_slice %arg2[%dma_wait3A_176, %dma_wait3A_177] : memref<20000x128xf32, #tpu.memory_space<hbm>> -> memref<20000x128xf32, #tpu.memory_space<hbm>>
    tpu.wait_indirect_dma semaphore(%arg16 : memref<!tpu.dma_semaphore, #tpu.memory_space<semaphore_mem>>) src(%dma_wait3A_178 : memref<20000x128xf32, #tpu.memory_space<hbm>>) dst(%arg7 : memref<128x128xf32, #tpu.memory_space<vmem>>)
    %dma_start3A_179 = arith.constant 0 : i32
    %dma_start3A_180 = arith.constant 0 : i32
    %dma_start3A_181 = tpu.memref_slice %arg6[%dma_start3A_179, %dma_start3A_180] : memref<10112x128xf32, #tpu.memory_space<vmem_shared>> -> memref<10112x128xf32, #tpu.memory_space<vmem_shared>>
    tpu.enqueue_indirect_dma source(%arg7 : memref<128x128xf32, #tpu.memory_space<vmem>>) target(%dma_start3A_181 : memref<10112x128xf32, #tpu.memory_space<vmem_shared>>) offsets(%arg13 : memref<128xi32, #tpu.memory_space<vmem>>) semaphore(%arg19 : memref<!tpu.dma_semaphore, #tpu.memory_space<semaphore_mem>>) {add = true}
    %dma_wait3A_182 = arith.constant 0 : i32
    %dma_wait3A_183 = arith.constant 0 : i32
    %dma_wait3A_184 = tpu.memref_slice %arg2[%dma_wait3A_182, %dma_wait3A_183] : memref<20000x128xf32, #tpu.memory_space<hbm>> -> memref<20000x128xf32, #tpu.memory_space<hbm>>
    tpu.wait_indirect_dma semaphore(%arg17 : memref<!tpu.dma_semaphore, #tpu.memory_space<semaphore_mem>>) src(%dma_wait3A_184 : memref<20000x128xf32, #tpu.memory_space<hbm>>) dst(%arg8 : memref<128x128xf32, #tpu.memory_space<vmem>>)
    %dma_start3A_185 = arith.constant 0 : i32
    %dma_start3A_186 = arith.constant 0 : i32
    %dma_start3A_187 = tpu.memref_slice %arg6[%dma_start3A_185, %dma_start3A_186] : memref<10112x128xf32, #tpu.memory_space<vmem_shared>> -> memref<10112x128xf32, #tpu.memory_space<vmem_shared>>
    tpu.enqueue_indirect_dma source(%arg8 : memref<128x128xf32, #tpu.memory_space<vmem>>) target(%dma_start3A_187 : memref<10112x128xf32, #tpu.memory_space<vmem_shared>>) offsets(%arg14 : memref<128xi32, #tpu.memory_space<vmem>>) semaphore(%arg20 : memref<!tpu.dma_semaphore, #tpu.memory_space<semaphore_mem>>) {add = true}
    %dma_wait3A_188 = arith.constant 0 : i32
    %dma_wait3A_189 = arith.constant 0 : i32
    %dma_wait3A_190 = tpu.memref_slice %arg2[%dma_wait3A_188, %dma_wait3A_189] : memref<20000x128xf32, #tpu.memory_space<hbm>> -> memref<128x128xf32, #tpu.memory_space<hbm>>
    %dma_wait3A_191 = arith.constant 0 : i32
    %dma_wait3A_192 = arith.constant 0 : i32
    %dma_wait3A_193 = tpu.memref_slice %arg2[%dma_wait3A_191, %dma_wait3A_192] : memref<20000x128xf32, #tpu.memory_space<hbm>> -> memref<128x128xf32, #tpu.memory_space<hbm>>
    tpu.wait_dma2 semaphore(%arg19 : memref<!tpu.dma_semaphore, #tpu.memory_space<semaphore_mem>>) src(%dma_wait3A_193 : memref<128x128xf32, #tpu.memory_space<hbm>>) dst(%arg7 : memref<128x128xf32, #tpu.memory_space<vmem>>)
    %dma_wait3A_194 = arith.constant 0 : i32
    %dma_wait3A_195 = arith.constant 0 : i32
    %dma_wait3A_196 = tpu.memref_slice %arg2[%dma_wait3A_194, %dma_wait3A_195] : memref<20000x128xf32, #tpu.memory_space<hbm>> -> memref<128x128xf32, #tpu.memory_space<hbm>>
    %dma_wait3A_197 = arith.constant 0 : i32
    %dma_wait3A_198 = arith.constant 0 : i32
    %dma_wait3A_199 = tpu.memref_slice %arg2[%dma_wait3A_197, %dma_wait3A_198] : memref<20000x128xf32, #tpu.memory_space<hbm>> -> memref<128x128xf32, #tpu.memory_space<hbm>>
    tpu.wait_dma2 semaphore(%arg20 : memref<!tpu.dma_semaphore, #tpu.memory_space<semaphore_mem>>) src(%dma_wait3A_199 : memref<128x128xf32, #tpu.memory_space<hbm>>) dst(%arg8 : memref<128x128xf32, #tpu.memory_space<vmem>>)
    %dma_wait3A_200 = arith.constant 0 : i32
    %dma_wait3A_201 = arith.constant 0 : i32
    %dma_wait3A_202 = tpu.memref_slice %arg2[%dma_wait3A_200, %dma_wait3A_201] : memref<20000x128xf32, #tpu.memory_space<hbm>> -> memref<128x128xf32, #tpu.memory_space<hbm>>
    %dma_wait3A_203 = arith.constant 0 : i32
    %dma_wait3A_204 = arith.constant 0 : i32
    %dma_wait3A_205 = tpu.memref_slice %arg2[%dma_wait3A_203, %dma_wait3A_204] : memref<20000x128xf32, #tpu.memory_space<hbm>> -> memref<128x128xf32, #tpu.memory_space<hbm>>
    tpu.wait_dma2 semaphore(%arg21 : memref<!tpu.dma_semaphore, #tpu.memory_space<semaphore_mem>>) src(%dma_wait3A_205 : memref<128x128xf32, #tpu.memory_space<hbm>>) dst(%arg9 : memref<128x128xf32, #tpu.memory_space<vmem>>)
    %barrier3A_206 = arith.constant 0 : index
    tpu.barrier barrier_id(%barrier3A_206)
    "tpu.region"() ({
      %run_scoped3A_207 = tpu.sem_alloc : memref<!tpu.dma_semaphore, #tpu.memory_space<semaphore_mem>>
      %dma_start3A_208 = arith.constant 0 : i32
      %dma_start3A_209 = tpu.memref_slice %arg5[%arg0, %mul3A_0, %dma_start3A_208] : memref<2x10112x128xf32, #tpu.memory_space<hbm>> -> memref<1x632x128xf32, #tpu.memory_space<hbm>>
      %dma_start3A_210 = tpu.memref_squeeze %dma_start3A_209 : memref<1x632x128xf32, #tpu.memory_space<hbm>> -> memref<632x128xf32, #tpu.memory_space<hbm>>
      %dma_start3A_211 = arith.constant 0 : i32
      %dma_start3A_212 = tpu.memref_slice %arg6[%mul3A_0, %dma_start3A_211] : memref<10112x128xf32, #tpu.memory_space<vmem_shared>> -> memref<632x128xf32, #tpu.memory_space<vmem_shared>>
      tpu.enqueue_dma source(%dma_start3A_212 : memref<632x128xf32, #tpu.memory_space<vmem_shared>>) target(%dma_start3A_210 : memref<632x128xf32, #tpu.memory_space<hbm>>) target_semaphore(%run_scoped3A_207 : memref<!tpu.dma_semaphore, #tpu.memory_space<semaphore_mem>>)
      %dma_wait3A_213 = arith.constant 0 : i32
      %dma_wait3A_214 = tpu.memref_slice %arg5[%arg0, %mul3A_0, %dma_wait3A_213] : memref<2x10112x128xf32, #tpu.memory_space<hbm>> -> memref<1x632x128xf32, #tpu.memory_space<hbm>>
      %dma_wait3A_215 = tpu.memref_squeeze %dma_wait3A_214 : memref<1x632x128xf32, #tpu.memory_space<hbm>> -> memref<632x128xf32, #tpu.memory_space<hbm>>
      %dma_wait3A_216 = arith.constant 0 : i32
      %dma_wait3A_217 = tpu.memref_slice %arg6[%mul3A_0, %dma_wait3A_216] : memref<10112x128xf32, #tpu.memory_space<vmem_shared>> -> memref<632x128xf32, #tpu.memory_space<vmem_shared>>
      tpu.wait_dma2 semaphore(%run_scoped3A_207 : memref<!tpu.dma_semaphore, #tpu.memory_space<semaphore_mem>>) src(%dma_wait3A_217 : memref<632x128xf32, #tpu.memory_space<vmem_shared>>) dst(%dma_wait3A_215 : memref<632x128xf32, #tpu.memory_space<hbm>>)
      tpu.yield
    }) : () -> ()
    return
  }
}

module attributes {stable_mosaic.version = 14 : i64} {
  func.func @_prescale_body(%arg0: i32, %arg1: i32, %arg2: memref<1000x128xf32, #tpu.memory_space<vmem>>, %arg3: memref<2x1000x128xf32, #tpu.memory_space<vmem>>, %arg4: memref<1000x128xf32, #tpu.memory_space<vmem>>) attributes {dimension_semantics = [#tpu.dimension_semantics<arbitrary>, #tpu.dimension_semantics<arbitrary>], iteration_bounds = array<i64: 10, 2>, scalar_prefetch = 0 : i64, scratch_operands = 0 : i64, tpu.core_type = #tpu.core_type<tc>, window_params = [{transform_indices = @transform_0, window_bounds = array<i64: 1000, 128>}, {transform_indices = @transform_1, window_bounds = array<i64: 2, 1000, 128>}, {transform_indices = @transform_2, window_bounds = array<i64: 1000, 128>}]} {
    %get3A = arith.constant 0 : index
    %get3A_0 = arith.constant 0 : index
    %get3A_1 = vector.load %arg2[%get3A, %get3A_0] : memref<1000x128xf32, #tpu.memory_space<vmem>>, vector<1000x128xf32>
    %get3A_2 = arith.constant 0 : index
    %get3A_3 = arith.constant 0 : index
    %get3A_4 = arith.constant 0 : index
    %get3A_5 = vector.load %arg3[%get3A_2, %get3A_3, %get3A_4] : memref<2x1000x128xf32, #tpu.memory_space<vmem>>, vector<2x1000x128xf32>
    %slice3A = vector.extract_strided_slice %get3A_5 {offsets = [0, 0, 0], sizes = [1, 1000, 1], strides = [1, 1, 1]} : vector<2x1000x128xf32> to vector<1x1000x1xf32>
    %squeeze3A = vector.shape_cast %slice3A : vector<1x1000x1xf32> to vector<1000x1xf32>
    %slice3A_6 = vector.extract_strided_slice %get3A_5 {offsets = [1, 0, 0], sizes = [1, 1000, 1], strides = [1, 1, 1]} : vector<2x1000x128xf32> to vector<1x1000x1xf32>
    %squeeze3A_7 = vector.shape_cast %slice3A_6 : vector<1x1000x1xf32> to vector<1000x1xf32>
    %add3A = arith.addf %squeeze3A, %squeeze3A_7 : vector<1000x1xf32>
    %add3A_8 = arith.constant 1.000000e-07 : f32
    %add3A_9 = vector.broadcast %add3A_8 : f32 to vector<1000x1xf32>
    %add3A_10 = arith.addf %add3A, %add3A_9 : vector<1000x1xf32>
    %rsqrt3A = math.rsqrt %add3A_10 : vector<1000x1xf32>
    %mul3A = vector.broadcast %rsqrt3A : vector<1000x1xf32> to vector<1000x128xf32>
    %mul3A_11 = arith.mulf %get3A_1, %mul3A : vector<1000x128xf32>
    %swap3A = arith.constant 0 : index
    %swap3A_12 = arith.constant 0 : index
    %swap3A_13 = vector.load %arg4[%swap3A, %swap3A_12] : memref<1000x128xf32, #tpu.memory_space<vmem>>, vector<1000x128xf32>
    tpu.vector_store %arg4[%swap3A, %swap3A_12], %mul3A_11 {strides = array<i32>} : memref<1000x128xf32, #tpu.memory_space<vmem>>, vector<1000x128xf32>,
    return
  }
  func.func @transform_0(%arg0: i32, %arg1: i32) -> (i32, i32) {
    %c0_i32 = arith.constant 0 : i32
    return %arg0, %arg1 : i32, i32
  }
  func.func @transform_1(%arg0: i32, %arg1: i32) -> (i32, i32, i32) {
    %c0_i32 = arith.constant 0 : i32
    %c0_i32_0 = arith.constant 0 : i32
    %c0_i32_1 = arith.constant 0 : i32
    return %c0_i32, %arg0, %c0_i32_0 : i32, i32, i32
  }
  func.func @transform_2(%arg0: i32, %arg1: i32) -> (i32, i32) {
    %mul3A = arith.constant 10 : i32
    %mul3A_0 = arith.muli %arg1, %mul3A : i32
    %add3A = arith.addi %mul3A_0, %arg0 : i32
    %c0_i32 = arith.constant 0 : i32
    %c0_i32_1 = arith.constant 0 : i32
    return %add3A, %c0_i32 : i32, i32
  }
}

module attributes {stable_mosaic.version = 14 : i64} {
  func.func @_layer_body(%arg0: i32, %arg1: memref<1000x256xf32, #tpu.memory_space<vmem>>, %arg2: memref<2x1000x128xf32, #tpu.memory_space<vmem>>, %arg3: memref<2x1000x128xf32, #tpu.memory_space<vmem>>, %arg4: memref<256x256xf32, #tpu.memory_space<vmem>>, %arg5: memref<1x256xf32, #tpu.memory_space<vmem>>, %arg6: memref<256x256xf32, #tpu.memory_space<vmem>>, %arg7: memref<1x256xf32, #tpu.memory_space<vmem>>, %arg8: memref<1000x256xf32, #tpu.memory_space<vmem>>) attributes {dimension_semantics = [#tpu.dimension_semantics<arbitrary>], iteration_bounds = array<i64: 10>, scalar_prefetch = 0 : i64, scratch_operands = 0 : i64, tpu.core_type = #tpu.core_type<tc>, window_params = [{transform_indices = @transform_0, window_bounds = array<i64: 1000, 256>}, {transform_indices = @transform_1, window_bounds = array<i64: 2, 1000, 128>}, {transform_indices = @transform_2, window_bounds = array<i64: 2, 1000, 128>}, {pipeline_mode = #tpu.pipeline_mode<synchronous>, transform_indices = @transform_3, window_bounds = array<i64: 256, 256>}, {pipeline_mode = #tpu.pipeline_mode<synchronous>, transform_indices = @transform_4, window_bounds = array<i64: 1, 256>}, {pipeline_mode = #tpu.pipeline_mode<synchronous>, transform_indices = @transform_5, window_bounds = array<i64: 256, 256>}, {pipeline_mode = #tpu.pipeline_mode<synchronous>, transform_indices = @transform_6, window_bounds = array<i64: 1, 256>}, {transform_indices = @transform_7, window_bounds = array<i64: 1000, 256>}]} {
    %get3A = arith.constant 0 : index
    %get3A_0 = arith.constant 0 : index
    %get3A_1 = arith.constant 0 : index
    %get3A_2 = vector.load %arg3[%get3A, %get3A_0, %get3A_1] : memref<2x1000x128xf32, #tpu.memory_space<vmem>>, vector<2x1000x128xf32>
    %slice3A = vector.extract_strided_slice %get3A_2 {offsets = [0, 0, 0], sizes = [1, 1000, 1], strides = [1, 1, 1]} : vector<2x1000x128xf32> to vector<1x1000x1xf32>
    %squeeze3A = vector.shape_cast %slice3A : vector<1x1000x1xf32> to vector<1000x1xf32>
    %slice3A_3 = vector.extract_strided_slice %get3A_2 {offsets = [1, 0, 0], sizes = [1, 1000, 1], strides = [1, 1, 1]} : vector<2x1000x128xf32> to vector<1x1000x1xf32>
    %squeeze3A_4 = vector.shape_cast %slice3A_3 : vector<1x1000x1xf32> to vector<1000x1xf32>
    %add3A = arith.addf %squeeze3A, %squeeze3A_4 : vector<1000x1xf32>
    %add3A_5 = arith.constant 1.000000e-07 : f32
    %add3A_6 = vector.broadcast %add3A_5 : f32 to vector<1000x1xf32>
    %add3A_7 = arith.addf %add3A, %add3A_6 : vector<1000x1xf32>
    %rsqrt3A = math.rsqrt %add3A_7 : vector<1000x1xf32>
    %get3A_8 = arith.constant 0 : index
    %get3A_9 = arith.constant 0 : index
    %get3A_10 = arith.constant 0 : index
    %get3A_11 = vector.load %arg2[%get3A_8, %get3A_9, %get3A_10] : memref<2x1000x128xf32, #tpu.memory_space<vmem>>, vector<2x1000x128xf32>
    %slice3A_12 = vector.extract_strided_slice %get3A_11 {offsets = [0, 0, 0], sizes = [1, 1000, 128], strides = [1, 1, 1]} : vector<2x1000x128xf32> to vector<1x1000x128xf32>
    %squeeze3A_13 = vector.shape_cast %slice3A_12 : vector<1x1000x128xf32> to vector<1000x128xf32>
    %slice3A_14 = vector.extract_strided_slice %get3A_11 {offsets = [1, 0, 0], sizes = [1, 1000, 128], strides = [1, 1, 1]} : vector<2x1000x128xf32> to vector<1x1000x128xf32>
    %squeeze3A_15 = vector.shape_cast %slice3A_14 : vector<1x1000x128xf32> to vector<1000x128xf32>
    %concatenate3A = tpu.concatenate %squeeze3A_13, %squeeze3A_15 in 1 : vector<1000x128xf32>, vector<1000x128xf32> -> vector<1000x256xf32>
    %mul3A = vector.broadcast %rsqrt3A : vector<1000x1xf32> to vector<1000x256xf32>
    %mul3A_16 = arith.mulf %mul3A, %concatenate3A : vector<1000x256xf32>
    %get3A_17 = arith.constant 0 : index
    %get3A_18 = arith.constant 0 : index
    %get3A_19 = vector.load %arg1[%get3A_17, %get3A_18] : memref<1000x256xf32, #tpu.memory_space<vmem>>, vector<1000x256xf32>
    %add3A_20 = arith.addf %get3A_19, %mul3A_16 : vector<1000x256xf32>
    %mul3A_21 = arith.mulf %mul3A_16, %get3A_19 : vector<1000x256xf32>
    %get3A_22 = arith.constant 0 : index
    %get3A_23 = arith.constant 0 : index
    %get3A_24 = vector.load %arg4[%get3A_22, %get3A_23] : memref<256x256xf32, #tpu.memory_space<vmem>>, vector<256x256xf32>
    %transpose3A = tpu.transpose %get3A_24, [1, 0] : vector<256x256xf32> -> vector<256x256xf32>
    %dot_general3A = arith.constant dense<0.000000e+00> : vector<1000x256xf32>
    %dot_general3A_25 = tpu.matmul %add3A_20, %transpose3A, %dot_general3A {dimension_numbers = #tpu.dot_dimension_numbers<[1], [0], [0], [1], [0, 0, 1, 1], [], []>, transpose_lhs_hint = false} : vector<1000x256xf32>, vector<256x256xf32>, vector<1000x256xf32> -> vector<1000x256xf32>
    %get3A_26 = arith.constant 0 : index
    %get3A_27 = arith.constant 0 : index
    %get3A_28 = vector.load %arg6[%get3A_26, %get3A_27] : memref<256x256xf32, #tpu.memory_space<vmem>>, vector<256x256xf32>
    %transpose3A_29 = tpu.transpose %get3A_28, [1, 0] : vector<256x256xf32> -> vector<256x256xf32>
    %dot_general3A_30 = arith.constant dense<0.000000e+00> : vector<1000x256xf32>
    %dot_general3A_31 = tpu.matmul %mul3A_21, %transpose3A_29, %dot_general3A_30 {dimension_numbers = #tpu.dot_dimension_numbers<[1], [0], [0], [1], [0, 0, 1, 1], [], []>, transpose_lhs_hint = false} : vector<1000x256xf32>, vector<256x256xf32>, vector<1000x256xf32> -> vector<1000x256xf32>
    %add3A_32 = arith.addf %dot_general3A_25, %dot_general3A_31 : vector<1000x256xf32>
    %get3A_33 = arith.constant 0 : index
    %get3A_34 = arith.constant 0 : index
    %get3A_35 = vector.load %arg5[%get3A_33, %get3A_34] : memref<1x256xf32, #tpu.memory_space<vmem>>, vector<1x256xf32>
    %add3A_36 = vector.broadcast %get3A_35 : vector<1x256xf32> to vector<1000x256xf32>
    %add3A_37 = arith.addf %add3A_32, %add3A_36 : vector<1000x256xf32>
    %get3A_38 = arith.constant 0 : index
    %get3A_39 = arith.constant 0 : index
    %get3A_40 = vector.load %arg7[%get3A_38, %get3A_39] : memref<1x256xf32, #tpu.memory_space<vmem>>, vector<1x256xf32>
    %add3A_41 = vector.broadcast %get3A_40 : vector<1x256xf32> to vector<1000x256xf32>
    %add3A_42 = arith.addf %add3A_37, %add3A_41 : vector<1000x256xf32>
    %ge3A = arith.constant 0.000000e+00 : f32
    %ge3A_43 = vector.broadcast %ge3A : f32 to vector<1000x256xf32>
    %ge3A_44 = arith.cmpf oge, %add3A_42, %ge3A_43 : vector<1000x256xf32>
    %mul3A_45 = arith.constant 2.000000e-01 : f32
    %mul3A_46 = vector.broadcast %mul3A_45 : f32 to vector<1000x256xf32>
    %mul3A_47 = arith.mulf %mul3A_46, %add3A_42 : vector<1000x256xf32>
    %select_n3A = arith.select %ge3A_44, %add3A_42, %mul3A_47 : vector<1000x256xi1>, vector<1000x256xf32>
    %mul3A_48 = arith.mulf %select_n3A, %select_n3A : vector<1000x256xf32>
    %reduce_sum3A = arith.constant dense<0.000000e+00> : vector<1000xf32>
    %reduce_sum3A_49 = vector.multi_reduction <add>, %mul3A_48, %reduce_sum3A [1] : vector<1000x256xf32> to vector<1000xf32>
    %broadcast_in_dim3A = vector.shape_cast %reduce_sum3A_49 : vector<1000xf32> to vector<1000x1xf32>
    %sqrt3A = math.sqrt %broadcast_in_dim3A : vector<1000x1xf32>
    %max3A = arith.constant 9.99999996E-13 : f32
    %max3A_50 = vector.broadcast %max3A : f32 to vector<1000x1xf32>
    %max3A_51 = arith.maximumf %sqrt3A, %max3A_50 : vector<1000x1xf32>
    %div3A = vector.broadcast %max3A_51 : vector<1000x1xf32> to vector<1000x256xf32>
    %div3A_52 = arith.divf %select_n3A, %div3A : vector<1000x256xf32>
    %swap3A = arith.constant 0 : index
    %swap3A_53 = arith.constant 0 : index
    %swap3A_54 = vector.load %arg8[%swap3A, %swap3A_53] : memref<1000x256xf32, #tpu.memory_space<vmem>>, vector<1000x256xf32>
    tpu.vector_store %arg8[%swap3A, %swap3A_53], %div3A_52 {strides = array<i32>} : memref<1000x256xf32, #tpu.memory_space<vmem>>, vector<1000x256xf32>,
    return
  }
  func.func @transform_0(%arg0: i32) -> (i32, i32) {
    %c0_i32 = arith.constant 0 : i32
    %c0_i32_0 = arith.constant 0 : i32
    return %arg0, %c0_i32 : i32, i32
  }
  func.func @transform_1(%arg0: i32) -> (i32, i32, i32) {
    %c0_i32 = arith.constant 0 : i32
    %c0_i32_0 = arith.constant 0 : i32
    %c0_i32_1 = arith.constant 0 : i32
    return %c0_i32, %arg0, %c0_i32_0 : i32, i32, i32
  }
  func.func @transform_2(%arg0: i32) -> (i32, i32, i32) {
    %c0_i32 = arith.constant 0 : i32
    %c0_i32_0 = arith.constant 0 : i32
    %c0_i32_1 = arith.constant 0 : i32
    return %c0_i32, %arg0, %c0_i32_0 : i32, i32, i32
  }
  func.func @transform_3(%arg0: i32) -> (i32, i32) {
    %c0_i32 = arith.constant 0 : i32
    %c0_i32_0 = arith.constant 0 : i32
    %c0_i32_1 = arith.constant 0 : i32
    return %c0_i32, %c0_i32_0 : i32, i32
  }
  func.func @transform_4(%arg0: i32) -> (i32, i32) {
    %c0_i32 = arith.constant 0 : i32
    %c0_i32_0 = arith.constant 0 : i32
    %c0_i32_1 = arith.constant 0 : i32
    return %c0_i32, %c0_i32_0 : i32, i32
  }
  func.func @transform_5(%arg0: i32) -> (i32, i32) {
    %c0_i32 = arith.constant 0 : i32
    %c0_i32_0 = arith.constant 0 : i32
    %c0_i32_1 = arith.constant 0 : i32
    return %c0_i32, %c0_i32_0 : i32, i32
  }
  func.func @transform_6(%arg0: i32) -> (i32, i32) {
    %c0_i32 = arith.constant 0 : i32
    %c0_i32_0 = arith.constant 0 : i32
    %c0_i32_1 = arith.constant 0 : i32
    return %c0_i32, %c0_i32_0 : i32, i32
  }
  func.func @transform_7(%arg0: i32) -> (i32, i32) {
    %c0_i32 = arith.constant 0 : i32
    %c0_i32_0 = arith.constant 0 : i32
    return %arg0, %c0_i32 : i32, i32
  }
}

</mosaic_0001>

<sc_bundles>
// kernel: kernel.12.cloned.1.call-start
scs
__scs_entry_jumppad:
0x0: {  	(pc) =	sbr.rel $0x88, $3  }
0x1: {  	(tag) =	ssettag $0x0;
	lr =	simm.s32 $0x1  }
0x2: {  	[smem:$0x3F91] =	sst lr;
	_ =	strace $0xD0000000  }
0x3: {  	_ = 	snop  }
0x4: {  	_ = 	snop  }
0x5: {  	_ = 	snop  }
0x6: {  	_ = 	snop  }
0x7: {  	_ = 	snop  }
__scs_overlays_trampoline_lowered:
0x8: {  	[smem:$0x3FA0] =	sst s0  }
0x9: {  	[smem:$0x3FA1] =	sst s1  }
0xa: {  	[smem:$0x3FA2] =	sst s2  }
0xb: {  	[smem:$0x3FA3] =	sst s3  }
0xc: {  	[smem:$0x3FA4] =	sst s4  }
0xd: {  	[smem:$0x3FA5] =	sst s5  }
0xe: {  	[smem:$0x3FA6] =	sst s6  }
0xf: {  	[smem:$0x3FA7] =	sst s7  }
0x10: {  	[smem:$0x3FA8] =	sst s8  }
0x11: {  	[smem:$0x3FA9] =	sst s9;
	s0 =	simm.s32 @!p0 $0x0  }
0x12: {  	s1 =	sld [smem:$0x3F8F];
	s0 =	simm.s32 @p0 $0x1  }
0x13: {  	[smem:$0x3FAA] =	sst s0;
	s0 =	simm.s32 @!p1 $0x0  }
0x14: {  	s2 =	sld [smem:$0x3F8E];
	s0 =	simm.s32 @p1 $0x1  }
0x15: {  	[smem:$0x3FAB] =	sst s0;
	s0 =	simm.s32 @!p2 $0x0  }
0x16: {  	s3 =	sld [smem:$0x3FDB];
	s0 =	simm.s32 @p2 $0x1  }
0x17: {  	s4 =	simm.s32 $0x1BF5;
	[smem:$0x3FAD] =	sst s0  }
0x18: {  	s0 =	sld [smem:$0x3F90];
	_ =	swait.ge [sflag:s4], $0x0  }
0x19: {  	s7 =	sld [smem:$0x3F91]  }
0x1a: {  	s8 =	sadd.s32 $0xFFFFE003, lr  }
0x1b: {  	s9 =	sadd.s32 $0xFFFFFEF7, lr;
	s5 =	simm.s32 $0xFFFFFFFF;
	p2 =	slt.u32 s8, $0xFFFFF086  }
0x1c: {  	p1 =	slt.u32 s9, $0xF7A;
	s5 =	simm.s32 @!p2 $0x0  }
0x1d: {  	s5 =	simm.s32 @p1 $0x1;
	p0 =	seq.s32 s7, s2  }
0x1e: {  	s7 =	smul.u32 @!p0 $0xF7A, s2;
	p2 =	seq.s32 @!p0 s5, $0x0  }
0x1f: {  	s9 =	smul.u32 $0xF7A, s1;
	s8 =	simm.s32 @!p0 $0x1BF5;
	p2 =	por !p2, p0  }
0x20: {  	[sflag:s8] =	ssyncset.s32 @!p0 $0xFFFFF086;
	s6 =	sadd.s32 @!p0 s3, s7;
	s7 =	simm.s32 @!p0 $0x108  }
0x21: {  	s3 =	sadd.s32 s3, s9;
	s6 =	sadd.s32 @!p0 $0x88, s6;
	s7 =	simm.s32 @p2 $0x1082  }
0x22: {  	[simem:s7], [sflag:s8] =	dma.local @!p0 [hbm:s6], $0xF7A  }
0x23: {  	s9 =	sor.u32 $0xD0000000, s2;
	s6 =	simm.s32 $0x108;
	_ =	swait.ge @!p0 [sflag:s8], $0x0  }
0x24: {  	s3 =	sadd.s32 $0x88, s3;
	s6 =	simm.s32 @!p1 $0x1082;
	[sflag:s4] =	ssyncset.s32 $0xFFFFF086  }
0x25: {  	[simem:s6], [sflag:s4] =	dma.local [hbm:s3], $0xF7A  }
0x26: {  	[smem:$0x3F91] =	sst s1;
	(tag) =	ssettag s2;
	_ =	strace s9  }
0x27: {  	s1 =	sld [smem:$0x3FA1]  }
0x28: {  	s2 =	sld [smem:$0x3FA2]  }
0x29: {  	s4 =	sld [smem:$0x3FA4]  }
0x2a: {  	p0 =	seq.s32 s5, $0x0;
	s5 =	sld [smem:$0x3FA5]  }
0x2b: {  	s6 =	sld [smem:$0x3FA6]  }
0x2c: {  	s7 =	sld [smem:$0x3FA7]  }
0x2d: {  	s3 =	simm.s32 $0x108;
	s8 =	sld [smem:$0x3FA8]  }
0x2e: {  	s3 =	simm.s32 @!p0 $0x1082;
	s9 =	sld [smem:$0x3FA9]  }
0x2f: {  	lr =	sadd.s32 s0, s3;
	s0 =	sld [smem:$0x3FA0]  }
0x30: {  	s3 =	sld [smem:$0x3FA3]  }
0x31: {  	[smem:$0x3FAC] =	sst s10  }
0x32: {  	s10 =	sld [smem:$0x3FAA];
	_ =	sdelay $0x3  }
0x33: {  	p0 =	seq.s32 s10, $0x1;
	s10 =	sld [smem:$0x3FAC];
	_ =	sdelay $0x3  }
0x34: {  	[smem:$0x3FAC] =	sst s10  }
0x35: {  	s10 =	sld [smem:$0x3FAB];
	_ =	sdelay $0x3  }
0x36: {  	p1 =	seq.s32 s10, $0x1;
	s10 =	sld [smem:$0x3FAC];
	_ =	sdelay $0x3  }
0x37: {  	[smem:$0x3FAC] =	sst s10  }
0x38: {  	s10 =	sld [smem:$0x3FAD]  }
0x39: {  	_ = 	snop;
	(pc) =	sbr.ind lr, $3  }
0x3a: {  	_ = 	snop  }
0x3b: {  	_ = 	snop  }
0x3c: {  	p2 =	seq.s32 s10, $0x1;
	s10 =	sld [smem:$0x3FAC]  }
0x3d: {  	_ =	shalt  }
0x3e: {  	_ =	shalt  }
0x3f: {  	_ =	shalt  }
0x40: {  	_ =	shalt  }
0x41: {  	_ =	shalt  }
0x42: {  	_ =	shalt  }
0x43: {  	_ =	shalt  }
0x44: {  	_ =	shalt  }
0x45: {  	_ =	shalt  }
0x46: {  	_ =	shalt  }
0x47: {  	_ =	shalt  }
0x48: {  	_ =	shalt  }
0x49: {  	_ =	shalt  }
0x4a: {  	_ =	shalt  }
0x4b: {  	_ =	shalt  }
0x4c: {  	_ =	shalt  }
0x4d: {  	_ =	shalt  }
0x4e: {  	_ =	shalt  }
0x4f: {  	_ =	shalt  }
0x50: {  	_ =	shalt  }
0x51: {  	_ =	shalt  }
0x52: {  	_ =	shalt  }
0x53: {  	_ =	shalt  }
0x54: {  	_ =	shalt  }
0x55: {  	_ =	shalt  }
0x56: {  	_ =	shalt  }
0x57: {  	_ =	shalt  }
0x58: {  	_ =	shalt  }
0x59: {  	_ =	shalt  }
0x5a: {  	_ =	shalt  }
0x5b: {  	_ =	shalt  }
0x5c: {  	_ =	shalt  }
0x5d: {  	_ =	shalt  }
0x5e: {  	_ =	shalt  }
0x5f: {  	_ =	shalt  }
0x60: {  	_ =	shalt  }
0x61: {  	_ =	shalt  }
0x62: {  	_ =	shalt  }
0x63: {  	_ =	shalt  }
0x64: {  	_ =	shalt  }
0x65: {  	_ =	shalt  }
0x66: {  	_ =	shalt  }
0x67: {  	_ =	shalt  }
0x68: {  	_ =	shalt  }
0x69: {  	_ =	shalt  }
0x6a: {  	_ =	shalt  }
0x6b: {  	_ =	shalt  }
0x6c: {  	_ =	shalt  }
0x6d: {  	_ =	shalt  }
0x6e: {  	_ =	shalt  }
0x6f: {  	_ =	shalt  }
0x70: {  	_ =	shalt  }
0x71: {  	_ =	shalt  }
0x72: {  	_ =	shalt  }
0x73: {  	_ =	shalt  }
0x74: {  	_ =	shalt  }
0x75: {  	_ =	shalt  }
0x76: {  	_ =	shalt  }
0x77: {  	_ =	shalt  }
0x78: {  	_ =	shalt  }
0x79: {  	_ =	shalt  }
0x7a: {  	_ =	shalt  }
0x7b: {  	_ =	shalt  }
0x7c: {  	_ =	shalt  }
0x7d: {  	_ =	shalt  }
0x7e: {  	_ =	shalt  }
0x7f: {  	_ =	shalt  }
0x80: {  	_ =	shalt  }
0x81: {  	_ =	shalt  }
0x82: {  	_ =	shalt  }
0x83: {  	_ =	shalt  }
0x84: {  	_ =	shalt  }
0x85: {  	_ =	shalt  }
0x86: {  	_ =	shalt  }
0x87: {  	_ =	shalt  }
.Lfunc_end0:
.L_simem_size_0:
called_computation_lowered:
.L_overlay_start_0:
0x88: {  	s2 =	sld [smem:$0x3FD9]  }
0x89: {  	s3 =	sld [smem:$0x3FFE];
	_ =	sdelay $0x1  }
0x8a: {  	s1 =	srdreg.scid  }
0x8b: {  	s0 =	sand.u32 $0x1, s1  }
0x8c: {  	s14 =	sshll.u32 s0, $0xA;
	s2 =	sadd.s32 s3, s2  }
0x8d: {  	s2 =	sadd.s32 s2, s14  }
0x8e: {  	[smem:$0x3FB8] =	sst s2  }
0x8f: {  	_ = 	snop  }
0x90: {  	s2 =	sld [smem:$0x3FD0];
	_ =	sdelay $0x2  }
0x91: {  	s15 =	simm.s32 $0xA;
	s4 =	simm.s32 $0x10  }
0x92: {  	[smem:s4], [sflag:s15] =	dma.local [hbm:s2], $0x1  }
0x93: {  	_ =	swait.eq [sflag:s15], $0x1  }
0x94: {  	[sflag:s15] =	ssyncset.done $0x0  }
0x95: {  	s16 =	sld [smem:$0x10];
	[sflag:s15] =	ssyncadd.s32 $0xFFFFFFFF  }
0x96: {  	s17 =	sld [smem:$0x11];
	(tm) =	ssettm $0x1  }
0x97: {  	s18 =	sld [smem:$0x3FFB];
	_ =	sdelay $0x3  }
0x98: {  	_ =	strace s18  }
0x99: {  	s4 =	sld [smem:$0x3FFC];
	_ =	sdelay $0x3  }
0x9a: {  	_ =	strace s4  }
0x9b: {  	s4 =	sld [smem:$0x3FFD];
	_ =	sdelay $0x3  }
0x9c: {  	_ =	strace s4  }
0x9d: {  	_ =	strace $0x8FFFFFFF  }
0x9e: {  	s19 =	sld [smem:$0x3FDB];
	_ =	sdelay $0x1  }
0x9f: {  	s5 =	simm.s32 $_scs_section_size  }
0xa0: {  	s6 =	simm.s32 $_size__tile_overlayer_lowered;
	s7 =	simm.s32 $_tile_overlayer_lowered  }
0xa1: {  	s22 =	simm.s32 $0x1BFF;
	s21 =	sshll.u32 s7, $0x1;
	s4 =	sadd.s32 s5, s19  }
0xa2: {  	s8 =	simm.s32 $0x0;
	s20 =	sshll.u32 s6, $0x1;
	s6 =	sadd.s32 s21, s4  }
0xa3: {  	[timem:s8], [sflag:s22] =	dma.local [hbm:s6], s20  }
0xa4: {  	_ =	swait.ge [sflag:s22], s20  }
0xa5: {  	s5 =	ssub.s32 $0x0, s20;
	[sflag:s22] =	ssyncset.done $0x0  }
0xa6: {  	[sflag:s22] =	ssyncadd.s32 s5;
	_ =	sdelay $0x1  }
0xa7: {  	s23 =	simm.s32 $0x1B8B  }
0xa8: {  	_ =	swait.ge [sflag:s23], $0x1  }
0xa9: {  	[sflag:s23] =	ssyncset.done $0x0  }
0xaa: {  	s25 =	simm.s32 $0x1B8E;
	s24 =	sld [smem:$0x3FFE];
	[sflag:s23] =	ssyncadd.s32 $0xFFFFFFFF  }
0xab: {  	s26 =	simm.s32 $execute0_lowered;
	[smem:$0x3FD2] =	sst s25  }
0xac: {  	s6 =	sshll.u32 s26, $0x1;
	_ =	strace $0x80000046;
	[dreg:$0x1] =	wrdreg $0xFFFFFFFF  }
0xad: {  	s28 =	simm.s32 $_size_execute0_lowered;
	s4 =	sadd.s32 s4, s6;
	[dreg:$0x0] =	wrdreg $0x0  }
0xae: {  	s6 =	sshll.u32 s28, $0x1;
	[dreg:$0x2] =	wrdreg s4  }
0xaf: {  	[dreg:$0x3] =	wrdreg s6  }
0xb0: {  	[dreg:$0x4] =	wrdreg $0xC0  }
0xb1: {  	_ =	task [dreg:s8], $0x5FFFF  }
0xb2: {  	[dreg:$0x1] =	wrdreg $0xFFFFFFFF  }
0xb3: {  	[dreg:$0x0] =	wrdreg $0x60  }
0xb4: {  	[dreg:$0x2] =	wrdreg s16  }
0xb5: {  	[dreg:$0x3] =	wrdreg s24  }
0xb6: {  	[dreg:$0x4] =	wrdreg s17  }
0xb7: {  	[dreg:$0x5] =	wrdreg $0x0  }
0xb8: {  	[dreg:$0x6] =	wrdreg $0x9  }
0xb9: {  	_ =	task.clear_ibuf [dreg:s8], $0x7FFFF;
	_ =	strace $0x90000046  }
0xba: {  	s29 =	simm.s32 $0x9;
	_ =	strace $0x80000048  }
0xbb: {  	_ =	swait.ge [sflag:s29], $0x1  }
0xbc: {  	[sflag:s29] =	ssyncadd.s32 $0xFFFFFFFF  }
0xbd: {  	_ =	strace $0x90000048  }
0xbe: {  	_ =	sfence  }
0xbf: {  	s30 =	sld [smem:$0x0];
	_ =	sdelay $0x2  }
0xc0: {  	s31 =	sshll.u32 s1, $0xD;
	s1 =	sshrl.u32 s1, $0x2  }
0xc1: {  	s3 =	sand.u32 $0x4000, s31;
	s1 =	sadd.s32 s1, s30  }
0xc2: {  	s0 =	sor.u32 s3, s0;
	s1 =	sshll.u32 s1, $0x11  }
0xc3: {  	s0 =	sor.u32 s1, s0  }
0xc4: {  	s0 =	sadd.s32 $0x8F2B, s0  }
0xc5: {  	[sflag:s0] =	ssyncadd.remote.s32 $0x1  }
0xc6: {  	_ =	sfence.sel $0xFFFF  }
0xc7: {  	[dreg:$0x0] =	wrdreg $0xFFFFFFFF;
	(pc) =	sbr.abs _section_cstart, $3  }
0xc8: {  	[dreg:$0x1] =	wrdreg $0xFFFFFFFF  }
0xc9: {  	_ =	task.clear_ibuf [dreg:s8], $0x2FFFF;
	_ =	strace $0x9FFFFFFF  }
0xca: {  	(tm) =	ssettm $0x7FFFFFFF  }
0xcb: {  	_ =	shalt  }
tec
execute0_lowered:
.L_overlay_start_1:
0x0: {  	(tag) =	ssettag $0x1  }
0x1: {  	s1 =	rddreg [dreg:$0x0]  }
0x2: {  	s5 =	rddreg [dreg:$0x1]  }
0x3: {  	s8 =	rddreg [dreg:$0x2]  }
0x4: {  	s3 =	rddreg [dreg:$0x3]  }
0x5: {  	s0 =	rddreg [dreg:$0x4]  }
0x6: {  	s4 =	simm.s32 $0x0;
	s2 =	stileid.u32;
	s7 =	srdreg.scid  }
0x7: {  	s15 =	simm.s32 $0x80;
	s16 =	simm.s32 $0x17C80;
	s6 =	smul.u32 $0x13C00, s2  }
0x8: {  	s17 =	simm.s32 $0x17D00;
	s18 =	simm.s32 $0x17D80;
	s10 =	smul.u32 $0x4F000, s2  }
0x9: {  	s19 =	simm.s32 $0x0;
	s7 =	sand.u32 $0x1, s7;
	s14 =	smul.u32 $0x1400, s2  }
0xa: {  	[smem:$0x7FF] =	sst s4;
	s30 =	sshll.u32 s2, $0x6;
	s13 =	smul.u32 $0x13C000, s7  }
0xb: {  	_ =	strace $0x80000047;
	s11 =	ssub.s32 $0x2, s7;
	s29 =	smul.u32 $0x14000, s7  }
0xc: {  	s7 =	sor.u32 $0x1C01, s30;
	s9 =	sshrl.u32 s6, $0x3;
	s12 =	sshrl.u32 s11, $0x1  }
0xd: {  	s10 =	sshrl.u32 s10, $0x2;
	s9 =	sadd.s32 s9, s5;
	s5 =	sadd.s32 $0x4000, s5  }
0xe: {  	s11 =	ssub.s32 s11, s12;
	s28 =	sadd.s32 s10, s3;
	s13 =	sadd.s32 s6, s13  }
0xf: {  	s10 =	sadd.s32 s14, s29;
	s12 =	simm.s32 $0x1;
	s14 =	simm.s32 $0x17C00  }
0x10: {  	s6 =	sadd.s32 $0x4800, s9;
	s31 =	sshrl.u32 s13, $0x3;
	s9 =	smax.u32 s11, $0x1  }
0x11: {  	s11 =	sshrl.u32 s28, $0x3;
	s13 =	simm.s32 $0x13C00;
	s8 =	sadd.s32 s8, s31  }
.LBB2_1:
0x12: {  	[spmem:s11], [sflag:s7] =	dma.local [hbm:s6], $0x2780  }
0x13: {  	_ =	swait.ge [sflag:s12], $0x2780  }
0x14: {  	[sflag:s12] =	ssyncset.done $0x0  }
0x15: {  	s20 =	sadd.s32 $0x0, s10;
	[sflag:s12] =	ssyncadd.s32 $0xFFFFD880  }
0x16: {  	[tilespmem:s13], [sflag:$0x1] =	stream.linear.gather [hbm4b:s5+s4], $0x4000, $0x38;
	[tilespmem:$0x17E00] =	vst v63  }
0x17: {  	s21 =	sand.u32 $0x200, s4;
	s20 =	sand.u32 $0x7FC00, s20;
	_ =	swait.ge [sflag:s12], $0x4000  }
0x18: {  	s20 =	sor.u32 s21, s20;
	[sflag:s12] =	ssyncset.done $0x0  }
0x19: {  	s20 =	sshrl.u32 s20, $0x3;
	[sflag:s12] =	ssyncadd.s32 $0xFFFFC000  }
0x1a: {  	s20 =	sadd.s32 s1, s20;
	[bflag:$0x0] =	sbarrier.arrive $0xFFFF  }
0x1b: {  	[tilespmem:s14], [sflag:$0x1] =	stream.linear.gather [hbm4b:s20+s4], $0x200, $0x38;
	[tilespmem:$0x17E00] =	vst v63  }
0x1c: {  	_ =	swait.ge [sflag:s12], $0x200  }
0x1d: {  	[sflag:s12] =	ssyncset.done $0x0  }
0x1e: {  	[sflag:s12] =	ssyncadd.s32 $0xFFFFFE00  }
0x1f: {  	[spmem:s3] =	stream.indirect.scatter.add.f32 [tilespmem:s13], [sflag:$0x1], $0x80, s14, s15, $0xb8;
	[tilespmem:$0x17E00] =	vst v63  }
0x20: {  	_ =	swait.ge [sflag:s12], $0x4000  }
0x21: {  	[sflag:s12] =	ssyncset.done $0x0  }
0x22: {  	[sflag:s12] =	ssyncadd.s32 $0xFFFFC000  }
0x23: {  	[spmem:s3] =	stream.indirect.scatter.add.f32 [tilespmem:s13], [sflag:$0x1], $0x80, s16, s15, $0xb8;
	[tilespmem:$0x17E00] =	vst v63  }
0x24: {  	_ =	swait.ge [sflag:s12], $0x4000  }
0x25: {  	[sflag:s12] =	ssyncset.done $0x0  }
0x26: {  	[sflag:s12] =	ssyncadd.s32 $0xFFFFC000  }
0x27: {  	[spmem:s3] =	stream.indirect.scatter.add.f32 [tilespmem:s13], [sflag:$0x1], $0x80, s17, s15, $0xb8;
	[tilespmem:$0x17E00] =	vst v63  }
0x28: {  	_ =	swait.ge [sflag:s12], $0x4000  }
0x29: {  	[sflag:s12] =	ssyncset.done $0x0  }
0x2a: {  	s30 =	simm.s32 $0x200;
	s31 =	sadd.s32 $0x200, s10;
	[sflag:s12] =	ssyncadd.s32 $0xFFFFC000  }
0x2b: {  	[spmem:s3] =	stream.indirect.scatter.add.f32 [tilespmem:s13], [sflag:$0x1], $0x80, s18, s15, $0xb8;
	[tilespmem:$0x17E00] =	vst v63  }
0x2c: {  	s22 =	sand.u32 $0x200, s30;
	s21 =	sand.u32 $0x7FC00, s31;
	_ =	swait.ge [sflag:s12], $0x4000  }
0x2d: {  	s21 =	sor.u32 s22, s21;
	s20 =	simm.s32 $0x400;
	[sflag:s12] =	ssyncset.done $0x0  }
.LBB2_2:
0x2e: {  	s21 =	sshrl.u32 s21, $0x3  }
0x2f: {  	[sflag:s12] =	ssyncadd.s32 $0xFFFFC000;
	s22 =	smov.u32 s20;
	s23 =	sadd.s32 $0x200, s20  }
0x30: {  	p0 =	sne.s32 s20, $0x1200;
	s20 =	sadd.s32 s1, s21  }
0x31: {  	[tilespmem:s14], [sflag:$0x1] =	stream.linear.gather [hbm4b:s20+s4], $0x200, $0x38;
	[tilespmem:$0x17E00] =	vst v63  }
0x32: {  	_ =	swait.ge [sflag:s12], $0x200  }
0x33: {  	[sflag:s12] =	ssyncset.done $0x0  }
0x34: {  	[sflag:s12] =	ssyncadd.s32 $0xFFFFFE00  }
0x35: {  	[spmem:s3] =	stream.indirect.scatter.add.f32 [tilespmem:s13], [sflag:$0x1], $0x80, s14, s15, $0xb8;
	[tilespmem:$0x17E00] =	vst v63  }
0x36: {  	_ =	swait.ge [sflag:s12], $0x4000  }
0x37: {  	[sflag:s12] =	ssyncset.done $0x0  }
0x38: {  	[sflag:s12] =	ssyncadd.s32 $0xFFFFC000  }
0x39: {  	[spmem:s3] =	stream.indirect.scatter.add.f32 [tilespmem:s13], [sflag:$0x1], $0x80, s16, s15, $0xb8;
	[tilespmem:$0x17E00] =	vst v63  }
0x3a: {  	_ =	swait.ge [sflag:s12], $0x4000  }
0x3b: {  	[sflag:s12] =	ssyncset.done $0x0  }
0x3c: {  	[sflag:s12] =	ssyncadd.s32 $0xFFFFC000  }
0x3d: {  	[spmem:s3] =	stream.indirect.scatter.add.f32 [tilespmem:s13], [sflag:$0x1], $0x80, s17, s15, $0xb8;
	[tilespmem:$0x17E00] =	vst v63  }
0x3e: {  	_ =	swait.ge [sflag:s12], $0x4000  }
.Ltmp0:
0x3f: {  	[sflag:s12] =	ssyncset.done $0x0;
	(pc) =	sbr.rel @p0 .LBB2_2-.Ltmp0, $4  }
0x40: {  	s20 =	sadd.s32 s22, s10;
	[sflag:s12] =	ssyncadd.s32 $0xFFFFC000  }
0x41: {  	[spmem:s3] =	stream.indirect.scatter.add.f32 [tilespmem:s13], [sflag:$0x1], $0x80, s18, s15, $0xb8;
	[tilespmem:$0x17E00] =	vst v63  }
0x42: {  	s21 =	sand.u32 $0x200, s22;
	s20 =	sand.u32 $0x7FC00, s20;
	_ =	swait.ge [sflag:s12], $0x4000  }
0x43: {  	s21 =	sor.u32 s21, s20;
	s20 =	smov.u32 s23;
	[sflag:s12] =	ssyncset.done $0x0  }
0x44: {  	s20 =	sshrl.u32 s21, $0x3  }
0x45: {  	[sflag:s12] =	ssyncadd.s32 $0xFFFFC000;
	s20 =	sadd.s32 s1, s20  }
0x46: {  	[tilespmem:s14], [sflag:$0x1] =	stream.linear.gather [hbm4b:s20+s4], $0x200, $0x38;
	[tilespmem:$0x17E00] =	vst v63  }
0x47: {  	_ =	swait.ge [sflag:s12], $0x200  }
0x48: {  	[sflag:s12] =	ssyncset.done $0x0  }
0x49: {  	[sflag:s12] =	ssyncadd.s32 $0xFFFFFE00  }
0x4a: {  	[spmem:s3] =	stream.indirect.scatter.add.f32 [tilespmem:s13], [sflag:$0x1], $0x80, s14, s15, $0xb8;
	[tilespmem:$0x17E00] =	vst v63  }
0x4b: {  	_ =	swait.ge [sflag:s12], $0x4000  }
0x4c: {  	[sflag:s12] =	ssyncset.done $0x0  }
0x4d: {  	[sflag:s12] =	ssyncadd.s32 $0xFFFFC000  }
0x4e: {  	[spmem:s3] =	stream.indirect.scatter.add.f32 [tilespmem:s13], [sflag:$0x1], $0x80, s16, s15, $0xb8;
	[tilespmem:$0x17E00] =	vst v63  }
0x4f: {  	_ =	swait.ge [sflag:s12], $0x4000  }
0x50: {  	[sflag:s12] =	ssyncset.done $0x0  }
0x51: {  	[sflag:s12] =	ssyncadd.s32 $0xFFFFC000  }
0x52: {  	[spmem:s3] =	stream.indirect.scatter.add.f32 [tilespmem:s13], [sflag:$0x1], $0x80, s17, s15, $0xb8;
	[tilespmem:$0x17E00] =	vst v63  }
0x53: {  	_ =	swait.ge [sflag:s12], $0x4000  }
0x54: {  	[sflag:s12] =	ssyncset.done $0x0  }
0x55: {  	[sflag:s12] =	ssyncadd.s32 $0xFFFFC000  }
0x56: {  	[spmem:s3] =	stream.indirect.scatter.add.f32 [tilespmem:s13], [sflag:$0x1], $0x80, s18, s15, $0xb8;
	[tilespmem:$0x17E00] =	vst v63  }
0x57: {  	_ =	swait.ge [sflag:s12], $0x4000  }
0x58: {  	s19 =	sadd.s32 $0x1, s19;
	[sflag:s12] =	ssyncset.done $0x0  }
0x59: {  	p0 =	sne.s32 s19, s9;
	[sflag:s12] =	ssyncadd.s32 $0xFFFFC000  }
.Ltmp1:
0x5a: {  	[bflag:$0x0] =	sbarrier.arrive $0xFFFF;
	(pc) =	sbr.rel @p0 .LBB2_1-.Ltmp1, $4  }
0x5b: {  	[hbm:s8], [sflag:s7] =	dma.local [spmem:s11], $0x2780  }
0x5c: {  	_ =	swait.ge [sflag:s12], $0x2780  }
0x5d: {  	[sflag:s12] =	ssyncset.done $0x0  }
0x5e: {  	[sflag:s12] =	ssyncadd.s32 $0xFFFFD880  }
0x5f: {  	_ =	sfence.sel $0x180000  }
0x60: {  	[bflag:$0x0] =	sbarrier.arrive $0xFFFF  }
0x61: {  	p0 =	sne.s32 s2, $0x0;
	_ =	strace $0x90000047  }
0x62: {  	s0 =	sadd.s32 @!p0 $0x100000, s0;
	[bflag:$0x2] =	sbarrier.arrive $0xFFFF  }
0x63: {  	[sflag:s0] =	ssyncadd.tile.s32 @!p0 $0x1;
	_ =	shalt  }
.Lfunc_end2:
_tile_overlayer_lowered:
.L_overlay_start_2:
0x64: {  	(tag) =	ssettag $0x2  }
0x65: {  	s0 =	rddreg [dreg:$0x0];
	s2 =	stileid.u32  }
0x66: {  	s1 =	rddreg [dreg:$0x1];
	p0 =	sne.s32 s2, $0x0  }
0x67: {  	s3 =	rddreg [dreg:$0x2];
	[bflag:$0x3] =	sbarrier.arrive $0xFFFF;
	s2 =	simm.s32 @!p0 $0x1C01  }
0x68: {  	[timem:s3], [sflag:s2] =	dma.local @!p0 [hbm:s0], s1  }
0x69: {  	s0 =	simm.s32 @!p0 $0x1  }
0x6a: {  	_ =	swait.ge @!p0 [sflag:s0], s1  }
0x6b: {  	s1 =	ssub.s32 @!p0 $0x0, s1;
	[sflag:s0] =	ssyncset.done @!p0 $0x0  }
0x6c: {  	[sflag:s0] =	ssyncadd.s32 @!p0 s1  }
0x6d: {  	[bflag:$0x3] =	sbarrier.arrive $0xFFFF  }
0x6e: {  	_ =	shalt  }

// kernel: kernel.15.cloned.1.call-start
scs
__scs_entry_jumppad:
0x0: {  	(pc) =	sbr.rel $0x88, $3  }
0x1: {  	(tag) =	ssettag $0x0;
	lr =	simm.s32 $0x1  }
0x2: {  	[smem:$0x3F91] =	sst lr;
	_ =	strace $0xD0000000  }
0x3: {  	_ = 	snop  }
0x4: {  	_ = 	snop  }
0x5: {  	_ = 	snop  }
0x6: {  	_ = 	snop  }
0x7: {  	_ = 	snop  }
__scs_overlays_trampoline_lowered:
0x8: {  	[smem:$0x3FA0] =	sst s0  }
0x9: {  	[smem:$0x3FA1] =	sst s1  }
0xa: {  	[smem:$0x3FA2] =	sst s2  }
0xb: {  	[smem:$0x3FA3] =	sst s3  }
0xc: {  	[smem:$0x3FA4] =	sst s4  }
0xd: {  	[smem:$0x3FA5] =	sst s5  }
0xe: {  	[smem:$0x3FA6] =	sst s6  }
0xf: {  	[smem:$0x3FA7] =	sst s7  }
0x10: {  	[smem:$0x3FA8] =	sst s8  }
0x11: {  	[smem:$0x3FA9] =	sst s9;
	s0 =	simm.s32 @!p0 $0x0  }
0x12: {  	s1 =	sld [smem:$0x3F8F];
	s0 =	simm.s32 @p0 $0x1  }
0x13: {  	[smem:$0x3FAA] =	sst s0;
	s0 =	simm.s32 @!p1 $0x0  }
0x14: {  	s2 =	sld [smem:$0x3F8E];
	s0 =	simm.s32 @p1 $0x1  }
0x15: {  	[smem:$0x3FAB] =	sst s0;
	s0 =	simm.s32 @!p2 $0x0  }
0x16: {  	s3 =	sld [smem:$0x3FDB];
	s0 =	simm.s32 @p2 $0x1  }
0x17: {  	s4 =	simm.s32 $0x1BF5;
	[smem:$0x3FAD] =	sst s0  }
0x18: {  	s0 =	sld [smem:$0x3F90];
	_ =	swait.ge [sflag:s4], $0x0  }
0x19: {  	s7 =	sld [smem:$0x3F91]  }
0x1a: {  	s8 =	sadd.s32 $0xFFFFE003, lr  }
0x1b: {  	s9 =	sadd.s32 $0xFFFFFEF7, lr;
	s5 =	simm.s32 $0xFFFFFFFF;
	p2 =	slt.u32 s8, $0xFFFFF086  }
0x1c: {  	p1 =	slt.u32 s9, $0xF7A;
	s5 =	simm.s32 @!p2 $0x0  }
0x1d: {  	s5 =	simm.s32 @p1 $0x1;
	p0 =	seq.s32 s7, s2  }
0x1e: {  	s7 =	smul.u32 @!p0 $0xF7A, s2;
	p2 =	seq.s32 @!p0 s5, $0x0  }
0x1f: {  	s9 =	smul.u32 $0xF7A, s1;
	s8 =	simm.s32 @!p0 $0x1BF5;
	p2 =	por !p2, p0  }
0x20: {  	[sflag:s8] =	ssyncset.s32 @!p0 $0xFFFFF086;
	s6 =	sadd.s32 @!p0 s3, s7;
	s7 =	simm.s32 @!p0 $0x108  }
0x21: {  	s3 =	sadd.s32 s3, s9;
	s6 =	sadd.s32 @!p0 $0x88, s6;
	s7 =	simm.s32 @p2 $0x1082  }
0x22: {  	[simem:s7], [sflag:s8] =	dma.local @!p0 [hbm:s6], $0xF7A  }
0x23: {  	s9 =	sor.u32 $0xD0000000, s2;
	s6 =	simm.s32 $0x108;
	_ =	swait.ge @!p0 [sflag:s8], $0x0  }
0x24: {  	s3 =	sadd.s32 $0x88, s3;
	s6 =	simm.s32 @!p1 $0x1082;
	[sflag:s4] =	ssyncset.s32 $0xFFFFF086  }
0x25: {  	[simem:s6], [sflag:s4] =	dma.local [hbm:s3], $0xF7A  }
0x26: {  	[smem:$0x3F91] =	sst s1;
	(tag) =	ssettag s2;
	_ =	strace s9  }
0x27: {  	s1 =	sld [smem:$0x3FA1]  }
0x28: {  	s2 =	sld [smem:$0x3FA2]  }
0x29: {  	s4 =	sld [smem:$0x3FA4]  }
0x2a: {  	p0 =	seq.s32 s5, $0x0;
	s5 =	sld [smem:$0x3FA5]  }
0x2b: {  	s6 =	sld [smem:$0x3FA6]  }
0x2c: {  	s7 =	sld [smem:$0x3FA7]  }
0x2d: {  	s3 =	simm.s32 $0x108;
	s8 =	sld [smem:$0x3FA8]  }
0x2e: {  	s3 =	simm.s32 @!p0 $0x1082;
	s9 =	sld [smem:$0x3FA9]  }
0x2f: {  	lr =	sadd.s32 s0, s3;
	s0 =	sld [smem:$0x3FA0]  }
0x30: {  	s3 =	sld [smem:$0x3FA3]  }
0x31: {  	[smem:$0x3FAC] =	sst s10  }
0x32: {  	s10 =	sld [smem:$0x3FAA];
	_ =	sdelay $0x3  }
0x33: {  	p0 =	seq.s32 s10, $0x1;
	s10 =	sld [smem:$0x3FAC];
	_ =	sdelay $0x3  }
0x34: {  	[smem:$0x3FAC] =	sst s10  }
0x35: {  	s10 =	sld [smem:$0x3FAB];
	_ =	sdelay $0x3  }
0x36: {  	p1 =	seq.s32 s10, $0x1;
	s10 =	sld [smem:$0x3FAC];
	_ =	sdelay $0x3  }
0x37: {  	[smem:$0x3FAC] =	sst s10  }
0x38: {  	s10 =	sld [smem:$0x3FAD]  }
0x39: {  	_ = 	snop;
	(pc) =	sbr.ind lr, $3  }
0x3a: {  	_ = 	snop  }
0x3b: {  	_ = 	snop  }
0x3c: {  	p2 =	seq.s32 s10, $0x1;
	s10 =	sld [smem:$0x3FAC]  }
0x3d: {  	_ =	shalt  }
0x3e: {  	_ =	shalt  }
0x3f: {  	_ =	shalt  }
0x40: {  	_ =	shalt  }
0x41: {  	_ =	shalt  }
0x42: {  	_ =	shalt  }
0x43: {  	_ =	shalt  }
0x44: {  	_ =	shalt  }
0x45: {  	_ =	shalt  }
0x46: {  	_ =	shalt  }
0x47: {  	_ =	shalt  }
0x48: {  	_ =	shalt  }
0x49: {  	_ =	shalt  }
0x4a: {  	_ =	shalt  }
0x4b: {  	_ =	shalt  }
0x4c: {  	_ =	shalt  }
0x4d: {  	_ =	shalt  }
0x4e: {  	_ =	shalt  }
0x4f: {  	_ =	shalt  }
0x50: {  	_ =	shalt  }
0x51: {  	_ =	shalt  }
0x52: {  	_ =	shalt  }
0x53: {  	_ =	shalt  }
0x54: {  	_ =	shalt  }
0x55: {  	_ =	shalt  }
0x56: {  	_ =	shalt  }
0x57: {  	_ =	shalt  }
0x58: {  	_ =	shalt  }
0x59: {  	_ =	shalt  }
0x5a: {  	_ =	shalt  }
0x5b: {  	_ =	shalt  }
0x5c: {  	_ =	shalt  }
0x5d: {  	_ =	shalt  }
0x5e: {  	_ =	shalt  }
0x5f: {  	_ =	shalt  }
0x60: {  	_ =	shalt  }
0x61: {  	_ =	shalt  }
0x62: {  	_ =	shalt  }
0x63: {  	_ =	shalt  }
0x64: {  	_ =	shalt  }
0x65: {  	_ =	shalt  }
0x66: {  	_ =	shalt  }
0x67: {  	_ =	shalt  }
0x68: {  	_ =	shalt  }
0x69: {  	_ =	shalt  }
0x6a: {  	_ =	shalt  }
0x6b: {  	_ =	shalt  }
0x6c: {  	_ =	shalt  }
0x6d: {  	_ =	shalt  }
0x6e: {  	_ =	shalt  }
0x6f: {  	_ =	shalt  }
0x70: {  	_ =	shalt  }
0x71: {  	_ =	shalt  }
0x72: {  	_ =	shalt  }
0x73: {  	_ =	shalt  }
0x74: {  	_ =	shalt  }
0x75: {  	_ =	shalt  }
0x76: {  	_ =	shalt  }
0x77: {  	_ =	shalt  }
0x78: {  	_ =	shalt  }
0x79: {  	_ =	shalt  }
0x7a: {  	_ =	shalt  }
0x7b: {  	_ =	shalt  }
0x7c: {  	_ =	shalt  }
0x7d: {  	_ =	shalt  }
0x7e: {  	_ =	shalt  }
0x7f: {  	_ =	shalt  }
0x80: {  	_ =	shalt  }
0x81: {  	_ =	shalt  }
0x82: {  	_ =	shalt  }
0x83: {  	_ =	shalt  }
0x84: {  	_ =	shalt  }
0x85: {  	_ =	shalt  }
0x86: {  	_ =	shalt  }
0x87: {  	_ =	shalt  }
.Lfunc_end0:
.L_simem_size_0:
called_computation.1_lowered:
.L_overlay_start_0:
0x88: {  	s2 =	sld [smem:$0x3FD9]  }
0x89: {  	s3 =	sld [smem:$0x3FFE];
	_ =	sdelay $0x1  }
0x8a: {  	s1 =	srdreg.scid  }
0x8b: {  	s0 =	sand.u32 $0x1, s1  }
0x8c: {  	s14 =	sshll.u32 s0, $0xA;
	s2 =	sadd.s32 s3, s2  }
0x8d: {  	s2 =	sadd.s32 s2, s14  }
0x8e: {  	[smem:$0x3FB8] =	sst s2  }
0x8f: {  	_ = 	snop  }
0x90: {  	s2 =	sld [smem:$0x3FD0];
	_ =	sdelay $0x2  }
0x91: {  	s15 =	simm.s32 $0xA;
	s4 =	simm.s32 $0x10  }
0x92: {  	[smem:s4], [sflag:s15] =	dma.local [hbm:s2], $0x1  }
0x93: {  	_ =	swait.eq [sflag:s15], $0x1  }
0x94: {  	[sflag:s15] =	ssyncset.done $0x0  }
0x95: {  	[sflag:s15] =	ssyncadd.s32 $0xFFFFFFFF  }
0x96: {  	s16 =	sld [smem:$0x10];
	(tm) =	ssettm $0x1  }
0x97: {  	s17 =	sld [smem:$0x3FFB];
	_ =	sdelay $0x3  }
0x98: {  	_ =	strace s17  }
0x99: {  	s3 =	sld [smem:$0x3FFC];
	_ =	sdelay $0x3  }
0x9a: {  	_ =	strace s3  }
0x9b: {  	s3 =	sld [smem:$0x3FFD];
	_ =	sdelay $0x3  }
0x9c: {  	_ =	strace s3  }
0x9d: {  	_ =	strace $0x8FFFFFFF  }
0x9e: {  	s18 =	sld [smem:$0x3FDB];
	_ =	sdelay $0x1  }
0x9f: {  	s19 =	simm.s32 $_scs_section_size  }
0xa0: {  	s5 =	simm.s32 $_size__tile_overlayer_lowered;
	s6 =	simm.s32 $_tile_overlayer_lowered  }
0xa1: {  	s22 =	simm.s32 $0x1BFF;
	s21 =	sshll.u32 s6, $0x1;
	s3 =	sadd.s32 s19, s18  }
0xa2: {  	s7 =	simm.s32 $0x0;
	s20 =	sshll.u32 s5, $0x1;
	s5 =	sadd.s32 s21, s3  }
0xa3: {  	[timem:s7], [sflag:s22] =	dma.local [hbm:s5], s20  }
0xa4: {  	_ =	swait.ge [sflag:s22], s20  }
0xa5: {  	s4 =	ssub.s32 $0x0, s20;
	[sflag:s22] =	ssyncset.done $0x0  }
0xa6: {  	[sflag:s22] =	ssyncadd.s32 s4;
	_ =	sdelay $0x1  }
0xa7: {  	s23 =	simm.s32 $0x1B8B  }
0xa8: {  	_ =	swait.ge [sflag:s23], $0x1  }
0xa9: {  	[sflag:s23] =	ssyncset.done $0x0  }
0xaa: {  	s25 =	simm.s32 $0x1B8E;
	s24 =	sld [smem:$0x3FFE];
	[sflag:s23] =	ssyncadd.s32 $0xFFFFFFFF  }
0xab: {  	s26 =	simm.s32 $execute0_lowered;
	[smem:$0x3FD2] =	sst s25  }
0xac: {  	s5 =	sshll.u32 s26, $0x1;
	_ =	strace $0x80000049;
	[dreg:$0x1] =	wrdreg $0xFFFFFFFF  }
0xad: {  	s28 =	simm.s32 $_size_execute0_lowered;
	s3 =	sadd.s32 s3, s5;
	[dreg:$0x0] =	wrdreg $0x0  }
0xae: {  	s5 =	sshll.u32 s28, $0x1;
	[dreg:$0x2] =	wrdreg s3  }
0xaf: {  	[dreg:$0x3] =	wrdreg s5  }
0xb0: {  	[dreg:$0x4] =	wrdreg $0xC0  }
0xb1: {  	_ =	task [dreg:s7], $0x5FFFF  }
0xb2: {  	[dreg:$0x1] =	wrdreg $0xFFFFFFFF  }
0xb3: {  	[dreg:$0x0] =	wrdreg $0x60  }
0xb4: {  	[dreg:$0x2] =	wrdreg s24  }
0xb5: {  	[dreg:$0x3] =	wrdreg s16  }
0xb6: {  	[dreg:$0x4] =	wrdreg $0x0  }
0xb7: {  	[dreg:$0x5] =	wrdreg $0x9  }
0xb8: {  	_ =	task.clear_ibuf [dreg:s7], $0x6FFFF;
	_ =	strace $0x90000049  }
0xb9: {  	s29 =	simm.s32 $0x9;
	_ =	strace $0x8000004B  }
0xba: {  	_ =	swait.ge [sflag:s29], $0x1  }
0xbb: {  	[sflag:s29] =	ssyncadd.s32 $0xFFFFFFFF  }
0xbc: {  	_ =	strace $0x9000004B  }
0xbd: {  	_ =	sfence  }
0xbe: {  	s30 =	sld [smem:$0x0];
	_ =	sdelay $0x2  }
0xbf: {  	s31 =	sshll.u32 s1, $0xD;
	s1 =	sshrl.u32 s1, $0x2  }
0xc0: {  	s3 =	sand.u32 $0x4000, s31;
	s1 =	sadd.s32 s1, s30  }
0xc1: {  	s0 =	sor.u32 s3, s0;
	s1 =	sshll.u32 s1, $0x11  }
0xc2: {  	s0 =	sor.u32 s1, s0  }
0xc3: {  	s0 =	sadd.s32 $0x8F2B, s0  }
0xc4: {  	[sflag:s0] =	ssyncadd.remote.s32 $0x1  }
0xc5: {  	_ =	sfence.sel $0xFFFF  }
0xc6: {  	[dreg:$0x0] =	wrdreg $0xFFFFFFFF;
	(pc) =	sbr.abs _section_cstart, $3  }
0xc7: {  	[dreg:$0x1] =	wrdreg $0xFFFFFFFF  }
0xc8: {  	_ =	task.clear_ibuf [dreg:s7], $0x2FFFF;
	_ =	strace $0x9FFFFFFF  }
0xc9: {  	(tm) =	ssettm $0x7FFFFFFF  }
tec
execute0_lowered:
.L_overlay_start_1:
0x0: {  	(tag) =	ssettag $0x1  }
0x1: {  	s0 =	rddreg [dreg:$0x0]  }
0x2: {  	s1 =	rddreg [dreg:$0x1]  }
0x3: {  	s2 =	rddreg [dreg:$0x2];
	s3 =	simm.s32 $0x0  }
0x4: {  	s15 =	stileid.u32;
	s6 =	srdreg.scid;
	s16 =	simm.s32 $0x1FC00  }
0x5: {  	s17 =	simm.s32 $0x1FD80;
	s18 =	simm.s32 $0x80;
	s19 =	simm.s32 $0x13C00  }
0x6: {  	s28 =	simm.s32 $0x2;
	s29 =	simm.s32 $0x3;
	s5 =	smul.u32 $0x13C00, s15  }
0x7: {  	s30 =	simm.s32 $0x4;
	s31 =	simm.s32 $0x5;
	s20 =	smul.u32 $0x4F000, s15  }
0x8: {  	[smem:$0x7FF] =	sst s3;
	s4 =	sadd.s32 $0x84200, s0;
	s12 =	smul.u32 $0x5000, s15  }
0x9: {  	s7 =	sand.u32 $0x1, s6;
	s21 =	sshll.u32 s15, $0x6;
	s15 =	smul.u32 $0xA00, s15  }
0xa: {  	s8 =	sadd.s32 $0x2C000, s0;
	_ =	strace $0x8000004A;
	s23 =	smul.u32 $0x13C000, s7  }
0xb: {  	s10 =	ssub.s32 $0x2, s7;
	s7 =	smul.u32 $0x2710, s7;
	s9 =	sshrl.u32 s5, $0x3  }
0xc: {  	s11 =	sshrl.u32 s10, $0x1;
	s6 =	sshrl.u32 s20, $0x2;
	s22 =	sshrl.u32 s12, $0x3  }
0xd: {  	s20 =	simm.s32 $0x1FC80;
	s0 =	sadd.s32 s9, s0;
	s13 =	ssub.s32 s10, s11  }
0xe: {  	s14 =	sadd.s32 s6, s2;
	s6 =	sor.u32 $0x1C07, s21;
	s24 =	sadd.s32 s8, s22  }
0xf: {  	s5 =	sadd.s32 s5, s23;
	s21 =	simm.s32 $0x1FE00;
	s22 =	simm.s32 $0x17C00  }
0x10: {  	s23 =	simm.s32 $0x1FD00;
	s0 =	sadd.s32 $0x4800, s0;
	s9 =	sadd.s32 $0x9C0, s24  }
0x11: {  	s25 =	sadd.s32 $0x9D0, s24;
	s5 =	sshrl.u32 s5, $0x3;
	s26 =	sadd.s32 $0x9E0, s24  }
0x12: {  	s10 =	sadd.s32 $0x9F0, s24;
	s12 =	smax.u32 s13, $0x1;
	[dreg:$0x4] =	wrdreg s0  }
0x13: {  	s13 =	sadd.s32 s15, s8;
	s14 =	sshrl.u32 s14, $0x3;
	[dreg:$0x5] =	wrdreg s9  }
0x14: {  	s15 =	simm.s32 $0x7;
	s24 =	simm.s32 $0x1FE80;
	[dreg:$0x6] =	wrdreg s25  }
0x15: {  	[dreg:$0x7] =	wrdreg s26;
	s11 =	sadd.s32 s1, s5;
	s25 =	simm.s32 $0x1BC00  }
0x16: {  	v0 =	vmov s7;
	s26 =	simm.s32 $0x1;
	s0 =	simm.s32 $0x6;
	s1 =	simm.s32 $0x0  }
.LBB2_1:
0x17: {  	s5 =	rddreg [dreg:$0x4]  }
0x18: {  	[spmem:s14], [sflag:s6] =	dma.local [hbm:s5], $0x2780  }
0x19: {  	_ =	swait.ge [sflag:s15], $0x2780  }
0x1a: {  	[sflag:s15] =	ssyncset.done $0x0  }
0x1b: {  	p0 =	por $0x1, $0x1;
	[sflag:s15] =	ssyncadd.s32 $0xFFFFD880  }
0x1c: {  	s5 =	simm.s32 @!p0 $0x4;
	[bflag:$0x0] =	sbarrier.arrive $0xFFFF  }
0x1d: {  	_ =	swait.ge @!p0 [sflag:s5], $0x4000  }
0x1e: {  	[sflag:s5] =	ssyncset.done @!p0 $0x0  }
0x1f: {  	[sflag:s5] =	ssyncadd.s32 @!p0 $0xFFFFC000;
	s5 =	sadd.s32 $0x0, s13  }
0x20: {  	[tilespmem:s16], [sflag:$0x7] =	stream.linear.gather [hbm4b:s5+s3], $0x80, $0x38;
	[tilespmem:$0x1FF00] =	vst v63  }
0x21: {  	_ =	swait.ge [sflag:s15], $0x80  }
0x22: {  	[sflag:s15] =	ssyncset.done $0x0  }
0x23: {  	s7 =	sadd.s32 $0x10, s5;
	[sflag:s15] =	ssyncadd.s32 $0xFFFFFF80  }
0x24: {  	[tilespmem:s17], [sflag:$0x7] =	stream.linear.gather [hbm4b:s7+s3], $0x80, $0x38;
	[tilespmem:$0x1FF00] =	vst v63  }
0x25: {  	_ =	swait.ge [sflag:s15], $0x80  }
0x26: {  	[sflag:s15] =	ssyncset.done $0x0  }
0x27: {  	[sflag:s15] =	ssyncadd.s32 $0xFFFFFF80  }
0x28: {  	v1 =	vld [tilespmem:$0x1FC50]  }
0x29: {  	v2 =	vld [tilespmem:$0x1FC40]  }
0x2a: {  	v3 =	vld [tilespmem:$0x1FC10]  }
0x2b: {  	v5 =	vld [tilespmem:$0x1FC20]  }
0x2c: {  	v4 =	vld [tilespmem:$0x1FC30]  }
0x2d: {  	v7 =	vld [tilespmem:$0x1FC00];
	v1 =	vadd.s32 v0, v1  }
0x2e: {  	v6 =	vld [tilespmem:$0x1FC60];
	v2 =	vadd.s32 v0, v2;
	[tilespmem:$0x1FC50] =	vst v1  }
0x2f: {  	v1 =	vadd.s32 v0, v3;
	[tilespmem:$0x1FC40] =	vst v2;
	v2 =	vld [tilespmem:$0x1FC70]  }
0x30: {  	v3 =	vadd.s32 v0, v5;
	[tilespmem:$0x1FC10] =	vst v1  }
0x31: {  	v1 =	vadd.s32 v0, v4;
	[tilespmem:$0x1FC20] =	vst v3  }
0x32: {  	v3 =	vadd.s32 v0, v7;
	[tilespmem:$0x1FC30] =	vst v1  }
0x33: {  	v1 =	vadd.s32 v0, v6;
	[tilespmem:$0x1FC00] =	vst v3  }
0x34: {  	[tilespmem:$0x1FC60] =	vst v1;
	v1 =	vadd.s32 v0, v2  }
0x35: {  	s7 =	simm.s32 @!p0 $0x5;
	[tilespmem:$0x1FC70] =	vst v1  }
0x36: {  	[tilespmem:s19], [sflag:$0x1] =	stream.indirect.gather [hbm4b:s4+s18], $0x80, s16, s18, $0xb8;
	[tilespmem:$0x1FF00] =	vst v63  }
0x37: {  	_ =	swait.ge @!p0 [sflag:s7], $0x4000  }
0x38: {  	[sflag:s7] =	ssyncset.done @!p0 $0x0  }
0x39: {  	s8 =	sadd.s32 $0x20, s5;
	[sflag:s7] =	ssyncadd.s32 @!p0 $0xFFFFC000  }
0x3a: {  	[tilespmem:s20], [sflag:$0x7] =	stream.linear.gather [hbm4b:s8+s3], $0x80, $0x38;
	[tilespmem:$0x1FF00] =	vst v63  }
0x3b: {  	_ =	swait.ge [sflag:s15], $0x80  }
0x3c: {  	[sflag:s15] =	ssyncset.done $0x0  }
0x3d: {  	s9 =	sadd.s32 $0x30, s5;
	[sflag:s15] =	ssyncadd.s32 $0xFFFFFF80  }
0x3e: {  	[tilespmem:s21], [sflag:$0x7] =	stream.linear.gather [hbm4b:s9+s3], $0x80, $0x38;
	[tilespmem:$0x1FF00] =	vst v63  }
0x3f: {  	_ =	swait.ge [sflag:s15], $0x80  }
0x40: {  	[sflag:s15] =	ssyncset.done $0x0  }
0x41: {  	[sflag:s15] =	ssyncadd.s32 $0xFFFFFF80  }
0x42: {  	v4 =	vld [tilespmem:$0x1FC80]  }
0x43: {  	v1 =	vld [tilespmem:$0x1FCB0]  }
0x44: {  	v3 =	vld [tilespmem:$0x1FCA0]  }
0x45: {  	s7 =	simm.s32 $0x60;
	v2 =	vld [tilespmem:$0x1FCD0]  }
.LBB2_2:
0x46: {  	v5 =	vld [tilespmem:$0x1FCC0];
	s8 =	smov.u32 s7;
	s7 =	sadd.s32 $0x60, s7  }
0x47: {  	p1 =	sne.s32 s7, $0x9C0;
	v4 =	vadd.s32 v0, v4;
	v6 =	vld [tilespmem:$0x1FCE0]  }
0x48: {  	[tilespmem:$0x1FC80] =	vst v4;
	v4 =	vld [tilespmem:$0x1FCF0]  }
0x49: {  	v3 =	vadd.s32 v0, v3  }
0x4a: {  	v1 =	vadd.s32 v0, v1;
	v7 =	vld [tilespmem:$0x1FC90];
	[tilespmem:$0x1FCA0] =	vst v3;
	v2 =	vadd.s32 v0, v2  }
0x4b: {  	[tilespmem:$0x1FCB0] =	vst v1;
	v1 =	vadd.s32 v0, v5  }
0x4c: {  	[tilespmem:$0x1FCC0] =	vst v1  }
0x4d: {  	v1 =	vadd.s32 v0, v6;
	[tilespmem:$0x1FCD0] =	vst v2;
	v2 =	vadd.s32 v0, v4  }
0x4e: {  	[tilespmem:$0x1FCE0] =	vst v1  }
0x4f: {  	v1 =	vadd.s32 v0, v7;
	[tilespmem:$0x1FCF0] =	vst v2  }
0x50: {  	s9 =	simm.s32 @!p0 $0x6;
	[tilespmem:$0x1FC90] =	vst v1  }
0x51: {  	[tilespmem:s22], [sflag:$0x2] =	stream.indirect.gather [hbm4b:s4+s18], $0x80, s20, s18, $0xb8;
	[tilespmem:$0x1FF00] =	vst v63  }
0x52: {  	_ =	swait.ge @!p0 [sflag:s9], $0x4000  }
0x53: {  	[sflag:s9] =	ssyncset.done @!p0 $0x0  }
0x54: {  	[sflag:s9] =	ssyncadd.s32 @!p0 $0xFFFFC000;
	s9 =	sadd.s32 $0x40, s5  }
0x55: {  	[tilespmem:s23], [sflag:$0x7] =	stream.linear.gather [hbm4b:s9+s3], $0x80, $0x38;
	[tilespmem:$0x1FF00] =	vst v63  }
0x56: {  	_ =	swait.ge [sflag:s15], $0x80  }
0x57: {  	[sflag:s15] =	ssyncset.done $0x0  }
0x58: {  	s5 =	sadd.s32 $0x50, s5;
	[sflag:s15] =	ssyncadd.s32 $0xFFFFFF80  }
0x59: {  	[tilespmem:s24], [sflag:$0x7] =	stream.linear.gather [hbm4b:s5+s3], $0x80, $0x38;
	[tilespmem:$0x1FF00] =	vst v63  }
0x5a: {  	_ =	swait.ge [sflag:s15], $0x80  }
0x5b: {  	[sflag:s15] =	ssyncset.done $0x0  }
0x5c: {  	[sflag:s15] =	ssyncadd.s32 $0xFFFFFF80  }
0x5d: {  	v1 =	vld [tilespmem:$0x1FD00]  }
0x5e: {  	v2 =	vld [tilespmem:$0x1FD10]  }
0x5f: {  	v3 =	vld [tilespmem:$0x1FD20]  }
0x60: {  	v4 =	vld [tilespmem:$0x1FD30]  }
0x61: {  	v5 =	vld [tilespmem:$0x1FD50]  }
0x62: {  	v1 =	vadd.s32 v0, v1;
	v6 =	vld [tilespmem:$0x1FD60]  }
0x63: {  	[tilespmem:$0x1FD00] =	vst v1;
	v1 =	vadd.s32 v0, v2;
	v2 =	vld [tilespmem:$0x1FD40]  }
0x64: {  	[tilespmem:$0x1FD10] =	vst v1;
	v1 =	vadd.s32 v0, v3;
	v3 =	vld [tilespmem:$0x1FD70]  }
0x65: {  	[tilespmem:$0x1FD20] =	vst v1;
	v1 =	vadd.s32 v0, v4  }
0x66: {  	[tilespmem:$0x1FD30] =	vst v1;
	v1 =	vadd.s32 v0, v5  }
0x67: {  	[tilespmem:$0x1FD50] =	vst v1;
	v1 =	vadd.s32 v0, v6  }
0x68: {  	v2 =	vadd.s32 v0, v2;
	[tilespmem:$0x1FD60] =	vst v1  }
0x69: {  	[tilespmem:$0x1FD40] =	vst v2;
	v1 =	vadd.s32 v0, v3  }
0x6a: {  	[tilespmem:$0x1FD70] =	vst v1  }
0x6b: {  	[tilespmem:s25], [sflag:$0x3] =	stream.indirect.gather [hbm4b:s4+s18], $0x80, s23, s18, $0xb8;
	[tilespmem:$0x1FF00] =	vst v63  }
0x6c: {  	_ =	swait.ge [sflag:s26], $0x4000  }
0x6d: {  	[sflag:s26] =	ssyncset.done $0x0  }
0x6e: {  	[sflag:s26] =	ssyncadd.s32 $0xFFFFC000  }
0x6f: {  	[spmem:s2] =	stream.indirect.scatter.add.f32 [tilespmem:s19], [sflag:$0x4], $0x80, s17, s18, $0xb8;
	[tilespmem:$0x1FF00] =	vst v63  }
0x70: {  	_ =	swait.ge [sflag:s28], $0x4000  }
0x71: {  	[sflag:s28] =	ssyncset.done $0x0  }
0x72: {  	[sflag:s28] =	ssyncadd.s32 $0xFFFFC000  }
0x73: {  	[spmem:s2] =	stream.indirect.scatter.add.f32 [tilespmem:s22], [sflag:$0x5], $0x80, s21, s18, $0xb8;
	[tilespmem:$0x1FF00] =	vst v63  }
0x74: {  	_ =	swait.ge [sflag:s29], $0x4000  }
0x75: {  	p0 =	seq.s32 s8, $0x0;
	[sflag:s29] =	ssyncset.done $0x0  }
0x76: {  	s5 =	simm.s32 @!p0 $0x4;
	[sflag:s29] =	ssyncadd.s32 $0xFFFFC000  }
0x77: {  	[spmem:s2] =	stream.indirect.scatter.add.f32 [tilespmem:s25], [sflag:$0x6], $0x80, s24, s18, $0xb8;
	[tilespmem:$0x1FF00] =	vst v63  }
0x78: {  	_ =	swait.ge @!p0 [sflag:s5], $0x4000  }
0x79: {  	[sflag:s5] =	ssyncset.done @!p0 $0x0  }
0x7a: {  	[sflag:s5] =	ssyncadd.s32 @!p0 $0xFFFFC000;
	s5 =	sadd.s32 s8, s13  }
0x7b: {  	[tilespmem:s16], [sflag:$0x7] =	stream.linear.gather [hbm4b:s5+s3], $0x80, $0x38;
	[tilespmem:$0x1FF00] =	vst v63  }
0x7c: {  	_ =	swait.ge [sflag:s15], $0x80  }
0x7d: {  	[sflag:s15] =	ssyncset.done $0x0  }
0x7e: {  	s8 =	sadd.s32 $0x10, s5;
	[sflag:s15] =	ssyncadd.s32 $0xFFFFFF80  }
0x7f: {  	[tilespmem:s17], [sflag:$0x7] =	stream.linear.gather [hbm4b:s8+s3], $0x80, $0x38;
	[tilespmem:$0x1FF00] =	vst v63  }
0x80: {  	_ =	swait.ge [sflag:s15], $0x80  }
0x81: {  	[sflag:s15] =	ssyncset.done $0x0  }
0x82: {  	[sflag:s15] =	ssyncadd.s32 $0xFFFFFF80  }
0x83: {  	v1 =	vld [tilespmem:$0x1FC50]  }
0x84: {  	v2 =	vld [tilespmem:$0x1FC40]  }
0x85: {  	v3 =	vld [tilespmem:$0x1FC10]  }
0x86: {  	v4 =	vld [tilespmem:$0x1FC30]  }
0x87: {  	v5 =	vld [tilespmem:$0x1FC20]  }
0x88: {  	v1 =	vadd.s32 v0, v1;
	v6 =	vld [tilespmem:$0x1FC60]  }
0x89: {  	v7 =	vld [tilespmem:$0x1FC00];
	v2 =	vadd.s32 v0, v2;
	[tilespmem:$0x1FC50] =	vst v1  }
0x8a: {  	v1 =	vadd.s32 v0, v3;
	[tilespmem:$0x1FC40] =	vst v2;
	v2 =	vld [tilespmem:$0x1FC70]  }
0x8b: {  	[tilespmem:$0x1FC10] =	vst v1;
	v1 =	vadd.s32 v0, v4  }
0x8c: {  	v3 =	vadd.s32 v0, v5;
	[tilespmem:$0x1FC30] =	vst v1  }
0x8d: {  	[tilespmem:$0x1FC20] =	vst v3;
	v1 =	vadd.s32 v0, v6  }
0x8e: {  	v3 =	vadd.s32 v0, v7;
	[tilespmem:$0x1FC60] =	vst v1  }
0x8f: {  	[tilespmem:$0x1FC00] =	vst v3;
	v1 =	vadd.s32 v0, v2  }
0x90: {  	s8 =	simm.s32 @!p0 $0x5;
	[tilespmem:$0x1FC70] =	vst v1  }
0x91: {  	[tilespmem:s19], [sflag:$0x1] =	stream.indirect.gather [hbm4b:s4+s18], $0x80, s16, s18, $0xb8;
	[tilespmem:$0x1FF00] =	vst v63  }
0x92: {  	_ =	swait.ge @!p0 [sflag:s8], $0x4000  }
0x93: {  	[sflag:s8] =	ssyncset.done @!p0 $0x0  }
0x94: {  	[sflag:s8] =	ssyncadd.s32 @!p0 $0xFFFFC000;
	s8 =	sadd.s32 $0x20, s5  }
0x95: {  	[tilespmem:s20], [sflag:$0x7] =	stream.linear.gather [hbm4b:s8+s3], $0x80, $0x38;
	[tilespmem:$0x1FF00] =	vst v63  }
0x96: {  	_ =	swait.ge [sflag:s15], $0x80  }
0x97: {  	[sflag:s15] =	ssyncset.done $0x0  }
0x98: {  	s8 =	sadd.s32 $0x30, s5;
	[sflag:s15] =	ssyncadd.s32 $0xFFFFFF80  }
0x99: {  	[tilespmem:s21], [sflag:$0x7] =	stream.linear.gather [hbm4b:s8+s3], $0x80, $0x38;
	[tilespmem:$0x1FF00] =	vst v63  }
0x9a: {  	_ =	swait.ge [sflag:s15], $0x80  }
0x9b: {  	[sflag:s15] =	ssyncset.done $0x0  }
.Ltmp0:
0x9c: {  	[sflag:s15] =	ssyncadd.s32 $0xFFFFFF80;
	(pc) =	sbr.rel @p1 .LBB2_2-.Ltmp0, $4  }
0x9d: {  	v4 =	vld [tilespmem:$0x1FC80]  }
0x9e: {  	v1 =	vld [tilespmem:$0x1FCB0]  }
0x9f: {  	v3 =	vld [tilespmem:$0x1FCA0]  }
0xa0: {  	v2 =	vld [tilespmem:$0x1FCD0]  }
0xa1: {  	v5 =	vld [tilespmem:$0x1FCC0]  }
0xa2: {  	v54 =	vld [tilespmem:$0x1FCF0];
	v4 =	vadd.s32 v0, v4  }
0xa3: {  	v6 =	vld [tilespmem:$0x1FCE0];
	[tilespmem:$0x1FC80] =	vst v4;
	v1 =	vadd.s32 v0, v1  }
0xa4: {  	v7 =	vld [tilespmem:$0x1FC90];
	v3 =	vadd.s32 v0, v3;
	[tilespmem:$0x1FCB0] =	vst v1  }
0xa5: {  	[tilespmem:$0x1FCA0] =	vst v3;
	v2 =	vadd.s32 v0, v2  }
0xa6: {  	v1 =	vadd.s32 v0, v5;
	[tilespmem:$0x1FCD0] =	vst v2  }
0xa7: {  	v2 =	vadd.s32 v0, v54;
	[tilespmem:$0x1FCC0] =	vst v1  }
0xa8: {  	v1 =	vadd.s32 v0, v6;
	[tilespmem:$0x1FCF0] =	vst v2  }
0xa9: {  	[tilespmem:$0x1FCE0] =	vst v1;
	v1 =	vadd.s32 v0, v7  }
0xaa: {  	s7 =	simm.s32 @!p0 $0x6;
	[tilespmem:$0x1FC90] =	vst v1  }
0xab: {  	[tilespmem:s22], [sflag:$0x2] =	stream.indirect.gather [hbm4b:s4+s18], $0x80, s20, s18, $0xb8;
	[tilespmem:$0x1FF00] =	vst v63  }
0xac: {  	_ =	swait.ge @!p0 [sflag:s7], $0x4000  }
0xad: {  	[sflag:s7] =	ssyncset.done @!p0 $0x0  }
0xae: {  	s8 =	sadd.s32 $0x40, s5;
	[sflag:s7] =	ssyncadd.s32 @!p0 $0xFFFFC000  }
0xaf: {  	[tilespmem:s23], [sflag:$0x7] =	stream.linear.gather [hbm4b:s8+s3], $0x80, $0x38;
	[tilespmem:$0x1FF00] =	vst v63  }
0xb0: {  	_ =	swait.ge [sflag:s15], $0x80  }
0xb1: {  	[sflag:s15] =	ssyncset.done $0x0  }
0xb2: {  	s9 =	sadd.s32 $0x50, s5;
	[sflag:s15] =	ssyncadd.s32 $0xFFFFFF80  }
0xb3: {  	[tilespmem:s24], [sflag:$0x7] =	stream.linear.gather [hbm4b:s9+s3], $0x80, $0x38;
	[tilespmem:$0x1FF00] =	vst v63  }
0xb4: {  	_ =	swait.ge [sflag:s15], $0x80  }
0xb5: {  	[sflag:s15] =	ssyncset.done $0x0  }
0xb6: {  	[sflag:s15] =	ssyncadd.s32 $0xFFFFFF80  }
0xb7: {  	v1 =	vld [tilespmem:$0x1FD00]  }
0xb8: {  	v2 =	vld [tilespmem:$0x1FD10]  }
0xb9: {  	v3 =	vld [tilespmem:$0x1FD20]  }
0xba: {  	v55 =	vld [tilespmem:$0x1FD30]  }
0xbb: {  	v56 =	vld [tilespmem:$0x1FD50]  }
0xbc: {  	v57 =	vld [tilespmem:$0x1FD60];
	v1 =	vadd.s32 v0, v1  }
0xbd: {  	[tilespmem:$0x1FD00] =	vst v1;
	v1 =	vadd.s32 v0, v2;
	v2 =	vld [tilespmem:$0x1FD40]  }
0xbe: {  	[tilespmem:$0x1FD10] =	vst v1;
	v1 =	vadd.s32 v0, v3;
	v3 =	vld [tilespmem:$0x1FD70]  }
0xbf: {  	[tilespmem:$0x1FD20] =	vst v1;
	v1 =	vadd.s32 v0, v55  }
0xc0: {  	[tilespmem:$0x1FD30] =	vst v1;
	v1 =	vadd.s32 v0, v56  }
0xc1: {  	[tilespmem:$0x1FD50] =	vst v1;
	v1 =	vadd.s32 v0, v57  }
0xc2: {  	v2 =	vadd.s32 v0, v2;
	[tilespmem:$0x1FD60] =	vst v1  }
0xc3: {  	[tilespmem:$0x1FD40] =	vst v2;
	v1 =	vadd.s32 v0, v3  }
0xc4: {  	[tilespmem:$0x1FD70] =	vst v1  }
0xc5: {  	[tilespmem:s25], [sflag:$0x3] =	stream.indirect.gather [hbm4b:s4+s18], $0x80, s23, s18, $0xb8;
	[tilespmem:$0x1FF00] =	vst v63  }
0xc6: {  	_ =	swait.ge [sflag:s26], $0x4000  }
0xc7: {  	[sflag:s26] =	ssyncset.done $0x0  }
0xc8: {  	[sflag:s26] =	ssyncadd.s32 $0xFFFFC000  }
0xc9: {  	[spmem:s2] =	stream.indirect.scatter.add.f32 [tilespmem:s19], [sflag:$0x4], $0x80, s17, s18, $0xb8;
	[tilespmem:$0x1FF00] =	vst v63  }
0xca: {  	_ =	swait.ge [sflag:s28], $0x4000  }
0xcb: {  	[sflag:s28] =	ssyncset.done $0x0  }
0xcc: {  	[sflag:s28] =	ssyncadd.s32 $0xFFFFC000  }
0xcd: {  	[spmem:s2] =	stream.indirect.scatter.add.f32 [tilespmem:s22], [sflag:$0x5], $0x80, s21, s18, $0xb8;
	[tilespmem:$0x1FF00] =	vst v63  }
0xce: {  	_ =	swait.ge [sflag:s29], $0x4000  }
0xcf: {  	[sflag:s29] =	ssyncset.done $0x0  }
0xd0: {  	[sflag:s29] =	ssyncadd.s32 $0xFFFFC000  }
0xd1: {  	[spmem:s2] =	stream.indirect.scatter.add.f32 [tilespmem:s25], [sflag:$0x6], $0x80, s24, s18, $0xb8;
	[tilespmem:$0x1FF00] =	vst v63  }
0xd2: {  	_ =	swait.ge [sflag:s30], $0x4000  }
0xd3: {  	[sflag:s30] =	ssyncset.done $0x0  }
0xd4: {  	s7 =	rddreg [dreg:$0x5];
	[sflag:s30] =	ssyncadd.s32 $0xFFFFC000  }
0xd5: {  	[tilespmem:s16], [sflag:$0x7] =	stream.linear.gather [hbm4b:s7+s3], $0x80, $0x38;
	[tilespmem:$0x1FF00] =	vst v63  }
0xd6: {  	_ =	swait.ge [sflag:s15], $0x80  }
0xd7: {  	[sflag:s15] =	ssyncset.done $0x0  }
0xd8: {  	s8 =	rddreg [dreg:$0x6];
	[sflag:s15] =	ssyncadd.s32 $0xFFFFFF80  }
0xd9: {  	[tilespmem:s17], [sflag:$0x7] =	stream.linear.gather [hbm4b:s8+s3], $0x80, $0x38;
	[tilespmem:$0x1FF00] =	vst v63  }
0xda: {  	_ =	swait.ge [sflag:s15], $0x80  }
0xdb: {  	[sflag:s15] =	ssyncset.done $0x0  }
0xdc: {  	[sflag:s15] =	ssyncadd.s32 $0xFFFFFF80  }
0xdd: {  	v1 =	vld [tilespmem:$0x1FC00]  }
0xde: {  	v2 =	vld [tilespmem:$0x1FC10]  }
0xdf: {  	v3 =	vld [tilespmem:$0x1FC20]  }
0xe0: {  	v58 =	vld [tilespmem:$0x1FC30]  }
0xe1: {  	v59 =	vld [tilespmem:$0x1FC40]  }
0xe2: {  	v60 =	vld [tilespmem:$0x1FC50];
	v1 =	vadd.s32 v0, v1  }
0xe3: {  	[tilespmem:$0x1FC00] =	vst v1;
	v1 =	vadd.s32 v0, v2;
	v2 =	vld [tilespmem:$0x1FC60]  }
0xe4: {  	[tilespmem:$0x1FC10] =	vst v1;
	v1 =	vadd.s32 v0, v3;
	v3 =	vld [tilespmem:$0x1FC70]  }
0xe5: {  	[tilespmem:$0x1FC20] =	vst v1;
	v1 =	vadd.s32 v0, v58  }
0xe6: {  	[tilespmem:$0x1FC30] =	vst v1;
	v1 =	vadd.s32 v0, v59  }
0xe7: {  	[tilespmem:$0x1FC40] =	vst v1;
	v1 =	vadd.s32 v0, v60  }
0xe8: {  	[tilespmem:$0x1FC50] =	vst v1;
	v1 =	vadd.s32 v0, v2  }
0xe9: {  	[tilespmem:$0x1FC60] =	vst v1;
	v1 =	vadd.s32 v0, v3  }
0xea: {  	[tilespmem:$0x1FC70] =	vst v1  }
0xeb: {  	[tilespmem:s19], [sflag:$0x1] =	stream.indirect.gather [hbm4b:s4+s18], $0x80, s16, s18, $0xb8;
	[tilespmem:$0x1FF00] =	vst v63  }
0xec: {  	_ =	swait.ge [sflag:s31], $0x4000  }
0xed: {  	[sflag:s31] =	ssyncset.done $0x0  }
0xee: {  	s9 =	rddreg [dreg:$0x7];
	[sflag:s31] =	ssyncadd.s32 $0xFFFFC000  }
0xef: {  	[tilespmem:s20], [sflag:$0x7] =	stream.linear.gather [hbm4b:s9+s3], $0x80, $0x38;
	[tilespmem:$0x1FF00] =	vst v63  }
0xf0: {  	_ =	swait.ge [sflag:s15], $0x80  }
0xf1: {  	[sflag:s15] =	ssyncset.done $0x0  }
0xf2: {  	[sflag:s15] =	ssyncadd.s32 $0xFFFFFF80  }
0xf3: {  	[tilespmem:s21], [sflag:$0x7] =	stream.linear.gather [hbm4b:s10+s3], $0x80, $0x38;
	[tilespmem:$0x1FF00] =	vst v63  }
0xf4: {  	_ =	swait.ge [sflag:s15], $0x80  }
0xf5: {  	[sflag:s15] =	ssyncset.done $0x0  }
0xf6: {  	[sflag:s15] =	ssyncadd.s32 $0xFFFFFF80  }
0xf7: {  	v1 =	vld [tilespmem:$0x1FC80]  }
0xf8: {  	v2 =	vld [tilespmem:$0x1FC90]  }
0xf9: {  	v3 =	vld [tilespmem:$0x1FCA0]  }
0xfa: {  	v61 =	vld [tilespmem:$0x1FCB0]  }
0xfb: {  	v62 =	vld [tilespmem:$0x1FCC0]  }
0xfc: {  	v63 =	vld [tilespmem:$0x1FCD0];
	v1 =	vadd.s32 v0, v1  }
0xfd: {  	[tilespmem:$0x1FC80] =	vst v1;
	v1 =	vadd.s32 v0, v2;
	v2 =	vld [tilespmem:$0x1FCE0]  }
0xfe: {  	[tilespmem:$0x1FC90] =	vst v1;
	v1 =	vadd.s32 v0, v3;
	v3 =	vld [tilespmem:$0x1FCF0]  }
0xff: {  	[tilespmem:$0x1FCA0] =	vst v1;
	v1 =	vadd.s32 v0, v61  }
0x100: {  	[tilespmem:$0x1FCB0] =	vst v1;
	v1 =	vadd.s32 v0, v62  }
0x101: {  	[tilespmem:$0x1FCC0] =	vst v1;
	v1 =	vadd.s32 v0, v63  }
0x102: {  	[tilespmem:$0x1FCD0] =	vst v1;
	v1 =	vadd.s32 v0, v2  }
0x103: {  	[tilespmem:$0x1FCE0] =	vst v1;
	v1 =	vadd.s32 v0, v3  }
0x104: {  	[tilespmem:$0x1FCF0] =	vst v1  }
0x105: {  	[tilespmem:s22], [sflag:$0x2] =	stream.indirect.gather [hbm4b:s4+s18], $0x80, s20, s18, $0xb8;
	[tilespmem:$0x1FF00] =	vst v63  }
0x106: {  	_ =	swait.ge [sflag:s26], $0x4000  }
0x107: {  	[sflag:s26] =	ssyncset.done $0x0  }
0x108: {  	[sflag:s26] =	ssyncadd.s32 $0xFFFFC000  }
0x109: {  	[spmem:s2] =	stream.indirect.scatter.add.f32 [tilespmem:s19], [sflag:$0x4], $0x80, s17, s18, $0xb8;
	[tilespmem:$0x1FF00] =	vst v63  }
0x10a: {  	_ =	swait.ge [sflag:s28], $0x4000  }
0x10b: {  	[sflag:s28] =	ssyncset.done $0x0  }
0x10c: {  	[sflag:s28] =	ssyncadd.s32 $0xFFFFC000  }
0x10d: {  	[spmem:s2] =	stream.indirect.scatter.add.f32 [tilespmem:s22], [sflag:$0x5], $0x80, s21, s18, $0xb8;
	[tilespmem:$0x1FF00] =	vst v63  }
0x10e: {  	_ =	swait.ge [sflag:s30], $0x4000  }
0x10f: {  	[sflag:s30] =	ssyncset.done $0x0  }
0x110: {  	[sflag:s30] =	ssyncadd.s32 $0xFFFFC000  }
0x111: {  	_ =	swait.ge [sflag:s31], $0x4000  }
0x112: {  	[sflag:s31] =	ssyncset.done $0x0  }
0x113: {  	[sflag:s31] =	ssyncadd.s32 $0xFFFFC000  }
0x114: {  	_ =	swait.ge [sflag:s0], $0x4000  }
0x115: {  	s1 =	sadd.s32 $0x1, s1;
	[sflag:s0] =	ssyncset.done $0x0  }
0x116: {  	p0 =	sne.s32 s1, s12;
	[sflag:s0] =	ssyncadd.s32 $0xFFFFC000  }
.Ltmp1:
0x117: {  	[bflag:$0x0] =	sbarrier.arrive $0xFFFF;
	(pc) =	sbr.rel @p0 .LBB2_1-.Ltmp1, $4  }
0x118: {  	[hbm:s11], [sflag:s6] =	dma.local [spmem:s14], $0x2780  }
0x119: {  	_ =	swait.ge [sflag:s15], $0x2780  }
0x11a: {  	[sflag:s15] =	ssyncset.done $0x0  }
0x11b: {  	[sflag:s15] =	ssyncadd.s32 $0xFFFFD880  }
0x11c: {  	_ =	sfence.sel $0x180000  }
0x11d: {  	[bflag:$0x0] =	sbarrier.arrive $0xFFFF  }
0x11e: {  	_ =	strace $0x9000004A  }
0x11f: {  	s0 =	stileid.u32;
	[bflag:$0x2] =	sbarrier.arrive $0xFFFF  }
0x120: {  	p0 =	sne.s32 s0, $0x0;
	s0 =	rddreg [dreg:$0x3]  }
0x121: {  	s0 =	sadd.s32 @!p0 $0x100000, s0  }
0x122: {  	[sflag:s0] =	ssyncadd.tile.s32 @!p0 $0x1;
	_ =	shalt  }
.Lfunc_end2:
_tile_overlayer_lowered:
.L_overlay_start_2:
0x123: {  	(tag) =	ssettag $0x2  }
0x124: {  	s0 =	rddreg [dreg:$0x0];
	s2 =	stileid.u32  }
0x125: {  	s1 =	rddreg [dreg:$0x1];
	p0 =	sne.s32 s2, $0x0  }
0x126: {  	s3 =	rddreg [dreg:$0x2];
	[bflag:$0x3] =	sbarrier.arrive $0xFFFF;
	s2 =	simm.s32 @!p0 $0x1C07  }
0x127: {  	[timem:s3], [sflag:s2] =	dma.local @!p0 [hbm:s0], s1  }
0x128: {  	s0 =	simm.s32 @!p0 $0x7  }
0x129: {  	_ =	swait.ge @!p0 [sflag:s0], s1  }
0x12a: {  	s1 =	ssub.s32 @!p0 $0x0, s1;
	[sflag:s0] =	ssyncset.done @!p0 $0x0  }
0x12b: {  	[sflag:s0] =	ssyncadd.s32 @!p0 s1  }
0x12c: {  	[bflag:$0x3] =	sbarrier.arrive $0xFFFF  }
0x12d: {  	_ =	shalt  }

// kernel: kernel.18.cloned.1.call-start
scs
__scs_entry_jumppad:
0x0: {  	(pc) =	sbr.rel $0x88, $3  }
0x1: {  	(tag) =	ssettag $0x0;
	lr =	simm.s32 $0x1  }
0x2: {  	[smem:$0x3F91] =	sst lr;
	_ =	strace $0xD0000000  }
0x3: {  	_ = 	snop  }
0x4: {  	_ = 	snop  }
0x5: {  	_ = 	snop  }
0x6: {  	_ = 	snop  }
0x7: {  	_ = 	snop  }
__scs_overlays_trampoline_lowered:
0x8: {  	[smem:$0x3FA0] =	sst s0  }
0x9: {  	[smem:$0x3FA1] =	sst s1  }
0xa: {  	[smem:$0x3FA2] =	sst s2  }
0xb: {  	[smem:$0x3FA3] =	sst s3  }
0xc: {  	[smem:$0x3FA4] =	sst s4  }
0xd: {  	[smem:$0x3FA5] =	sst s5  }
0xe: {  	[smem:$0x3FA6] =	sst s6  }
0xf: {  	[smem:$0x3FA7] =	sst s7  }
0x10: {  	[smem:$0x3FA8] =	sst s8  }
0x11: {  	[smem:$0x3FA9] =	sst s9;
	s0 =	simm.s32 @!p0 $0x0  }
0x12: {  	s1 =	sld [smem:$0x3F8F];
	s0 =	simm.s32 @p0 $0x1  }
0x13: {  	[smem:$0x3FAA] =	sst s0;
	s0 =	simm.s32 @!p1 $0x0  }
0x14: {  	s2 =	sld [smem:$0x3F8E];
	s0 =	simm.s32 @p1 $0x1  }
0x15: {  	[smem:$0x3FAB] =	sst s0;
	s0 =	simm.s32 @!p2 $0x0  }
0x16: {  	s3 =	sld [smem:$0x3FDB];
	s0 =	simm.s32 @p2 $0x1  }
0x17: {  	s4 =	simm.s32 $0x1BF5;
	[smem:$0x3FAD] =	sst s0  }
0x18: {  	s0 =	sld [smem:$0x3F90];
	_ =	swait.ge [sflag:s4], $0x0  }
0x19: {  	s7 =	sld [smem:$0x3F91]  }
0x1a: {  	s8 =	sadd.s32 $0xFFFFE003, lr  }
0x1b: {  	s9 =	sadd.s32 $0xFFFFFEF7, lr;
	s5 =	simm.s32 $0xFFFFFFFF;
	p2 =	slt.u32 s8, $0xFFFFF086  }
0x1c: {  	p1 =	slt.u32 s9, $0xF7A;
	s5 =	simm.s32 @!p2 $0x0  }
0x1d: {  	s5 =	simm.s32 @p1 $0x1;
	p0 =	seq.s32 s7, s2  }
0x1e: {  	s7 =	smul.u32 @!p0 $0xF7A, s2;
	p2 =	seq.s32 @!p0 s5, $0x0  }
0x1f: {  	s9 =	smul.u32 $0xF7A, s1;
	s8 =	simm.s32 @!p0 $0x1BF5;
	p2 =	por !p2, p0  }
0x20: {  	[sflag:s8] =	ssyncset.s32 @!p0 $0xFFFFF086;
	s6 =	sadd.s32 @!p0 s3, s7;
	s7 =	simm.s32 @!p0 $0x108  }
0x21: {  	s3 =	sadd.s32 s3, s9;
	s6 =	sadd.s32 @!p0 $0x88, s6;
	s7 =	simm.s32 @p2 $0x1082  }
0x22: {  	[simem:s7], [sflag:s8] =	dma.local @!p0 [hbm:s6], $0xF7A  }
0x23: {  	s9 =	sor.u32 $0xD0000000, s2;
	s6 =	simm.s32 $0x108;
	_ =	swait.ge @!p0 [sflag:s8], $0x0  }
0x24: {  	s3 =	sadd.s32 $0x88, s3;
	s6 =	simm.s32 @!p1 $0x1082;
	[sflag:s4] =	ssyncset.s32 $0xFFFFF086  }
0x25: {  	[simem:s6], [sflag:s4] =	dma.local [hbm:s3], $0xF7A  }
0x26: {  	[smem:$0x3F91] =	sst s1;
	(tag) =	ssettag s2;
	_ =	strace s9  }
0x27: {  	s1 =	sld [smem:$0x3FA1]  }
0x28: {  	s2 =	sld [smem:$0x3FA2]  }
0x29: {  	s4 =	sld [smem:$0x3FA4]  }
0x2a: {  	p0 =	seq.s32 s5, $0x0;
	s5 =	sld [smem:$0x3FA5]  }
0x2b: {  	s6 =	sld [smem:$0x3FA6]  }
0x2c: {  	s7 =	sld [smem:$0x3FA7]  }
0x2d: {  	s3 =	simm.s32 $0x108;
	s8 =	sld [smem:$0x3FA8]  }
0x2e: {  	s3 =	simm.s32 @!p0 $0x1082;
	s9 =	sld [smem:$0x3FA9]  }
0x2f: {  	lr =	sadd.s32 s0, s3;
	s0 =	sld [smem:$0x3FA0]  }
0x30: {  	s3 =	sld [smem:$0x3FA3]  }
0x31: {  	[smem:$0x3FAC] =	sst s10  }
0x32: {  	s10 =	sld [smem:$0x3FAA];
	_ =	sdelay $0x3  }
0x33: {  	p0 =	seq.s32 s10, $0x1;
	s10 =	sld [smem:$0x3FAC];
	_ =	sdelay $0x3  }
0x34: {  	[smem:$0x3FAC] =	sst s10  }
0x35: {  	s10 =	sld [smem:$0x3FAB];
	_ =	sdelay $0x3  }
0x36: {  	p1 =	seq.s32 s10, $0x1;
	s10 =	sld [smem:$0x3FAC];
	_ =	sdelay $0x3  }
0x37: {  	[smem:$0x3FAC] =	sst s10  }
0x38: {  	s10 =	sld [smem:$0x3FAD]  }
0x39: {  	_ = 	snop;
	(pc) =	sbr.ind lr, $3  }
0x3a: {  	_ = 	snop  }
0x3b: {  	_ = 	snop  }
0x3c: {  	p2 =	seq.s32 s10, $0x1;
	s10 =	sld [smem:$0x3FAC]  }
0x3d: {  	_ =	shalt  }
0x3e: {  	_ =	shalt  }
0x3f: {  	_ =	shalt  }
0x40: {  	_ =	shalt  }
0x41: {  	_ =	shalt  }
0x42: {  	_ =	shalt  }
0x43: {  	_ =	shalt  }
0x44: {  	_ =	shalt  }
0x45: {  	_ =	shalt  }
0x46: {  	_ =	shalt  }
0x47: {  	_ =	shalt  }
0x48: {  	_ =	shalt  }
0x49: {  	_ =	shalt  }
0x4a: {  	_ =	shalt  }
0x4b: {  	_ =	shalt  }
0x4c: {  	_ =	shalt  }
0x4d: {  	_ =	shalt  }
0x4e: {  	_ =	shalt  }
0x4f: {  	_ =	shalt  }
0x50: {  	_ =	shalt  }
0x51: {  	_ =	shalt  }
0x52: {  	_ =	shalt  }
0x53: {  	_ =	shalt  }
0x54: {  	_ =	shalt  }
0x55: {  	_ =	shalt  }
0x56: {  	_ =	shalt  }
0x57: {  	_ =	shalt  }
0x58: {  	_ =	shalt  }
0x59: {  	_ =	shalt  }
0x5a: {  	_ =	shalt  }
0x5b: {  	_ =	shalt  }
0x5c: {  	_ =	shalt  }
0x5d: {  	_ =	shalt  }
0x5e: {  	_ =	shalt  }
0x5f: {  	_ =	shalt  }
0x60: {  	_ =	shalt  }
0x61: {  	_ =	shalt  }
0x62: {  	_ =	shalt  }
0x63: {  	_ =	shalt  }
0x64: {  	_ =	shalt  }
0x65: {  	_ =	shalt  }
0x66: {  	_ =	shalt  }
0x67: {  	_ =	shalt  }
0x68: {  	_ =	shalt  }
0x69: {  	_ =	shalt  }
0x6a: {  	_ =	shalt  }
0x6b: {  	_ =	shalt  }
0x6c: {  	_ =	shalt  }
0x6d: {  	_ =	shalt  }
0x6e: {  	_ =	shalt  }
0x6f: {  	_ =	shalt  }
0x70: {  	_ =	shalt  }
0x71: {  	_ =	shalt  }
0x72: {  	_ =	shalt  }
0x73: {  	_ =	shalt  }
0x74: {  	_ =	shalt  }
0x75: {  	_ =	shalt  }
0x76: {  	_ =	shalt  }
0x77: {  	_ =	shalt  }
0x78: {  	_ =	shalt  }
0x79: {  	_ =	shalt  }
0x7a: {  	_ =	shalt  }
0x7b: {  	_ =	shalt  }
0x7c: {  	_ =	shalt  }
0x7d: {  	_ =	shalt  }
0x7e: {  	_ =	shalt  }
0x7f: {  	_ =	shalt  }
0x80: {  	_ =	shalt  }
0x81: {  	_ =	shalt  }
0x82: {  	_ =	shalt  }
0x83: {  	_ =	shalt  }
0x84: {  	_ =	shalt  }
0x85: {  	_ =	shalt  }
0x86: {  	_ =	shalt  }
0x87: {  	_ =	shalt  }
.Lfunc_end0:
.L_simem_size_0:
called_computation.2_lowered:
.L_overlay_start_0:
0x88: {  	s2 =	sld [smem:$0x3FD9]  }
0x89: {  	s3 =	sld [smem:$0x3FFE];
	_ =	sdelay $0x1  }
0x8a: {  	s1 =	srdreg.scid  }
0x8b: {  	s0 =	sand.u32 $0x1, s1  }
0x8c: {  	s14 =	sshll.u32 s0, $0xA;
	s2 =	sadd.s32 s3, s2  }
0x8d: {  	s2 =	sadd.s32 s2, s14  }
0x8e: {  	[smem:$0x3FB8] =	sst s2  }
0x8f: {  	_ = 	snop  }
0x90: {  	s2 =	sld [smem:$0x3FD0];
	_ =	sdelay $0x2  }
0x91: {  	s15 =	simm.s32 $0xA;
	s4 =	simm.s32 $0x10  }
0x92: {  	[smem:s4], [sflag:s15] =	dma.local [hbm:s2], $0x1  }
0x93: {  	_ =	swait.eq [sflag:s15], $0x1  }
0x94: {  	[sflag:s15] =	ssyncset.done $0x0  }
0x95: {  	[sflag:s15] =	ssyncadd.s32 $0xFFFFFFFF  }
0x96: {  	s16 =	sld [smem:$0x10];
	(tm) =	ssettm $0x1  }
0x97: {  	s17 =	sld [smem:$0x3FFB];
	_ =	sdelay $0x3  }
0x98: {  	_ =	strace s17  }
0x99: {  	s3 =	sld [smem:$0x3FFC];
	_ =	sdelay $0x3  }
0x9a: {  	_ =	strace s3  }
0x9b: {  	s3 =	sld [smem:$0x3FFD];
	_ =	sdelay $0x3  }
0x9c: {  	_ =	strace s3  }
0x9d: {  	_ =	strace $0x8FFFFFFF  }
0x9e: {  	s18 =	sld [smem:$0x3FDB];
	_ =	sdelay $0x1  }
0x9f: {  	s19 =	simm.s32 $_scs_section_size  }
0xa0: {  	s5 =	simm.s32 $_size__tile_overlayer_lowered;
	s6 =	simm.s32 $_tile_overlayer_lowered  }
0xa1: {  	s22 =	simm.s32 $0x1BFF;
	s21 =	sshll.u32 s6, $0x1;
	s3 =	sadd.s32 s19, s18  }
0xa2: {  	s7 =	simm.s32 $0x0;
	s20 =	sshll.u32 s5, $0x1;
	s5 =	sadd.s32 s21, s3  }
0xa3: {  	[timem:s7], [sflag:s22] =	dma.local [hbm:s5], s20  }
0xa4: {  	_ =	swait.ge [sflag:s22], s20  }
0xa5: {  	s4 =	ssub.s32 $0x0, s20;
	[sflag:s22] =	ssyncset.done $0x0  }
0xa6: {  	[sflag:s22] =	ssyncadd.s32 s4;
	_ =	sdelay $0x1  }
0xa7: {  	s23 =	simm.s32 $0x1B8B  }
0xa8: {  	_ =	swait.ge [sflag:s23], $0x1  }
0xa9: {  	[sflag:s23] =	ssyncset.done $0x0  }
0xaa: {  	s25 =	simm.s32 $0x1B8E;
	s24 =	sld [smem:$0x3FFE];
	[sflag:s23] =	ssyncadd.s32 $0xFFFFFFFF  }
0xab: {  	s26 =	simm.s32 $execute0_lowered;
	[smem:$0x3FD2] =	sst s25  }
0xac: {  	s5 =	sshll.u32 s26, $0x1;
	_ =	strace $0x8000004C;
	[dreg:$0x1] =	wrdreg $0xFFFFFFFF  }
0xad: {  	s28 =	simm.s32 $_size_execute0_lowered;
	s3 =	sadd.s32 s3, s5;
	[dreg:$0x0] =	wrdreg $0x0  }
0xae: {  	s5 =	sshll.u32 s28, $0x1;
	[dreg:$0x2] =	wrdreg s3  }
0xaf: {  	[dreg:$0x3] =	wrdreg s5  }
0xb0: {  	[dreg:$0x4] =	wrdreg $0xC0  }
0xb1: {  	_ =	task [dreg:s7], $0x5FFFF  }
0xb2: {  	[dreg:$0x1] =	wrdreg $0xFFFFFFFF  }
0xb3: {  	[dreg:$0x0] =	wrdreg $0x60  }
0xb4: {  	[dreg:$0x2] =	wrdreg s24  }
0xb5: {  	[dreg:$0x3] =	wrdreg s16  }
0xb6: {  	[dreg:$0x4] =	wrdreg $0x0  }
0xb7: {  	[dreg:$0x5] =	wrdreg $0x9  }
0xb8: {  	_ =	task.clear_ibuf [dreg:s7], $0x6FFFF;
	_ =	strace $0x9000004C  }
0xb9: {  	s29 =	simm.s32 $0x9;
	_ =	strace $0x8000004E  }
0xba: {  	_ =	swait.ge [sflag:s29], $0x1  }
0xbb: {  	[sflag:s29] =	ssyncadd.s32 $0xFFFFFFFF  }
0xbc: {  	_ =	strace $0x9000004E  }
0xbd: {  	_ =	sfence  }
0xbe: {  	s30 =	sld [smem:$0x0];
	_ =	sdelay $0x2  }
0xbf: {  	s31 =	sshll.u32 s1, $0xD;
	s1 =	sshrl.u32 s1, $0x2  }
0xc0: {  	s3 =	sand.u32 $0x4000, s31;
	s1 =	sadd.s32 s1, s30  }
0xc1: {  	s0 =	sor.u32 s3, s0;
	s1 =	sshll.u32 s1, $0x11  }
0xc2: {  	s0 =	sor.u32 s1, s0  }
0xc3: {  	s0 =	sadd.s32 $0x8F2B, s0  }
0xc4: {  	[sflag:s0] =	ssyncadd.remote.s32 $0x1  }
0xc5: {  	_ =	sfence.sel $0xFFFF  }
0xc6: {  	[dreg:$0x0] =	wrdreg $0xFFFFFFFF;
	(pc) =	sbr.abs _section_cstart, $3  }
0xc7: {  	[dreg:$0x1] =	wrdreg $0xFFFFFFFF  }
0xc8: {  	_ =	task.clear_ibuf [dreg:s7], $0x2FFFF;
	_ =	strace $0x9FFFFFFF  }
0xc9: {  	(tm) =	ssettm $0x7FFFFFFF  }
tec
execute0_lowered:
.L_overlay_start_1:
0x0: {  	(tag) =	ssettag $0x1  }
0x1: {  	s0 =	rddreg [dreg:$0x0]  }
0x2: {  	s1 =	rddreg [dreg:$0x1]  }
0x3: {  	s2 =	rddreg [dreg:$0x2];
	s3 =	simm.s32 $0x0  }
0x4: {  	s15 =	stileid.u32;
	s6 =	srdreg.scid;
	s16 =	simm.s32 $0x1FC00  }
0x5: {  	s17 =	simm.s32 $0x1FD80;
	s18 =	simm.s32 $0x80;
	s19 =	simm.s32 $0x13C00  }
0x6: {  	s28 =	simm.s32 $0x2;
	s29 =	simm.s32 $0x3;
	s5 =	smul.u32 $0x13C00, s15  }
0x7: {  	s30 =	simm.s32 $0x4;
	s31 =	simm.s32 $0x5;
	s20 =	smul.u32 $0x4F000, s15  }
0x8: {  	[smem:$0x7FF] =	sst s3;
	s4 =	sadd.s32 $0x84200, s0;
	s12 =	smul.u32 $0x5000, s15  }
0x9: {  	s7 =	sand.u32 $0x1, s6;
	s21 =	sshll.u32 s15, $0x6;
	s15 =	smul.u32 $0xA00, s15  }
0xa: {  	s8 =	sadd.s32 $0x2C000, s0;
	_ =	strace $0x8000004D;
	s23 =	smul.u32 $0x13C000, s7  }
0xb: {  	s10 =	ssub.s32 $0x2, s7;
	s7 =	smul.u32 $0x2710, s7;
	s9 =	sshrl.u32 s5, $0x3  }
0xc: {  	s11 =	sshrl.u32 s10, $0x1;
	s6 =	sshrl.u32 s20, $0x2;
	s22 =	sshrl.u32 s12, $0x3  }
0xd: {  	s20 =	simm.s32 $0x1FC80;
	s0 =	sadd.s32 s9, s0;
	s13 =	ssub.s32 s10, s11  }
0xe: {  	s14 =	sadd.s32 s6, s2;
	s6 =	sor.u32 $0x1C07, s21;
	s24 =	sadd.s32 s8, s22  }
0xf: {  	s5 =	sadd.s32 s5, s23;
	s21 =	simm.s32 $0x1FE00;
	s22 =	simm.s32 $0x17C00  }
0x10: {  	s23 =	simm.s32 $0x1FD00;
	s0 =	sadd.s32 $0x4800, s0;
	s9 =	sadd.s32 $0x9C0, s24  }
0x11: {  	s25 =	sadd.s32 $0x9D0, s24;
	s5 =	sshrl.u32 s5, $0x3;
	s26 =	sadd.s32 $0x9E0, s24  }
0x12: {  	s10 =	sadd.s32 $0x9F0, s24;
	s12 =	smax.u32 s13, $0x1;
	[dreg:$0x4] =	wrdreg s0  }
0x13: {  	s13 =	sadd.s32 s15, s8;
	s14 =	sshrl.u32 s14, $0x3;
	[dreg:$0x5] =	wrdreg s9  }
0x14: {  	s15 =	simm.s32 $0x7;
	s24 =	simm.s32 $0x1FE80;
	[dreg:$0x6] =	wrdreg s25  }
0x15: {  	[dreg:$0x7] =	wrdreg s26;
	s11 =	sadd.s32 s1, s5;
	s25 =	simm.s32 $0x1BC00  }
0x16: {  	v0 =	vmov s7;
	s26 =	simm.s32 $0x1;
	s0 =	simm.s32 $0x6;
	s1 =	simm.s32 $0x0  }
.LBB2_1:
0x17: {  	s5 =	rddreg [dreg:$0x4]  }
0x18: {  	[spmem:s14], [sflag:s6] =	dma.local [hbm:s5], $0x2780  }
0x19: {  	_ =	swait.ge [sflag:s15], $0x2780  }
0x1a: {  	[sflag:s15] =	ssyncset.done $0x0  }
0x1b: {  	p0 =	por $0x1, $0x1;
	[sflag:s15] =	ssyncadd.s32 $0xFFFFD880  }
0x1c: {  	s5 =	simm.s32 @!p0 $0x4;
	[bflag:$0x0] =	sbarrier.arrive $0xFFFF  }
0x1d: {  	_ =	swait.ge @!p0 [sflag:s5], $0x4000  }
0x1e: {  	[sflag:s5] =	ssyncset.done @!p0 $0x0  }
0x1f: {  	[sflag:s5] =	ssyncadd.s32 @!p0 $0xFFFFC000;
	s5 =	sadd.s32 $0x0, s13  }
0x20: {  	[tilespmem:s16], [sflag:$0x7] =	stream.linear.gather [hbm4b:s5+s3], $0x80, $0x38;
	[tilespmem:$0x1FF00] =	vst v63  }
0x21: {  	_ =	swait.ge [sflag:s15], $0x80  }
0x22: {  	[sflag:s15] =	ssyncset.done $0x0  }
0x23: {  	s7 =	sadd.s32 $0x10, s5;
	[sflag:s15] =	ssyncadd.s32 $0xFFFFFF80  }
0x24: {  	[tilespmem:s17], [sflag:$0x7] =	stream.linear.gather [hbm4b:s7+s3], $0x80, $0x38;
	[tilespmem:$0x1FF00] =	vst v63  }
0x25: {  	_ =	swait.ge [sflag:s15], $0x80  }
0x26: {  	[sflag:s15] =	ssyncset.done $0x0  }
0x27: {  	[sflag:s15] =	ssyncadd.s32 $0xFFFFFF80  }
0x28: {  	v1 =	vld [tilespmem:$0x1FC50]  }
0x29: {  	v2 =	vld [tilespmem:$0x1FC40]  }
0x2a: {  	v3 =	vld [tilespmem:$0x1FC10]  }
0x2b: {  	v5 =	vld [tilespmem:$0x1FC20]  }
0x2c: {  	v4 =	vld [tilespmem:$0x1FC30]  }
0x2d: {  	v7 =	vld [tilespmem:$0x1FC00];
	v1 =	vadd.s32 v0, v1  }
0x2e: {  	v6 =	vld [tilespmem:$0x1FC60];
	v2 =	vadd.s32 v0, v2;
	[tilespmem:$0x1FC50] =	vst v1  }
0x2f: {  	v1 =	vadd.s32 v0, v3;
	[tilespmem:$0x1FC40] =	vst v2;
	v2 =	vld [tilespmem:$0x1FC70]  }
0x30: {  	v3 =	vadd.s32 v0, v5;
	[tilespmem:$0x1FC10] =	vst v1  }
0x31: {  	v1 =	vadd.s32 v0, v4;
	[tilespmem:$0x1FC20] =	vst v3  }
0x32: {  	v3 =	vadd.s32 v0, v7;
	[tilespmem:$0x1FC30] =	vst v1  }
0x33: {  	v1 =	vadd.s32 v0, v6;
	[tilespmem:$0x1FC00] =	vst v3  }
0x34: {  	[tilespmem:$0x1FC60] =	vst v1;
	v1 =	vadd.s32 v0, v2  }
0x35: {  	s7 =	simm.s32 @!p0 $0x5;
	[tilespmem:$0x1FC70] =	vst v1  }
0x36: {  	[tilespmem:s19], [sflag:$0x1] =	stream.indirect.gather [hbm4b:s4+s18], $0x80, s16, s18, $0xb8;
	[tilespmem:$0x1FF00] =	vst v63  }
0x37: {  	_ =	swait.ge @!p0 [sflag:s7], $0x4000  }
0x38: {  	[sflag:s7] =	ssyncset.done @!p0 $0x0  }
0x39: {  	s8 =	sadd.s32 $0x20, s5;
	[sflag:s7] =	ssyncadd.s32 @!p0 $0xFFFFC000  }
0x3a: {  	[tilespmem:s20], [sflag:$0x7] =	stream.linear.gather [hbm4b:s8+s3], $0x80, $0x38;
	[tilespmem:$0x1FF00] =	vst v63  }
0x3b: {  	_ =	swait.ge [sflag:s15], $0x80  }
0x3c: {  	[sflag:s15] =	ssyncset.done $0x0  }
0x3d: {  	s9 =	sadd.s32 $0x30, s5;
	[sflag:s15] =	ssyncadd.s32 $0xFFFFFF80  }
0x3e: {  	[tilespmem:s21], [sflag:$0x7] =	stream.linear.gather [hbm4b:s9+s3], $0x80, $0x38;
	[tilespmem:$0x1FF00] =	vst v63  }
0x3f: {  	_ =	swait.ge [sflag:s15], $0x80  }
0x40: {  	[sflag:s15] =	ssyncset.done $0x0  }
0x41: {  	[sflag:s15] =	ssyncadd.s32 $0xFFFFFF80  }
0x42: {  	v4 =	vld [tilespmem:$0x1FC80]  }
0x43: {  	v1 =	vld [tilespmem:$0x1FCB0]  }
0x44: {  	v3 =	vld [tilespmem:$0x1FCA0]  }
0x45: {  	s7 =	simm.s32 $0x60;
	v2 =	vld [tilespmem:$0x1FCD0]  }
.LBB2_2:
0x46: {  	v5 =	vld [tilespmem:$0x1FCC0];
	s8 =	smov.u32 s7;
	s7 =	sadd.s32 $0x60, s7  }
0x47: {  	p1 =	sne.s32 s7, $0x9C0;
	v4 =	vadd.s32 v0, v4;
	v6 =	vld [tilespmem:$0x1FCE0]  }
0x48: {  	[tilespmem:$0x1FC80] =	vst v4;
	v4 =	vld [tilespmem:$0x1FCF0]  }
0x49: {  	v3 =	vadd.s32 v0, v3  }
0x4a: {  	v1 =	vadd.s32 v0, v1;
	v7 =	vld [tilespmem:$0x1FC90];
	[tilespmem:$0x1FCA0] =	vst v3;
	v2 =	vadd.s32 v0, v2  }
0x4b: {  	[tilespmem:$0x1FCB0] =	vst v1;
	v1 =	vadd.s32 v0, v5  }
0x4c: {  	[tilespmem:$0x1FCC0] =	vst v1  }
0x4d: {  	v1 =	vadd.s32 v0, v6;
	[tilespmem:$0x1FCD0] =	vst v2;
	v2 =	vadd.s32 v0, v4  }
0x4e: {  	[tilespmem:$0x1FCE0] =	vst v1  }
0x4f: {  	v1 =	vadd.s32 v0, v7;
	[tilespmem:$0x1FCF0] =	vst v2  }
0x50: {  	s9 =	simm.s32 @!p0 $0x6;
	[tilespmem:$0x1FC90] =	vst v1  }
0x51: {  	[tilespmem:s22], [sflag:$0x2] =	stream.indirect.gather [hbm4b:s4+s18], $0x80, s20, s18, $0xb8;
	[tilespmem:$0x1FF00] =	vst v63  }
0x52: {  	_ =	swait.ge @!p0 [sflag:s9], $0x4000  }
0x53: {  	[sflag:s9] =	ssyncset.done @!p0 $0x0  }
0x54: {  	[sflag:s9] =	ssyncadd.s32 @!p0 $0xFFFFC000;
	s9 =	sadd.s32 $0x40, s5  }
0x55: {  	[tilespmem:s23], [sflag:$0x7] =	stream.linear.gather [hbm4b:s9+s3], $0x80, $0x38;
	[tilespmem:$0x1FF00] =	vst v63  }
0x56: {  	_ =	swait.ge [sflag:s15], $0x80  }
0x57: {  	[sflag:s15] =	ssyncset.done $0x0  }
0x58: {  	s5 =	sadd.s32 $0x50, s5;
	[sflag:s15] =	ssyncadd.s32 $0xFFFFFF80  }
0x59: {  	[tilespmem:s24], [sflag:$0x7] =	stream.linear.gather [hbm4b:s5+s3], $0x80, $0x38;
	[tilespmem:$0x1FF00] =	vst v63  }
0x5a: {  	_ =	swait.ge [sflag:s15], $0x80  }
0x5b: {  	[sflag:s15] =	ssyncset.done $0x0  }
0x5c: {  	[sflag:s15] =	ssyncadd.s32 $0xFFFFFF80  }
0x5d: {  	v1 =	vld [tilespmem:$0x1FD00]  }
0x5e: {  	v2 =	vld [tilespmem:$0x1FD10]  }
0x5f: {  	v3 =	vld [tilespmem:$0x1FD20]  }
0x60: {  	v4 =	vld [tilespmem:$0x1FD30]  }
0x61: {  	v5 =	vld [tilespmem:$0x1FD50]  }
0x62: {  	v1 =	vadd.s32 v0, v1;
	v6 =	vld [tilespmem:$0x1FD60]  }
0x63: {  	[tilespmem:$0x1FD00] =	vst v1;
	v1 =	vadd.s32 v0, v2;
	v2 =	vld [tilespmem:$0x1FD40]  }
0x64: {  	[tilespmem:$0x1FD10] =	vst v1;
	v1 =	vadd.s32 v0, v3;
	v3 =	vld [tilespmem:$0x1FD70]  }
0x65: {  	[tilespmem:$0x1FD20] =	vst v1;
	v1 =	vadd.s32 v0, v4  }
0x66: {  	[tilespmem:$0x1FD30] =	vst v1;
	v1 =	vadd.s32 v0, v5  }
0x67: {  	[tilespmem:$0x1FD50] =	vst v1;
	v1 =	vadd.s32 v0, v6  }
0x68: {  	v2 =	vadd.s32 v0, v2;
	[tilespmem:$0x1FD60] =	vst v1  }
0x69: {  	[tilespmem:$0x1FD40] =	vst v2;
	v1 =	vadd.s32 v0, v3  }
0x6a: {  	[tilespmem:$0x1FD70] =	vst v1  }
0x6b: {  	[tilespmem:s25], [sflag:$0x3] =	stream.indirect.gather [hbm4b:s4+s18], $0x80, s23, s18, $0xb8;
	[tilespmem:$0x1FF00] =	vst v63  }
0x6c: {  	_ =	swait.ge [sflag:s26], $0x4000  }
0x6d: {  	[sflag:s26] =	ssyncset.done $0x0  }
0x6e: {  	[sflag:s26] =	ssyncadd.s32 $0xFFFFC000  }
0x6f: {  	[spmem:s2] =	stream.indirect.scatter.add.f32 [tilespmem:s19], [sflag:$0x4], $0x80, s17, s18, $0xb8;
	[tilespmem:$0x1FF00] =	vst v63  }
0x70: {  	_ =	swait.ge [sflag:s28], $0x4000  }
0x71: {  	[sflag:s28] =	ssyncset.done $0x0  }
0x72: {  	[sflag:s28] =	ssyncadd.s32 $0xFFFFC000  }
0x73: {  	[spmem:s2] =	stream.indirect.scatter.add.f32 [tilespmem:s22], [sflag:$0x5], $0x80, s21, s18, $0xb8;
	[tilespmem:$0x1FF00] =	vst v63  }
0x74: {  	_ =	swait.ge [sflag:s29], $0x4000  }
0x75: {  	p0 =	seq.s32 s8, $0x0;
	[sflag:s29] =	ssyncset.done $0x0  }
0x76: {  	s5 =	simm.s32 @!p0 $0x4;
	[sflag:s29] =	ssyncadd.s32 $0xFFFFC000  }
0x77: {  	[spmem:s2] =	stream.indirect.scatter.add.f32 [tilespmem:s25], [sflag:$0x6], $0x80, s24, s18, $0xb8;
	[tilespmem:$0x1FF00] =	vst v63  }
0x78: {  	_ =	swait.ge @!p0 [sflag:s5], $0x4000  }
0x79: {  	[sflag:s5] =	ssyncset.done @!p0 $0x0  }
0x7a: {  	[sflag:s5] =	ssyncadd.s32 @!p0 $0xFFFFC000;
	s5 =	sadd.s32 s8, s13  }
0x7b: {  	[tilespmem:s16], [sflag:$0x7] =	stream.linear.gather [hbm4b:s5+s3], $0x80, $0x38;
	[tilespmem:$0x1FF00] =	vst v63  }
0x7c: {  	_ =	swait.ge [sflag:s15], $0x80  }
0x7d: {  	[sflag:s15] =	ssyncset.done $0x0  }
0x7e: {  	s8 =	sadd.s32 $0x10, s5;
	[sflag:s15] =	ssyncadd.s32 $0xFFFFFF80  }
0x7f: {  	[tilespmem:s17], [sflag:$0x7] =	stream.linear.gather [hbm4b:s8+s3], $0x80, $0x38;
	[tilespmem:$0x1FF00] =	vst v63  }
0x80: {  	_ =	swait.ge [sflag:s15], $0x80  }
0x81: {  	[sflag:s15] =	ssyncset.done $0x0  }
0x82: {  	[sflag:s15] =	ssyncadd.s32 $0xFFFFFF80  }
0x83: {  	v1 =	vld [tilespmem:$0x1FC50]  }
0x84: {  	v2 =	vld [tilespmem:$0x1FC40]  }
0x85: {  	v3 =	vld [tilespmem:$0x1FC10]  }
0x86: {  	v4 =	vld [tilespmem:$0x1FC30]  }
0x87: {  	v5 =	vld [tilespmem:$0x1FC20]  }
0x88: {  	v1 =	vadd.s32 v0, v1;
	v6 =	vld [tilespmem:$0x1FC60]  }
0x89: {  	v7 =	vld [tilespmem:$0x1FC00];
	v2 =	vadd.s32 v0, v2;
	[tilespmem:$0x1FC50] =	vst v1  }
0x8a: {  	v1 =	vadd.s32 v0, v3;
	[tilespmem:$0x1FC40] =	vst v2;
	v2 =	vld [tilespmem:$0x1FC70]  }
0x8b: {  	[tilespmem:$0x1FC10] =	vst v1;
	v1 =	vadd.s32 v0, v4  }
0x8c: {  	v3 =	vadd.s32 v0, v5;
	[tilespmem:$0x1FC30] =	vst v1  }
0x8d: {  	[tilespmem:$0x1FC20] =	vst v3;
	v1 =	vadd.s32 v0, v6  }
0x8e: {  	v3 =	vadd.s32 v0, v7;
	[tilespmem:$0x1FC60] =	vst v1  }
0x8f: {  	[tilespmem:$0x1FC00] =	vst v3;
	v1 =	vadd.s32 v0, v2  }
0x90: {  	s8 =	simm.s32 @!p0 $0x5;
	[tilespmem:$0x1FC70] =	vst v1  }
0x91: {  	[tilespmem:s19], [sflag:$0x1] =	stream.indirect.gather [hbm4b:s4+s18], $0x80, s16, s18, $0xb8;
	[tilespmem:$0x1FF00] =	vst v63  }
0x92: {  	_ =	swait.ge @!p0 [sflag:s8], $0x4000  }
0x93: {  	[sflag:s8] =	ssyncset.done @!p0 $0x0  }
0x94: {  	[sflag:s8] =	ssyncadd.s32 @!p0 $0xFFFFC000;
	s8 =	sadd.s32 $0x20, s5  }
0x95: {  	[tilespmem:s20], [sflag:$0x7] =	stream.linear.gather [hbm4b:s8+s3], $0x80, $0x38;
	[tilespmem:$0x1FF00] =	vst v63  }
0x96: {  	_ =	swait.ge [sflag:s15], $0x80  }
0x97: {  	[sflag:s15] =	ssyncset.done $0x0  }
0x98: {  	s8 =	sadd.s32 $0x30, s5;
	[sflag:s15] =	ssyncadd.s32 $0xFFFFFF80  }
0x99: {  	[tilespmem:s21], [sflag:$0x7] =	stream.linear.gather [hbm4b:s8+s3], $0x80, $0x38;
	[tilespmem:$0x1FF00] =	vst v63  }
0x9a: {  	_ =	swait.ge [sflag:s15], $0x80  }
0x9b: {  	[sflag:s15] =	ssyncset.done $0x0  }
.Ltmp0:
0x9c: {  	[sflag:s15] =	ssyncadd.s32 $0xFFFFFF80;
	(pc) =	sbr.rel @p1 .LBB2_2-.Ltmp0, $4  }
0x9d: {  	v4 =	vld [tilespmem:$0x1FC80]  }
0x9e: {  	v1 =	vld [tilespmem:$0x1FCB0]  }
0x9f: {  	v3 =	vld [tilespmem:$0x1FCA0]  }
0xa0: {  	v2 =	vld [tilespmem:$0x1FCD0]  }
0xa1: {  	v5 =	vld [tilespmem:$0x1FCC0]  }
0xa2: {  	v54 =	vld [tilespmem:$0x1FCF0];
	v4 =	vadd.s32 v0, v4  }
0xa3: {  	v6 =	vld [tilespmem:$0x1FCE0];
	[tilespmem:$0x1FC80] =	vst v4;
	v1 =	vadd.s32 v0, v1  }
0xa4: {  	v7 =	vld [tilespmem:$0x1FC90];
	v3 =	vadd.s32 v0, v3;
	[tilespmem:$0x1FCB0] =	vst v1  }
0xa5: {  	[tilespmem:$0x1FCA0] =	vst v3;
	v2 =	vadd.s32 v0, v2  }
0xa6: {  	v1 =	vadd.s32 v0, v5;
	[tilespmem:$0x1FCD0] =	vst v2  }
0xa7: {  	v2 =	vadd.s32 v0, v54;
	[tilespmem:$0x1FCC0] =	vst v1  }
0xa8: {  	v1 =	vadd.s32 v0, v6;
	[tilespmem:$0x1FCF0] =	vst v2  }
0xa9: {  	[tilespmem:$0x1FCE0] =	vst v1;
	v1 =	vadd.s32 v0, v7  }
0xaa: {  	s7 =	simm.s32 @!p0 $0x6;
	[tilespmem:$0x1FC90] =	vst v1  }
0xab: {  	[tilespmem:s22], [sflag:$0x2] =	stream.indirect.gather [hbm4b:s4+s18], $0x80, s20, s18, $0xb8;
	[tilespmem:$0x1FF00] =	vst v63  }
0xac: {  	_ =	swait.ge @!p0 [sflag:s7], $0x4000  }
0xad: {  	[sflag:s7] =	ssyncset.done @!p0 $0x0  }
0xae: {  	s8 =	sadd.s32 $0x40, s5;
	[sflag:s7] =	ssyncadd.s32 @!p0 $0xFFFFC000  }
0xaf: {  	[tilespmem:s23], [sflag:$0x7] =	stream.linear.gather [hbm4b:s8+s3], $0x80, $0x38;
	[tilespmem:$0x1FF00] =	vst v63  }
0xb0: {  	_ =	swait.ge [sflag:s15], $0x80  }
0xb1: {  	[sflag:s15] =	ssyncset.done $0x0  }
0xb2: {  	s9 =	sadd.s32 $0x50, s5;
	[sflag:s15] =	ssyncadd.s32 $0xFFFFFF80  }
0xb3: {  	[tilespmem:s24], [sflag:$0x7] =	stream.linear.gather [hbm4b:s9+s3], $0x80, $0x38;
	[tilespmem:$0x1FF00] =	vst v63  }
0xb4: {  	_ =	swait.ge [sflag:s15], $0x80  }
0xb5: {  	[sflag:s15] =	ssyncset.done $0x0  }
0xb6: {  	[sflag:s15] =	ssyncadd.s32 $0xFFFFFF80  }
0xb7: {  	v1 =	vld [tilespmem:$0x1FD00]  }
0xb8: {  	v2 =	vld [tilespmem:$0x1FD10]  }
0xb9: {  	v3 =	vld [tilespmem:$0x1FD20]  }
0xba: {  	v55 =	vld [tilespmem:$0x1FD30]  }
0xbb: {  	v56 =	vld [tilespmem:$0x1FD50]  }
0xbc: {  	v57 =	vld [tilespmem:$0x1FD60];
	v1 =	vadd.s32 v0, v1  }
0xbd: {  	[tilespmem:$0x1FD00] =	vst v1;
	v1 =	vadd.s32 v0, v2;
	v2 =	vld [tilespmem:$0x1FD40]  }
0xbe: {  	[tilespmem:$0x1FD10] =	vst v1;
	v1 =	vadd.s32 v0, v3;
	v3 =	vld [tilespmem:$0x1FD70]  }
0xbf: {  	[tilespmem:$0x1FD20] =	vst v1;
	v1 =	vadd.s32 v0, v55  }
0xc0: {  	[tilespmem:$0x1FD30] =	vst v1;
	v1 =	vadd.s32 v0, v56  }
0xc1: {  	[tilespmem:$0x1FD50] =	vst v1;
	v1 =	vadd.s32 v0, v57  }
0xc2: {  	v2 =	vadd.s32 v0, v2;
	[tilespmem:$0x1FD60] =	vst v1  }
0xc3: {  	[tilespmem:$0x1FD40] =	vst v2;
	v1 =	vadd.s32 v0, v3  }
0xc4: {  	[tilespmem:$0x1FD70] =	vst v1  }
0xc5: {  	[tilespmem:s25], [sflag:$0x3] =	stream.indirect.gather [hbm4b:s4+s18], $0x80, s23, s18, $0xb8;
	[tilespmem:$0x1FF00] =	vst v63  }
0xc6: {  	_ =	swait.ge [sflag:s26], $0x4000  }
0xc7: {  	[sflag:s26] =	ssyncset.done $0x0  }
0xc8: {  	[sflag:s26] =	ssyncadd.s32 $0xFFFFC000  }
0xc9: {  	[spmem:s2] =	stream.indirect.scatter.add.f32 [tilespmem:s19], [sflag:$0x4], $0x80, s17, s18, $0xb8;
	[tilespmem:$0x1FF00] =	vst v63  }
0xca: {  	_ =	swait.ge [sflag:s28], $0x4000  }
0xcb: {  	[sflag:s28] =	ssyncset.done $0x0  }
0xcc: {  	[sflag:s28] =	ssyncadd.s32 $0xFFFFC000  }
0xcd: {  	[spmem:s2] =	stream.indirect.scatter.add.f32 [tilespmem:s22], [sflag:$0x5], $0x80, s21, s18, $0xb8;
	[tilespmem:$0x1FF00] =	vst v63  }
0xce: {  	_ =	swait.ge [sflag:s29], $0x4000  }
0xcf: {  	[sflag:s29] =	ssyncset.done $0x0  }
0xd0: {  	[sflag:s29] =	ssyncadd.s32 $0xFFFFC000  }
0xd1: {  	[spmem:s2] =	stream.indirect.scatter.add.f32 [tilespmem:s25], [sflag:$0x6], $0x80, s24, s18, $0xb8;
	[tilespmem:$0x1FF00] =	vst v63  }
0xd2: {  	_ =	swait.ge [sflag:s30], $0x4000  }
0xd3: {  	[sflag:s30] =	ssyncset.done $0x0  }
0xd4: {  	s7 =	rddreg [dreg:$0x5];
	[sflag:s30] =	ssyncadd.s32 $0xFFFFC000  }
0xd5: {  	[tilespmem:s16], [sflag:$0x7] =	stream.linear.gather [hbm4b:s7+s3], $0x80, $0x38;
	[tilespmem:$0x1FF00] =	vst v63  }
0xd6: {  	_ =	swait.ge [sflag:s15], $0x80  }
0xd7: {  	[sflag:s15] =	ssyncset.done $0x0  }
0xd8: {  	s8 =	rddreg [dreg:$0x6];
	[sflag:s15] =	ssyncadd.s32 $0xFFFFFF80  }
0xd9: {  	[tilespmem:s17], [sflag:$0x7] =	stream.linear.gather [hbm4b:s8+s3], $0x80, $0x38;
	[tilespmem:$0x1FF00] =	vst v63  }
0xda: {  	_ =	swait.ge [sflag:s15], $0x80  }
0xdb: {  	[sflag:s15] =	ssyncset.done $0x0  }
0xdc: {  	[sflag:s15] =	ssyncadd.s32 $0xFFFFFF80  }
0xdd: {  	v1 =	vld [tilespmem:$0x1FC00]  }
0xde: {  	v2 =	vld [tilespmem:$0x1FC10]  }
0xdf: {  	v3 =	vld [tilespmem:$0x1FC20]  }
0xe0: {  	v58 =	vld [tilespmem:$0x1FC30]  }
0xe1: {  	v59 =	vld [tilespmem:$0x1FC40]  }
0xe2: {  	v60 =	vld [tilespmem:$0x1FC50];
	v1 =	vadd.s32 v0, v1  }
0xe3: {  	[tilespmem:$0x1FC00] =	vst v1;
	v1 =	vadd.s32 v0, v2;
	v2 =	vld [tilespmem:$0x1FC60]  }
0xe4: {  	[tilespmem:$0x1FC10] =	vst v1;
	v1 =	vadd.s32 v0, v3;
	v3 =	vld [tilespmem:$0x1FC70]  }
0xe5: {  	[tilespmem:$0x1FC20] =	vst v1;
	v1 =	vadd.s32 v0, v58  }
0xe6: {  	[tilespmem:$0x1FC30] =	vst v1;
	v1 =	vadd.s32 v0, v59  }
0xe7: {  	[tilespmem:$0x1FC40] =	vst v1;
	v1 =	vadd.s32 v0, v60  }
0xe8: {  	[tilespmem:$0x1FC50] =	vst v1;
	v1 =	vadd.s32 v0, v2  }
0xe9: {  	[tilespmem:$0x1FC60] =	vst v1;
	v1 =	vadd.s32 v0, v3  }
0xea: {  	[tilespmem:$0x1FC70] =	vst v1  }
0xeb: {  	[tilespmem:s19], [sflag:$0x1] =	stream.indirect.gather [hbm4b:s4+s18], $0x80, s16, s18, $0xb8;
	[tilespmem:$0x1FF00] =	vst v63  }
0xec: {  	_ =	swait.ge [sflag:s31], $0x4000  }
0xed: {  	[sflag:s31] =	ssyncset.done $0x0  }
0xee: {  	s9 =	rddreg [dreg:$0x7];
	[sflag:s31] =	ssyncadd.s32 $0xFFFFC000  }
0xef: {  	[tilespmem:s20], [sflag:$0x7] =	stream.linear.gather [hbm4b:s9+s3], $0x80, $0x38;
	[tilespmem:$0x1FF00] =	vst v63  }
0xf0: {  	_ =	swait.ge [sflag:s15], $0x80  }
0xf1: {  	[sflag:s15] =	ssyncset.done $0x0  }
0xf2: {  	[sflag:s15] =	ssyncadd.s32 $0xFFFFFF80  }
0xf3: {  	[tilespmem:s21], [sflag:$0x7] =	stream.linear.gather [hbm4b:s10+s3], $0x80, $0x38;
	[tilespmem:$0x1FF00] =	vst v63  }
0xf4: {  	_ =	swait.ge [sflag:s15], $0x80  }
0xf5: {  	[sflag:s15] =	ssyncset.done $0x0  }
0xf6: {  	[sflag:s15] =	ssyncadd.s32 $0xFFFFFF80  }
0xf7: {  	v1 =	vld [tilespmem:$0x1FC80]  }
0xf8: {  	v2 =	vld [tilespmem:$0x1FC90]  }
0xf9: {  	v3 =	vld [tilespmem:$0x1FCA0]  }
0xfa: {  	v61 =	vld [tilespmem:$0x1FCB0]  }
0xfb: {  	v62 =	vld [tilespmem:$0x1FCC0]  }
0xfc: {  	v63 =	vld [tilespmem:$0x1FCD0];
	v1 =	vadd.s32 v0, v1  }
0xfd: {  	[tilespmem:$0x1FC80] =	vst v1;
	v1 =	vadd.s32 v0, v2;
	v2 =	vld [tilespmem:$0x1FCE0]  }
0xfe: {  	[tilespmem:$0x1FC90] =	vst v1;
	v1 =	vadd.s32 v0, v3;
	v3 =	vld [tilespmem:$0x1FCF0]  }
0xff: {  	[tilespmem:$0x1FCA0] =	vst v1;
	v1 =	vadd.s32 v0, v61  }
0x100: {  	[tilespmem:$0x1FCB0] =	vst v1;
	v1 =	vadd.s32 v0, v62  }
0x101: {  	[tilespmem:$0x1FCC0] =	vst v1;
	v1 =	vadd.s32 v0, v63  }
0x102: {  	[tilespmem:$0x1FCD0] =	vst v1;
	v1 =	vadd.s32 v0, v2  }
0x103: {  	[tilespmem:$0x1FCE0] =	vst v1;
	v1 =	vadd.s32 v0, v3  }
0x104: {  	[tilespmem:$0x1FCF0] =	vst v1  }
0x105: {  	[tilespmem:s22], [sflag:$0x2] =	stream.indirect.gather [hbm4b:s4+s18], $0x80, s20, s18, $0xb8;
	[tilespmem:$0x1FF00] =	vst v63  }
0x106: {  	_ =	swait.ge [sflag:s26], $0x4000  }
0x107: {  	[sflag:s26] =	ssyncset.done $0x0  }
0x108: {  	[sflag:s26] =	ssyncadd.s32 $0xFFFFC000  }
0x109: {  	[spmem:s2] =	stream.indirect.scatter.add.f32 [tilespmem:s19], [sflag:$0x4], $0x80, s17, s18, $0xb8;
	[tilespmem:$0x1FF00] =	vst v63  }
0x10a: {  	_ =	swait.ge [sflag:s28], $0x4000  }
0x10b: {  	[sflag:s28] =	ssyncset.done $0x0  }
0x10c: {  	[sflag:s28] =	ssyncadd.s32 $0xFFFFC000  }
0x10d: {  	[spmem:s2] =	stream.indirect.scatter.add.f32 [tilespmem:s22], [sflag:$0x5], $0x80, s21, s18, $0xb8;
	[tilespmem:$0x1FF00] =	vst v63  }
0x10e: {  	_ =	swait.ge [sflag:s30], $0x4000  }
0x10f: {  	[sflag:s30] =	ssyncset.done $0x0  }
0x110: {  	[sflag:s30] =	ssyncadd.s32 $0xFFFFC000  }
0x111: {  	_ =	swait.ge [sflag:s31], $0x4000  }
0x112: {  	[sflag:s31] =	ssyncset.done $0x0  }
0x113: {  	[sflag:s31] =	ssyncadd.s32 $0xFFFFC000  }
0x114: {  	_ =	swait.ge [sflag:s0], $0x4000  }
0x115: {  	s1 =	sadd.s32 $0x1, s1;
	[sflag:s0] =	ssyncset.done $0x0  }
0x116: {  	p0 =	sne.s32 s1, s12;
	[sflag:s0] =	ssyncadd.s32 $0xFFFFC000  }
.Ltmp1:
0x117: {  	[bflag:$0x0] =	sbarrier.arrive $0xFFFF;
	(pc) =	sbr.rel @p0 .LBB2_1-.Ltmp1, $4  }
0x118: {  	[hbm:s11], [sflag:s6] =	dma.local [spmem:s14], $0x2780  }
0x119: {  	_ =	swait.ge [sflag:s15], $0x2780  }
0x11a: {  	[sflag:s15] =	ssyncset.done $0x0  }
0x11b: {  	[sflag:s15] =	ssyncadd.s32 $0xFFFFD880  }
0x11c: {  	_ =	sfence.sel $0x180000  }
0x11d: {  	[bflag:$0x0] =	sbarrier.arrive $0xFFFF  }
0x11e: {  	_ =	strace $0x9000004D  }
0x11f: {  	s0 =	stileid.u32;
	[bflag:$0x2] =	sbarrier.arrive $0xFFFF  }
0x120: {  	p0 =	sne.s32 s0, $0x0;
	s0 =	rddreg [dreg:$0x3]  }
0x121: {  	s0 =	sadd.s32 @!p0 $0x100000, s0  }
0x122: {  	[sflag:s0] =	ssyncadd.tile.s32 @!p0 $0x1;
	_ =	shalt  }
.Lfunc_end2:
_tile_overlayer_lowered:
.L_overlay_start_2:
0x123: {  	(tag) =	ssettag $0x2  }
0x124: {  	s0 =	rddreg [dreg:$0x0];
	s2 =	stileid.u32  }
0x125: {  	s1 =	rddreg [dreg:$0x1];
	p0 =	sne.s32 s2, $0x0  }
0x126: {  	s3 =	rddreg [dreg:$0x2];
	[bflag:$0x3] =	sbarrier.arrive $0xFFFF;
	s2 =	simm.s32 @!p0 $0x1C07  }
0x127: {  	[timem:s3], [sflag:s2] =	dma.local @!p0 [hbm:s0], s1  }
0x128: {  	s0 =	simm.s32 @!p0 $0x7  }
0x129: {  	_ =	swait.ge @!p0 [sflag:s0], s1  }
0x12a: {  	s1 =	ssub.s32 @!p0 $0x0, s1;
	[sflag:s0] =	ssyncset.done @!p0 $0x0  }
0x12b: {  	[sflag:s0] =	ssyncadd.s32 @!p0 s1  }
0x12c: {  	[bflag:$0x3] =	sbarrier.arrive $0xFFFF  }
0x12d: {  	_ =	shalt  }

// kernel: kernel.21.cloned.1.call-start
scs
__scs_entry_jumppad:
0x0: {  	(pc) =	sbr.rel $0x88, $3  }
0x1: {  	(tag) =	ssettag $0x0;
	lr =	simm.s32 $0x1  }
0x2: {  	[smem:$0x3F91] =	sst lr;
	_ =	strace $0xD0000000  }
0x3: {  	_ = 	snop  }
0x4: {  	_ = 	snop  }
0x5: {  	_ = 	snop  }
0x6: {  	_ = 	snop  }
0x7: {  	_ = 	snop  }
__scs_overlays_trampoline_lowered:
0x8: {  	[smem:$0x3FA0] =	sst s0  }
0x9: {  	[smem:$0x3FA1] =	sst s1  }
0xa: {  	[smem:$0x3FA2] =	sst s2  }
0xb: {  	[smem:$0x3FA3] =	sst s3  }
0xc: {  	[smem:$0x3FA4] =	sst s4  }
0xd: {  	[smem:$0x3FA5] =	sst s5  }
0xe: {  	[smem:$0x3FA6] =	sst s6  }
0xf: {  	[smem:$0x3FA7] =	sst s7  }
0x10: {  	[smem:$0x3FA8] =	sst s8  }
0x11: {  	[smem:$0x3FA9] =	sst s9;
	s0 =	simm.s32 @!p0 $0x0  }
0x12: {  	s1 =	sld [smem:$0x3F8F];
	s0 =	simm.s32 @p0 $0x1  }
0x13: {  	[smem:$0x3FAA] =	sst s0;
	s0 =	simm.s32 @!p1 $0x0  }
0x14: {  	s2 =	sld [smem:$0x3F8E];
	s0 =	simm.s32 @p1 $0x1  }
0x15: {  	[smem:$0x3FAB] =	sst s0;
	s0 =	simm.s32 @!p2 $0x0  }
0x16: {  	s3 =	sld [smem:$0x3FDB];
	s0 =	simm.s32 @p2 $0x1  }
0x17: {  	s4 =	simm.s32 $0x1BF5;
	[smem:$0x3FAD] =	sst s0  }
0x18: {  	s0 =	sld [smem:$0x3F90];
	_ =	swait.ge [sflag:s4], $0x0  }
0x19: {  	s7 =	sld [smem:$0x3F91]  }
0x1a: {  	s8 =	sadd.s32 $0xFFFFE003, lr  }
0x1b: {  	s9 =	sadd.s32 $0xFFFFFEF7, lr;
	s5 =	simm.s32 $0xFFFFFFFF;
	p2 =	slt.u32 s8, $0xFFFFF086  }
0x1c: {  	p1 =	slt.u32 s9, $0xF7A;
	s5 =	simm.s32 @!p2 $0x0  }
0x1d: {  	s5 =	simm.s32 @p1 $0x1;
	p0 =	seq.s32 s7, s2  }
0x1e: {  	s7 =	smul.u32 @!p0 $0xF7A, s2;
	p2 =	seq.s32 @!p0 s5, $0x0  }
0x1f: {  	s9 =	smul.u32 $0xF7A, s1;
	s8 =	simm.s32 @!p0 $0x1BF5;
	p2 =	por !p2, p0  }
0x20: {  	[sflag:s8] =	ssyncset.s32 @!p0 $0xFFFFF086;
	s6 =	sadd.s32 @!p0 s3, s7;
	s7 =	simm.s32 @!p0 $0x108  }
0x21: {  	s3 =	sadd.s32 s3, s9;
	s6 =	sadd.s32 @!p0 $0x88, s6;
	s7 =	simm.s32 @p2 $0x1082  }
0x22: {  	[simem:s7], [sflag:s8] =	dma.local @!p0 [hbm:s6], $0xF7A  }
0x23: {  	s9 =	sor.u32 $0xD0000000, s2;
	s6 =	simm.s32 $0x108;
	_ =	swait.ge @!p0 [sflag:s8], $0x0  }
0x24: {  	s3 =	sadd.s32 $0x88, s3;
	s6 =	simm.s32 @!p1 $0x1082;
	[sflag:s4] =	ssyncset.s32 $0xFFFFF086  }
0x25: {  	[simem:s6], [sflag:s4] =	dma.local [hbm:s3], $0xF7A  }
0x26: {  	[smem:$0x3F91] =	sst s1;
	(tag) =	ssettag s2;
	_ =	strace s9  }
0x27: {  	s1 =	sld [smem:$0x3FA1]  }
0x28: {  	s2 =	sld [smem:$0x3FA2]  }
0x29: {  	s4 =	sld [smem:$0x3FA4]  }
0x2a: {  	p0 =	seq.s32 s5, $0x0;
	s5 =	sld [smem:$0x3FA5]  }
0x2b: {  	s6 =	sld [smem:$0x3FA6]  }
0x2c: {  	s7 =	sld [smem:$0x3FA7]  }
0x2d: {  	s3 =	simm.s32 $0x108;
	s8 =	sld [smem:$0x3FA8]  }
0x2e: {  	s3 =	simm.s32 @!p0 $0x1082;
	s9 =	sld [smem:$0x3FA9]  }
0x2f: {  	lr =	sadd.s32 s0, s3;
	s0 =	sld [smem:$0x3FA0]  }
0x30: {  	s3 =	sld [smem:$0x3FA3]  }
0x31: {  	[smem:$0x3FAC] =	sst s10  }
0x32: {  	s10 =	sld [smem:$0x3FAA];
	_ =	sdelay $0x3  }
0x33: {  	p0 =	seq.s32 s10, $0x1;
	s10 =	sld [smem:$0x3FAC];
	_ =	sdelay $0x3  }
0x34: {  	[smem:$0x3FAC] =	sst s10  }
0x35: {  	s10 =	sld [smem:$0x3FAB];
	_ =	sdelay $0x3  }
0x36: {  	p1 =	seq.s32 s10, $0x1;
	s10 =	sld [smem:$0x3FAC];
	_ =	sdelay $0x3  }
0x37: {  	[smem:$0x3FAC] =	sst s10  }
0x38: {  	s10 =	sld [smem:$0x3FAD]  }
0x39: {  	_ = 	snop;
	(pc) =	sbr.ind lr, $3  }
0x3a: {  	_ = 	snop  }
0x3b: {  	_ = 	snop  }
0x3c: {  	p2 =	seq.s32 s10, $0x1;
	s10 =	sld [smem:$0x3FAC]  }
0x3d: {  	_ =	shalt  }
0x3e: {  	_ =	shalt  }
0x3f: {  	_ =	shalt  }
0x40: {  	_ =	shalt  }
0x41: {  	_ =	shalt  }
0x42: {  	_ =	shalt  }
0x43: {  	_ =	shalt  }
0x44: {  	_ =	shalt  }
0x45: {  	_ =	shalt  }
0x46: {  	_ =	shalt  }
0x47: {  	_ =	shalt  }
0x48: {  	_ =	shalt  }
0x49: {  	_ =	shalt  }
0x4a: {  	_ =	shalt  }
0x4b: {  	_ =	shalt  }
0x4c: {  	_ =	shalt  }
0x4d: {  	_ =	shalt  }
0x4e: {  	_ =	shalt  }
0x4f: {  	_ =	shalt  }
0x50: {  	_ =	shalt  }
0x51: {  	_ =	shalt  }
0x52: {  	_ =	shalt  }
0x53: {  	_ =	shalt  }
0x54: {  	_ =	shalt  }
0x55: {  	_ =	shalt  }
0x56: {  	_ =	shalt  }
0x57: {  	_ =	shalt  }
0x58: {  	_ =	shalt  }
0x59: {  	_ =	shalt  }
0x5a: {  	_ =	shalt  }
0x5b: {  	_ =	shalt  }
0x5c: {  	_ =	shalt  }
0x5d: {  	_ =	shalt  }
0x5e: {  	_ =	shalt  }
0x5f: {  	_ =	shalt  }
0x60: {  	_ =	shalt  }
0x61: {  	_ =	shalt  }
0x62: {  	_ =	shalt  }
0x63: {  	_ =	shalt  }
0x64: {  	_ =	shalt  }
0x65: {  	_ =	shalt  }
0x66: {  	_ =	shalt  }
0x67: {  	_ =	shalt  }
0x68: {  	_ =	shalt  }
0x69: {  	_ =	shalt  }
0x6a: {  	_ =	shalt  }
0x6b: {  	_ =	shalt  }
0x6c: {  	_ =	shalt  }
0x6d: {  	_ =	shalt  }
0x6e: {  	_ =	shalt  }
0x6f: {  	_ =	shalt  }
0x70: {  	_ =	shalt  }
0x71: {  	_ =	shalt  }
0x72: {  	_ =	shalt  }
0x73: {  	_ =	shalt  }
0x74: {  	_ =	shalt  }
0x75: {  	_ =	shalt  }
0x76: {  	_ =	shalt  }
0x77: {  	_ =	shalt  }
0x78: {  	_ =	shalt  }
0x79: {  	_ =	shalt  }
0x7a: {  	_ =	shalt  }
0x7b: {  	_ =	shalt  }
0x7c: {  	_ =	shalt  }
0x7d: {  	_ =	shalt  }
0x7e: {  	_ =	shalt  }
0x7f: {  	_ =	shalt  }
0x80: {  	_ =	shalt  }
0x81: {  	_ =	shalt  }
0x82: {  	_ =	shalt  }
0x83: {  	_ =	shalt  }
0x84: {  	_ =	shalt  }
0x85: {  	_ =	shalt  }
0x86: {  	_ =	shalt  }
0x87: {  	_ =	shalt  }
.Lfunc_end0:
.L_simem_size_0:
called_computation.3_lowered:
.L_overlay_start_0:
0x88: {  	s2 =	sld [smem:$0x3FD9]  }
0x89: {  	s3 =	sld [smem:$0x3FFE];
	_ =	sdelay $0x1  }
0x8a: {  	s1 =	srdreg.scid  }
0x8b: {  	s0 =	sand.u32 $0x1, s1  }
0x8c: {  	s14 =	sshll.u32 s0, $0xA;
	s2 =	sadd.s32 s3, s2  }
0x8d: {  	s2 =	sadd.s32 s2, s14  }
0x8e: {  	[smem:$0x3FB8] =	sst s2  }
0x8f: {  	_ = 	snop  }
0x90: {  	s2 =	sld [smem:$0x3FD0];
	_ =	sdelay $0x2  }
0x91: {  	s15 =	simm.s32 $0xA;
	s4 =	simm.s32 $0x10  }
0x92: {  	[smem:s4], [sflag:s15] =	dma.local [hbm:s2], $0x1  }
0x93: {  	_ =	swait.eq [sflag:s15], $0x1  }
0x94: {  	[sflag:s15] =	ssyncset.done $0x0  }
0x95: {  	[sflag:s15] =	ssyncadd.s32 $0xFFFFFFFF  }
0x96: {  	s16 =	sld [smem:$0x10];
	(tm) =	ssettm $0x1  }
0x97: {  	s17 =	sld [smem:$0x3FFB];
	_ =	sdelay $0x3  }
0x98: {  	_ =	strace s17  }
0x99: {  	s3 =	sld [smem:$0x3FFC];
	_ =	sdelay $0x3  }
0x9a: {  	_ =	strace s3  }
0x9b: {  	s3 =	sld [smem:$0x3FFD];
	_ =	sdelay $0x3  }
0x9c: {  	_ =	strace s3  }
0x9d: {  	_ =	strace $0x8FFFFFFF  }
0x9e: {  	s18 =	sld [smem:$0x3FDB];
	_ =	sdelay $0x1  }
0x9f: {  	s19 =	simm.s32 $_scs_section_size  }
0xa0: {  	s5 =	simm.s32 $_size__tile_overlayer_lowered;
	s6 =	simm.s32 $_tile_overlayer_lowered  }
0xa1: {  	s22 =	simm.s32 $0x1BFF;
	s21 =	sshll.u32 s6, $0x1;
	s3 =	sadd.s32 s19, s18  }
0xa2: {  	s7 =	simm.s32 $0x0;
	s20 =	sshll.u32 s5, $0x1;
	s5 =	sadd.s32 s21, s3  }
0xa3: {  	[timem:s7], [sflag:s22] =	dma.local [hbm:s5], s20  }
0xa4: {  	_ =	swait.ge [sflag:s22], s20  }
0xa5: {  	s4 =	ssub.s32 $0x0, s20;
	[sflag:s22] =	ssyncset.done $0x0  }
0xa6: {  	[sflag:s22] =	ssyncadd.s32 s4;
	_ =	sdelay $0x1  }
0xa7: {  	s23 =	simm.s32 $0x1B8B  }
0xa8: {  	_ =	swait.ge [sflag:s23], $0x1  }
0xa9: {  	[sflag:s23] =	ssyncset.done $0x0  }
0xaa: {  	s25 =	simm.s32 $0x1B8E;
	s24 =	sld [smem:$0x3FFE];
	[sflag:s23] =	ssyncadd.s32 $0xFFFFFFFF  }
0xab: {  	s26 =	simm.s32 $execute0_lowered;
	[smem:$0x3FD2] =	sst s25  }
0xac: {  	s5 =	sshll.u32 s26, $0x1;
	_ =	strace $0x8000004F;
	[dreg:$0x1] =	wrdreg $0xFFFFFFFF  }
0xad: {  	s28 =	simm.s32 $_size_execute0_lowered;
	s3 =	sadd.s32 s3, s5;
	[dreg:$0x0] =	wrdreg $0x0  }
0xae: {  	s5 =	sshll.u32 s28, $0x1;
	[dreg:$0x2] =	wrdreg s3  }
0xaf: {  	[dreg:$0x3] =	wrdreg s5  }
0xb0: {  	[dreg:$0x4] =	wrdreg $0xC0  }
0xb1: {  	_ =	task [dreg:s7], $0x5FFFF  }
0xb2: {  	[dreg:$0x1] =	wrdreg $0xFFFFFFFF  }
0xb3: {  	[dreg:$0x0] =	wrdreg $0x60  }
0xb4: {  	[dreg:$0x2] =	wrdreg s24  }
0xb5: {  	[dreg:$0x3] =	wrdreg s16  }
0xb6: {  	[dreg:$0x4] =	wrdreg $0x0  }
0xb7: {  	[dreg:$0x5] =	wrdreg $0x9  }
0xb8: {  	_ =	task.clear_ibuf [dreg:s7], $0x6FFFF;
	_ =	strace $0x9000004F  }
0xb9: {  	s29 =	simm.s32 $0x9;
	_ =	strace $0x80000051  }
0xba: {  	_ =	swait.ge [sflag:s29], $0x1  }
0xbb: {  	[sflag:s29] =	ssyncadd.s32 $0xFFFFFFFF  }
0xbc: {  	_ =	strace $0x90000051  }
0xbd: {  	_ =	sfence  }
0xbe: {  	s30 =	sld [smem:$0x0];
	_ =	sdelay $0x2  }
0xbf: {  	s31 =	sshll.u32 s1, $0xD;
	s1 =	sshrl.u32 s1, $0x2  }
0xc0: {  	s3 =	sand.u32 $0x4000, s31;
	s1 =	sadd.s32 s1, s30  }
0xc1: {  	s0 =	sor.u32 s3, s0;
	s1 =	sshll.u32 s1, $0x11  }
0xc2: {  	s0 =	sor.u32 s1, s0  }
0xc3: {  	s0 =	sadd.s32 $0x8F2B, s0  }
0xc4: {  	[sflag:s0] =	ssyncadd.remote.s32 $0x1  }
0xc5: {  	_ =	sfence.sel $0xFFFF  }
0xc6: {  	[dreg:$0x0] =	wrdreg $0xFFFFFFFF;
	(pc) =	sbr.abs _section_cstart, $3  }
0xc7: {  	[dreg:$0x1] =	wrdreg $0xFFFFFFFF  }
0xc8: {  	_ =	task.clear_ibuf [dreg:s7], $0x2FFFF;
	_ =	strace $0x9FFFFFFF  }
0xc9: {  	(tm) =	ssettm $0x7FFFFFFF  }
tec
execute0_lowered:
.L_overlay_start_1:
0x0: {  	(tag) =	ssettag $0x1  }
0x1: {  	s0 =	rddreg [dreg:$0x0]  }
0x2: {  	s1 =	rddreg [dreg:$0x1]  }
0x3: {  	s2 =	rddreg [dreg:$0x2];
	s3 =	simm.s32 $0x0  }
0x4: {  	s15 =	stileid.u32;
	s6 =	srdreg.scid;
	s16 =	simm.s32 $0x1FC00  }
0x5: {  	s17 =	simm.s32 $0x1FD80;
	s18 =	simm.s32 $0x80;
	s19 =	simm.s32 $0x13C00  }
0x6: {  	s28 =	simm.s32 $0x2;
	s29 =	simm.s32 $0x3;
	s5 =	smul.u32 $0x13C00, s15  }
0x7: {  	s30 =	simm.s32 $0x4;
	s31 =	simm.s32 $0x5;
	s20 =	smul.u32 $0x4F000, s15  }
0x8: {  	[smem:$0x7FF] =	sst s3;
	s4 =	sadd.s32 $0xD2400, s0;
	s12 =	smul.u32 $0x5000, s15  }
0x9: {  	s7 =	sand.u32 $0x1, s6;
	s21 =	sshll.u32 s15, $0x6;
	s15 =	smul.u32 $0xA00, s15  }
0xa: {  	s8 =	sadd.s32 $0x2C000, s0;
	_ =	strace $0x80000050;
	s23 =	smul.u32 $0x13C000, s7  }
0xb: {  	s10 =	ssub.s32 $0x2, s7;
	s7 =	smul.u32 $0x2710, s7;
	s9 =	sshrl.u32 s5, $0x3  }
0xc: {  	s11 =	sshrl.u32 s10, $0x1;
	s6 =	sshrl.u32 s20, $0x2;
	s22 =	sshrl.u32 s12, $0x3  }
0xd: {  	s20 =	simm.s32 $0x1FC80;
	s0 =	sadd.s32 s9, s0;
	s13 =	ssub.s32 s10, s11  }
0xe: {  	s14 =	sadd.s32 s6, s2;
	s6 =	sor.u32 $0x1C07, s21;
	s24 =	sadd.s32 s8, s22  }
0xf: {  	s5 =	sadd.s32 s5, s23;
	s21 =	simm.s32 $0x1FE00;
	s22 =	simm.s32 $0x17C00  }
0x10: {  	s23 =	simm.s32 $0x1FD00;
	s0 =	sadd.s32 $0x4800, s0;
	s9 =	sadd.s32 $0x9C0, s24  }
0x11: {  	s25 =	sadd.s32 $0x9D0, s24;
	s5 =	sshrl.u32 s5, $0x3;
	s26 =	sadd.s32 $0x9E0, s24  }
0x12: {  	s10 =	sadd.s32 $0x9F0, s24;
	s12 =	smax.u32 s13, $0x1;
	[dreg:$0x4] =	wrdreg s0  }
0x13: {  	s13 =	sadd.s32 s15, s8;
	s14 =	sshrl.u32 s14, $0x3;
	[dreg:$0x5] =	wrdreg s9  }
0x14: {  	s15 =	simm.s32 $0x7;
	s24 =	simm.s32 $0x1FE80;
	[dreg:$0x6] =	wrdreg s25  }
0x15: {  	[dreg:$0x7] =	wrdreg s26;
	s11 =	sadd.s32 s1, s5;
	s25 =	simm.s32 $0x1BC00  }
0x16: {  	v0 =	vmov s7;
	s26 =	simm.s32 $0x1;
	s0 =	simm.s32 $0x6;
	s1 =	simm.s32 $0x0  }
.LBB2_1:
0x17: {  	s5 =	rddreg [dreg:$0x4]  }
0x18: {  	[spmem:s14], [sflag:s6] =	dma.local [hbm:s5], $0x2780  }
0x19: {  	_ =	swait.ge [sflag:s15], $0x2780  }
0x1a: {  	[sflag:s15] =	ssyncset.done $0x0  }
0x1b: {  	p0 =	por $0x1, $0x1;
	[sflag:s15] =	ssyncadd.s32 $0xFFFFD880  }
0x1c: {  	s5 =	simm.s32 @!p0 $0x4;
	[bflag:$0x0] =	sbarrier.arrive $0xFFFF  }
0x1d: {  	_ =	swait.ge @!p0 [sflag:s5], $0x4000  }
0x1e: {  	[sflag:s5] =	ssyncset.done @!p0 $0x0  }
0x1f: {  	[sflag:s5] =	ssyncadd.s32 @!p0 $0xFFFFC000;
	s5 =	sadd.s32 $0x0, s13  }
0x20: {  	[tilespmem:s16], [sflag:$0x7] =	stream.linear.gather [hbm4b:s5+s3], $0x80, $0x38;
	[tilespmem:$0x1FF00] =	vst v63  }
0x21: {  	_ =	swait.ge [sflag:s15], $0x80  }
0x22: {  	[sflag:s15] =	ssyncset.done $0x0  }
0x23: {  	s7 =	sadd.s32 $0x10, s5;
	[sflag:s15] =	ssyncadd.s32 $0xFFFFFF80  }
0x24: {  	[tilespmem:s17], [sflag:$0x7] =	stream.linear.gather [hbm4b:s7+s3], $0x80, $0x38;
	[tilespmem:$0x1FF00] =	vst v63  }
0x25: {  	_ =	swait.ge [sflag:s15], $0x80  }
0x26: {  	[sflag:s15] =	ssyncset.done $0x0  }
0x27: {  	[sflag:s15] =	ssyncadd.s32 $0xFFFFFF80  }
0x28: {  	v1 =	vld [tilespmem:$0x1FC50]  }
0x29: {  	v2 =	vld [tilespmem:$0x1FC40]  }
0x2a: {  	v3 =	vld [tilespmem:$0x1FC10]  }
0x2b: {  	v5 =	vld [tilespmem:$0x1FC20]  }
0x2c: {  	v4 =	vld [tilespmem:$0x1FC30]  }
0x2d: {  	v7 =	vld [tilespmem:$0x1FC00];
	v1 =	vadd.s32 v0, v1  }
0x2e: {  	v6 =	vld [tilespmem:$0x1FC60];
	v2 =	vadd.s32 v0, v2;
	[tilespmem:$0x1FC50] =	vst v1  }
0x2f: {  	v1 =	vadd.s32 v0, v3;
	[tilespmem:$0x1FC40] =	vst v2;
	v2 =	vld [tilespmem:$0x1FC70]  }
0x30: {  	v3 =	vadd.s32 v0, v5;
	[tilespmem:$0x1FC10] =	vst v1  }
0x31: {  	v1 =	vadd.s32 v0, v4;
	[tilespmem:$0x1FC20] =	vst v3  }
0x32: {  	v3 =	vadd.s32 v0, v7;
	[tilespmem:$0x1FC30] =	vst v1  }
0x33: {  	v1 =	vadd.s32 v0, v6;
	[tilespmem:$0x1FC00] =	vst v3  }
0x34: {  	[tilespmem:$0x1FC60] =	vst v1;
	v1 =	vadd.s32 v0, v2  }
0x35: {  	s7 =	simm.s32 @!p0 $0x5;
	[tilespmem:$0x1FC70] =	vst v1  }
0x36: {  	[tilespmem:s19], [sflag:$0x1] =	stream.indirect.gather [hbm4b:s4+s18], $0x80, s16, s18, $0xb8;
	[tilespmem:$0x1FF00] =	vst v63  }
0x37: {  	_ =	swait.ge @!p0 [sflag:s7], $0x4000  }
0x38: {  	[sflag:s7] =	ssyncset.done @!p0 $0x0  }
0x39: {  	s8 =	sadd.s32 $0x20, s5;
	[sflag:s7] =	ssyncadd.s32 @!p0 $0xFFFFC000  }
0x3a: {  	[tilespmem:s20], [sflag:$0x7] =	stream.linear.gather [hbm4b:s8+s3], $0x80, $0x38;
	[tilespmem:$0x1FF00] =	vst v63  }
0x3b: {  	_ =	swait.ge [sflag:s15], $0x80  }
0x3c: {  	[sflag:s15] =	ssyncset.done $0x0  }
0x3d: {  	s9 =	sadd.s32 $0x30, s5;
	[sflag:s15] =	ssyncadd.s32 $0xFFFFFF80  }
0x3e: {  	[tilespmem:s21], [sflag:$0x7] =	stream.linear.gather [hbm4b:s9+s3], $0x80, $0x38;
	[tilespmem:$0x1FF00] =	vst v63  }
0x3f: {  	_ =	swait.ge [sflag:s15], $0x80  }
0x40: {  	[sflag:s15] =	ssyncset.done $0x0  }
0x41: {  	[sflag:s15] =	ssyncadd.s32 $0xFFFFFF80  }
0x42: {  	v4 =	vld [tilespmem:$0x1FC80]  }
0x43: {  	v1 =	vld [tilespmem:$0x1FCB0]  }
0x44: {  	v3 =	vld [tilespmem:$0x1FCA0]  }
0x45: {  	s7 =	simm.s32 $0x60;
	v2 =	vld [tilespmem:$0x1FCD0]  }
.LBB2_2:
0x46: {  	v5 =	vld [tilespmem:$0x1FCC0];
	s8 =	smov.u32 s7;
	s7 =	sadd.s32 $0x60, s7  }
0x47: {  	p1 =	sne.s32 s7, $0x9C0;
	v4 =	vadd.s32 v0, v4;
	v6 =	vld [tilespmem:$0x1FCE0]  }
0x48: {  	[tilespmem:$0x1FC80] =	vst v4;
	v4 =	vld [tilespmem:$0x1FCF0]  }
0x49: {  	v3 =	vadd.s32 v0, v3  }
0x4a: {  	v1 =	vadd.s32 v0, v1;
	v7 =	vld [tilespmem:$0x1FC90];
	[tilespmem:$0x1FCA0] =	vst v3;
	v2 =	vadd.s32 v0, v2  }
0x4b: {  	[tilespmem:$0x1FCB0] =	vst v1;
	v1 =	vadd.s32 v0, v5  }
0x4c: {  	[tilespmem:$0x1FCC0] =	vst v1  }
0x4d: {  	v1 =	vadd.s32 v0, v6;
	[tilespmem:$0x1FCD0] =	vst v2;
	v2 =	vadd.s32 v0, v4  }
0x4e: {  	[tilespmem:$0x1FCE0] =	vst v1  }
0x4f: {  	v1 =	vadd.s32 v0, v7;
	[tilespmem:$0x1FCF0] =	vst v2  }
0x50: {  	s9 =	simm.s32 @!p0 $0x6;
	[tilespmem:$0x1FC90] =	vst v1  }
0x51: {  	[tilespmem:s22], [sflag:$0x2] =	stream.indirect.gather [hbm4b:s4+s18], $0x80, s20, s18, $0xb8;
	[tilespmem:$0x1FF00] =	vst v63  }
0x52: {  	_ =	swait.ge @!p0 [sflag:s9], $0x4000  }
0x53: {  	[sflag:s9] =	ssyncset.done @!p0 $0x0  }
0x54: {  	[sflag:s9] =	ssyncadd.s32 @!p0 $0xFFFFC000;
	s9 =	sadd.s32 $0x40, s5  }
0x55: {  	[tilespmem:s23], [sflag:$0x7] =	stream.linear.gather [hbm4b:s9+s3], $0x80, $0x38;
	[tilespmem:$0x1FF00] =	vst v63  }
0x56: {  	_ =	swait.ge [sflag:s15], $0x80  }
0x57: {  	[sflag:s15] =	ssyncset.done $0x0  }
0x58: {  	s5 =	sadd.s32 $0x50, s5;
	[sflag:s15] =	ssyncadd.s32 $0xFFFFFF80  }
0x59: {  	[tilespmem:s24], [sflag:$0x7] =	stream.linear.gather [hbm4b:s5+s3], $0x80, $0x38;
	[tilespmem:$0x1FF00] =	vst v63  }
0x5a: {  	_ =	swait.ge [sflag:s15], $0x80  }
0x5b: {  	[sflag:s15] =	ssyncset.done $0x0  }
0x5c: {  	[sflag:s15] =	ssyncadd.s32 $0xFFFFFF80  }
0x5d: {  	v1 =	vld [tilespmem:$0x1FD00]  }
0x5e: {  	v2 =	vld [tilespmem:$0x1FD10]  }
0x5f: {  	v3 =	vld [tilespmem:$0x1FD20]  }
0x60: {  	v4 =	vld [tilespmem:$0x1FD30]  }
0x61: {  	v5 =	vld [tilespmem:$0x1FD50]  }
0x62: {  	v1 =	vadd.s32 v0, v1;
	v6 =	vld [tilespmem:$0x1FD60]  }
0x63: {  	[tilespmem:$0x1FD00] =	vst v1;
	v1 =	vadd.s32 v0, v2;
	v2 =	vld [tilespmem:$0x1FD40]  }
0x64: {  	[tilespmem:$0x1FD10] =	vst v1;
	v1 =	vadd.s32 v0, v3;
	v3 =	vld [tilespmem:$0x1FD70]  }
0x65: {  	[tilespmem:$0x1FD20] =	vst v1;
	v1 =	vadd.s32 v0, v4  }
0x66: {  	[tilespmem:$0x1FD30] =	vst v1;
	v1 =	vadd.s32 v0, v5  }
0x67: {  	[tilespmem:$0x1FD50] =	vst v1;
	v1 =	vadd.s32 v0, v6  }
0x68: {  	v2 =	vadd.s32 v0, v2;
	[tilespmem:$0x1FD60] =	vst v1  }
0x69: {  	[tilespmem:$0x1FD40] =	vst v2;
	v1 =	vadd.s32 v0, v3  }
0x6a: {  	[tilespmem:$0x1FD70] =	vst v1  }
0x6b: {  	[tilespmem:s25], [sflag:$0x3] =	stream.indirect.gather [hbm4b:s4+s18], $0x80, s23, s18, $0xb8;
	[tilespmem:$0x1FF00] =	vst v63  }
0x6c: {  	_ =	swait.ge [sflag:s26], $0x4000  }
0x6d: {  	[sflag:s26] =	ssyncset.done $0x0  }
0x6e: {  	[sflag:s26] =	ssyncadd.s32 $0xFFFFC000  }
0x6f: {  	[spmem:s2] =	stream.indirect.scatter.add.f32 [tilespmem:s19], [sflag:$0x4], $0x80, s17, s18, $0xb8;
	[tilespmem:$0x1FF00] =	vst v63  }
0x70: {  	_ =	swait.ge [sflag:s28], $0x4000  }
0x71: {  	[sflag:s28] =	ssyncset.done $0x0  }
0x72: {  	[sflag:s28] =	ssyncadd.s32 $0xFFFFC000  }
0x73: {  	[spmem:s2] =	stream.indirect.scatter.add.f32 [tilespmem:s22], [sflag:$0x5], $0x80, s21, s18, $0xb8;
	[tilespmem:$0x1FF00] =	vst v63  }
0x74: {  	_ =	swait.ge [sflag:s29], $0x4000  }
0x75: {  	p0 =	seq.s32 s8, $0x0;
	[sflag:s29] =	ssyncset.done $0x0  }
0x76: {  	s5 =	simm.s32 @!p0 $0x4;
	[sflag:s29] =	ssyncadd.s32 $0xFFFFC000  }
0x77: {  	[spmem:s2] =	stream.indirect.scatter.add.f32 [tilespmem:s25], [sflag:$0x6], $0x80, s24, s18, $0xb8;
	[tilespmem:$0x1FF00] =	vst v63  }
0x78: {  	_ =	swait.ge @!p0 [sflag:s5], $0x4000  }
0x79: {  	[sflag:s5] =	ssyncset.done @!p0 $0x0  }
0x7a: {  	[sflag:s5] =	ssyncadd.s32 @!p0 $0xFFFFC000;
	s5 =	sadd.s32 s8, s13  }
0x7b: {  	[tilespmem:s16], [sflag:$0x7] =	stream.linear.gather [hbm4b:s5+s3], $0x80, $0x38;
	[tilespmem:$0x1FF00] =	vst v63  }
0x7c: {  	_ =	swait.ge [sflag:s15], $0x80  }
0x7d: {  	[sflag:s15] =	ssyncset.done $0x0  }
0x7e: {  	s8 =	sadd.s32 $0x10, s5;
	[sflag:s15] =	ssyncadd.s32 $0xFFFFFF80  }
0x7f: {  	[tilespmem:s17], [sflag:$0x7] =	stream.linear.gather [hbm4b:s8+s3], $0x80, $0x38;
	[tilespmem:$0x1FF00] =	vst v63  }
0x80: {  	_ =	swait.ge [sflag:s15], $0x80  }
0x81: {  	[sflag:s15] =	ssyncset.done $0x0  }
0x82: {  	[sflag:s15] =	ssyncadd.s32 $0xFFFFFF80  }
0x83: {  	v1 =	vld [tilespmem:$0x1FC50]  }
0x84: {  	v2 =	vld [tilespmem:$0x1FC40]  }
0x85: {  	v3 =	vld [tilespmem:$0x1FC10]  }
0x86: {  	v4 =	vld [tilespmem:$0x1FC30]  }
0x87: {  	v5 =	vld [tilespmem:$0x1FC20]  }
0x88: {  	v1 =	vadd.s32 v0, v1;
	v6 =	vld [tilespmem:$0x1FC60]  }
0x89: {  	v7 =	vld [tilespmem:$0x1FC00];
	v2 =	vadd.s32 v0, v2;
	[tilespmem:$0x1FC50] =	vst v1  }
0x8a: {  	v1 =	vadd.s32 v0, v3;
	[tilespmem:$0x1FC40] =	vst v2;
	v2 =	vld [tilespmem:$0x1FC70]  }
0x8b: {  	[tilespmem:$0x1FC10] =	vst v1;
	v1 =	vadd.s32 v0, v4  }
0x8c: {  	v3 =	vadd.s32 v0, v5;
	[tilespmem:$0x1FC30] =	vst v1  }
0x8d: {  	[tilespmem:$0x1FC20] =	vst v3;
	v1 =	vadd.s32 v0, v6  }
0x8e: {  	v3 =	vadd.s32 v0, v7;
	[tilespmem:$0x1FC60] =	vst v1  }
0x8f: {  	[tilespmem:$0x1FC00] =	vst v3;
	v1 =	vadd.s32 v0, v2  }
0x90: {  	s8 =	simm.s32 @!p0 $0x5;
	[tilespmem:$0x1FC70] =	vst v1  }
0x91: {  	[tilespmem:s19], [sflag:$0x1] =	stream.indirect.gather [hbm4b:s4+s18], $0x80, s16, s18, $0xb8;
	[tilespmem:$0x1FF00] =	vst v63  }
0x92: {  	_ =	swait.ge @!p0 [sflag:s8], $0x4000  }
0x93: {  	[sflag:s8] =	ssyncset.done @!p0 $0x0  }
0x94: {  	[sflag:s8] =	ssyncadd.s32 @!p0 $0xFFFFC000;
	s8 =	sadd.s32 $0x20, s5  }
0x95: {  	[tilespmem:s20], [sflag:$0x7] =	stream.linear.gather [hbm4b:s8+s3], $0x80, $0x38;
	[tilespmem:$0x1FF00] =	vst v63  }
0x96: {  	_ =	swait.ge [sflag:s15], $0x80  }
0x97: {  	[sflag:s15] =	ssyncset.done $0x0  }
0x98: {  	s8 =	sadd.s32 $0x30, s5;
	[sflag:s15] =	ssyncadd.s32 $0xFFFFFF80  }
0x99: {  	[tilespmem:s21], [sflag:$0x7] =	stream.linear.gather [hbm4b:s8+s3], $0x80, $0x38;
	[tilespmem:$0x1FF00] =	vst v63  }
0x9a: {  	_ =	swait.ge [sflag:s15], $0x80  }
0x9b: {  	[sflag:s15] =	ssyncset.done $0x0  }
.Ltmp0:
0x9c: {  	[sflag:s15] =	ssyncadd.s32 $0xFFFFFF80;
	(pc) =	sbr.rel @p1 .LBB2_2-.Ltmp0, $4  }
0x9d: {  	v4 =	vld [tilespmem:$0x1FC80]  }
0x9e: {  	v1 =	vld [tilespmem:$0x1FCB0]  }
0x9f: {  	v3 =	vld [tilespmem:$0x1FCA0]  }
0xa0: {  	v2 =	vld [tilespmem:$0x1FCD0]  }
0xa1: {  	v5 =	vld [tilespmem:$0x1FCC0]  }
0xa2: {  	v54 =	vld [tilespmem:$0x1FCF0];
	v4 =	vadd.s32 v0, v4  }
0xa3: {  	v6 =	vld [tilespmem:$0x1FCE0];
	[tilespmem:$0x1FC80] =	vst v4;
	v1 =	vadd.s32 v0, v1  }
0xa4: {  	v7 =	vld [tilespmem:$0x1FC90];
	v3 =	vadd.s32 v0, v3;
	[tilespmem:$0x1FCB0] =	vst v1  }
0xa5: {  	[tilespmem:$0x1FCA0] =	vst v3;
	v2 =	vadd.s32 v0, v2  }
0xa6: {  	v1 =	vadd.s32 v0, v5;
	[tilespmem:$0x1FCD0] =	vst v2  }
0xa7: {  	v2 =	vadd.s32 v0, v54;
	[tilespmem:$0x1FCC0] =	vst v1  }
0xa8: {  	v1 =	vadd.s32 v0, v6;
	[tilespmem:$0x1FCF0] =	vst v2  }
0xa9: {  	[tilespmem:$0x1FCE0] =	vst v1;
	v1 =	vadd.s32 v0, v7  }
0xaa: {  	s7 =	simm.s32 @!p0 $0x6;
	[tilespmem:$0x1FC90] =	vst v1  }
0xab: {  	[tilespmem:s22], [sflag:$0x2] =	stream.indirect.gather [hbm4b:s4+s18], $0x80, s20, s18, $0xb8;
	[tilespmem:$0x1FF00] =	vst v63  }
0xac: {  	_ =	swait.ge @!p0 [sflag:s7], $0x4000  }
0xad: {  	[sflag:s7] =	ssyncset.done @!p0 $0x0  }
0xae: {  	s8 =	sadd.s32 $0x40, s5;
	[sflag:s7] =	ssyncadd.s32 @!p0 $0xFFFFC000  }
0xaf: {  	[tilespmem:s23], [sflag:$0x7] =	stream.linear.gather [hbm4b:s8+s3], $0x80, $0x38;
	[tilespmem:$0x1FF00] =	vst v63  }
0xb0: {  	_ =	swait.ge [sflag:s15], $0x80  }
0xb1: {  	[sflag:s15] =	ssyncset.done $0x0  }
0xb2: {  	s9 =	sadd.s32 $0x50, s5;
	[sflag:s15] =	ssyncadd.s32 $0xFFFFFF80  }
0xb3: {  	[tilespmem:s24], [sflag:$0x7] =	stream.linear.gather [hbm4b:s9+s3], $0x80, $0x38;
	[tilespmem:$0x1FF00] =	vst v63  }
0xb4: {  	_ =	swait.ge [sflag:s15], $0x80  }
0xb5: {  	[sflag:s15] =	ssyncset.done $0x0  }
0xb6: {  	[sflag:s15] =	ssyncadd.s32 $0xFFFFFF80  }
0xb7: {  	v1 =	vld [tilespmem:$0x1FD00]  }
0xb8: {  	v2 =	vld [tilespmem:$0x1FD10]  }
0xb9: {  	v3 =	vld [tilespmem:$0x1FD20]  }
0xba: {  	v55 =	vld [tilespmem:$0x1FD30]  }
0xbb: {  	v56 =	vld [tilespmem:$0x1FD50]  }
0xbc: {  	v57 =	vld [tilespmem:$0x1FD60];
	v1 =	vadd.s32 v0, v1  }
0xbd: {  	[tilespmem:$0x1FD00] =	vst v1;
	v1 =	vadd.s32 v0, v2;
	v2 =	vld [tilespmem:$0x1FD40]  }
0xbe: {  	[tilespmem:$0x1FD10] =	vst v1;
	v1 =	vadd.s32 v0, v3;
	v3 =	vld [tilespmem:$0x1FD70]  }
0xbf: {  	[tilespmem:$0x1FD20] =	vst v1;
	v1 =	vadd.s32 v0, v55  }
0xc0: {  	[tilespmem:$0x1FD30] =	vst v1;
	v1 =	vadd.s32 v0, v56  }
0xc1: {  	[tilespmem:$0x1FD50] =	vst v1;
	v1 =	vadd.s32 v0, v57  }
0xc2: {  	v2 =	vadd.s32 v0, v2;
	[tilespmem:$0x1FD60] =	vst v1  }
0xc3: {  	[tilespmem:$0x1FD40] =	vst v2;
	v1 =	vadd.s32 v0, v3  }
0xc4: {  	[tilespmem:$0x1FD70] =	vst v1  }
0xc5: {  	[tilespmem:s25], [sflag:$0x3] =	stream.indirect.gather [hbm4b:s4+s18], $0x80, s23, s18, $0xb8;
	[tilespmem:$0x1FF00] =	vst v63  }
0xc6: {  	_ =	swait.ge [sflag:s26], $0x4000  }
0xc7: {  	[sflag:s26] =	ssyncset.done $0x0  }
0xc8: {  	[sflag:s26] =	ssyncadd.s32 $0xFFFFC000  }
0xc9: {  	[spmem:s2] =	stream.indirect.scatter.add.f32 [tilespmem:s19], [sflag:$0x4], $0x80, s17, s18, $0xb8;
	[tilespmem:$0x1FF00] =	vst v63  }
0xca: {  	_ =	swait.ge [sflag:s28], $0x4000  }
0xcb: {  	[sflag:s28] =	ssyncset.done $0x0  }
0xcc: {  	[sflag:s28] =	ssyncadd.s32 $0xFFFFC000  }
0xcd: {  	[spmem:s2] =	stream.indirect.scatter.add.f32 [tilespmem:s22], [sflag:$0x5], $0x80, s21, s18, $0xb8;
	[tilespmem:$0x1FF00] =	vst v63  }
0xce: {  	_ =	swait.ge [sflag:s29], $0x4000  }
0xcf: {  	[sflag:s29] =	ssyncset.done $0x0  }
0xd0: {  	[sflag:s29] =	ssyncadd.s32 $0xFFFFC000  }
0xd1: {  	[spmem:s2] =	stream.indirect.scatter.add.f32 [tilespmem:s25], [sflag:$0x6], $0x80, s24, s18, $0xb8;
	[tilespmem:$0x1FF00] =	vst v63  }
0xd2: {  	_ =	swait.ge [sflag:s30], $0x4000  }
0xd3: {  	[sflag:s30] =	ssyncset.done $0x0  }
0xd4: {  	s7 =	rddreg [dreg:$0x5];
	[sflag:s30] =	ssyncadd.s32 $0xFFFFC000  }
0xd5: {  	[tilespmem:s16], [sflag:$0x7] =	stream.linear.gather [hbm4b:s7+s3], $0x80, $0x38;
	[tilespmem:$0x1FF00] =	vst v63  }
0xd6: {  	_ =	swait.ge [sflag:s15], $0x80  }
0xd7: {  	[sflag:s15] =	ssyncset.done $0x0  }
0xd8: {  	s8 =	rddreg [dreg:$0x6];
	[sflag:s15] =	ssyncadd.s32 $0xFFFFFF80  }
0xd9: {  	[tilespmem:s17], [sflag:$0x7] =	stream.linear.gather [hbm4b:s8+s3], $0x80, $0x38;
	[tilespmem:$0x1FF00] =	vst v63  }
0xda: {  	_ =	swait.ge [sflag:s15], $0x80  }
0xdb: {  	[sflag:s15] =	ssyncset.done $0x0  }
0xdc: {  	[sflag:s15] =	ssyncadd.s32 $0xFFFFFF80  }
0xdd: {  	v1 =	vld [tilespmem:$0x1FC00]  }
0xde: {  	v2 =	vld [tilespmem:$0x1FC10]  }
0xdf: {  	v3 =	vld [tilespmem:$0x1FC20]  }
0xe0: {  	v58 =	vld [tilespmem:$0x1FC30]  }
0xe1: {  	v59 =	vld [tilespmem:$0x1FC40]  }
0xe2: {  	v60 =	vld [tilespmem:$0x1FC50];
	v1 =	vadd.s32 v0, v1  }
0xe3: {  	[tilespmem:$0x1FC00] =	vst v1;
	v1 =	vadd.s32 v0, v2;
	v2 =	vld [tilespmem:$0x1FC60]  }
0xe4: {  	[tilespmem:$0x1FC10] =	vst v1;
	v1 =	vadd.s32 v0, v3;
	v3 =	vld [tilespmem:$0x1FC70]  }
0xe5: {  	[tilespmem:$0x1FC20] =	vst v1;
	v1 =	vadd.s32 v0, v58  }
0xe6: {  	[tilespmem:$0x1FC30] =	vst v1;
	v1 =	vadd.s32 v0, v59  }
0xe7: {  	[tilespmem:$0x1FC40] =	vst v1;
	v1 =	vadd.s32 v0, v60  }
0xe8: {  	[tilespmem:$0x1FC50] =	vst v1;
	v1 =	vadd.s32 v0, v2  }
0xe9: {  	[tilespmem:$0x1FC60] =	vst v1;
	v1 =	vadd.s32 v0, v3  }
0xea: {  	[tilespmem:$0x1FC70] =	vst v1  }
0xeb: {  	[tilespmem:s19], [sflag:$0x1] =	stream.indirect.gather [hbm4b:s4+s18], $0x80, s16, s18, $0xb8;
	[tilespmem:$0x1FF00] =	vst v63  }
0xec: {  	_ =	swait.ge [sflag:s31], $0x4000  }
0xed: {  	[sflag:s31] =	ssyncset.done $0x0  }
0xee: {  	s9 =	rddreg [dreg:$0x7];
	[sflag:s31] =	ssyncadd.s32 $0xFFFFC000  }
0xef: {  	[tilespmem:s20], [sflag:$0x7] =	stream.linear.gather [hbm4b:s9+s3], $0x80, $0x38;
	[tilespmem:$0x1FF00] =	vst v63  }
0xf0: {  	_ =	swait.ge [sflag:s15], $0x80  }
0xf1: {  	[sflag:s15] =	ssyncset.done $0x0  }
0xf2: {  	[sflag:s15] =	ssyncadd.s32 $0xFFFFFF80  }
0xf3: {  	[tilespmem:s21], [sflag:$0x7] =	stream.linear.gather [hbm4b:s10+s3], $0x80, $0x38;
	[tilespmem:$0x1FF00] =	vst v63  }
0xf4: {  	_ =	swait.ge [sflag:s15], $0x80  }
0xf5: {  	[sflag:s15] =	ssyncset.done $0x0  }
0xf6: {  	[sflag:s15] =	ssyncadd.s32 $0xFFFFFF80  }
0xf7: {  	v1 =	vld [tilespmem:$0x1FC80]  }
0xf8: {  	v2 =	vld [tilespmem:$0x1FC90]  }
0xf9: {  	v3 =	vld [tilespmem:$0x1FCA0]  }
0xfa: {  	v61 =	vld [tilespmem:$0x1FCB0]  }
0xfb: {  	v62 =	vld [tilespmem:$0x1FCC0]  }
0xfc: {  	v63 =	vld [tilespmem:$0x1FCD0];
	v1 =	vadd.s32 v0, v1  }
0xfd: {  	[tilespmem:$0x1FC80] =	vst v1;
	v1 =	vadd.s32 v0, v2;
	v2 =	vld [tilespmem:$0x1FCE0]  }
0xfe: {  	[tilespmem:$0x1FC90] =	vst v1;
	v1 =	vadd.s32 v0, v3;
	v3 =	vld [tilespmem:$0x1FCF0]  }
0xff: {  	[tilespmem:$0x1FCA0] =	vst v1;
	v1 =	vadd.s32 v0, v61  }
0x100: {  	[tilespmem:$0x1FCB0] =	vst v1;
	v1 =	vadd.s32 v0, v62  }
0x101: {  	[tilespmem:$0x1FCC0] =	vst v1;
	v1 =	vadd.s32 v0, v63  }
0x102: {  	[tilespmem:$0x1FCD0] =	vst v1;
	v1 =	vadd.s32 v0, v2  }
0x103: {  	[tilespmem:$0x1FCE0] =	vst v1;
	v1 =	vadd.s32 v0, v3  }
0x104: {  	[tilespmem:$0x1FCF0] =	vst v1  }
0x105: {  	[tilespmem:s22], [sflag:$0x2] =	stream.indirect.gather [hbm4b:s4+s18], $0x80, s20, s18, $0xb8;
	[tilespmem:$0x1FF00] =	vst v63  }
0x106: {  	_ =	swait.ge [sflag:s26], $0x4000  }
0x107: {  	[sflag:s26] =	ssyncset.done $0x0  }
0x108: {  	[sflag:s26] =	ssyncadd.s32 $0xFFFFC000  }
0x109: {  	[spmem:s2] =	stream.indirect.scatter.add.f32 [tilespmem:s19], [sflag:$0x4], $0x80, s17, s18, $0xb8;
	[tilespmem:$0x1FF00] =	vst v63  }
0x10a: {  	_ =	swait.ge [sflag:s28], $0x4000  }
0x10b: {  	[sflag:s28] =	ssyncset.done $0x0  }
0x10c: {  	[sflag:s28] =	ssyncadd.s32 $0xFFFFC000  }
0x10d: {  	[spmem:s2] =	stream.indirect.scatter.add.f32 [tilespmem:s22], [sflag:$0x5], $0x80, s21, s18, $0xb8;
	[tilespmem:$0x1FF00] =	vst v63  }
0x10e: {  	_ =	swait.ge [sflag:s30], $0x4000  }
0x10f: {  	[sflag:s30] =	ssyncset.done $0x0  }
0x110: {  	[sflag:s30] =	ssyncadd.s32 $0xFFFFC000  }
0x111: {  	_ =	swait.ge [sflag:s31], $0x4000  }
0x112: {  	[sflag:s31] =	ssyncset.done $0x0  }
0x113: {  	[sflag:s31] =	ssyncadd.s32 $0xFFFFC000  }
0x114: {  	_ =	swait.ge [sflag:s0], $0x4000  }
0x115: {  	s1 =	sadd.s32 $0x1, s1;
	[sflag:s0] =	ssyncset.done $0x0  }
0x116: {  	p0 =	sne.s32 s1, s12;
	[sflag:s0] =	ssyncadd.s32 $0xFFFFC000  }
.Ltmp1:
0x117: {  	[bflag:$0x0] =	sbarrier.arrive $0xFFFF;
	(pc) =	sbr.rel @p0 .LBB2_1-.Ltmp1, $4  }
0x118: {  	[hbm:s11], [sflag:s6] =	dma.local [spmem:s14], $0x2780  }
0x119: {  	_ =	swait.ge [sflag:s15], $0x2780  }
0x11a: {  	[sflag:s15] =	ssyncset.done $0x0  }
0x11b: {  	[sflag:s15] =	ssyncadd.s32 $0xFFFFD880  }
0x11c: {  	_ =	sfence.sel $0x180000  }
0x11d: {  	[bflag:$0x0] =	sbarrier.arrive $0xFFFF  }
0x11e: {  	_ =	strace $0x90000050  }
0x11f: {  	s0 =	stileid.u32;
	[bflag:$0x2] =	sbarrier.arrive $0xFFFF  }
0x120: {  	p0 =	sne.s32 s0, $0x0;
	s0 =	rddreg [dreg:$0x3]  }
0x121: {  	s0 =	sadd.s32 @!p0 $0x100000, s0  }
0x122: {  	[sflag:s0] =	ssyncadd.tile.s32 @!p0 $0x1;
	_ =	shalt  }
.Lfunc_end2:
_tile_overlayer_lowered:
.L_overlay_start_2:
0x123: {  	(tag) =	ssettag $0x2  }
0x124: {  	s0 =	rddreg [dreg:$0x0];
	s2 =	stileid.u32  }
0x125: {  	s1 =	rddreg [dreg:$0x1];
	p0 =	sne.s32 s2, $0x0  }
0x126: {  	s3 =	rddreg [dreg:$0x2];
	[bflag:$0x3] =	sbarrier.arrive $0xFFFF;
	s2 =	simm.s32 @!p0 $0x1C07  }
0x127: {  	[timem:s3], [sflag:s2] =	dma.local @!p0 [hbm:s0], s1  }
0x128: {  	s0 =	simm.s32 @!p0 $0x7  }
0x129: {  	_ =	swait.ge @!p0 [sflag:s0], s1  }
0x12a: {  	s1 =	ssub.s32 @!p0 $0x0, s1;
	[sflag:s0] =	ssyncset.done @!p0 $0x0  }
0x12b: {  	[sflag:s0] =	ssyncadd.s32 @!p0 s1  }
0x12c: {  	[bflag:$0x3] =	sbarrier.arrive $0xFFFF  }
0x12d: {  	_ =	shalt  }

</sc_bundles>
